<compile_context>
chip_gen: v7x
topology: tpu7x:2x2x1
jax: 0.10.2.dev20260603
libtpu: 0.0.44.dev20260713+nightly
codegen_flags: <defaults>
</compile_context>

<pallas_src>
import functools

import jax
import jax.numpy as jnp
from jax import lax
from jax.experimental import pallas as pl
from jax.experimental.pallas import tpu as pltpu
from jax.experimental.pallas import tpu_sc as plsc

N = 10000
E = 320000
D = 128
B = 1024
C = 8

NC = 2
NS = 16
L = 128

T = -(-E // (NS * L * 8)) * 8
EPAD = NS * T * L
EROWS = NS * T

ZR = -(-(N + 1) // (NS * 8)) * 8
NACC = ZR * NS
IB = 8


def _seg_sum_body(x0, src0, dst0, x1, src1, dst1, zrow,
                  agg0, agg1,
                  acc, src_v, dst_v, rows_a, rows_b,
                  gsem_a, gsem_b, ssem_a, ssem_b):
  c = lax.axis_index("c")
  s = lax.axis_index("s")
  bufs = (rows_a, rows_b)
  gsems = (gsem_a, gsem_b)
  ssems = (ssem_a, ssem_b)

  pltpu.sync_copy(zrow, acc.at[pl.ds(s * ZR, ZR)])
  plsc.subcore_barrier()

  def work(x_hbm, src_hbm, dst_hbm):
    base = s * T

    @pl.loop(0, T // IB)
    def _(ob):
      start = pl.multiple_of(base + ob * IB, 8)
      pltpu.sync_copy(src_hbm.at[pl.ds(start, IB)], src_v)
      pltpu.sync_copy(dst_hbm.at[pl.ds(start, IB)], dst_v)

      gcps = [None] * IB
      scps = [None] * IB
      for j in range(IB):
        b = j % 2
        if j >= 2:
          scps[j - 2].wait()
        gcps[j] = pltpu.async_copy(x_hbm.at[src_v.at[j]], bufs[b], gsems[b])
        if j >= 1:
          jj = j - 1
          gcps[jj].wait()
          scps[jj] = pltpu.async_copy(bufs[jj % 2], acc.at[dst_v.at[jj]],
                                      ssems[jj % 2], add=True)
      gcps[IB - 1].wait()
      scps[IB - 1] = pltpu.async_copy(bufs[(IB - 1) % 2],
                                      acc.at[dst_v.at[IB - 1]],
                                      ssems[(IB - 1) % 2], add=True)
      scps[IB - 2].wait()
      scps[IB - 1].wait()

  @pl.when(c == 0)
  def _():
    work(x0, src0, dst0)

  @pl.when(c == 1)
  def _():
    work(x1, src1, dst1)

  plsc.subcore_barrier()

  @pl.when(c == 0)
  def _():
    pltpu.sync_copy(acc.at[pl.ds(s * ZR, ZR)], agg0.at[pl.ds(s * ZR, ZR)])

  @pl.when(c == 1)
  def _():
    pltpu.sync_copy(acc.at[pl.ds(s * ZR, ZR)], agg1.at[pl.ds(s * ZR, ZR)])


_seg_sum = pl.kernel(
    _seg_sum_body,
    out_type=[jax.ShapeDtypeStruct((NACC, D), jnp.float32),
              jax.ShapeDtypeStruct((NACC, D), jnp.float32)],
    mesh=plsc.VectorSubcoreMesh(core_axis_name="c", subcore_axis_name="s"),
    scratch_types=[pltpu.VMEM_SHARED((NACC, D), jnp.float32),
                   pltpu.VMEM((IB, L), jnp.int32),
                   pltpu.VMEM((IB, L), jnp.int32),
                   pltpu.VMEM((L, D), jnp.float32),
                   pltpu.VMEM((L, D), jnp.float32),
                   pltpu.SemaphoreType.DMA,
                   pltpu.SemaphoreType.DMA,
                   pltpu.SemaphoreType.DMA,
                   pltpu.SemaphoreType.DMA],
    name="sc_seg_sum")


def _deg_sum_body(dst0, dst1, zrow, onesrow,
                  deg0, deg1,
                  acc, dst_v, rows_v, sem):
  c = lax.axis_index("c")
  s = lax.axis_index("s")

  pltpu.sync_copy(zrow, acc.at[pl.ds(s * ZR, ZR)])
  pltpu.sync_copy(onesrow, rows_v)
  plsc.subcore_barrier()

  def work(dst_hbm):
    base = s * T

    @pl.loop(0, T // IB)
    def _(ob):
      start = pl.multiple_of(base + ob * IB, 8)
      pltpu.sync_copy(dst_hbm.at[pl.ds(start, IB)], dst_v)
      cps = [pltpu.async_copy(rows_v, acc.at[dst_v.at[j]], sem, add=True)
             for j in range(IB)]
      for cp in cps:
        cp.wait()

  @pl.when(c == 0)
  def _():
    work(dst0)

  @pl.when(c == 1)
  def _():
    work(dst1)

  plsc.subcore_barrier()

  @pl.when(c == 0)
  def _():
    pltpu.sync_copy(acc.at[pl.ds(s * ZR, ZR)], deg0.at[pl.ds(s * ZR, ZR)])

  @pl.when(c == 1)
  def _():
    pltpu.sync_copy(acc.at[pl.ds(s * ZR, ZR)], deg1.at[pl.ds(s * ZR, ZR)])


_deg_sum = pl.kernel(
    _deg_sum_body,
    out_type=[jax.ShapeDtypeStruct((NACC, D), jnp.float32),
              jax.ShapeDtypeStruct((NACC, D), jnp.float32)],
    mesh=plsc.VectorSubcoreMesh(core_axis_name="c", subcore_axis_name="s"),
    scratch_types=[pltpu.VMEM_SHARED((NACC, D), jnp.float32),
                   pltpu.VMEM((IB, L), jnp.int32),
                   pltpu.VMEM((L, D), jnp.float32),
                   pltpu.SemaphoreType.DMA],
    name="sc_deg_sum")


def _gather_sel_body(emb0, emb1, sel0r, sel1r, out0, out1,
                     idx_v, rows_v, sem):
  c = lax.axis_index("c")
  s = lax.axis_index("s")
  per_sub = (B * C) // NS

  def work(emb, sel_flat, out):
    pltpu.sync_copy(sel_flat.at[pl.ds(s * per_sub, per_sub)], idx_v)
    for j in range(per_sub // L):
      r = pl.multiple_of((s * (per_sub // L) + j) * L, 8)
      pltpu.async_copy(emb.at[idx_v.at[pl.ds(j * L, L)]], rows_v, sem).wait()
      pltpu.sync_copy(rows_v, out.at[pl.ds(r, L)])

  @pl.when(c == 0)
  def _():
    work(emb0, sel0r, out0)

  @pl.when(c == 1)
  def _():
    work(emb1, sel1r, out1)


_gather_sel = pl.kernel(
    _gather_sel_body,
    out_type=[jax.ShapeDtypeStruct((B * C, D), jnp.float32),
              jax.ShapeDtypeStruct((B * C, D), jnp.float32)],
    mesh=plsc.VectorSubcoreMesh(core_axis_name="c", subcore_axis_name="s"),
    scratch_types=[pltpu.VMEM(((B * C) // NS,), jnp.int32),
                   pltpu.VMEM((L, D), jnp.float32),
                   pltpu.SemaphoreType.DMA],
    name="sc_gather_sel")


BN = 1000


def _layer_body(relu, x0, agg0, deg0, x1, agg1, deg1,
                ws0, wn0, b0, ws1, wn1, b1, h0, h1):
  def one(x_ref, agg_ref, deg_ref, ws, wn, b, out_ref):
    rdeg = 1.0 / jnp.maximum(deg_ref[:, 0:1], 1.0)
    hn = agg_ref[...] * rdeg
    out = (jnp.dot(x_ref[...], ws[...], preferred_element_type=jnp.float32)
           + jnp.dot(hn, wn[...], preferred_element_type=jnp.float32)
           + b[...])
    if relu:
      out = jnp.maximum(out, 0.0)
    out_ref[...] = out

  one(x0, agg0, deg0, ws0, wn0, b0, h0)
  one(x1, agg1, deg1, ws1, wn1, b1, h1)


def _make_layer(relu):
  row = pl.BlockSpec((BN, D), lambda i: (i, 0))
  degc = pl.BlockSpec((BN, D), lambda i: (i, 0))
  full = pl.BlockSpec((D, D), lambda i: (0, 0))
  bias = pl.BlockSpec((1, D), lambda i: (0, 0))
  return pl.pallas_call(
      functools.partial(_layer_body, relu),
      grid=(N // BN,),
      in_specs=[row, row, degc, row, row, degc, full, full, bias,
                full, full, bias],
      out_specs=[row, row],
      out_shape=[jax.ShapeDtypeStruct((N, D), jnp.float32),
                 jax.ShapeDtypeStruct((N, D), jnp.float32)],
      name="tc_sage_layer_relu" if relu else "tc_sage_layer")


_layer_relu = _make_layer(True)
_layer_lin = _make_layer(False)


BB = 64


def _attn_body(s0_ref, s1_ref, wa_ref, out_ref):
  wm = jnp.mean(wa_ref[...], axis=2)
  s0 = s0_ref[...]
  s1 = s1_ref[...]
  sc0 = jnp.sum(s0 * wm[:, None, :], axis=2)
  sc1 = jnp.sum(s1 * wm[:, None, :], axis=2)
  scores = jnp.concatenate([sc0, sc1], axis=1)
  m = jnp.max(scores, axis=1, keepdims=True)
  e = jnp.exp(scores - m)
  p = e / jnp.sum(e, axis=1, keepdims=True)
  out_ref[...] = (jnp.sum(s0 * p[:, :C, None], axis=1)
                  + jnp.sum(s1 * p[:, C:, None], axis=1))


_attn = pl.pallas_call(
    _attn_body,
    grid=(B // BB,),
    in_specs=[pl.BlockSpec((BB, C, D), lambda i: (i, 0, 0)),
              pl.BlockSpec((BB, C, D), lambda i: (i, 0, 0)),
              pl.BlockSpec((BB, D, D), lambda i: (i, 0, 0))],
    out_specs=pl.BlockSpec((BB, D), lambda i: (i, 0)),
    out_shape=jax.ShapeDtypeStruct((B, D), jnp.float32),
    name="tc_attn_combine")


def _pad_edges(edge_index):
  src = edge_index[0]
  dst = edge_index[1]
  pad = EPAD - E
  src = jnp.concatenate([src, jnp.zeros((pad,), jnp.int32)])
  dst = jnp.concatenate([dst, jnp.full((pad,), N, jnp.int32)])
  return src.reshape(EROWS, L), dst.reshape(EROWS, L)


def kernel(x0, edge_index0, x1, edge_index1, sel0, sel1,
           Ws1_0, Wn1_0, b1_0, Ws2_0, Wn2_0, b2_0,
           Ws1_1, Wn1_1, b1_1, Ws2_1, Wn2_1, b2_1,
           W_attn):
  src0, dst0 = _pad_edges(edge_index0)
  src1, dst1 = _pad_edges(edge_index1)
  zrow = jnp.zeros((ZR, D), jnp.float32)
  onesrow = jnp.ones((L, D), jnp.float32)

  degw0, degw1 = _deg_sum(dst0, dst1, zrow, onesrow)

  agg0, agg1 = _seg_sum(x0, src0, dst0, x1, src1, dst1, zrow)

  h0, h1 = _layer_relu(x0, agg0, degw0, x1, agg1, degw1,
                       Ws1_0, Wn1_0, b1_0.reshape(1, D),
                       Ws1_1, Wn1_1, b1_1.reshape(1, D))

  agg0b, agg1b = _seg_sum(h0, src0, dst0, h1, src1, dst1, zrow)

  emb0, emb1 = _layer_lin(h0, agg0b, degw0, h1, agg1b, degw1,
                          Ws2_0, Wn2_0, b2_0.reshape(1, D),
                          Ws2_1, Wn2_1, b2_1.reshape(1, D))

  g0, g1 = _gather_sel(emb0, emb1, sel0.reshape(B * C), sel1.reshape(B * C))

  return _attn(g0.reshape(B, C, D), g1.reshape(B, C, D), W_attn)

# --- scband reference (transcript-rebuilt; emitter-appended) ---
"""Pipeline reference for scband-end-to-end-model-8641474199713 (READ-ONLY COPY).

The authoritative reference and input builder live on the scoring server;
editing this copy changes nothing except your own understanding.
"""

import jax, jax.numpy as jnp
import numpy as np

N0 = 10000
N1 = 10000
E = 320000
D = 128
B = 1024
C = 8


def setup_inputs(seed: int = 0) -> dict:
    key = jax.random.key(seed)
    ks = jax.random.split(key, 32)
    inp = {}
    inp['x0'] = jax.random.normal(ks[0], (N0, D), dtype=jnp.float32)
    inp['edge_index0'] = jax.random.randint(ks[1], (2, E), 0, N0)
    inp['x1'] = jax.random.normal(ks[2], (N1, D), dtype=jnp.float32)
    inp['edge_index1'] = jax.random.randint(ks[3], (2, E), 0, N1)
    inp['sel0'] = jax.random.randint(ks[4], (B, C), 0, N0)
    inp['sel1'] = jax.random.randint(ks[5], (B, C), 0, N1)
    s = 1.0 / np.sqrt(D)
    # GraphSAGE params for graph/model 0
    inp['Ws1_0'] = jax.random.normal(ks[6], (D, D), dtype=jnp.float32) * s
    inp['Wn1_0'] = jax.random.normal(ks[7], (D, D), dtype=jnp.float32) * s
    inp['b1_0'] = jnp.zeros((D,), dtype=jnp.float32)
    inp['Ws2_0'] = jax.random.normal(ks[8], (D, D), dtype=jnp.float32) * s
    inp['Wn2_0'] = jax.random.normal(ks[9], (D, D), dtype=jnp.float32) * s
    inp['b2_0'] = jnp.zeros((D,), dtype=jnp.float32)
    # GraphSAGE params for graph/model 1
    inp['Ws1_1'] = jax.random.normal(ks[10], (D, D), dtype=jnp.float32) * s
    inp['Wn1_1'] = jax.random.normal(ks[11], (D, D), dtype=jnp.float32) * s
    inp['b1_1'] = jnp.zeros((D,), dtype=jnp.float32)
    inp['Ws2_1'] = jax.random.normal(ks[12], (D, D), dtype=jnp.float32) * s
    inp['Wn2_1'] = jax.random.normal(ks[13], (D, D), dtype=jnp.float32) * s
    inp['b2_1'] = jnp.zeros((D,), dtype=jnp.float32)
    # Per-item self-attention combiner weights (xavier-like)
    inp['W_attn'] = jax.random.normal(ks[14], (B, D, D), dtype=jnp.float32) * s
    return inp


def _sage_layer(x, src, dst, Ws, Wn, b, n_nodes):
    # DGL SAGEConv(aggregator_type='mean'): fc_self(h) + fc_neigh(mean_neigh(h)) + bias
    agg = jax.ops.segment_sum(x[src], dst, num_segments=n_nodes)
    deg = jax.ops.segment_sum(jnp.ones(src.shape[0], jnp.float32), dst, num_segments=n_nodes)
    h_neigh = agg / jnp.clip(deg, 1.0, None)[:, None]
    return x @ Ws + h_neigh @ Wn + b


def _gnn(x, edge_index, Ws1, Wn1, b1, Ws2, Wn2, b2):
    src = edge_index[0]
    dst = edge_index[1]
    n = x.shape[0]
    h = jax.nn.relu(_sage_layer(x, src, dst, Ws1, Wn1, b1, n))
    h = _sage_layer(h, src, dst, Ws2, Wn2, b2, n)
    return h


def reference(x0, edge_index0, x1, edge_index1, sel0, sel1,
              Ws1_0, Wn1_0, b1_0, Ws2_0, Wn2_0, b2_0,
              Ws1_1, Wn1_1, b1_1, Ws2_1, Wn2_1, b2_1,
              W_attn):
    emb0 = _gnn(x0, edge_index0, Ws1_0, Wn1_0, b1_0, Ws2_0, Wn2_0, b2_0)
    emb1 = _gnn(x1, edge_index1, Ws1_1, Wn1_1, b1_1, Ws2_1, Wn2_1, b2_1)
    # combination strategies: each item gathers C nodes from each graph and concatenates
    sel = jnp.concatenate([emb0[sel0], emb1[sel1]], axis=1)  # [B, 2C, D]
    # SelfAttentionCombiner (per item)
    attn_scores = jnp.einsum('bcd,bde->bce', sel, W_attn)
    attn_scores = jnp.mean(attn_scores, axis=-1)  # [B, 2C]
    attn_scores = jax.nn.softmax(attn_scores, axis=1)
    combined = jnp.einsum('bcd,bc->bd', sel, attn_scores)  # [B, D]
    return combined

if __name__ == "__main__":
    import jax
    _d = setup_inputs()
    print(jax.jit(kernel)(*tuple(_d.values())))

</pallas_src>

<mosaic_0001>
#map = affine_map<(d0, d1) -> (0, 0)>
module attributes {stable_mosaic.version = 14 : i64} {
  func.func @sc_deg_sum(%arg0: i32, %arg1: i32, %arg2: memref<2560x128xi32, #tpu.memory_space<hbm>>, %arg3: memref<2560x128xi32, #tpu.memory_space<hbm>>, %arg4: memref<632x128xf32, #tpu.memory_space<hbm>>, %arg5: memref<128x128xf32, #tpu.memory_space<hbm>>, %arg6: memref<10112x128xf32, #tpu.memory_space<hbm>>, %arg7: memref<10112x128xf32, #tpu.memory_space<hbm>>, %arg8: memref<10112x128xf32, #tpu.memory_space<vmem_shared>>, %arg9: memref<8x128xi32, #tpu.memory_space<vmem>>, %arg10: memref<128x128xf32, #tpu.memory_space<vmem>>, %arg11: memref<!tpu.dma_semaphore, #tpu.memory_space<semaphore_mem>>) attributes {dimension_semantics = [#tpu.dimension_semantics<core_parallel>, #tpu.dimension_semantics<subcore_parallel>], iteration_bounds = array<i64: 2, 16>, scalar_prefetch = 0 : i64, scratch_operands = 4 : i64, tpu.core_type = #tpu.core_type<sc_vector_subcore>, window_params = [{transform_indices = #map}, {transform_indices = #map}, {transform_indices = #map}, {transform_indices = #map}, {transform_indices = #map}, {transform_indices = #map}]} {
    %mul3A = arith.constant 632 : i32
    %mul3A_0 = arith.muli %arg1, %mul3A : i32
    "tpu.region"() ({
      %run_scoped3A = tpu.sem_alloc : memref<!tpu.dma_semaphore, #tpu.memory_space<semaphore_mem>>
      %dma_start3A = arith.constant 0 : i32
      %dma_start3A_19 = tpu.memref_slice %arg8[%mul3A_0, %dma_start3A] : memref<10112x128xf32, #tpu.memory_space<vmem_shared>> -> memref<632x128xf32, #tpu.memory_space<vmem_shared>>
      tpu.enqueue_dma source(%arg4 : memref<632x128xf32, #tpu.memory_space<hbm>>) target(%dma_start3A_19 : memref<632x128xf32, #tpu.memory_space<vmem_shared>>) target_semaphore(%run_scoped3A : memref<!tpu.dma_semaphore, #tpu.memory_space<semaphore_mem>>)
      %dma_wait3A = arith.constant 0 : i32
      %dma_wait3A_20 = tpu.memref_slice %arg8[%mul3A_0, %dma_wait3A] : memref<10112x128xf32, #tpu.memory_space<vmem_shared>> -> memref<632x128xf32, #tpu.memory_space<vmem_shared>>
      tpu.wait_dma2 semaphore(%run_scoped3A : memref<!tpu.dma_semaphore, #tpu.memory_space<semaphore_mem>>) src(%arg4 : memref<632x128xf32, #tpu.memory_space<hbm>>) dst(%dma_wait3A_20 : memref<632x128xf32, #tpu.memory_space<vmem_shared>>)
      tpu.yield
    }) : () -> ()
    "tpu.region"() ({
      %run_scoped3A = tpu.sem_alloc : memref<!tpu.dma_semaphore, #tpu.memory_space<semaphore_mem>>
      tpu.enqueue_dma source(%arg5 : memref<128x128xf32, #tpu.memory_space<hbm>>) target(%arg10 : memref<128x128xf32, #tpu.memory_space<vmem>>) target_semaphore(%run_scoped3A : memref<!tpu.dma_semaphore, #tpu.memory_space<semaphore_mem>>)
      tpu.wait_dma2 semaphore(%run_scoped3A : memref<!tpu.dma_semaphore, #tpu.memory_space<semaphore_mem>>) src(%arg5 : memref<128x128xf32, #tpu.memory_space<hbm>>) dst(%arg10 : memref<128x128xf32, #tpu.memory_space<vmem>>)
      tpu.yield
    }) : () -> ()
    %barrier3A = arith.constant 0 : index
    tpu.barrier barrier_id(%barrier3A)
    %eq3A = arith.constant 0 : i32
    %eq3A_1 = arith.cmpi eq, %arg0, %eq3A : i32
    %convert_element_type3A = arith.extui %eq3A_1 : i1 to i32
    %cond3A = arith.constant 0 : i32
    %cond3A_2 = arith.cmpi ne, %convert_element_type3A, %cond3A : i32
    scf.if %cond3A_2 {
      %mul3A_19 = arith.constant 160 : i32
      %mul3A_20 = arith.muli %arg1, %mul3A_19 : i32
      %scan3A = arith.constant 0 : i32
      %scan3A_21 = arith.constant 20 : i32
      %scan3A_22 = arith.addi %scan3A, %scan3A_21 : i32
      %scan3A_23 = arith.constant 1 : i32
      scf.for %scan3A_25 = %scan3A to %scan3A_22 step %scan3A_23  : i32 {
        %mul3A_26 = arith.constant 1 : i32
        %mul3A_27 = arith.muli %scan3A_25, %mul3A_26 : i32
        %add3A = arith.constant 0 : i32
        %add3A_28 = arith.addi %add3A, %mul3A_27 : i32
        %mul3A_29 = arith.constant 8 : i32
        %mul3A_30 = arith.muli %add3A_28, %mul3A_29 : i32
        %add3A_31 = arith.addi %mul3A_20, %mul3A_30 : i32
        %multiple_of3A = tpu.assume_multiple %add3A_31, 8 : i32
        "tpu.region"() ({
          %run_scoped3A = tpu.sem_alloc : memref<!tpu.dma_semaphore, #tpu.memory_space<semaphore_mem>>
          %dma_start3A_142 = arith.constant 0 : i32
          %dma_start3A_143 = tpu.memref_slice %arg2[%multiple_of3A, %dma_start3A_142] : memref<2560x128xi32, #tpu.memory_space<hbm>> -> memref<8x128xi32, #tpu.memory_space<hbm>>
          %dma_start3A_144 = arith.constant 0 : i32
          %dma_start3A_145 = tpu.memref_slice %arg2[%multiple_of3A, %dma_start3A_144] : memref<2560x128xi32, #tpu.memory_space<hbm>> -> memref<8x128xi32, #tpu.memory_space<hbm>>
          tpu.enqueue_dma source(%dma_start3A_145 : memref<8x128xi32, #tpu.memory_space<hbm>>) target(%arg9 : memref<8x128xi32, #tpu.memory_space<vmem>>) target_semaphore(%run_scoped3A : memref<!tpu.dma_semaphore, #tpu.memory_space<semaphore_mem>>)
          %dma_wait3A_146 = arith.constant 0 : i32
          %dma_wait3A_147 = tpu.memref_slice %arg2[%multiple_of3A, %dma_wait3A_146] : memref<2560x128xi32, #tpu.memory_space<hbm>> -> memref<8x128xi32, #tpu.memory_space<hbm>>
          %dma_wait3A_148 = arith.constant 0 : i32
          %dma_wait3A_149 = tpu.memref_slice %arg2[%multiple_of3A, %dma_wait3A_148] : memref<2560x128xi32, #tpu.memory_space<hbm>> -> memref<8x128xi32, #tpu.memory_space<hbm>>
          tpu.wait_dma2 semaphore(%run_scoped3A : memref<!tpu.dma_semaphore, #tpu.memory_space<semaphore_mem>>) src(%dma_wait3A_149 : memref<8x128xi32, #tpu.memory_space<hbm>>) dst(%arg9 : memref<8x128xi32, #tpu.memory_space<vmem>>)
          tpu.yield
        }) : () -> ()
        %dma_start3A = arith.constant 0 : i32
        %dma_start3A_32 = arith.constant 0 : i32
        %dma_start3A_33 = tpu.memref_slice %arg9[%dma_start3A, %dma_start3A_32] : memref<8x128xi32, #tpu.memory_space<vmem>> -> memref<1x128xi32, #tpu.memory_space<vmem>>
        %dma_start3A_34 = tpu.memref_squeeze %dma_start3A_33 : memref<1x128xi32, #tpu.memory_space<vmem>> -> memref<128xi32, #tpu.memory_space<vmem>>
        %dma_start3A_35 = arith.constant 0 : i32
        %dma_start3A_36 = arith.constant 0 : i32
        %dma_start3A_37 = tpu.memref_slice %arg8[%dma_start3A_35, %dma_start3A_36] : memref<10112x128xf32, #tpu.memory_space<vmem_shared>> -> memref<10112x128xf32, #tpu.memory_space<vmem_shared>>
        tpu.enqueue_indirect_dma source(%arg10 : memref<128x128xf32, #tpu.memory_space<vmem>>) target(%dma_start3A_37 : memref<10112x128xf32, #tpu.memory_space<vmem_shared>>) offsets(%dma_start3A_34 : memref<128xi32, #tpu.memory_space<vmem>>) semaphore(%arg11 : memref<!tpu.dma_semaphore, #tpu.memory_space<semaphore_mem>>) {add = true}
        %dma_start3A_38 = arith.constant 1 : i32
        %dma_start3A_39 = arith.constant 0 : i32
        %dma_start3A_40 = tpu.memref_slice %arg9[%dma_start3A_38, %dma_start3A_39] : memref<8x128xi32, #tpu.memory_space<vmem>> -> memref<1x128xi32, #tpu.memory_space<vmem>>
        %dma_start3A_41 = tpu.memref_squeeze %dma_start3A_40 : memref<1x128xi32, #tpu.memory_space<vmem>> -> memref<128xi32, #tpu.memory_space<vmem>>
        %dma_start3A_42 = arith.constant 0 : i32
        %dma_start3A_43 = arith.constant 0 : i32
        %dma_start3A_44 = tpu.memref_slice %arg8[%dma_start3A_42, %dma_start3A_43] : memref<10112x128xf32, #tpu.memory_space<vmem_shared>> -> memref<10112x128xf32, #tpu.memory_space<vmem_shared>>
        tpu.enqueue_indirect_dma source(%arg10 : memref<128x128xf32, #tpu.memory_space<vmem>>) target(%dma_start3A_44 : memref<10112x128xf32, #tpu.memory_space<vmem_shared>>) offsets(%dma_start3A_41 : memref<128xi32, #tpu.memory_space<vmem>>) semaphore(%arg11 : memref<!tpu.dma_semaphore, #tpu.memory_space<semaphore_mem>>) {add = true}
        %dma_start3A_45 = arith.constant 2 : i32
        %dma_start3A_46 = arith.constant 0 : i32
        %dma_start3A_47 = tpu.memref_slice %arg9[%dma_start3A_45, %dma_start3A_46] : memref<8x128xi32, #tpu.memory_space<vmem>> -> memref<1x128xi32, #tpu.memory_space<vmem>>
        %dma_start3A_48 = tpu.memref_squeeze %dma_start3A_47 : memref<1x128xi32, #tpu.memory_space<vmem>> -> memref<128xi32, #tpu.memory_space<vmem>>
        %dma_start3A_49 = arith.constant 0 : i32
        %dma_start3A_50 = arith.constant 0 : i32
        %dma_start3A_51 = tpu.memref_slice %arg8[%dma_start3A_49, %dma_start3A_50] : memref<10112x128xf32, #tpu.memory_space<vmem_shared>> -> memref<10112x128xf32, #tpu.memory_space<vmem_shared>>
        tpu.enqueue_indirect_dma source(%arg10 : memref<128x128xf32, #tpu.memory_space<vmem>>) target(%dma_start3A_51 : memref<10112x128xf32, #tpu.memory_space<vmem_shared>>) offsets(%dma_start3A_48 : memref<128xi32, #tpu.memory_space<vmem>>) semaphore(%arg11 : memref<!tpu.dma_semaphore, #tpu.memory_space<semaphore_mem>>) {add = true}
        %dma_start3A_52 = arith.constant 3 : i32
        %dma_start3A_53 = arith.constant 0 : i32
        %dma_start3A_54 = tpu.memref_slice %arg9[%dma_start3A_52, %dma_start3A_53] : memref<8x128xi32, #tpu.memory_space<vmem>> -> memref<1x128xi32, #tpu.memory_space<vmem>>
        %dma_start3A_55 = tpu.memref_squeeze %dma_start3A_54 : memref<1x128xi32, #tpu.memory_space<vmem>> -> memref<128xi32, #tpu.memory_space<vmem>>
        %dma_start3A_56 = arith.constant 0 : i32
        %dma_start3A_57 = arith.constant 0 : i32
        %dma_start3A_58 = tpu.memref_slice %arg8[%dma_start3A_56, %dma_start3A_57] : memref<10112x128xf32, #tpu.memory_space<vmem_shared>> -> memref<10112x128xf32, #tpu.memory_space<vmem_shared>>
        tpu.enqueue_indirect_dma source(%arg10 : memref<128x128xf32, #tpu.memory_space<vmem>>) target(%dma_start3A_58 : memref<10112x128xf32, #tpu.memory_space<vmem_shared>>) offsets(%dma_start3A_55 : memref<128xi32, #tpu.memory_space<vmem>>) semaphore(%arg11 : memref<!tpu.dma_semaphore, #tpu.memory_space<semaphore_mem>>) {add = true}
        %dma_start3A_59 = arith.constant 4 : i32
        %dma_start3A_60 = arith.constant 0 : i32
        %dma_start3A_61 = tpu.memref_slice %arg9[%dma_start3A_59, %dma_start3A_60] : memref<8x128xi32, #tpu.memory_space<vmem>> -> memref<1x128xi32, #tpu.memory_space<vmem>>
        %dma_start3A_62 = tpu.memref_squeeze %dma_start3A_61 : memref<1x128xi32, #tpu.memory_space<vmem>> -> memref<128xi32, #tpu.memory_space<vmem>>
        %dma_start3A_63 = arith.constant 0 : i32
        %dma_start3A_64 = arith.constant 0 : i32
        %dma_start3A_65 = tpu.memref_slice %arg8[%dma_start3A_63, %dma_start3A_64] : memref<10112x128xf32, #tpu.memory_space<vmem_shared>> -> memref<10112x128xf32, #tpu.memory_space<vmem_shared>>
        tpu.enqueue_indirect_dma source(%arg10 : memref<128x128xf32, #tpu.memory_space<vmem>>) target(%dma_start3A_65 : memref<10112x128xf32, #tpu.memory_space<vmem_shared>>) offsets(%dma_start3A_62 : memref<128xi32, #tpu.memory_space<vmem>>) semaphore(%arg11 : memref<!tpu.dma_semaphore, #tpu.memory_space<semaphore_mem>>) {add = true}
        %dma_start3A_66 = arith.constant 5 : i32
        %dma_start3A_67 = arith.constant 0 : i32
        %dma_start3A_68 = tpu.memref_slice %arg9[%dma_start3A_66, %dma_start3A_67] : memref<8x128xi32, #tpu.memory_space<vmem>> -> memref<1x128xi32, #tpu.memory_space<vmem>>
        %dma_start3A_69 = tpu.memref_squeeze %dma_start3A_68 : memref<1x128xi32, #tpu.memory_space<vmem>> -> memref<128xi32, #tpu.memory_space<vmem>>
        %dma_start3A_70 = arith.constant 0 : i32
        %dma_start3A_71 = arith.constant 0 : i32
        %dma_start3A_72 = tpu.memref_slice %arg8[%dma_start3A_70, %dma_start3A_71] : memref<10112x128xf32, #tpu.memory_space<vmem_shared>> -> memref<10112x128xf32, #tpu.memory_space<vmem_shared>>
        tpu.enqueue_indirect_dma source(%arg10 : memref<128x128xf32, #tpu.memory_space<vmem>>) target(%dma_start3A_72 : memref<10112x128xf32, #tpu.memory_space<vmem_shared>>) offsets(%dma_start3A_69 : memref<128xi32, #tpu.memory_space<vmem>>) semaphore(%arg11 : memref<!tpu.dma_semaphore, #tpu.memory_space<semaphore_mem>>) {add = true}
        %dma_start3A_73 = arith.constant 6 : i32
        %dma_start3A_74 = arith.constant 0 : i32
        %dma_start3A_75 = tpu.memref_slice %arg9[%dma_start3A_73, %dma_start3A_74] : memref<8x128xi32, #tpu.memory_space<vmem>> -> memref<1x128xi32, #tpu.memory_space<vmem>>
        %dma_start3A_76 = tpu.memref_squeeze %dma_start3A_75 : memref<1x128xi32, #tpu.memory_space<vmem>> -> memref<128xi32, #tpu.memory_space<vmem>>
        %dma_start3A_77 = arith.constant 0 : i32
        %dma_start3A_78 = arith.constant 0 : i32
        %dma_start3A_79 = tpu.memref_slice %arg8[%dma_start3A_77, %dma_start3A_78] : memref<10112x128xf32, #tpu.memory_space<vmem_shared>> -> memref<10112x128xf32, #tpu.memory_space<vmem_shared>>
        tpu.enqueue_indirect_dma source(%arg10 : memref<128x128xf32, #tpu.memory_space<vmem>>) target(%dma_start3A_79 : memref<10112x128xf32, #tpu.memory_space<vmem_shared>>) offsets(%dma_start3A_76 : memref<128xi32, #tpu.memory_space<vmem>>) semaphore(%arg11 : memref<!tpu.dma_semaphore, #tpu.memory_space<semaphore_mem>>) {add = true}
        %dma_start3A_80 = arith.constant 7 : i32
        %dma_start3A_81 = arith.constant 0 : i32
        %dma_start3A_82 = tpu.memref_slice %arg9[%dma_start3A_80, %dma_start3A_81] : memref<8x128xi32, #tpu.memory_space<vmem>> -> memref<1x128xi32, #tpu.memory_space<vmem>>
        %dma_start3A_83 = tpu.memref_squeeze %dma_start3A_82 : memref<1x128xi32, #tpu.memory_space<vmem>> -> memref<128xi32, #tpu.memory_space<vmem>>
        %dma_start3A_84 = arith.constant 0 : i32
        %dma_start3A_85 = arith.constant 0 : i32
        %dma_start3A_86 = tpu.memref_slice %arg8[%dma_start3A_84, %dma_start3A_85] : memref<10112x128xf32, #tpu.memory_space<vmem_shared>> -> memref<10112x128xf32, #tpu.memory_space<vmem_shared>>
        tpu.enqueue_indirect_dma source(%arg10 : memref<128x128xf32, #tpu.memory_space<vmem>>) target(%dma_start3A_86 : memref<10112x128xf32, #tpu.memory_space<vmem_shared>>) offsets(%dma_start3A_83 : memref<128xi32, #tpu.memory_space<vmem>>) semaphore(%arg11 : memref<!tpu.dma_semaphore, #tpu.memory_space<semaphore_mem>>) {add = true}
        %dma_wait3A = arith.constant 0 : i32
        %dma_wait3A_87 = arith.constant 0 : i32
        %dma_wait3A_88 = tpu.memref_slice %arg9[%dma_wait3A, %dma_wait3A_87] : memref<8x128xi32, #tpu.memory_space<vmem>> -> memref<1x128xi32, #tpu.memory_space<vmem>>
        %dma_wait3A_89 = tpu.memref_squeeze %dma_wait3A_88 : memref<1x128xi32, #tpu.memory_space<vmem>> -> memref<128xi32, #tpu.memory_space<vmem>>
        %dma_wait3A_90 = arith.constant 0 : i32
        %dma_wait3A_91 = arith.constant 0 : i32
        %dma_wait3A_92 = tpu.memref_slice %arg8[%dma_wait3A_90, %dma_wait3A_91] : memref<10112x128xf32, #tpu.memory_space<vmem_shared>> -> memref<10112x128xf32, #tpu.memory_space<vmem_shared>>
        tpu.wait_indirect_dma semaphore(%arg11 : memref<!tpu.dma_semaphore, #tpu.memory_space<semaphore_mem>>) src(%arg10 : memref<128x128xf32, #tpu.memory_space<vmem>>) dst(%dma_wait3A_92 : memref<10112x128xf32, #tpu.memory_space<vmem_shared>>)
        %dma_wait3A_93 = arith.constant 1 : i32
        %dma_wait3A_94 = arith.constant 0 : i32
        %dma_wait3A_95 = tpu.memref_slice %arg9[%dma_wait3A_93, %dma_wait3A_94] : memref<8x128xi32, #tpu.memory_space<vmem>> -> memref<1x128xi32, #tpu.memory_space<vmem>>
        %dma_wait3A_96 = tpu.memref_squeeze %dma_wait3A_95 : memref<1x128xi32, #tpu.memory_space<vmem>> -> memref<128xi32, #tpu.memory_space<vmem>>
        %dma_wait3A_97 = arith.constant 0 : i32
        %dma_wait3A_98 = arith.constant 0 : i32
        %dma_wait3A_99 = tpu.memref_slice %arg8[%dma_wait3A_97, %dma_wait3A_98] : memref<10112x128xf32, #tpu.memory_space<vmem_shared>> -> memref<10112x128xf32, #tpu.memory_space<vmem_shared>>
        tpu.wait_indirect_dma semaphore(%arg11 : memref<!tpu.dma_semaphore, #tpu.memory_space<semaphore_mem>>) src(%arg10 : memref<128x128xf32, #tpu.memory_space<vmem>>) dst(%dma_wait3A_99 : memref<10112x128xf32, #tpu.memory_space<vmem_shared>>)
        %dma_wait3A_100 = arith.constant 2 : i32
        %dma_wait3A_101 = arith.constant 0 : i32
        %dma_wait3A_102 = tpu.memref_slice %arg9[%dma_wait3A_100, %dma_wait3A_101] : memref<8x128xi32, #tpu.memory_space<vmem>> -> memref<1x128xi32, #tpu.memory_space<vmem>>
        %dma_wait3A_103 = tpu.memref_squeeze %dma_wait3A_102 : memref<1x128xi32, #tpu.memory_space<vmem>> -> memref<128xi32, #tpu.memory_space<vmem>>
        %dma_wait3A_104 = arith.constant 0 : i32
        %dma_wait3A_105 = arith.constant 0 : i32
        %dma_wait3A_106 = tpu.memref_slice %arg8[%dma_wait3A_104, %dma_wait3A_105] : memref<10112x128xf32, #tpu.memory_space<vmem_shared>> -> memref<10112x128xf32, #tpu.memory_space<vmem_shared>>
        tpu.wait_indirect_dma semaphore(%arg11 : memref<!tpu.dma_semaphore, #tpu.memory_space<semaphore_mem>>) src(%arg10 : memref<128x128xf32, #tpu.memory_space<vmem>>) dst(%dma_wait3A_106 : memref<10112x128xf32, #tpu.memory_space<vmem_shared>>)
        %dma_wait3A_107 = arith.constant 3 : i32
        %dma_wait3A_108 = arith.constant 0 : i32
        %dma_wait3A_109 = tpu.memref_slice %arg9[%dma_wait3A_107, %dma_wait3A_108] : memref<8x128xi32, #tpu.memory_space<vmem>> -> memref<1x128xi32, #tpu.memory_space<vmem>>
        %dma_wait3A_110 = tpu.memref_squeeze %dma_wait3A_109 : memref<1x128xi32, #tpu.memory_space<vmem>> -> memref<128xi32, #tpu.memory_space<vmem>>
        %dma_wait3A_111 = arith.constant 0 : i32
        %dma_wait3A_112 = arith.constant 0 : i32
        %dma_wait3A_113 = tpu.memref_slice %arg8[%dma_wait3A_111, %dma_wait3A_112] : memref<10112x128xf32, #tpu.memory_space<vmem_shared>> -> memref<10112x128xf32, #tpu.memory_space<vmem_shared>>
        tpu.wait_indirect_dma semaphore(%arg11 : memref<!tpu.dma_semaphore, #tpu.memory_space<semaphore_mem>>) src(%arg10 : memref<128x128xf32, #tpu.memory_space<vmem>>) dst(%dma_wait3A_113 : memref<10112x128xf32, #tpu.memory_space<vmem_shared>>)
        %dma_wait3A_114 = arith.constant 4 : i32
        %dma_wait3A_115 = arith.constant 0 : i32
        %dma_wait3A_116 = tpu.memref_slice %arg9[%dma_wait3A_114, %dma_wait3A_115] : memref<8x128xi32, #tpu.memory_space<vmem>> -> memref<1x128xi32, #tpu.memory_space<vmem>>
        %dma_wait3A_117 = tpu.memref_squeeze %dma_wait3A_116 : memref<1x128xi32, #tpu.memory_space<vmem>> -> memref<128xi32, #tpu.memory_space<vmem>>
        %dma_wait3A_118 = arith.constant 0 : i32
        %dma_wait3A_119 = arith.constant 0 : i32
        %dma_wait3A_120 = tpu.memref_slice %arg8[%dma_wait3A_118, %dma_wait3A_119] : memref<10112x128xf32, #tpu.memory_space<vmem_shared>> -> memref<10112x128xf32, #tpu.memory_space<vmem_shared>>
        tpu.wait_indirect_dma semaphore(%arg11 : memref<!tpu.dma_semaphore, #tpu.memory_space<semaphore_mem>>) src(%arg10 : memref<128x128xf32, #tpu.memory_space<vmem>>) dst(%dma_wait3A_120 : memref<10112x128xf32, #tpu.memory_space<vmem_shared>>)
        %dma_wait3A_121 = arith.constant 5 : i32
        %dma_wait3A_122 = arith.constant 0 : i32
        %dma_wait3A_123 = tpu.memref_slice %arg9[%dma_wait3A_121, %dma_wait3A_122] : memref<8x128xi32, #tpu.memory_space<vmem>> -> memref<1x128xi32, #tpu.memory_space<vmem>>
        %dma_wait3A_124 = tpu.memref_squeeze %dma_wait3A_123 : memref<1x128xi32, #tpu.memory_space<vmem>> -> memref<128xi32, #tpu.memory_space<vmem>>
        %dma_wait3A_125 = arith.constant 0 : i32
        %dma_wait3A_126 = arith.constant 0 : i32
        %dma_wait3A_127 = tpu.memref_slice %arg8[%dma_wait3A_125, %dma_wait3A_126] : memref<10112x128xf32, #tpu.memory_space<vmem_shared>> -> memref<10112x128xf32, #tpu.memory_space<vmem_shared>>
        tpu.wait_indirect_dma semaphore(%arg11 : memref<!tpu.dma_semaphore, #tpu.memory_space<semaphore_mem>>) src(%arg10 : memref<128x128xf32, #tpu.memory_space<vmem>>) dst(%dma_wait3A_127 : memref<10112x128xf32, #tpu.memory_space<vmem_shared>>)
        %dma_wait3A_128 = arith.constant 6 : i32
        %dma_wait3A_129 = arith.constant 0 : i32
        %dma_wait3A_130 = tpu.memref_slice %arg9[%dma_wait3A_128, %dma_wait3A_129] : memref<8x128xi32, #tpu.memory_space<vmem>> -> memref<1x128xi32, #tpu.memory_space<vmem>>
        %dma_wait3A_131 = tpu.memref_squeeze %dma_wait3A_130 : memref<1x128xi32, #tpu.memory_space<vmem>> -> memref<128xi32, #tpu.memory_space<vmem>>
        %dma_wait3A_132 = arith.constant 0 : i32
        %dma_wait3A_133 = arith.constant 0 : i32
        %dma_wait3A_134 = tpu.memref_slice %arg8[%dma_wait3A_132, %dma_wait3A_133] : memref<10112x128xf32, #tpu.memory_space<vmem_shared>> -> memref<10112x128xf32, #tpu.memory_space<vmem_shared>>
        tpu.wait_indirect_dma semaphore(%arg11 : memref<!tpu.dma_semaphore, #tpu.memory_space<semaphore_mem>>) src(%arg10 : memref<128x128xf32, #tpu.memory_space<vmem>>) dst(%dma_wait3A_134 : memref<10112x128xf32, #tpu.memory_space<vmem_shared>>)
        %dma_wait3A_135 = arith.constant 7 : i32
        %dma_wait3A_136 = arith.constant 0 : i32
        %dma_wait3A_137 = tpu.memref_slice %arg9[%dma_wait3A_135, %dma_wait3A_136] : memref<8x128xi32, #tpu.memory_space<vmem>> -> memref<1x128xi32, #tpu.memory_space<vmem>>
        %dma_wait3A_138 = tpu.memref_squeeze %dma_wait3A_137 : memref<1x128xi32, #tpu.memory_space<vmem>> -> memref<128xi32, #tpu.memory_space<vmem>>
        %dma_wait3A_139 = arith.constant 0 : i32
        %dma_wait3A_140 = arith.constant 0 : i32
        %dma_wait3A_141 = tpu.memref_slice %arg8[%dma_wait3A_139, %dma_wait3A_140] : memref<10112x128xf32, #tpu.memory_space<vmem_shared>> -> memref<10112x128xf32, #tpu.memory_space<vmem_shared>>
        tpu.wait_indirect_dma semaphore(%arg11 : memref<!tpu.dma_semaphore, #tpu.memory_space<semaphore_mem>>) src(%arg10 : memref<128x128xf32, #tpu.memory_space<vmem>>) dst(%dma_wait3A_141 : memref<10112x128xf32, #tpu.memory_space<vmem_shared>>)
      }
      %scan3A_24 = arith.constant 20 : i32
    } else {
    }
    %eq3A_3 = arith.constant 1 : i32
    %eq3A_4 = arith.cmpi eq, %arg0, %eq3A_3 : i32
    %convert_element_type3A_5 = arith.extui %eq3A_4 : i1 to i32
    %cond3A_6 = arith.constant 0 : i32
    %cond3A_7 = arith.cmpi ne, %convert_element_type3A_5, %cond3A_6 : i32
    scf.if %cond3A_7 {
      %mul3A_19 = arith.constant 160 : i32
      %mul3A_20 = arith.muli %arg1, %mul3A_19 : i32
      %scan3A = arith.constant 0 : i32
      %scan3A_21 = arith.constant 20 : i32
      %scan3A_22 = arith.addi %scan3A, %scan3A_21 : i32
      %scan3A_23 = arith.constant 1 : i32
      scf.for %scan3A_25 = %scan3A to %scan3A_22 step %scan3A_23  : i32 {
        %mul3A_26 = arith.constant 1 : i32
        %mul3A_27 = arith.muli %scan3A_25, %mul3A_26 : i32
        %add3A = arith.constant 0 : i32
        %add3A_28 = arith.addi %add3A, %mul3A_27 : i32
        %mul3A_29 = arith.constant 8 : i32
        %mul3A_30 = arith.muli %add3A_28, %mul3A_29 : i32
        %add3A_31 = arith.addi %mul3A_20, %mul3A_30 : i32
        %multiple_of3A = tpu.assume_multiple %add3A_31, 8 : i32
        "tpu.region"() ({
          %run_scoped3A = tpu.sem_alloc : memref<!tpu.dma_semaphore, #tpu.memory_space<semaphore_mem>>
          %dma_start3A_142 = arith.constant 0 : i32
          %dma_start3A_143 = tpu.memref_slice %arg3[%multiple_of3A, %dma_start3A_142] : memref<2560x128xi32, #tpu.memory_space<hbm>> -> memref<8x128xi32, #tpu.memory_space<hbm>>
          %dma_start3A_144 = arith.constant 0 : i32
          %dma_start3A_145 = tpu.memref_slice %arg3[%multiple_of3A, %dma_start3A_144] : memref<2560x128xi32, #tpu.memory_space<hbm>> -> memref<8x128xi32, #tpu.memory_space<hbm>>
          tpu.enqueue_dma source(%dma_start3A_145 : memref<8x128xi32, #tpu.memory_space<hbm>>) target(%arg9 : memref<8x128xi32, #tpu.memory_space<vmem>>) target_semaphore(%run_scoped3A : memref<!tpu.dma_semaphore, #tpu.memory_space<semaphore_mem>>)
          %dma_wait3A_146 = arith.constant 0 : i32
          %dma_wait3A_147 = tpu.memref_slice %arg3[%multiple_of3A, %dma_wait3A_146] : memref<2560x128xi32, #tpu.memory_space<hbm>> -> memref<8x128xi32, #tpu.memory_space<hbm>>
          %dma_wait3A_148 = arith.constant 0 : i32
          %dma_wait3A_149 = tpu.memref_slice %arg3[%multiple_of3A, %dma_wait3A_148] : memref<2560x128xi32, #tpu.memory_space<hbm>> -> memref<8x128xi32, #tpu.memory_space<hbm>>
          tpu.wait_dma2 semaphore(%run_scoped3A : memref<!tpu.dma_semaphore, #tpu.memory_space<semaphore_mem>>) src(%dma_wait3A_149 : memref<8x128xi32, #tpu.memory_space<hbm>>) dst(%arg9 : memref<8x128xi32, #tpu.memory_space<vmem>>)
          tpu.yield
        }) : () -> ()
        %dma_start3A = arith.constant 0 : i32
        %dma_start3A_32 = arith.constant 0 : i32
        %dma_start3A_33 = tpu.memref_slice %arg9[%dma_start3A, %dma_start3A_32] : memref<8x128xi32, #tpu.memory_space<vmem>> -> memref<1x128xi32, #tpu.memory_space<vmem>>
        %dma_start3A_34 = tpu.memref_squeeze %dma_start3A_33 : memref<1x128xi32, #tpu.memory_space<vmem>> -> memref<128xi32, #tpu.memory_space<vmem>>
        %dma_start3A_35 = arith.constant 0 : i32
        %dma_start3A_36 = arith.constant 0 : i32
        %dma_start3A_37 = tpu.memref_slice %arg8[%dma_start3A_35, %dma_start3A_36] : memref<10112x128xf32, #tpu.memory_space<vmem_shared>> -> memref<10112x128xf32, #tpu.memory_space<vmem_shared>>
        tpu.enqueue_indirect_dma source(%arg10 : memref<128x128xf32, #tpu.memory_space<vmem>>) target(%dma_start3A_37 : memref<10112x128xf32, #tpu.memory_space<vmem_shared>>) offsets(%dma_start3A_34 : memref<128xi32, #tpu.memory_space<vmem>>) semaphore(%arg11 : memref<!tpu.dma_semaphore, #tpu.memory_space<semaphore_mem>>) {add = true}
        %dma_start3A_38 = arith.constant 1 : i32
        %dma_start3A_39 = arith.constant 0 : i32
        %dma_start3A_40 = tpu.memref_slice %arg9[%dma_start3A_38, %dma_start3A_39] : memref<8x128xi32, #tpu.memory_space<vmem>> -> memref<1x128xi32, #tpu.memory_space<vmem>>
        %dma_start3A_41 = tpu.memref_squeeze %dma_start3A_40 : memref<1x128xi32, #tpu.memory_space<vmem>> -> memref<128xi32, #tpu.memory_space<vmem>>
        %dma_start3A_42 = arith.constant 0 : i32
        %dma_start3A_43 = arith.constant 0 : i32
        %dma_start3A_44 = tpu.memref_slice %arg8[%dma_start3A_42, %dma_start3A_43] : memref<10112x128xf32, #tpu.memory_space<vmem_shared>> -> memref<10112x128xf32, #tpu.memory_space<vmem_shared>>
        tpu.enqueue_indirect_dma source(%arg10 : memref<128x128xf32, #tpu.memory_space<vmem>>) target(%dma_start3A_44 : memref<10112x128xf32, #tpu.memory_space<vmem_shared>>) offsets(%dma_start3A_41 : memref<128xi32, #tpu.memory_space<vmem>>) semaphore(%arg11 : memref<!tpu.dma_semaphore, #tpu.memory_space<semaphore_mem>>) {add = true}
        %dma_start3A_45 = arith.constant 2 : i32
        %dma_start3A_46 = arith.constant 0 : i32
        %dma_start3A_47 = tpu.memref_slice %arg9[%dma_start3A_45, %dma_start3A_46] : memref<8x128xi32, #tpu.memory_space<vmem>> -> memref<1x128xi32, #tpu.memory_space<vmem>>
        %dma_start3A_48 = tpu.memref_squeeze %dma_start3A_47 : memref<1x128xi32, #tpu.memory_space<vmem>> -> memref<128xi32, #tpu.memory_space<vmem>>
        %dma_start3A_49 = arith.constant 0 : i32
        %dma_start3A_50 = arith.constant 0 : i32
        %dma_start3A_51 = tpu.memref_slice %arg8[%dma_start3A_49, %dma_start3A_50] : memref<10112x128xf32, #tpu.memory_space<vmem_shared>> -> memref<10112x128xf32, #tpu.memory_space<vmem_shared>>
        tpu.enqueue_indirect_dma source(%arg10 : memref<128x128xf32, #tpu.memory_space<vmem>>) target(%dma_start3A_51 : memref<10112x128xf32, #tpu.memory_space<vmem_shared>>) offsets(%dma_start3A_48 : memref<128xi32, #tpu.memory_space<vmem>>) semaphore(%arg11 : memref<!tpu.dma_semaphore, #tpu.memory_space<semaphore_mem>>) {add = true}
        %dma_start3A_52 = arith.constant 3 : i32
        %dma_start3A_53 = arith.constant 0 : i32
        %dma_start3A_54 = tpu.memref_slice %arg9[%dma_start3A_52, %dma_start3A_53] : memref<8x128xi32, #tpu.memory_space<vmem>> -> memref<1x128xi32, #tpu.memory_space<vmem>>
        %dma_start3A_55 = tpu.memref_squeeze %dma_start3A_54 : memref<1x128xi32, #tpu.memory_space<vmem>> -> memref<128xi32, #tpu.memory_space<vmem>>
        %dma_start3A_56 = arith.constant 0 : i32
        %dma_start3A_57 = arith.constant 0 : i32
        %dma_start3A_58 = tpu.memref_slice %arg8[%dma_start3A_56, %dma_start3A_57] : memref<10112x128xf32, #tpu.memory_space<vmem_shared>> -> memref<10112x128xf32, #tpu.memory_space<vmem_shared>>
        tpu.enqueue_indirect_dma source(%arg10 : memref<128x128xf32, #tpu.memory_space<vmem>>) target(%dma_start3A_58 : memref<10112x128xf32, #tpu.memory_space<vmem_shared>>) offsets(%dma_start3A_55 : memref<128xi32, #tpu.memory_space<vmem>>) semaphore(%arg11 : memref<!tpu.dma_semaphore, #tpu.memory_space<semaphore_mem>>) {add = true}
        %dma_start3A_59 = arith.constant 4 : i32
        %dma_start3A_60 = arith.constant 0 : i32
        %dma_start3A_61 = tpu.memref_slice %arg9[%dma_start3A_59, %dma_start3A_60] : memref<8x128xi32, #tpu.memory_space<vmem>> -> memref<1x128xi32, #tpu.memory_space<vmem>>
        %dma_start3A_62 = tpu.memref_squeeze %dma_start3A_61 : memref<1x128xi32, #tpu.memory_space<vmem>> -> memref<128xi32, #tpu.memory_space<vmem>>
        %dma_start3A_63 = arith.constant 0 : i32
        %dma_start3A_64 = arith.constant 0 : i32
        %dma_start3A_65 = tpu.memref_slice %arg8[%dma_start3A_63, %dma_start3A_64] : memref<10112x128xf32, #tpu.memory_space<vmem_shared>> -> memref<10112x128xf32, #tpu.memory_space<vmem_shared>>
        tpu.enqueue_indirect_dma source(%arg10 : memref<128x128xf32, #tpu.memory_space<vmem>>) target(%dma_start3A_65 : memref<10112x128xf32, #tpu.memory_space<vmem_shared>>) offsets(%dma_start3A_62 : memref<128xi32, #tpu.memory_space<vmem>>) semaphore(%arg11 : memref<!tpu.dma_semaphore, #tpu.memory_space<semaphore_mem>>) {add = true}
        %dma_start3A_66 = arith.constant 5 : i32
        %dma_start3A_67 = arith.constant 0 : i32
        %dma_start3A_68 = tpu.memref_slice %arg9[%dma_start3A_66, %dma_start3A_67] : memref<8x128xi32, #tpu.memory_space<vmem>> -> memref<1x128xi32, #tpu.memory_space<vmem>>
        %dma_start3A_69 = tpu.memref_squeeze %dma_start3A_68 : memref<1x128xi32, #tpu.memory_space<vmem>> -> memref<128xi32, #tpu.memory_space<vmem>>
        %dma_start3A_70 = arith.constant 0 : i32
        %dma_start3A_71 = arith.constant 0 : i32
        %dma_start3A_72 = tpu.memref_slice %arg8[%dma_start3A_70, %dma_start3A_71] : memref<10112x128xf32, #tpu.memory_space<vmem_shared>> -> memref<10112x128xf32, #tpu.memory_space<vmem_shared>>
        tpu.enqueue_indirect_dma source(%arg10 : memref<128x128xf32, #tpu.memory_space<vmem>>) target(%dma_start3A_72 : memref<10112x128xf32, #tpu.memory_space<vmem_shared>>) offsets(%dma_start3A_69 : memref<128xi32, #tpu.memory_space<vmem>>) semaphore(%arg11 : memref<!tpu.dma_semaphore, #tpu.memory_space<semaphore_mem>>) {add = true}
        %dma_start3A_73 = arith.constant 6 : i32
        %dma_start3A_74 = arith.constant 0 : i32
        %dma_start3A_75 = tpu.memref_slice %arg9[%dma_start3A_73, %dma_start3A_74] : memref<8x128xi32, #tpu.memory_space<vmem>> -> memref<1x128xi32, #tpu.memory_space<vmem>>
        %dma_start3A_76 = tpu.memref_squeeze %dma_start3A_75 : memref<1x128xi32, #tpu.memory_space<vmem>> -> memref<128xi32, #tpu.memory_space<vmem>>
        %dma_start3A_77 = arith.constant 0 : i32
        %dma_start3A_78 = arith.constant 0 : i32
        %dma_start3A_79 = tpu.memref_slice %arg8[%dma_start3A_77, %dma_start3A_78] : memref<10112x128xf32, #tpu.memory_space<vmem_shared>> -> memref<10112x128xf32, #tpu.memory_space<vmem_shared>>
        tpu.enqueue_indirect_dma source(%arg10 : memref<128x128xf32, #tpu.memory_space<vmem>>) target(%dma_start3A_79 : memref<10112x128xf32, #tpu.memory_space<vmem_shared>>) offsets(%dma_start3A_76 : memref<128xi32, #tpu.memory_space<vmem>>) semaphore(%arg11 : memref<!tpu.dma_semaphore, #tpu.memory_space<semaphore_mem>>) {add = true}
        %dma_start3A_80 = arith.constant 7 : i32
        %dma_start3A_81 = arith.constant 0 : i32
        %dma_start3A_82 = tpu.memref_slice %arg9[%dma_start3A_80, %dma_start3A_81] : memref<8x128xi32, #tpu.memory_space<vmem>> -> memref<1x128xi32, #tpu.memory_space<vmem>>
        %dma_start3A_83 = tpu.memref_squeeze %dma_start3A_82 : memref<1x128xi32, #tpu.memory_space<vmem>> -> memref<128xi32, #tpu.memory_space<vmem>>
        %dma_start3A_84 = arith.constant 0 : i32
        %dma_start3A_85 = arith.constant 0 : i32
        %dma_start3A_86 = tpu.memref_slice %arg8[%dma_start3A_84, %dma_start3A_85] : memref<10112x128xf32, #tpu.memory_space<vmem_shared>> -> memref<10112x128xf32, #tpu.memory_space<vmem_shared>>
        tpu.enqueue_indirect_dma source(%arg10 : memref<128x128xf32, #tpu.memory_space<vmem>>) target(%dma_start3A_86 : memref<10112x128xf32, #tpu.memory_space<vmem_shared>>) offsets(%dma_start3A_83 : memref<128xi32, #tpu.memory_space<vmem>>) semaphore(%arg11 : memref<!tpu.dma_semaphore, #tpu.memory_space<semaphore_mem>>) {add = true}
        %dma_wait3A = arith.constant 0 : i32
        %dma_wait3A_87 = arith.constant 0 : i32
        %dma_wait3A_88 = tpu.memref_slice %arg9[%dma_wait3A, %dma_wait3A_87] : memref<8x128xi32, #tpu.memory_space<vmem>> -> memref<1x128xi32, #tpu.memory_space<vmem>>
        %dma_wait3A_89 = tpu.memref_squeeze %dma_wait3A_88 : memref<1x128xi32, #tpu.memory_space<vmem>> -> memref<128xi32, #tpu.memory_space<vmem>>
        %dma_wait3A_90 = arith.constant 0 : i32
        %dma_wait3A_91 = arith.constant 0 : i32
        %dma_wait3A_92 = tpu.memref_slice %arg8[%dma_wait3A_90, %dma_wait3A_91] : memref<10112x128xf32, #tpu.memory_space<vmem_shared>> -> memref<10112x128xf32, #tpu.memory_space<vmem_shared>>
        tpu.wait_indirect_dma semaphore(%arg11 : memref<!tpu.dma_semaphore, #tpu.memory_space<semaphore_mem>>) src(%arg10 : memref<128x128xf32, #tpu.memory_space<vmem>>) dst(%dma_wait3A_92 : memref<10112x128xf32, #tpu.memory_space<vmem_shared>>)
        %dma_wait3A_93 = arith.constant 1 : i32
        %dma_wait3A_94 = arith.constant 0 : i32
        %dma_wait3A_95 = tpu.memref_slice %arg9[%dma_wait3A_93, %dma_wait3A_94] : memref<8x128xi32, #tpu.memory_space<vmem>> -> memref<1x128xi32, #tpu.memory_space<vmem>>
        %dma_wait3A_96 = tpu.memref_squeeze %dma_wait3A_95 : memref<1x128xi32, #tpu.memory_space<vmem>> -> memref<128xi32, #tpu.memory_space<vmem>>
        %dma_wait3A_97 = arith.constant 0 : i32
        %dma_wait3A_98 = arith.constant 0 : i32
        %dma_wait3A_99 = tpu.memref_slice %arg8[%dma_wait3A_97, %dma_wait3A_98] : memref<10112x128xf32, #tpu.memory_space<vmem_shared>> -> memref<10112x128xf32, #tpu.memory_space<vmem_shared>>
        tpu.wait_indirect_dma semaphore(%arg11 : memref<!tpu.dma_semaphore, #tpu.memory_space<semaphore_mem>>) src(%arg10 : memref<128x128xf32, #tpu.memory_space<vmem>>) dst(%dma_wait3A_99 : memref<10112x128xf32, #tpu.memory_space<vmem_shared>>)
        %dma_wait3A_100 = arith.constant 2 : i32
        %dma_wait3A_101 = arith.constant 0 : i32
        %dma_wait3A_102 = tpu.memref_slice %arg9[%dma_wait3A_100, %dma_wait3A_101] : memref<8x128xi32, #tpu.memory_space<vmem>> -> memref<1x128xi32, #tpu.memory_space<vmem>>
        %dma_wait3A_103 = tpu.memref_squeeze %dma_wait3A_102 : memref<1x128xi32, #tpu.memory_space<vmem>> -> memref<128xi32, #tpu.memory_space<vmem>>
        %dma_wait3A_104 = arith.constant 0 : i32
        %dma_wait3A_105 = arith.constant 0 : i32
        %dma_wait3A_106 = tpu.memref_slice %arg8[%dma_wait3A_104, %dma_wait3A_105] : memref<10112x128xf32, #tpu.memory_space<vmem_shared>> -> memref<10112x128xf32, #tpu.memory_space<vmem_shared>>
        tpu.wait_indirect_dma semaphore(%arg11 : memref<!tpu.dma_semaphore, #tpu.memory_space<semaphore_mem>>) src(%arg10 : memref<128x128xf32, #tpu.memory_space<vmem>>) dst(%dma_wait3A_106 : memref<10112x128xf32, #tpu.memory_space<vmem_shared>>)
        %dma_wait3A_107 = arith.constant 3 : i32
        %dma_wait3A_108 = arith.constant 0 : i32
        %dma_wait3A_109 = tpu.memref_slice %arg9[%dma_wait3A_107, %dma_wait3A_108] : memref<8x128xi32, #tpu.memory_space<vmem>> -> memref<1x128xi32, #tpu.memory_space<vmem>>
        %dma_wait3A_110 = tpu.memref_squeeze %dma_wait3A_109 : memref<1x128xi32, #tpu.memory_space<vmem>> -> memref<128xi32, #tpu.memory_space<vmem>>
        %dma_wait3A_111 = arith.constant 0 : i32
        %dma_wait3A_112 = arith.constant 0 : i32
        %dma_wait3A_113 = tpu.memref_slice %arg8[%dma_wait3A_111, %dma_wait3A_112] : memref<10112x128xf32, #tpu.memory_space<vmem_shared>> -> memref<10112x128xf32, #tpu.memory_space<vmem_shared>>
        tpu.wait_indirect_dma semaphore(%arg11 : memref<!tpu.dma_semaphore, #tpu.memory_space<semaphore_mem>>) src(%arg10 : memref<128x128xf32, #tpu.memory_space<vmem>>) dst(%dma_wait3A_113 : memref<10112x128xf32, #tpu.memory_space<vmem_shared>>)
        %dma_wait3A_114 = arith.constant 4 : i32
        %dma_wait3A_115 = arith.constant 0 : i32
        %dma_wait3A_116 = tpu.memref_slice %arg9[%dma_wait3A_114, %dma_wait3A_115] : memref<8x128xi32, #tpu.memory_space<vmem>> -> memref<1x128xi32, #tpu.memory_space<vmem>>
        %dma_wait3A_117 = tpu.memref_squeeze %dma_wait3A_116 : memref<1x128xi32, #tpu.memory_space<vmem>> -> memref<128xi32, #tpu.memory_space<vmem>>
        %dma_wait3A_118 = arith.constant 0 : i32
        %dma_wait3A_119 = arith.constant 0 : i32
        %dma_wait3A_120 = tpu.memref_slice %arg8[%dma_wait3A_118, %dma_wait3A_119] : memref<10112x128xf32, #tpu.memory_space<vmem_shared>> -> memref<10112x128xf32, #tpu.memory_space<vmem_shared>>
        tpu.wait_indirect_dma semaphore(%arg11 : memref<!tpu.dma_semaphore, #tpu.memory_space<semaphore_mem>>) src(%arg10 : memref<128x128xf32, #tpu.memory_space<vmem>>) dst(%dma_wait3A_120 : memref<10112x128xf32, #tpu.memory_space<vmem_shared>>)
        %dma_wait3A_121 = arith.constant 5 : i32
        %dma_wait3A_122 = arith.constant 0 : i32
        %dma_wait3A_123 = tpu.memref_slice %arg9[%dma_wait3A_121, %dma_wait3A_122] : memref<8x128xi32, #tpu.memory_space<vmem>> -> memref<1x128xi32, #tpu.memory_space<vmem>>
        %dma_wait3A_124 = tpu.memref_squeeze %dma_wait3A_123 : memref<1x128xi32, #tpu.memory_space<vmem>> -> memref<128xi32, #tpu.memory_space<vmem>>
        %dma_wait3A_125 = arith.constant 0 : i32
        %dma_wait3A_126 = arith.constant 0 : i32
        %dma_wait3A_127 = tpu.memref_slice %arg8[%dma_wait3A_125, %dma_wait3A_126] : memref<10112x128xf32, #tpu.memory_space<vmem_shared>> -> memref<10112x128xf32, #tpu.memory_space<vmem_shared>>
        tpu.wait_indirect_dma semaphore(%arg11 : memref<!tpu.dma_semaphore, #tpu.memory_space<semaphore_mem>>) src(%arg10 : memref<128x128xf32, #tpu.memory_space<vmem>>) dst(%dma_wait3A_127 : memref<10112x128xf32, #tpu.memory_space<vmem_shared>>)
        %dma_wait3A_128 = arith.constant 6 : i32
        %dma_wait3A_129 = arith.constant 0 : i32
        %dma_wait3A_130 = tpu.memref_slice %arg9[%dma_wait3A_128, %dma_wait3A_129] : memref<8x128xi32, #tpu.memory_space<vmem>> -> memref<1x128xi32, #tpu.memory_space<vmem>>
        %dma_wait3A_131 = tpu.memref_squeeze %dma_wait3A_130 : memref<1x128xi32, #tpu.memory_space<vmem>> -> memref<128xi32, #tpu.memory_space<vmem>>
        %dma_wait3A_132 = arith.constant 0 : i32
        %dma_wait3A_133 = arith.constant 0 : i32
        %dma_wait3A_134 = tpu.memref_slice %arg8[%dma_wait3A_132, %dma_wait3A_133] : memref<10112x128xf32, #tpu.memory_space<vmem_shared>> -> memref<10112x128xf32, #tpu.memory_space<vmem_shared>>
        tpu.wait_indirect_dma semaphore(%arg11 : memref<!tpu.dma_semaphore, #tpu.memory_space<semaphore_mem>>) src(%arg10 : memref<128x128xf32, #tpu.memory_space<vmem>>) dst(%dma_wait3A_134 : memref<10112x128xf32, #tpu.memory_space<vmem_shared>>)
        %dma_wait3A_135 = arith.constant 7 : i32
        %dma_wait3A_136 = arith.constant 0 : i32
        %dma_wait3A_137 = tpu.memref_slice %arg9[%dma_wait3A_135, %dma_wait3A_136] : memref<8x128xi32, #tpu.memory_space<vmem>> -> memref<1x128xi32, #tpu.memory_space<vmem>>
        %dma_wait3A_138 = tpu.memref_squeeze %dma_wait3A_137 : memref<1x128xi32, #tpu.memory_space<vmem>> -> memref<128xi32, #tpu.memory_space<vmem>>
        %dma_wait3A_139 = arith.constant 0 : i32
        %dma_wait3A_140 = arith.constant 0 : i32
        %dma_wait3A_141 = tpu.memref_slice %arg8[%dma_wait3A_139, %dma_wait3A_140] : memref<10112x128xf32, #tpu.memory_space<vmem_shared>> -> memref<10112x128xf32, #tpu.memory_space<vmem_shared>>
        tpu.wait_indirect_dma semaphore(%arg11 : memref<!tpu.dma_semaphore, #tpu.memory_space<semaphore_mem>>) src(%arg10 : memref<128x128xf32, #tpu.memory_space<vmem>>) dst(%dma_wait3A_141 : memref<10112x128xf32, #tpu.memory_space<vmem_shared>>)
      }
      %scan3A_24 = arith.constant 20 : i32
    } else {
    }
    %barrier3A_8 = arith.constant 0 : index
    tpu.barrier barrier_id(%barrier3A_8)
    %eq3A_9 = arith.constant 0 : i32
    %eq3A_10 = arith.cmpi eq, %arg0, %eq3A_9 : i32
    %convert_element_type3A_11 = arith.extui %eq3A_10 : i1 to i32
    %cond3A_12 = arith.constant 0 : i32
    %cond3A_13 = arith.cmpi ne, %convert_element_type3A_11, %cond3A_12 : i32
    scf.if %cond3A_13 {
      %mul3A_19 = arith.constant 632 : i32
      %mul3A_20 = arith.muli %arg1, %mul3A_19 : i32
      %mul3A_21 = arith.constant 632 : i32
      %mul3A_22 = arith.muli %arg1, %mul3A_21 : i32
      "tpu.region"() ({
        %run_scoped3A = tpu.sem_alloc : memref<!tpu.dma_semaphore, #tpu.memory_space<semaphore_mem>>
        %dma_start3A = arith.constant 0 : i32
        %dma_start3A_23 = tpu.memref_slice %arg6[%mul3A_22, %dma_start3A] : memref<10112x128xf32, #tpu.memory_space<hbm>> -> memref<632x128xf32, #tpu.memory_space<hbm>>
        %dma_start3A_24 = arith.constant 0 : i32
        %dma_start3A_25 = tpu.memref_slice %arg8[%mul3A_20, %dma_start3A_24] : memref<10112x128xf32, #tpu.memory_space<vmem_shared>> -> memref<632x128xf32, #tpu.memory_space<vmem_shared>>
        tpu.enqueue_dma source(%dma_start3A_25 : memref<632x128xf32, #tpu.memory_space<vmem_shared>>) target(%dma_start3A_23 : memref<632x128xf32, #tpu.memory_space<hbm>>) target_semaphore(%run_scoped3A : memref<!tpu.dma_semaphore, #tpu.memory_space<semaphore_mem>>)
        %dma_wait3A = arith.constant 0 : i32
        %dma_wait3A_26 = tpu.memref_slice %arg6[%mul3A_22, %dma_wait3A] : memref<10112x128xf32, #tpu.memory_space<hbm>> -> memref<632x128xf32, #tpu.memory_space<hbm>>
        %dma_wait3A_27 = arith.constant 0 : i32
        %dma_wait3A_28 = tpu.memref_slice %arg8[%mul3A_20, %dma_wait3A_27] : memref<10112x128xf32, #tpu.memory_space<vmem_shared>> -> memref<632x128xf32, #tpu.memory_space<vmem_shared>>
        tpu.wait_dma2 semaphore(%run_scoped3A : memref<!tpu.dma_semaphore, #tpu.memory_space<semaphore_mem>>) src(%dma_wait3A_28 : memref<632x128xf32, #tpu.memory_space<vmem_shared>>) dst(%dma_wait3A_26 : memref<632x128xf32, #tpu.memory_space<hbm>>)
        tpu.yield
      }) : () -> ()
    } else {
    }
    %eq3A_14 = arith.constant 1 : i32
    %eq3A_15 = arith.cmpi eq, %arg0, %eq3A_14 : i32
    %convert_element_type3A_16 = arith.extui %eq3A_15 : i1 to i32
    %cond3A_17 = arith.constant 0 : i32
    %cond3A_18 = arith.cmpi ne, %convert_element_type3A_16, %cond3A_17 : i32
    scf.if %cond3A_18 {
      %mul3A_19 = arith.constant 632 : i32
      %mul3A_20 = arith.muli %arg1, %mul3A_19 : i32
      %mul3A_21 = arith.constant 632 : i32
      %mul3A_22 = arith.muli %arg1, %mul3A_21 : i32
      "tpu.region"() ({
        %run_scoped3A = tpu.sem_alloc : memref<!tpu.dma_semaphore, #tpu.memory_space<semaphore_mem>>
        %dma_start3A = arith.constant 0 : i32
        %dma_start3A_23 = tpu.memref_slice %arg7[%mul3A_22, %dma_start3A] : memref<10112x128xf32, #tpu.memory_space<hbm>> -> memref<632x128xf32, #tpu.memory_space<hbm>>
        %dma_start3A_24 = arith.constant 0 : i32
        %dma_start3A_25 = tpu.memref_slice %arg8[%mul3A_20, %dma_start3A_24] : memref<10112x128xf32, #tpu.memory_space<vmem_shared>> -> memref<632x128xf32, #tpu.memory_space<vmem_shared>>
        tpu.enqueue_dma source(%dma_start3A_25 : memref<632x128xf32, #tpu.memory_space<vmem_shared>>) target(%dma_start3A_23 : memref<632x128xf32, #tpu.memory_space<hbm>>) target_semaphore(%run_scoped3A : memref<!tpu.dma_semaphore, #tpu.memory_space<semaphore_mem>>)
        %dma_wait3A = arith.constant 0 : i32
        %dma_wait3A_26 = tpu.memref_slice %arg7[%mul3A_22, %dma_wait3A] : memref<10112x128xf32, #tpu.memory_space<hbm>> -> memref<632x128xf32, #tpu.memory_space<hbm>>
        %dma_wait3A_27 = arith.constant 0 : i32
        %dma_wait3A_28 = tpu.memref_slice %arg8[%mul3A_20, %dma_wait3A_27] : memref<10112x128xf32, #tpu.memory_space<vmem_shared>> -> memref<632x128xf32, #tpu.memory_space<vmem_shared>>
        tpu.wait_dma2 semaphore(%run_scoped3A : memref<!tpu.dma_semaphore, #tpu.memory_space<semaphore_mem>>) src(%dma_wait3A_28 : memref<632x128xf32, #tpu.memory_space<vmem_shared>>) dst(%dma_wait3A_26 : memref<632x128xf32, #tpu.memory_space<hbm>>)
        tpu.yield
      }) : () -> ()
    } else {
    }
    return
  }
}

#map = affine_map<(d0, d1) -> (0, 0)>
#map1 = affine_map<(d0, d1) -> (0)>
module attributes {stable_mosaic.version = 14 : i64} {
  func.func @sc_gather_sel(%arg0: i32, %arg1: i32, %arg2: memref<10000x128xf32, #tpu.memory_space<hbm>>, %arg3: memref<10000x128xf32, #tpu.memory_space<hbm>>, %arg4: memref<8192xi32, #tpu.memory_space<hbm>>, %arg5: memref<8192xi32, #tpu.memory_space<hbm>>, %arg6: memref<8192x128xf32, #tpu.memory_space<hbm>>, %arg7: memref<8192x128xf32, #tpu.memory_space<hbm>>, %arg8: memref<512xi32, #tpu.memory_space<vmem>>, %arg9: memref<128x128xf32, #tpu.memory_space<vmem>>, %arg10: memref<!tpu.dma_semaphore, #tpu.memory_space<semaphore_mem>>) attributes {dimension_semantics = [#tpu.dimension_semantics<core_parallel>, #tpu.dimension_semantics<subcore_parallel>], iteration_bounds = array<i64: 2, 16>, scalar_prefetch = 0 : i64, scratch_operands = 3 : i64, tpu.core_type = #tpu.core_type<sc_vector_subcore>, window_params = [{transform_indices = #map}, {transform_indices = #map}, {transform_indices = #map1}, {transform_indices = #map1}, {transform_indices = #map}, {transform_indices = #map}]} {
    %eq3A = arith.constant 0 : i32
    %eq3A_0 = arith.cmpi eq, %arg0, %eq3A : i32
    %convert_element_type3A = arith.extui %eq3A_0 : i1 to i32
    %cond3A = arith.constant 0 : i32
    %cond3A_1 = arith.cmpi ne, %convert_element_type3A, %cond3A : i32
    scf.if %cond3A_1 {
      %mul3A = arith.constant 512 : i32
      %mul3A_7 = arith.muli %arg1, %mul3A : i32
      "tpu.region"() ({
        %run_scoped3A = tpu.sem_alloc : memref<!tpu.dma_semaphore, #tpu.memory_space<semaphore_mem>>
        %dma_start3A_72 = tpu.memref_slice %arg4[%mul3A_7] : memref<8192xi32, #tpu.memory_space<hbm>> -> memref<512xi32, #tpu.memory_space<hbm>>
        %dma_start3A_73 = tpu.memref_slice %arg4[%mul3A_7] : memref<8192xi32, #tpu.memory_space<hbm>> -> memref<512xi32, #tpu.memory_space<hbm>>
        tpu.enqueue_dma source(%dma_start3A_73 : memref<512xi32, #tpu.memory_space<hbm>>) target(%arg8 : memref<512xi32, #tpu.memory_space<vmem>>) target_semaphore(%run_scoped3A : memref<!tpu.dma_semaphore, #tpu.memory_space<semaphore_mem>>)
        %dma_wait3A_74 = tpu.memref_slice %arg4[%mul3A_7] : memref<8192xi32, #tpu.memory_space<hbm>> -> memref<512xi32, #tpu.memory_space<hbm>>
        %dma_wait3A_75 = tpu.memref_slice %arg4[%mul3A_7] : memref<8192xi32, #tpu.memory_space<hbm>> -> memref<512xi32, #tpu.memory_space<hbm>>
        tpu.wait_dma2 semaphore(%run_scoped3A : memref<!tpu.dma_semaphore, #tpu.memory_space<semaphore_mem>>) src(%dma_wait3A_75 : memref<512xi32, #tpu.memory_space<hbm>>) dst(%arg8 : memref<512xi32, #tpu.memory_space<vmem>>)
        tpu.yield
      }) : () -> ()
      %mul3A_8 = arith.constant 4 : i32
      %mul3A_9 = arith.muli %arg1, %mul3A_8 : i32
      %add3A = arith.constant 0 : i32
      %add3A_10 = arith.addi %mul3A_9, %add3A : i32
      %mul3A_11 = arith.constant 128 : i32
      %mul3A_12 = arith.muli %add3A_10, %mul3A_11 : i32
      %multiple_of3A = tpu.assume_multiple %mul3A_12, 8 : i32
      %dma_start3A = arith.constant 0 : i32
      %dma_start3A_13 = tpu.memref_slice %arg8[%dma_start3A] : memref<512xi32, #tpu.memory_space<vmem>> -> memref<128xi32, #tpu.memory_space<vmem>>
      %dma_start3A_14 = arith.constant 0 : i32
      %dma_start3A_15 = arith.constant 0 : i32
      %dma_start3A_16 = tpu.memref_slice %arg2[%dma_start3A_14, %dma_start3A_15] : memref<10000x128xf32, #tpu.memory_space<hbm>> -> memref<10000x128xf32, #tpu.memory_space<hbm>>
      tpu.enqueue_indirect_dma source(%dma_start3A_16 : memref<10000x128xf32, #tpu.memory_space<hbm>>) target(%arg9 : memref<128x128xf32, #tpu.memory_space<vmem>>) offsets(%dma_start3A_13 : memref<128xi32, #tpu.memory_space<vmem>>) semaphore(%arg10 : memref<!tpu.dma_semaphore, #tpu.memory_space<semaphore_mem>>)
      %dma_wait3A = arith.constant 0 : i32
      %dma_wait3A_17 = tpu.memref_slice %arg8[%dma_wait3A] : memref<512xi32, #tpu.memory_space<vmem>> -> memref<128xi32, #tpu.memory_space<vmem>>
      %dma_wait3A_18 = arith.constant 0 : i32
      %dma_wait3A_19 = arith.constant 0 : i32
      %dma_wait3A_20 = tpu.memref_slice %arg2[%dma_wait3A_18, %dma_wait3A_19] : memref<10000x128xf32, #tpu.memory_space<hbm>> -> memref<10000x128xf32, #tpu.memory_space<hbm>>
      tpu.wait_indirect_dma semaphore(%arg10 : memref<!tpu.dma_semaphore, #tpu.memory_space<semaphore_mem>>) src(%dma_wait3A_20 : memref<10000x128xf32, #tpu.memory_space<hbm>>) dst(%arg9 : memref<128x128xf32, #tpu.memory_space<vmem>>)
      "tpu.region"() ({
        %run_scoped3A = tpu.sem_alloc : memref<!tpu.dma_semaphore, #tpu.memory_space<semaphore_mem>>
        %dma_start3A_72 = arith.constant 0 : i32
        %dma_start3A_73 = tpu.memref_slice %arg6[%multiple_of3A, %dma_start3A_72] : memref<8192x128xf32, #tpu.memory_space<hbm>> -> memref<128x128xf32, #tpu.memory_space<hbm>>
        %dma_start3A_74 = arith.constant 0 : i32
        %dma_start3A_75 = tpu.memref_slice %arg6[%multiple_of3A, %dma_start3A_74] : memref<8192x128xf32, #tpu.memory_space<hbm>> -> memref<128x128xf32, #tpu.memory_space<hbm>>
        tpu.enqueue_dma source(%arg9 : memref<128x128xf32, #tpu.memory_space<vmem>>) target(%dma_start3A_75 : memref<128x128xf32, #tpu.memory_space<hbm>>) target_semaphore(%run_scoped3A : memref<!tpu.dma_semaphore, #tpu.memory_space<semaphore_mem>>)
        %dma_wait3A_76 = arith.constant 0 : i32
        %dma_wait3A_77 = tpu.memref_slice %arg6[%multiple_of3A, %dma_wait3A_76] : memref<8192x128xf32, #tpu.memory_space<hbm>> -> memref<128x128xf32, #tpu.memory_space<hbm>>
        %dma_wait3A_78 = arith.constant 0 : i32
        %dma_wait3A_79 = tpu.memref_slice %arg6[%multiple_of3A, %dma_wait3A_78] : memref<8192x128xf32, #tpu.memory_space<hbm>> -> memref<128x128xf32, #tpu.memory_space<hbm>>
        tpu.wait_dma2 semaphore(%run_scoped3A : memref<!tpu.dma_semaphore, #tpu.memory_space<semaphore_mem>>) src(%arg9 : memref<128x128xf32, #tpu.memory_space<vmem>>) dst(%dma_wait3A_79 : memref<128x128xf32, #tpu.memory_space<hbm>>)
        tpu.yield
      }) : () -> ()
      %mul3A_21 = arith.constant 4 : i32
      %mul3A_22 = arith.muli %arg1, %mul3A_21 : i32
      %add3A_23 = arith.constant 1 : i32
      %add3A_24 = arith.addi %mul3A_22, %add3A_23 : i32
      %mul3A_25 = arith.constant 128 : i32
      %mul3A_26 = arith.muli %add3A_24, %mul3A_25 : i32
      %multiple_of3A_27 = tpu.assume_multiple %mul3A_26, 8 : i32
      %dma_start3A_28 = arith.constant 128 : i32
      %dma_start3A_29 = tpu.memref_slice %arg8[%dma_start3A_28] : memref<512xi32, #tpu.memory_space<vmem>> -> memref<128xi32, #tpu.memory_space<vmem>>
      %dma_start3A_30 = arith.constant 0 : i32
      %dma_start3A_31 = arith.constant 0 : i32
      %dma_start3A_32 = tpu.memref_slice %arg2[%dma_start3A_30, %dma_start3A_31] : memref<10000x128xf32, #tpu.memory_space<hbm>> -> memref<10000x128xf32, #tpu.memory_space<hbm>>
      tpu.enqueue_indirect_dma source(%dma_start3A_32 : memref<10000x128xf32, #tpu.memory_space<hbm>>) target(%arg9 : memref<128x128xf32, #tpu.memory_space<vmem>>) offsets(%dma_start3A_29 : memref<128xi32, #tpu.memory_space<vmem>>) semaphore(%arg10 : memref<!tpu.dma_semaphore, #tpu.memory_space<semaphore_mem>>)
      %dma_wait3A_33 = arith.constant 128 : i32
      %dma_wait3A_34 = tpu.memref_slice %arg8[%dma_wait3A_33] : memref<512xi32, #tpu.memory_space<vmem>> -> memref<128xi32, #tpu.memory_space<vmem>>
      %dma_wait3A_35 = arith.constant 0 : i32
      %dma_wait3A_36 = arith.constant 0 : i32
      %dma_wait3A_37 = tpu.memref_slice %arg2[%dma_wait3A_35, %dma_wait3A_36] : memref<10000x128xf32, #tpu.memory_space<hbm>> -> memref<10000x128xf32, #tpu.memory_space<hbm>>
      tpu.wait_indirect_dma semaphore(%arg10 : memref<!tpu.dma_semaphore, #tpu.memory_space<semaphore_mem>>) src(%dma_wait3A_37 : memref<10000x128xf32, #tpu.memory_space<hbm>>) dst(%arg9 : memref<128x128xf32, #tpu.memory_space<vmem>>)
      "tpu.region"() ({
        %run_scoped3A = tpu.sem_alloc : memref<!tpu.dma_semaphore, #tpu.memory_space<semaphore_mem>>
        %dma_start3A_72 = arith.constant 0 : i32
        %dma_start3A_73 = tpu.memref_slice %arg6[%multiple_of3A_27, %dma_start3A_72] : memref<8192x128xf32, #tpu.memory_space<hbm>> -> memref<128x128xf32, #tpu.memory_space<hbm>>
        %dma_start3A_74 = arith.constant 0 : i32
        %dma_start3A_75 = tpu.memref_slice %arg6[%multiple_of3A_27, %dma_start3A_74] : memref<8192x128xf32, #tpu.memory_space<hbm>> -> memref<128x128xf32, #tpu.memory_space<hbm>>
        tpu.enqueue_dma source(%arg9 : memref<128x128xf32, #tpu.memory_space<vmem>>) target(%dma_start3A_75 : memref<128x128xf32, #tpu.memory_space<hbm>>) target_semaphore(%run_scoped3A : memref<!tpu.dma_semaphore, #tpu.memory_space<semaphore_mem>>)
        %dma_wait3A_76 = arith.constant 0 : i32
        %dma_wait3A_77 = tpu.memref_slice %arg6[%multiple_of3A_27, %dma_wait3A_76] : memref<8192x128xf32, #tpu.memory_space<hbm>> -> memref<128x128xf32, #tpu.memory_space<hbm>>
        %dma_wait3A_78 = arith.constant 0 : i32
        %dma_wait3A_79 = tpu.memref_slice %arg6[%multiple_of3A_27, %dma_wait3A_78] : memref<8192x128xf32, #tpu.memory_space<hbm>> -> memref<128x128xf32, #tpu.memory_space<hbm>>
        tpu.wait_dma2 semaphore(%run_scoped3A : memref<!tpu.dma_semaphore, #tpu.memory_space<semaphore_mem>>) src(%arg9 : memref<128x128xf32, #tpu.memory_space<vmem>>) dst(%dma_wait3A_79 : memref<128x128xf32, #tpu.memory_space<hbm>>)
        tpu.yield
      }) : () -> ()
      %mul3A_38 = arith.constant 4 : i32
      %mul3A_39 = arith.muli %arg1, %mul3A_38 : i32
      %add3A_40 = arith.constant 2 : i32
      %add3A_41 = arith.addi %mul3A_39, %add3A_40 : i32
      %mul3A_42 = arith.constant 128 : i32
      %mul3A_43 = arith.muli %add3A_41, %mul3A_42 : i32
      %multiple_of3A_44 = tpu.assume_multiple %mul3A_43, 8 : i32
      %dma_start3A_45 = arith.constant 256 : i32
      %dma_start3A_46 = tpu.memref_slice %arg8[%dma_start3A_45] : memref<512xi32, #tpu.memory_space<vmem>> -> memref<128xi32, #tpu.memory_space<vmem>>
      %dma_start3A_47 = arith.constant 0 : i32
      %dma_start3A_48 = arith.constant 0 : i32
      %dma_start3A_49 = tpu.memref_slice %arg2[%dma_start3A_47, %dma_start3A_48] : memref<10000x128xf32, #tpu.memory_space<hbm>> -> memref<10000x128xf32, #tpu.memory_space<hbm>>
      tpu.enqueue_indirect_dma source(%dma_start3A_49 : memref<10000x128xf32, #tpu.memory_space<hbm>>) target(%arg9 : memref<128x128xf32, #tpu.memory_space<vmem>>) offsets(%dma_start3A_46 : memref<128xi32, #tpu.memory_space<vmem>>) semaphore(%arg10 : memref<!tpu.dma_semaphore, #tpu.memory_space<semaphore_mem>>)
      %dma_wait3A_50 = arith.constant 256 : i32
      %dma_wait3A_51 = tpu.memref_slice %arg8[%dma_wait3A_50] : memref<512xi32, #tpu.memory_space<vmem>> -> memref<128xi32, #tpu.memory_space<vmem>>
      %dma_wait3A_52 = arith.constant 0 : i32
      %dma_wait3A_53 = arith.constant 0 : i32
      %dma_wait3A_54 = tpu.memref_slice %arg2[%dma_wait3A_52, %dma_wait3A_53] : memref<10000x128xf32, #tpu.memory_space<hbm>> -> memref<10000x128xf32, #tpu.memory_space<hbm>>
      tpu.wait_indirect_dma semaphore(%arg10 : memref<!tpu.dma_semaphore, #tpu.memory_space<semaphore_mem>>) src(%dma_wait3A_54 : memref<10000x128xf32, #tpu.memory_space<hbm>>) dst(%arg9 : memref<128x128xf32, #tpu.memory_space<vmem>>)
      "tpu.region"() ({
        %run_scoped3A = tpu.sem_alloc : memref<!tpu.dma_semaphore, #tpu.memory_space<semaphore_mem>>
        %dma_start3A_72 = arith.constant 0 : i32
        %dma_start3A_73 = tpu.memref_slice %arg6[%multiple_of3A_44, %dma_start3A_72] : memref<8192x128xf32, #tpu.memory_space<hbm>> -> memref<128x128xf32, #tpu.memory_space<hbm>>
        %dma_start3A_74 = arith.constant 0 : i32
        %dma_start3A_75 = tpu.memref_slice %arg6[%multiple_of3A_44, %dma_start3A_74] : memref<8192x128xf32, #tpu.memory_space<hbm>> -> memref<128x128xf32, #tpu.memory_space<hbm>>
        tpu.enqueue_dma source(%arg9 : memref<128x128xf32, #tpu.memory_space<vmem>>) target(%dma_start3A_75 : memref<128x128xf32, #tpu.memory_space<hbm>>) target_semaphore(%run_scoped3A : memref<!tpu.dma_semaphore, #tpu.memory_space<semaphore_mem>>)
        %dma_wait3A_76 = arith.constant 0 : i32
        %dma_wait3A_77 = tpu.memref_slice %arg6[%multiple_of3A_44, %dma_wait3A_76] : memref<8192x128xf32, #tpu.memory_space<hbm>> -> memref<128x128xf32, #tpu.memory_space<hbm>>
        %dma_wait3A_78 = arith.constant 0 : i32
        %dma_wait3A_79 = tpu.memref_slice %arg6[%multiple_of3A_44, %dma_wait3A_78] : memref<8192x128xf32, #tpu.memory_space<hbm>> -> memref<128x128xf32, #tpu.memory_space<hbm>>
        tpu.wait_dma2 semaphore(%run_scoped3A : memref<!tpu.dma_semaphore, #tpu.memory_space<semaphore_mem>>) src(%arg9 : memref<128x128xf32, #tpu.memory_space<vmem>>) dst(%dma_wait3A_79 : memref<128x128xf32, #tpu.memory_space<hbm>>)
        tpu.yield
      }) : () -> ()
      %mul3A_55 = arith.constant 4 : i32
      %mul3A_56 = arith.muli %arg1, %mul3A_55 : i32
      %add3A_57 = arith.constant 3 : i32
      %add3A_58 = arith.addi %mul3A_56, %add3A_57 : i32
      %mul3A_59 = arith.constant 128 : i32
      %mul3A_60 = arith.muli %add3A_58, %mul3A_59 : i32
      %multiple_of3A_61 = tpu.assume_multiple %mul3A_60, 8 : i32
      %dma_start3A_62 = arith.constant 384 : i32
      %dma_start3A_63 = tpu.memref_slice %arg8[%dma_start3A_62] : memref<512xi32, #tpu.memory_space<vmem>> -> memref<128xi32, #tpu.memory_space<vmem>>
      %dma_start3A_64 = arith.constant 0 : i32
      %dma_start3A_65 = arith.constant 0 : i32
      %dma_start3A_66 = tpu.memref_slice %arg2[%dma_start3A_64, %dma_start3A_65] : memref<10000x128xf32, #tpu.memory_space<hbm>> -> memref<10000x128xf32, #tpu.memory_space<hbm>>
      tpu.enqueue_indirect_dma source(%dma_start3A_66 : memref<10000x128xf32, #tpu.memory_space<hbm>>) target(%arg9 : memref<128x128xf32, #tpu.memory_space<vmem>>) offsets(%dma_start3A_63 : memref<128xi32, #tpu.memory_space<vmem>>) semaphore(%arg10 : memref<!tpu.dma_semaphore, #tpu.memory_space<semaphore_mem>>)
      %dma_wait3A_67 = arith.constant 384 : i32
      %dma_wait3A_68 = tpu.memref_slice %arg8[%dma_wait3A_67] : memref<512xi32, #tpu.memory_space<vmem>> -> memref<128xi32, #tpu.memory_space<vmem>>
      %dma_wait3A_69 = arith.constant 0 : i32
      %dma_wait3A_70 = arith.constant 0 : i32
      %dma_wait3A_71 = tpu.memref_slice %arg2[%dma_wait3A_69, %dma_wait3A_70] : memref<10000x128xf32, #tpu.memory_space<hbm>> -> memref<10000x128xf32, #tpu.memory_space<hbm>>
      tpu.wait_indirect_dma semaphore(%arg10 : memref<!tpu.dma_semaphore, #tpu.memory_space<semaphore_mem>>) src(%dma_wait3A_71 : memref<10000x128xf32, #tpu.memory_space<hbm>>) dst(%arg9 : memref<128x128xf32, #tpu.memory_space<vmem>>)
      "tpu.region"() ({
        %run_scoped3A = tpu.sem_alloc : memref<!tpu.dma_semaphore, #tpu.memory_space<semaphore_mem>>
        %dma_start3A_72 = arith.constant 0 : i32
        %dma_start3A_73 = tpu.memref_slice %arg6[%multiple_of3A_61, %dma_start3A_72] : memref<8192x128xf32, #tpu.memory_space<hbm>> -> memref<128x128xf32, #tpu.memory_space<hbm>>
        %dma_start3A_74 = arith.constant 0 : i32
        %dma_start3A_75 = tpu.memref_slice %arg6[%multiple_of3A_61, %dma_start3A_74] : memref<8192x128xf32, #tpu.memory_space<hbm>> -> memref<128x128xf32, #tpu.memory_space<hbm>>
        tpu.enqueue_dma source(%arg9 : memref<128x128xf32, #tpu.memory_space<vmem>>) target(%dma_start3A_75 : memref<128x128xf32, #tpu.memory_space<hbm>>) target_semaphore(%run_scoped3A : memref<!tpu.dma_semaphore, #tpu.memory_space<semaphore_mem>>)
        %dma_wait3A_76 = arith.constant 0 : i32
        %dma_wait3A_77 = tpu.memref_slice %arg6[%multiple_of3A_61, %dma_wait3A_76] : memref<8192x128xf32, #tpu.memory_space<hbm>> -> memref<128x128xf32, #tpu.memory_space<hbm>>
        %dma_wait3A_78 = arith.constant 0 : i32
        %dma_wait3A_79 = tpu.memref_slice %arg6[%multiple_of3A_61, %dma_wait3A_78] : memref<8192x128xf32, #tpu.memory_space<hbm>> -> memref<128x128xf32, #tpu.memory_space<hbm>>
        tpu.wait_dma2 semaphore(%run_scoped3A : memref<!tpu.dma_semaphore, #tpu.memory_space<semaphore_mem>>) src(%arg9 : memref<128x128xf32, #tpu.memory_space<vmem>>) dst(%dma_wait3A_79 : memref<128x128xf32, #tpu.memory_space<hbm>>)
        tpu.yield
      }) : () -> ()
    } else {
    }
    %eq3A_2 = arith.constant 1 : i32
    %eq3A_3 = arith.cmpi eq, %arg0, %eq3A_2 : i32
    %convert_element_type3A_4 = arith.extui %eq3A_3 : i1 to i32
    %cond3A_5 = arith.constant 0 : i32
    %cond3A_6 = arith.cmpi ne, %convert_element_type3A_4, %cond3A_5 : i32
    scf.if %cond3A_6 {
      %mul3A = arith.constant 512 : i32
      %mul3A_7 = arith.muli %arg1, %mul3A : i32
      "tpu.region"() ({
        %run_scoped3A = tpu.sem_alloc : memref<!tpu.dma_semaphore, #tpu.memory_space<semaphore_mem>>
        %dma_start3A_72 = tpu.memref_slice %arg5[%mul3A_7] : memref<8192xi32, #tpu.memory_space<hbm>> -> memref<512xi32, #tpu.memory_space<hbm>>
        %dma_start3A_73 = tpu.memref_slice %arg5[%mul3A_7] : memref<8192xi32, #tpu.memory_space<hbm>> -> memref<512xi32, #tpu.memory_space<hbm>>
        tpu.enqueue_dma source(%dma_start3A_73 : memref<512xi32, #tpu.memory_space<hbm>>) target(%arg8 : memref<512xi32, #tpu.memory_space<vmem>>) target_semaphore(%run_scoped3A : memref<!tpu.dma_semaphore, #tpu.memory_space<semaphore_mem>>)
        %dma_wait3A_74 = tpu.memref_slice %arg5[%mul3A_7] : memref<8192xi32, #tpu.memory_space<hbm>> -> memref<512xi32, #tpu.memory_space<hbm>>
        %dma_wait3A_75 = tpu.memref_slice %arg5[%mul3A_7] : memref<8192xi32, #tpu.memory_space<hbm>> -> memref<512xi32, #tpu.memory_space<hbm>>
        tpu.wait_dma2 semaphore(%run_scoped3A : memref<!tpu.dma_semaphore, #tpu.memory_space<semaphore_mem>>) src(%dma_wait3A_75 : memref<512xi32, #tpu.memory_space<hbm>>) dst(%arg8 : memref<512xi32, #tpu.memory_space<vmem>>)
        tpu.yield
      }) : () -> ()
      %mul3A_8 = arith.constant 4 : i32
      %mul3A_9 = arith.muli %arg1, %mul3A_8 : i32
      %add3A = arith.constant 0 : i32
      %add3A_10 = arith.addi %mul3A_9, %add3A : i32
      %mul3A_11 = arith.constant 128 : i32
      %mul3A_12 = arith.muli %add3A_10, %mul3A_11 : i32
      %multiple_of3A = tpu.assume_multiple %mul3A_12, 8 : i32
      %dma_start3A = arith.constant 0 : i32
      %dma_start3A_13 = tpu.memref_slice %arg8[%dma_start3A] : memref<512xi32, #tpu.memory_space<vmem>> -> memref<128xi32, #tpu.memory_space<vmem>>
      %dma_start3A_14 = arith.constant 0 : i32
      %dma_start3A_15 = arith.constant 0 : i32
      %dma_start3A_16 = tpu.memref_slice %arg3[%dma_start3A_14, %dma_start3A_15] : memref<10000x128xf32, #tpu.memory_space<hbm>> -> memref<10000x128xf32, #tpu.memory_space<hbm>>
      tpu.enqueue_indirect_dma source(%dma_start3A_16 : memref<10000x128xf32, #tpu.memory_space<hbm>>) target(%arg9 : memref<128x128xf32, #tpu.memory_space<vmem>>) offsets(%dma_start3A_13 : memref<128xi32, #tpu.memory_space<vmem>>) semaphore(%arg10 : memref<!tpu.dma_semaphore, #tpu.memory_space<semaphore_mem>>)
      %dma_wait3A = arith.constant 0 : i32
      %dma_wait3A_17 = tpu.memref_slice %arg8[%dma_wait3A] : memref<512xi32, #tpu.memory_space<vmem>> -> memref<128xi32, #tpu.memory_space<vmem>>
      %dma_wait3A_18 = arith.constant 0 : i32
      %dma_wait3A_19 = arith.constant 0 : i32
      %dma_wait3A_20 = tpu.memref_slice %arg3[%dma_wait3A_18, %dma_wait3A_19] : memref<10000x128xf32, #tpu.memory_space<hbm>> -> memref<10000x128xf32, #tpu.memory_space<hbm>>
      tpu.wait_indirect_dma semaphore(%arg10 : memref<!tpu.dma_semaphore, #tpu.memory_space<semaphore_mem>>) src(%dma_wait3A_20 : memref<10000x128xf32, #tpu.memory_space<hbm>>) dst(%arg9 : memref<128x128xf32, #tpu.memory_space<vmem>>)
      "tpu.region"() ({
        %run_scoped3A = tpu.sem_alloc : memref<!tpu.dma_semaphore, #tpu.memory_space<semaphore_mem>>
        %dma_start3A_72 = arith.constant 0 : i32
        %dma_start3A_73 = tpu.memref_slice %arg7[%multiple_of3A, %dma_start3A_72] : memref<8192x128xf32, #tpu.memory_space<hbm>> -> memref<128x128xf32, #tpu.memory_space<hbm>>
        %dma_start3A_74 = arith.constant 0 : i32
        %dma_start3A_75 = tpu.memref_slice %arg7[%multiple_of3A, %dma_start3A_74] : memref<8192x128xf32, #tpu.memory_space<hbm>> -> memref<128x128xf32, #tpu.memory_space<hbm>>
        tpu.enqueue_dma source(%arg9 : memref<128x128xf32, #tpu.memory_space<vmem>>) target(%dma_start3A_75 : memref<128x128xf32, #tpu.memory_space<hbm>>) target_semaphore(%run_scoped3A : memref<!tpu.dma_semaphore, #tpu.memory_space<semaphore_mem>>)
        %dma_wait3A_76 = arith.constant 0 : i32
        %dma_wait3A_77 = tpu.memref_slice %arg7[%multiple_of3A, %dma_wait3A_76] : memref<8192x128xf32, #tpu.memory_space<hbm>> -> memref<128x128xf32, #tpu.memory_space<hbm>>
        %dma_wait3A_78 = arith.constant 0 : i32
        %dma_wait3A_79 = tpu.memref_slice %arg7[%multiple_of3A, %dma_wait3A_78] : memref<8192x128xf32, #tpu.memory_space<hbm>> -> memref<128x128xf32, #tpu.memory_space<hbm>>
        tpu.wait_dma2 semaphore(%run_scoped3A : memref<!tpu.dma_semaphore, #tpu.memory_space<semaphore_mem>>) src(%arg9 : memref<128x128xf32, #tpu.memory_space<vmem>>) dst(%dma_wait3A_79 : memref<128x128xf32, #tpu.memory_space<hbm>>)
        tpu.yield
      }) : () -> ()
      %mul3A_21 = arith.constant 4 : i32
      %mul3A_22 = arith.muli %arg1, %mul3A_21 : i32
      %add3A_23 = arith.constant 1 : i32
      %add3A_24 = arith.addi %mul3A_22, %add3A_23 : i32
      %mul3A_25 = arith.constant 128 : i32
      %mul3A_26 = arith.muli %add3A_24, %mul3A_25 : i32
      %multiple_of3A_27 = tpu.assume_multiple %mul3A_26, 8 : i32
      %dma_start3A_28 = arith.constant 128 : i32
      %dma_start3A_29 = tpu.memref_slice %arg8[%dma_start3A_28] : memref<512xi32, #tpu.memory_space<vmem>> -> memref<128xi32, #tpu.memory_space<vmem>>
      %dma_start3A_30 = arith.constant 0 : i32
      %dma_start3A_31 = arith.constant 0 : i32
      %dma_start3A_32 = tpu.memref_slice %arg3[%dma_start3A_30, %dma_start3A_31] : memref<10000x128xf32, #tpu.memory_space<hbm>> -> memref<10000x128xf32, #tpu.memory_space<hbm>>
      tpu.enqueue_indirect_dma source(%dma_start3A_32 : memref<10000x128xf32, #tpu.memory_space<hbm>>) target(%arg9 : memref<128x128xf32, #tpu.memory_space<vmem>>) offsets(%dma_start3A_29 : memref<128xi32, #tpu.memory_space<vmem>>) semaphore(%arg10 : memref<!tpu.dma_semaphore, #tpu.memory_space<semaphore_mem>>)
      %dma_wait3A_33 = arith.constant 128 : i32
      %dma_wait3A_34 = tpu.memref_slice %arg8[%dma_wait3A_33] : memref<512xi32, #tpu.memory_space<vmem>> -> memref<128xi32, #tpu.memory_space<vmem>>
      %dma_wait3A_35 = arith.constant 0 : i32
      %dma_wait3A_36 = arith.constant 0 : i32
      %dma_wait3A_37 = tpu.memref_slice %arg3[%dma_wait3A_35, %dma_wait3A_36] : memref<10000x128xf32, #tpu.memory_space<hbm>> -> memref<10000x128xf32, #tpu.memory_space<hbm>>
      tpu.wait_indirect_dma semaphore(%arg10 : memref<!tpu.dma_semaphore, #tpu.memory_space<semaphore_mem>>) src(%dma_wait3A_37 : memref<10000x128xf32, #tpu.memory_space<hbm>>) dst(%arg9 : memref<128x128xf32, #tpu.memory_space<vmem>>)
      "tpu.region"() ({
        %run_scoped3A = tpu.sem_alloc : memref<!tpu.dma_semaphore, #tpu.memory_space<semaphore_mem>>
        %dma_start3A_72 = arith.constant 0 : i32
        %dma_start3A_73 = tpu.memref_slice %arg7[%multiple_of3A_27, %dma_start3A_72] : memref<8192x128xf32, #tpu.memory_space<hbm>> -> memref<128x128xf32, #tpu.memory_space<hbm>>
        %dma_start3A_74 = arith.constant 0 : i32
        %dma_start3A_75 = tpu.memref_slice %arg7[%multiple_of3A_27, %dma_start3A_74] : memref<8192x128xf32, #tpu.memory_space<hbm>> -> memref<128x128xf32, #tpu.memory_space<hbm>>
        tpu.enqueue_dma source(%arg9 : memref<128x128xf32, #tpu.memory_space<vmem>>) target(%dma_start3A_75 : memref<128x128xf32, #tpu.memory_space<hbm>>) target_semaphore(%run_scoped3A : memref<!tpu.dma_semaphore, #tpu.memory_space<semaphore_mem>>)
        %dma_wait3A_76 = arith.constant 0 : i32
        %dma_wait3A_77 = tpu.memref_slice %arg7[%multiple_of3A_27, %dma_wait3A_76] : memref<8192x128xf32, #tpu.memory_space<hbm>> -> memref<128x128xf32, #tpu.memory_space<hbm>>
        %dma_wait3A_78 = arith.constant 0 : i32
        %dma_wait3A_79 = tpu.memref_slice %arg7[%multiple_of3A_27, %dma_wait3A_78] : memref<8192x128xf32, #tpu.memory_space<hbm>> -> memref<128x128xf32, #tpu.memory_space<hbm>>
        tpu.wait_dma2 semaphore(%run_scoped3A : memref<!tpu.dma_semaphore, #tpu.memory_space<semaphore_mem>>) src(%arg9 : memref<128x128xf32, #tpu.memory_space<vmem>>) dst(%dma_wait3A_79 : memref<128x128xf32, #tpu.memory_space<hbm>>)
        tpu.yield
      }) : () -> ()
      %mul3A_38 = arith.constant 4 : i32
      %mul3A_39 = arith.muli %arg1, %mul3A_38 : i32
      %add3A_40 = arith.constant 2 : i32
      %add3A_41 = arith.addi %mul3A_39, %add3A_40 : i32
      %mul3A_42 = arith.constant 128 : i32
      %mul3A_43 = arith.muli %add3A_41, %mul3A_42 : i32
      %multiple_of3A_44 = tpu.assume_multiple %mul3A_43, 8 : i32
      %dma_start3A_45 = arith.constant 256 : i32
      %dma_start3A_46 = tpu.memref_slice %arg8[%dma_start3A_45] : memref<512xi32, #tpu.memory_space<vmem>> -> memref<128xi32, #tpu.memory_space<vmem>>
      %dma_start3A_47 = arith.constant 0 : i32
      %dma_start3A_48 = arith.constant 0 : i32
      %dma_start3A_49 = tpu.memref_slice %arg3[%dma_start3A_47, %dma_start3A_48] : memref<10000x128xf32, #tpu.memory_space<hbm>> -> memref<10000x128xf32, #tpu.memory_space<hbm>>
      tpu.enqueue_indirect_dma source(%dma_start3A_49 : memref<10000x128xf32, #tpu.memory_space<hbm>>) target(%arg9 : memref<128x128xf32, #tpu.memory_space<vmem>>) offsets(%dma_start3A_46 : memref<128xi32, #tpu.memory_space<vmem>>) semaphore(%arg10 : memref<!tpu.dma_semaphore, #tpu.memory_space<semaphore_mem>>)
      %dma_wait3A_50 = arith.constant 256 : i32
      %dma_wait3A_51 = tpu.memref_slice %arg8[%dma_wait3A_50] : memref<512xi32, #tpu.memory_space<vmem>> -> memref<128xi32, #tpu.memory_space<vmem>>
      %dma_wait3A_52 = arith.constant 0 : i32
      %dma_wait3A_53 = arith.constant 0 : i32
      %dma_wait3A_54 = tpu.memref_slice %arg3[%dma_wait3A_52, %dma_wait3A_53] : memref<10000x128xf32, #tpu.memory_space<hbm>> -> memref<10000x128xf32, #tpu.memory_space<hbm>>
      tpu.wait_indirect_dma semaphore(%arg10 : memref<!tpu.dma_semaphore, #tpu.memory_space<semaphore_mem>>) src(%dma_wait3A_54 : memref<10000x128xf32, #tpu.memory_space<hbm>>) dst(%arg9 : memref<128x128xf32, #tpu.memory_space<vmem>>)
      "tpu.region"() ({
        %run_scoped3A = tpu.sem_alloc : memref<!tpu.dma_semaphore, #tpu.memory_space<semaphore_mem>>
        %dma_start3A_72 = arith.constant 0 : i32
        %dma_start3A_73 = tpu.memref_slice %arg7[%multiple_of3A_44, %dma_start3A_72] : memref<8192x128xf32, #tpu.memory_space<hbm>> -> memref<128x128xf32, #tpu.memory_space<hbm>>
        %dma_start3A_74 = arith.constant 0 : i32
        %dma_start3A_75 = tpu.memref_slice %arg7[%multiple_of3A_44, %dma_start3A_74] : memref<8192x128xf32, #tpu.memory_space<hbm>> -> memref<128x128xf32, #tpu.memory_space<hbm>>
        tpu.enqueue_dma source(%arg9 : memref<128x128xf32, #tpu.memory_space<vmem>>) target(%dma_start3A_75 : memref<128x128xf32, #tpu.memory_space<hbm>>) target_semaphore(%run_scoped3A : memref<!tpu.dma_semaphore, #tpu.memory_space<semaphore_mem>>)
        %dma_wait3A_76 = arith.constant 0 : i32
        %dma_wait3A_77 = tpu.memref_slice %arg7[%multiple_of3A_44, %dma_wait3A_76] : memref<8192x128xf32, #tpu.memory_space<hbm>> -> memref<128x128xf32, #tpu.memory_space<hbm>>
        %dma_wait3A_78 = arith.constant 0 : i32
        %dma_wait3A_79 = tpu.memref_slice %arg7[%multiple_of3A_44, %dma_wait3A_78] : memref<8192x128xf32, #tpu.memory_space<hbm>> -> memref<128x128xf32, #tpu.memory_space<hbm>>
        tpu.wait_dma2 semaphore(%run_scoped3A : memref<!tpu.dma_semaphore, #tpu.memory_space<semaphore_mem>>) src(%arg9 : memref<128x128xf32, #tpu.memory_space<vmem>>) dst(%dma_wait3A_79 : memref<128x128xf32, #tpu.memory_space<hbm>>)
        tpu.yield
      }) : () -> ()
      %mul3A_55 = arith.constant 4 : i32
      %mul3A_56 = arith.muli %arg1, %mul3A_55 : i32
      %add3A_57 = arith.constant 3 : i32
      %add3A_58 = arith.addi %mul3A_56, %add3A_57 : i32
      %mul3A_59 = arith.constant 128 : i32
      %mul3A_60 = arith.muli %add3A_58, %mul3A_59 : i32
      %multiple_of3A_61 = tpu.assume_multiple %mul3A_60, 8 : i32
      %dma_start3A_62 = arith.constant 384 : i32
      %dma_start3A_63 = tpu.memref_slice %arg8[%dma_start3A_62] : memref<512xi32, #tpu.memory_space<vmem>> -> memref<128xi32, #tpu.memory_space<vmem>>
      %dma_start3A_64 = arith.constant 0 : i32
      %dma_start3A_65 = arith.constant 0 : i32
      %dma_start3A_66 = tpu.memref_slice %arg3[%dma_start3A_64, %dma_start3A_65] : memref<10000x128xf32, #tpu.memory_space<hbm>> -> memref<10000x128xf32, #tpu.memory_space<hbm>>
      tpu.enqueue_indirect_dma source(%dma_start3A_66 : memref<10000x128xf32, #tpu.memory_space<hbm>>) target(%arg9 : memref<128x128xf32, #tpu.memory_space<vmem>>) offsets(%dma_start3A_63 : memref<128xi32, #tpu.memory_space<vmem>>) semaphore(%arg10 : memref<!tpu.dma_semaphore, #tpu.memory_space<semaphore_mem>>)
      %dma_wait3A_67 = arith.constant 384 : i32
      %dma_wait3A_68 = tpu.memref_slice %arg8[%dma_wait3A_67] : memref<512xi32, #tpu.memory_space<vmem>> -> memref<128xi32, #tpu.memory_space<vmem>>
      %dma_wait3A_69 = arith.constant 0 : i32
      %dma_wait3A_70 = arith.constant 0 : i32
      %dma_wait3A_71 = tpu.memref_slice %arg3[%dma_wait3A_69, %dma_wait3A_70] : memref<10000x128xf32, #tpu.memory_space<hbm>> -> memref<10000x128xf32, #tpu.memory_space<hbm>>
      tpu.wait_indirect_dma semaphore(%arg10 : memref<!tpu.dma_semaphore, #tpu.memory_space<semaphore_mem>>) src(%dma_wait3A_71 : memref<10000x128xf32, #tpu.memory_space<hbm>>) dst(%arg9 : memref<128x128xf32, #tpu.memory_space<vmem>>)
      "tpu.region"() ({
        %run_scoped3A = tpu.sem_alloc : memref<!tpu.dma_semaphore, #tpu.memory_space<semaphore_mem>>
        %dma_start3A_72 = arith.constant 0 : i32
        %dma_start3A_73 = tpu.memref_slice %arg7[%multiple_of3A_61, %dma_start3A_72] : memref<8192x128xf32, #tpu.memory_space<hbm>> -> memref<128x128xf32, #tpu.memory_space<hbm>>
        %dma_start3A_74 = arith.constant 0 : i32
        %dma_start3A_75 = tpu.memref_slice %arg7[%multiple_of3A_61, %dma_start3A_74] : memref<8192x128xf32, #tpu.memory_space<hbm>> -> memref<128x128xf32, #tpu.memory_space<hbm>>
        tpu.enqueue_dma source(%arg9 : memref<128x128xf32, #tpu.memory_space<vmem>>) target(%dma_start3A_75 : memref<128x128xf32, #tpu.memory_space<hbm>>) target_semaphore(%run_scoped3A : memref<!tpu.dma_semaphore, #tpu.memory_space<semaphore_mem>>)
        %dma_wait3A_76 = arith.constant 0 : i32
        %dma_wait3A_77 = tpu.memref_slice %arg7[%multiple_of3A_61, %dma_wait3A_76] : memref<8192x128xf32, #tpu.memory_space<hbm>> -> memref<128x128xf32, #tpu.memory_space<hbm>>
        %dma_wait3A_78 = arith.constant 0 : i32
        %dma_wait3A_79 = tpu.memref_slice %arg7[%multiple_of3A_61, %dma_wait3A_78] : memref<8192x128xf32, #tpu.memory_space<hbm>> -> memref<128x128xf32, #tpu.memory_space<hbm>>
        tpu.wait_dma2 semaphore(%run_scoped3A : memref<!tpu.dma_semaphore, #tpu.memory_space<semaphore_mem>>) src(%arg9 : memref<128x128xf32, #tpu.memory_space<vmem>>) dst(%dma_wait3A_79 : memref<128x128xf32, #tpu.memory_space<hbm>>)
        tpu.yield
      }) : () -> ()
    } else {
    }
    return
  }
}

#map = affine_map<(d0, d1) -> (0, 0)>
module attributes {stable_mosaic.version = 14 : i64} {
  func.func @sc_seg_sum(%arg0: i32, %arg1: i32, %arg2: memref<10000x128xf32, #tpu.memory_space<hbm>>, %arg3: memref<2560x128xi32, #tpu.memory_space<hbm>>, %arg4: memref<2560x128xi32, #tpu.memory_space<hbm>>, %arg5: memref<10000x128xf32, #tpu.memory_space<hbm>>, %arg6: memref<2560x128xi32, #tpu.memory_space<hbm>>, %arg7: memref<2560x128xi32, #tpu.memory_space<hbm>>, %arg8: memref<632x128xf32, #tpu.memory_space<hbm>>, %arg9: memref<10112x128xf32, #tpu.memory_space<hbm>>, %arg10: memref<10112x128xf32, #tpu.memory_space<hbm>>, %arg11: memref<10112x128xf32, #tpu.memory_space<vmem_shared>>, %arg12: memref<8x128xi32, #tpu.memory_space<vmem>>, %arg13: memref<8x128xi32, #tpu.memory_space<vmem>>, %arg14: memref<128x128xf32, #tpu.memory_space<vmem>>, %arg15: memref<128x128xf32, #tpu.memory_space<vmem>>, %arg16: memref<!tpu.dma_semaphore, #tpu.memory_space<semaphore_mem>>, %arg17: memref<!tpu.dma_semaphore, #tpu.memory_space<semaphore_mem>>, %arg18: memref<!tpu.dma_semaphore, #tpu.memory_space<semaphore_mem>>, %arg19: memref<!tpu.dma_semaphore, #tpu.memory_space<semaphore_mem>>) attributes {dimension_semantics = [#tpu.dimension_semantics<core_parallel>, #tpu.dimension_semantics<subcore_parallel>], iteration_bounds = array<i64: 2, 16>, scalar_prefetch = 0 : i64, scratch_operands = 9 : i64, tpu.core_type = #tpu.core_type<sc_vector_subcore>, window_params = [{transform_indices = #map}, {transform_indices = #map}, {transform_indices = #map}, {transform_indices = #map}, {transform_indices = #map}, {transform_indices = #map}, {transform_indices = #map}, {transform_indices = #map}, {transform_indices = #map}]} {
    %mul3A = arith.constant 632 : i32
    %mul3A_0 = arith.muli %arg1, %mul3A : i32
    "tpu.region"() ({
      %run_scoped3A = tpu.sem_alloc : memref<!tpu.dma_semaphore, #tpu.memory_space<semaphore_mem>>
      %dma_start3A = arith.constant 0 : i32
      %dma_start3A_19 = tpu.memref_slice %arg11[%mul3A_0, %dma_start3A] : memref<10112x128xf32, #tpu.memory_space<vmem_shared>> -> memref<632x128xf32, #tpu.memory_space<vmem_shared>>
      tpu.enqueue_dma source(%arg8 : memref<632x128xf32, #tpu.memory_space<hbm>>) target(%dma_start3A_19 : memref<632x128xf32, #tpu.memory_space<vmem_shared>>) target_semaphore(%run_scoped3A : memref<!tpu.dma_semaphore, #tpu.memory_space<semaphore_mem>>)
      %dma_wait3A = arith.constant 0 : i32
      %dma_wait3A_20 = tpu.memref_slice %arg11[%mul3A_0, %dma_wait3A] : memref<10112x128xf32, #tpu.memory_space<vmem_shared>> -> memref<632x128xf32, #tpu.memory_space<vmem_shared>>
      tpu.wait_dma2 semaphore(%run_scoped3A : memref<!tpu.dma_semaphore, #tpu.memory_space<semaphore_mem>>) src(%arg8 : memref<632x128xf32, #tpu.memory_space<hbm>>) dst(%dma_wait3A_20 : memref<632x128xf32, #tpu.memory_space<vmem_shared>>)
      tpu.yield
    }) : () -> ()
    %barrier3A = arith.constant 0 : index
    tpu.barrier barrier_id(%barrier3A)
    %eq3A = arith.constant 0 : i32
    %eq3A_1 = arith.cmpi eq, %arg0, %eq3A : i32
    %convert_element_type3A = arith.extui %eq3A_1 : i1 to i32
    %cond3A = arith.constant 0 : i32
    %cond3A_2 = arith.cmpi ne, %convert_element_type3A, %cond3A : i32
    scf.if %cond3A_2 {
      %mul3A_19 = arith.constant 160 : i32
      %mul3A_20 = arith.muli %arg1, %mul3A_19 : i32
      %scan3A = arith.constant 0 : i32
      %scan3A_21 = arith.constant 20 : i32
      %scan3A_22 = arith.addi %scan3A, %scan3A_21 : i32
      %scan3A_23 = arith.constant 1 : i32
      scf.for %scan3A_25 = %scan3A to %scan3A_22 step %scan3A_23  : i32 {
        %mul3A_26 = arith.constant 1 : i32
        %mul3A_27 = arith.muli %scan3A_25, %mul3A_26 : i32
        %add3A = arith.constant 0 : i32
        %add3A_28 = arith.addi %add3A, %mul3A_27 : i32
        %mul3A_29 = arith.constant 8 : i32
        %mul3A_30 = arith.muli %add3A_28, %mul3A_29 : i32
        %add3A_31 = arith.addi %mul3A_20, %mul3A_30 : i32
        %multiple_of3A = tpu.assume_multiple %add3A_31, 8 : i32
        "tpu.region"() ({
          %run_scoped3A = tpu.sem_alloc : memref<!tpu.dma_semaphore, #tpu.memory_space<semaphore_mem>>
          %dma_start3A_254 = arith.constant 0 : i32
          %dma_start3A_255 = tpu.memref_slice %arg3[%multiple_of3A, %dma_start3A_254] : memref<2560x128xi32, #tpu.memory_space<hbm>> -> memref<8x128xi32, #tpu.memory_space<hbm>>
          %dma_start3A_256 = arith.constant 0 : i32
          %dma_start3A_257 = tpu.memref_slice %arg3[%multiple_of3A, %dma_start3A_256] : memref<2560x128xi32, #tpu.memory_space<hbm>> -> memref<8x128xi32, #tpu.memory_space<hbm>>
          tpu.enqueue_dma source(%dma_start3A_257 : memref<8x128xi32, #tpu.memory_space<hbm>>) target(%arg12 : memref<8x128xi32, #tpu.memory_space<vmem>>) target_semaphore(%run_scoped3A : memref<!tpu.dma_semaphore, #tpu.memory_space<semaphore_mem>>)
          %dma_wait3A_258 = arith.constant 0 : i32
          %dma_wait3A_259 = tpu.memref_slice %arg3[%multiple_of3A, %dma_wait3A_258] : memref<2560x128xi32, #tpu.memory_space<hbm>> -> memref<8x128xi32, #tpu.memory_space<hbm>>
          %dma_wait3A_260 = arith.constant 0 : i32
          %dma_wait3A_261 = tpu.memref_slice %arg3[%multiple_of3A, %dma_wait3A_260] : memref<2560x128xi32, #tpu.memory_space<hbm>> -> memref<8x128xi32, #tpu.memory_space<hbm>>
          tpu.wait_dma2 semaphore(%run_scoped3A : memref<!tpu.dma_semaphore, #tpu.memory_space<semaphore_mem>>) src(%dma_wait3A_261 : memref<8x128xi32, #tpu.memory_space<hbm>>) dst(%arg12 : memref<8x128xi32, #tpu.memory_space<vmem>>)
          tpu.yield
        }) : () -> ()
        "tpu.region"() ({
          %run_scoped3A = tpu.sem_alloc : memref<!tpu.dma_semaphore, #tpu.memory_space<semaphore_mem>>
          %dma_start3A_254 = arith.constant 0 : i32
          %dma_start3A_255 = tpu.memref_slice %arg4[%multiple_of3A, %dma_start3A_254] : memref<2560x128xi32, #tpu.memory_space<hbm>> -> memref<8x128xi32, #tpu.memory_space<hbm>>
          %dma_start3A_256 = arith.constant 0 : i32
          %dma_start3A_257 = tpu.memref_slice %arg4[%multiple_of3A, %dma_start3A_256] : memref<2560x128xi32, #tpu.memory_space<hbm>> -> memref<8x128xi32, #tpu.memory_space<hbm>>
          tpu.enqueue_dma source(%dma_start3A_257 : memref<8x128xi32, #tpu.memory_space<hbm>>) target(%arg13 : memref<8x128xi32, #tpu.memory_space<vmem>>) target_semaphore(%run_scoped3A : memref<!tpu.dma_semaphore, #tpu.memory_space<semaphore_mem>>)
          %dma_wait3A_258 = arith.constant 0 : i32
          %dma_wait3A_259 = tpu.memref_slice %arg4[%multiple_of3A, %dma_wait3A_258] : memref<2560x128xi32, #tpu.memory_space<hbm>> -> memref<8x128xi32, #tpu.memory_space<hbm>>
          %dma_wait3A_260 = arith.constant 0 : i32
          %dma_wait3A_261 = tpu.memref_slice %arg4[%multiple_of3A, %dma_wait3A_260] : memref<2560x128xi32, #tpu.memory_space<hbm>> -> memref<8x128xi32, #tpu.memory_space<hbm>>
          tpu.wait_dma2 semaphore(%run_scoped3A : memref<!tpu.dma_semaphore, #tpu.memory_space<semaphore_mem>>) src(%dma_wait3A_261 : memref<8x128xi32, #tpu.memory_space<hbm>>) dst(%arg13 : memref<8x128xi32, #tpu.memory_space<vmem>>)
          tpu.yield
        }) : () -> ()
        %dma_start3A = arith.constant 0 : i32
        %dma_start3A_32 = arith.constant 0 : i32
        %dma_start3A_33 = tpu.memref_slice %arg12[%dma_start3A, %dma_start3A_32] : memref<8x128xi32, #tpu.memory_space<vmem>> -> memref<1x128xi32, #tpu.memory_space<vmem>>
        %dma_start3A_34 = tpu.memref_squeeze %dma_start3A_33 : memref<1x128xi32, #tpu.memory_space<vmem>> -> memref<128xi32, #tpu.memory_space<vmem>>
        %dma_start3A_35 = arith.constant 0 : i32
        %dma_start3A_36 = arith.constant 0 : i32
        %dma_start3A_37 = tpu.memref_slice %arg2[%dma_start3A_35, %dma_start3A_36] : memref<10000x128xf32, #tpu.memory_space<hbm>> -> memref<10000x128xf32, #tpu.memory_space<hbm>>
        tpu.enqueue_indirect_dma source(%dma_start3A_37 : memref<10000x128xf32, #tpu.memory_space<hbm>>) target(%arg14 : memref<128x128xf32, #tpu.memory_space<vmem>>) offsets(%dma_start3A_34 : memref<128xi32, #tpu.memory_space<vmem>>) semaphore(%arg16 : memref<!tpu.dma_semaphore, #tpu.memory_space<semaphore_mem>>)
        %dma_start3A_38 = arith.constant 1 : i32
        %dma_start3A_39 = arith.constant 0 : i32
        %dma_start3A_40 = tpu.memref_slice %arg12[%dma_start3A_38, %dma_start3A_39] : memref<8x128xi32, #tpu.memory_space<vmem>> -> memref<1x128xi32, #tpu.memory_space<vmem>>
        %dma_start3A_41 = tpu.memref_squeeze %dma_start3A_40 : memref<1x128xi32, #tpu.memory_space<vmem>> -> memref<128xi32, #tpu.memory_space<vmem>>
        %dma_start3A_42 = arith.constant 0 : i32
        %dma_start3A_43 = arith.constant 0 : i32
        %dma_start3A_44 = tpu.memref_slice %arg2[%dma_start3A_42, %dma_start3A_43] : memref<10000x128xf32, #tpu.memory_space<hbm>> -> memref<10000x128xf32, #tpu.memory_space<hbm>>
        tpu.enqueue_indirect_dma source(%dma_start3A_44 : memref<10000x128xf32, #tpu.memory_space<hbm>>) target(%arg15 : memref<128x128xf32, #tpu.memory_space<vmem>>) offsets(%dma_start3A_41 : memref<128xi32, #tpu.memory_space<vmem>>) semaphore(%arg17 : memref<!tpu.dma_semaphore, #tpu.memory_space<semaphore_mem>>)
        %dma_wait3A = arith.constant 0 : i32
        %dma_wait3A_45 = arith.constant 0 : i32
        %dma_wait3A_46 = tpu.memref_slice %arg12[%dma_wait3A, %dma_wait3A_45] : memref<8x128xi32, #tpu.memory_space<vmem>> -> memref<1x128xi32, #tpu.memory_space<vmem>>
        %dma_wait3A_47 = tpu.memref_squeeze %dma_wait3A_46 : memref<1x128xi32, #tpu.memory_space<vmem>> -> memref<128xi32, #tpu.memory_space<vmem>>
        %dma_wait3A_48 = arith.constant 0 : i32
        %dma_wait3A_49 = arith.constant 0 : i32
        %dma_wait3A_50 = tpu.memref_slice %arg2[%dma_wait3A_48, %dma_wait3A_49] : memref<10000x128xf32, #tpu.memory_space<hbm>> -> memref<10000x128xf32, #tpu.memory_space<hbm>>
        tpu.wait_indirect_dma semaphore(%arg16 : memref<!tpu.dma_semaphore, #tpu.memory_space<semaphore_mem>>) src(%dma_wait3A_50 : memref<10000x128xf32, #tpu.memory_space<hbm>>) dst(%arg14 : memref<128x128xf32, #tpu.memory_space<vmem>>)
        %dma_start3A_51 = arith.constant 0 : i32
        %dma_start3A_52 = arith.constant 0 : i32
        %dma_start3A_53 = tpu.memref_slice %arg13[%dma_start3A_51, %dma_start3A_52] : memref<8x128xi32, #tpu.memory_space<vmem>> -> memref<1x128xi32, #tpu.memory_space<vmem>>
        %dma_start3A_54 = tpu.memref_squeeze %dma_start3A_53 : memref<1x128xi32, #tpu.memory_space<vmem>> -> memref<128xi32, #tpu.memory_space<vmem>>
        %dma_start3A_55 = arith.constant 0 : i32
        %dma_start3A_56 = arith.constant 0 : i32
        %dma_start3A_57 = tpu.memref_slice %arg11[%dma_start3A_55, %dma_start3A_56] : memref<10112x128xf32, #tpu.memory_space<vmem_shared>> -> memref<10112x128xf32, #tpu.memory_space<vmem_shared>>
        tpu.enqueue_indirect_dma source(%arg14 : memref<128x128xf32, #tpu.memory_space<vmem>>) target(%dma_start3A_57 : memref<10112x128xf32, #tpu.memory_space<vmem_shared>>) offsets(%dma_start3A_54 : memref<128xi32, #tpu.memory_space<vmem>>) semaphore(%arg18 : memref<!tpu.dma_semaphore, #tpu.memory_space<semaphore_mem>>) {add = true}
        %dma_wait3A_58 = arith.constant 0 : i32
        %dma_wait3A_59 = arith.constant 0 : i32
        %dma_wait3A_60 = tpu.memref_slice %arg13[%dma_wait3A_58, %dma_wait3A_59] : memref<8x128xi32, #tpu.memory_space<vmem>> -> memref<1x128xi32, #tpu.memory_space<vmem>>
        %dma_wait3A_61 = tpu.memref_squeeze %dma_wait3A_60 : memref<1x128xi32, #tpu.memory_space<vmem>> -> memref<128xi32, #tpu.memory_space<vmem>>
        %dma_wait3A_62 = arith.constant 0 : i32
        %dma_wait3A_63 = arith.constant 0 : i32
        %dma_wait3A_64 = tpu.memref_slice %arg11[%dma_wait3A_62, %dma_wait3A_63] : memref<10112x128xf32, #tpu.memory_space<vmem_shared>> -> memref<10112x128xf32, #tpu.memory_space<vmem_shared>>
        tpu.wait_indirect_dma semaphore(%arg18 : memref<!tpu.dma_semaphore, #tpu.memory_space<semaphore_mem>>) src(%arg14 : memref<128x128xf32, #tpu.memory_space<vmem>>) dst(%dma_wait3A_64 : memref<10112x128xf32, #tpu.memory_space<vmem_shared>>)
        %dma_start3A_65 = arith.constant 2 : i32
        %dma_start3A_66 = arith.constant 0 : i32
        %dma_start3A_67 = tpu.memref_slice %arg12[%dma_start3A_65, %dma_start3A_66] : memref<8x128xi32, #tpu.memory_space<vmem>> -> memref<1x128xi32, #tpu.memory_space<vmem>>
        %dma_start3A_68 = tpu.memref_squeeze %dma_start3A_67 : memref<1x128xi32, #tpu.memory_space<vmem>> -> memref<128xi32, #tpu.memory_space<vmem>>
        %dma_start3A_69 = arith.constant 0 : i32
        %dma_start3A_70 = arith.constant 0 : i32
        %dma_start3A_71 = tpu.memref_slice %arg2[%dma_start3A_69, %dma_start3A_70] : memref<10000x128xf32, #tpu.memory_space<hbm>> -> memref<10000x128xf32, #tpu.memory_space<hbm>>
        tpu.enqueue_indirect_dma source(%dma_start3A_71 : memref<10000x128xf32, #tpu.memory_space<hbm>>) target(%arg14 : memref<128x128xf32, #tpu.memory_space<vmem>>) offsets(%dma_start3A_68 : memref<128xi32, #tpu.memory_space<vmem>>) semaphore(%arg16 : memref<!tpu.dma_semaphore, #tpu.memory_space<semaphore_mem>>)
        %dma_wait3A_72 = arith.constant 1 : i32
        %dma_wait3A_73 = arith.constant 0 : i32
        %dma_wait3A_74 = tpu.memref_slice %arg12[%dma_wait3A_72, %dma_wait3A_73] : memref<8x128xi32, #tpu.memory_space<vmem>> -> memref<1x128xi32, #tpu.memory_space<vmem>>
        %dma_wait3A_75 = tpu.memref_squeeze %dma_wait3A_74 : memref<1x128xi32, #tpu.memory_space<vmem>> -> memref<128xi32, #tpu.memory_space<vmem>>
        %dma_wait3A_76 = arith.constant 0 : i32
        %dma_wait3A_77 = arith.constant 0 : i32
        %dma_wait3A_78 = tpu.memref_slice %arg2[%dma_wait3A_76, %dma_wait3A_77] : memref<10000x128xf32, #tpu.memory_space<hbm>> -> memref<10000x128xf32, #tpu.memory_space<hbm>>
        tpu.wait_indirect_dma semaphore(%arg17 : memref<!tpu.dma_semaphore, #tpu.memory_space<semaphore_mem>>) src(%dma_wait3A_78 : memref<10000x128xf32, #tpu.memory_space<hbm>>) dst(%arg15 : memref<128x128xf32, #tpu.memory_space<vmem>>)
        %dma_start3A_79 = arith.constant 1 : i32
        %dma_start3A_80 = arith.constant 0 : i32
        %dma_start3A_81 = tpu.memref_slice %arg13[%dma_start3A_79, %dma_start3A_80] : memref<8x128xi32, #tpu.memory_space<vmem>> -> memref<1x128xi32, #tpu.memory_space<vmem>>
        %dma_start3A_82 = tpu.memref_squeeze %dma_start3A_81 : memref<1x128xi32, #tpu.memory_space<vmem>> -> memref<128xi32, #tpu.memory_space<vmem>>
        %dma_start3A_83 = arith.constant 0 : i32
        %dma_start3A_84 = arith.constant 0 : i32
        %dma_start3A_85 = tpu.memref_slice %arg11[%dma_start3A_83, %dma_start3A_84] : memref<10112x128xf32, #tpu.memory_space<vmem_shared>> -> memref<10112x128xf32, #tpu.memory_space<vmem_shared>>
        tpu.enqueue_indirect_dma source(%arg15 : memref<128x128xf32, #tpu.memory_space<vmem>>) target(%dma_start3A_85 : memref<10112x128xf32, #tpu.memory_space<vmem_shared>>) offsets(%dma_start3A_82 : memref<128xi32, #tpu.memory_space<vmem>>) semaphore(%arg19 : memref<!tpu.dma_semaphore, #tpu.memory_space<semaphore_mem>>) {add = true}
        %dma_wait3A_86 = arith.constant 1 : i32
        %dma_wait3A_87 = arith.constant 0 : i32
        %dma_wait3A_88 = tpu.memref_slice %arg13[%dma_wait3A_86, %dma_wait3A_87] : memref<8x128xi32, #tpu.memory_space<vmem>> -> memref<1x128xi32, #tpu.memory_space<vmem>>
        %dma_wait3A_89 = tpu.memref_squeeze %dma_wait3A_88 : memref<1x128xi32, #tpu.memory_space<vmem>> -> memref<128xi32, #tpu.memory_space<vmem>>
        %dma_wait3A_90 = arith.constant 0 : i32
        %dma_wait3A_91 = arith.constant 0 : i32
        %dma_wait3A_92 = tpu.memref_slice %arg11[%dma_wait3A_90, %dma_wait3A_91] : memref<10112x128xf32, #tpu.memory_space<vmem_shared>> -> memref<10112x128xf32, #tpu.memory_space<vmem_shared>>
        tpu.wait_indirect_dma semaphore(%arg19 : memref<!tpu.dma_semaphore, #tpu.memory_space<semaphore_mem>>) src(%arg15 : memref<128x128xf32, #tpu.memory_space<vmem>>) dst(%dma_wait3A_92 : memref<10112x128xf32, #tpu.memory_space<vmem_shared>>)
        %dma_start3A_93 = arith.constant 3 : i32
        %dma_start3A_94 = arith.constant 0 : i32
        %dma_start3A_95 = tpu.memref_slice %arg12[%dma_start3A_93, %dma_start3A_94] : memref<8x128xi32, #tpu.memory_space<vmem>> -> memref<1x128xi32, #tpu.memory_space<vmem>>
        %dma_start3A_96 = tpu.memref_squeeze %dma_start3A_95 : memref<1x128xi32, #tpu.memory_space<vmem>> -> memref<128xi32, #tpu.memory_space<vmem>>
        %dma_start3A_97 = arith.constant 0 : i32
        %dma_start3A_98 = arith.constant 0 : i32
        %dma_start3A_99 = tpu.memref_slice %arg2[%dma_start3A_97, %dma_start3A_98] : memref<10000x128xf32, #tpu.memory_space<hbm>> -> memref<10000x128xf32, #tpu.memory_space<hbm>>
        tpu.enqueue_indirect_dma source(%dma_start3A_99 : memref<10000x128xf32, #tpu.memory_space<hbm>>) target(%arg15 : memref<128x128xf32, #tpu.memory_space<vmem>>) offsets(%dma_start3A_96 : memref<128xi32, #tpu.memory_space<vmem>>) semaphore(%arg17 : memref<!tpu.dma_semaphore, #tpu.memory_space<semaphore_mem>>)
        %dma_wait3A_100 = arith.constant 2 : i32
        %dma_wait3A_101 = arith.constant 0 : i32
        %dma_wait3A_102 = tpu.memref_slice %arg12[%dma_wait3A_100, %dma_wait3A_101] : memref<8x128xi32, #tpu.memory_space<vmem>> -> memref<1x128xi32, #tpu.memory_space<vmem>>
        %dma_wait3A_103 = tpu.memref_squeeze %dma_wait3A_102 : memref<1x128xi32, #tpu.memory_space<vmem>> -> memref<128xi32, #tpu.memory_space<vmem>>
        %dma_wait3A_104 = arith.constant 0 : i32
        %dma_wait3A_105 = arith.constant 0 : i32
        %dma_wait3A_106 = tpu.memref_slice %arg2[%dma_wait3A_104, %dma_wait3A_105] : memref<10000x128xf32, #tpu.memory_space<hbm>> -> memref<10000x128xf32, #tpu.memory_space<hbm>>
        tpu.wait_indirect_dma semaphore(%arg16 : memref<!tpu.dma_semaphore, #tpu.memory_space<semaphore_mem>>) src(%dma_wait3A_106 : memref<10000x128xf32, #tpu.memory_space<hbm>>) dst(%arg14 : memref<128x128xf32, #tpu.memory_space<vmem>>)
        %dma_start3A_107 = arith.constant 2 : i32
        %dma_start3A_108 = arith.constant 0 : i32
        %dma_start3A_109 = tpu.memref_slice %arg13[%dma_start3A_107, %dma_start3A_108] : memref<8x128xi32, #tpu.memory_space<vmem>> -> memref<1x128xi32, #tpu.memory_space<vmem>>
        %dma_start3A_110 = tpu.memref_squeeze %dma_start3A_109 : memref<1x128xi32, #tpu.memory_space<vmem>> -> memref<128xi32, #tpu.memory_space<vmem>>
        %dma_start3A_111 = arith.constant 0 : i32
        %dma_start3A_112 = arith.constant 0 : i32
        %dma_start3A_113 = tpu.memref_slice %arg11[%dma_start3A_111, %dma_start3A_112] : memref<10112x128xf32, #tpu.memory_space<vmem_shared>> -> memref<10112x128xf32, #tpu.memory_space<vmem_shared>>
        tpu.enqueue_indirect_dma source(%arg14 : memref<128x128xf32, #tpu.memory_space<vmem>>) target(%dma_start3A_113 : memref<10112x128xf32, #tpu.memory_space<vmem_shared>>) offsets(%dma_start3A_110 : memref<128xi32, #tpu.memory_space<vmem>>) semaphore(%arg18 : memref<!tpu.dma_semaphore, #tpu.memory_space<semaphore_mem>>) {add = true}
        %dma_wait3A_114 = arith.constant 2 : i32
        %dma_wait3A_115 = arith.constant 0 : i32
        %dma_wait3A_116 = tpu.memref_slice %arg13[%dma_wait3A_114, %dma_wait3A_115] : memref<8x128xi32, #tpu.memory_space<vmem>> -> memref<1x128xi32, #tpu.memory_space<vmem>>
        %dma_wait3A_117 = tpu.memref_squeeze %dma_wait3A_116 : memref<1x128xi32, #tpu.memory_space<vmem>> -> memref<128xi32, #tpu.memory_space<vmem>>
        %dma_wait3A_118 = arith.constant 0 : i32
        %dma_wait3A_119 = arith.constant 0 : i32
        %dma_wait3A_120 = tpu.memref_slice %arg11[%dma_wait3A_118, %dma_wait3A_119] : memref<10112x128xf32, #tpu.memory_space<vmem_shared>> -> memref<10112x128xf32, #tpu.memory_space<vmem_shared>>
        tpu.wait_indirect_dma semaphore(%arg18 : memref<!tpu.dma_semaphore, #tpu.memory_space<semaphore_mem>>) src(%arg14 : memref<128x128xf32, #tpu.memory_space<vmem>>) dst(%dma_wait3A_120 : memref<10112x128xf32, #tpu.memory_space<vmem_shared>>)
        %dma_start3A_121 = arith.constant 4 : i32
        %dma_start3A_122 = arith.constant 0 : i32
        %dma_start3A_123 = tpu.memref_slice %arg12[%dma_start3A_121, %dma_start3A_122] : memref<8x128xi32, #tpu.memory_space<vmem>> -> memref<1x128xi32, #tpu.memory_space<vmem>>
        %dma_start3A_124 = tpu.memref_squeeze %dma_start3A_123 : memref<1x128xi32, #tpu.memory_space<vmem>> -> memref<128xi32, #tpu.memory_space<vmem>>
        %dma_start3A_125 = arith.constant 0 : i32
        %dma_start3A_126 = arith.constant 0 : i32
        %dma_start3A_127 = tpu.memref_slice %arg2[%dma_start3A_125, %dma_start3A_126] : memref<10000x128xf32, #tpu.memory_space<hbm>> -> memref<10000x128xf32, #tpu.memory_space<hbm>>
        tpu.enqueue_indirect_dma source(%dma_start3A_127 : memref<10000x128xf32, #tpu.memory_space<hbm>>) target(%arg14 : memref<128x128xf32, #tpu.memory_space<vmem>>) offsets(%dma_start3A_124 : memref<128xi32, #tpu.memory_space<vmem>>) semaphore(%arg16 : memref<!tpu.dma_semaphore, #tpu.memory_space<semaphore_mem>>)
        %dma_wait3A_128 = arith.constant 3 : i32
        %dma_wait3A_129 = arith.constant 0 : i32
        %dma_wait3A_130 = tpu.memref_slice %arg12[%dma_wait3A_128, %dma_wait3A_129] : memref<8x128xi32, #tpu.memory_space<vmem>> -> memref<1x128xi32, #tpu.memory_space<vmem>>
        %dma_wait3A_131 = tpu.memref_squeeze %dma_wait3A_130 : memref<1x128xi32, #tpu.memory_space<vmem>> -> memref<128xi32, #tpu.memory_space<vmem>>
        %dma_wait3A_132 = arith.constant 0 : i32
        %dma_wait3A_133 = arith.constant 0 : i32
        %dma_wait3A_134 = tpu.memref_slice %arg2[%dma_wait3A_132, %dma_wait3A_133] : memref<10000x128xf32, #tpu.memory_space<hbm>> -> memref<10000x128xf32, #tpu.memory_space<hbm>>
        tpu.wait_indirect_dma semaphore(%arg17 : memref<!tpu.dma_semaphore, #tpu.memory_space<semaphore_mem>>) src(%dma_wait3A_134 : memref<10000x128xf32, #tpu.memory_space<hbm>>) dst(%arg15 : memref<128x128xf32, #tpu.memory_space<vmem>>)
        %dma_start3A_135 = arith.constant 3 : i32
        %dma_start3A_136 = arith.constant 0 : i32
        %dma_start3A_137 = tpu.memref_slice %arg13[%dma_start3A_135, %dma_start3A_136] : memref<8x128xi32, #tpu.memory_space<vmem>> -> memref<1x128xi32, #tpu.memory_space<vmem>>
        %dma_start3A_138 = tpu.memref_squeeze %dma_start3A_137 : memref<1x128xi32, #tpu.memory_space<vmem>> -> memref<128xi32, #tpu.memory_space<vmem>>
        %dma_start3A_139 = arith.constant 0 : i32
        %dma_start3A_140 = arith.constant 0 : i32
        %dma_start3A_141 = tpu.memref_slice %arg11[%dma_start3A_139, %dma_start3A_140] : memref<10112x128xf32, #tpu.memory_space<vmem_shared>> -> memref<10112x128xf32, #tpu.memory_space<vmem_shared>>
        tpu.enqueue_indirect_dma source(%arg15 : memref<128x128xf32, #tpu.memory_space<vmem>>) target(%dma_start3A_141 : memref<10112x128xf32, #tpu.memory_space<vmem_shared>>) offsets(%dma_start3A_138 : memref<128xi32, #tpu.memory_space<vmem>>) semaphore(%arg19 : memref<!tpu.dma_semaphore, #tpu.memory_space<semaphore_mem>>) {add = true}
        %dma_wait3A_142 = arith.constant 3 : i32
        %dma_wait3A_143 = arith.constant 0 : i32
        %dma_wait3A_144 = tpu.memref_slice %arg13[%dma_wait3A_142, %dma_wait3A_143] : memref<8x128xi32, #tpu.memory_space<vmem>> -> memref<1x128xi32, #tpu.memory_space<vmem>>
        %dma_wait3A_145 = tpu.memref_squeeze %dma_wait3A_144 : memref<1x128xi32, #tpu.memory_space<vmem>> -> memref<128xi32, #tpu.memory_space<vmem>>
        %dma_wait3A_146 = arith.constant 0 : i32
        %dma_wait3A_147 = arith.constant 0 : i32
        %dma_wait3A_148 = tpu.memref_slice %arg11[%dma_wait3A_146, %dma_wait3A_147] : memref<10112x128xf32, #tpu.memory_space<vmem_shared>> -> memref<10112x128xf32, #tpu.memory_space<vmem_shared>>
        tpu.wait_indirect_dma semaphore(%arg19 : memref<!tpu.dma_semaphore, #tpu.memory_space<semaphore_mem>>) src(%arg15 : memref<128x128xf32, #tpu.memory_space<vmem>>) dst(%dma_wait3A_148 : memref<10112x128xf32, #tpu.memory_space<vmem_shared>>)
        %dma_start3A_149 = arith.constant 5 : i32
        %dma_start3A_150 = arith.constant 0 : i32
        %dma_start3A_151 = tpu.memref_slice %arg12[%dma_start3A_149, %dma_start3A_150] : memref<8x128xi32, #tpu.memory_space<vmem>> -> memref<1x128xi32, #tpu.memory_space<vmem>>
        %dma_start3A_152 = tpu.memref_squeeze %dma_start3A_151 : memref<1x128xi32, #tpu.memory_space<vmem>> -> memref<128xi32, #tpu.memory_space<vmem>>
        %dma_start3A_153 = arith.constant 0 : i32
        %dma_start3A_154 = arith.constant 0 : i32
        %dma_start3A_155 = tpu.memref_slice %arg2[%dma_start3A_153, %dma_start3A_154] : memref<10000x128xf32, #tpu.memory_space<hbm>> -> memref<10000x128xf32, #tpu.memory_space<hbm>>
        tpu.enqueue_indirect_dma source(%dma_start3A_155 : memref<10000x128xf32, #tpu.memory_space<hbm>>) target(%arg15 : memref<128x128xf32, #tpu.memory_space<vmem>>) offsets(%dma_start3A_152 : memref<128xi32, #tpu.memory_space<vmem>>) semaphore(%arg17 : memref<!tpu.dma_semaphore, #tpu.memory_space<semaphore_mem>>)
        %dma_wait3A_156 = arith.constant 4 : i32
        %dma_wait3A_157 = arith.constant 0 : i32
        %dma_wait3A_158 = tpu.memref_slice %arg12[%dma_wait3A_156, %dma_wait3A_157] : memref<8x128xi32, #tpu.memory_space<vmem>> -> memref<1x128xi32, #tpu.memory_space<vmem>>
        %dma_wait3A_159 = tpu.memref_squeeze %dma_wait3A_158 : memref<1x128xi32, #tpu.memory_space<vmem>> -> memref<128xi32, #tpu.memory_space<vmem>>
        %dma_wait3A_160 = arith.constant 0 : i32
        %dma_wait3A_161 = arith.constant 0 : i32
        %dma_wait3A_162 = tpu.memref_slice %arg2[%dma_wait3A_160, %dma_wait3A_161] : memref<10000x128xf32, #tpu.memory_space<hbm>> -> memref<10000x128xf32, #tpu.memory_space<hbm>>
        tpu.wait_indirect_dma semaphore(%arg16 : memref<!tpu.dma_semaphore, #tpu.memory_space<semaphore_mem>>) src(%dma_wait3A_162 : memref<10000x128xf32, #tpu.memory_space<hbm>>) dst(%arg14 : memref<128x128xf32, #tpu.memory_space<vmem>>)
        %dma_start3A_163 = arith.constant 4 : i32
        %dma_start3A_164 = arith.constant 0 : i32
        %dma_start3A_165 = tpu.memref_slice %arg13[%dma_start3A_163, %dma_start3A_164] : memref<8x128xi32, #tpu.memory_space<vmem>> -> memref<1x128xi32, #tpu.memory_space<vmem>>
        %dma_start3A_166 = tpu.memref_squeeze %dma_start3A_165 : memref<1x128xi32, #tpu.memory_space<vmem>> -> memref<128xi32, #tpu.memory_space<vmem>>
        %dma_start3A_167 = arith.constant 0 : i32
        %dma_start3A_168 = arith.constant 0 : i32
        %dma_start3A_169 = tpu.memref_slice %arg11[%dma_start3A_167, %dma_start3A_168] : memref<10112x128xf32, #tpu.memory_space<vmem_shared>> -> memref<10112x128xf32, #tpu.memory_space<vmem_shared>>
        tpu.enqueue_indirect_dma source(%arg14 : memref<128x128xf32, #tpu.memory_space<vmem>>) target(%dma_start3A_169 : memref<10112x128xf32, #tpu.memory_space<vmem_shared>>) offsets(%dma_start3A_166 : memref<128xi32, #tpu.memory_space<vmem>>) semaphore(%arg18 : memref<!tpu.dma_semaphore, #tpu.memory_space<semaphore_mem>>) {add = true}
        %dma_wait3A_170 = arith.constant 4 : i32
        %dma_wait3A_171 = arith.constant 0 : i32
        %dma_wait3A_172 = tpu.memref_slice %arg13[%dma_wait3A_170, %dma_wait3A_171] : memref<8x128xi32, #tpu.memory_space<vmem>> -> memref<1x128xi32, #tpu.memory_space<vmem>>
        %dma_wait3A_173 = tpu.memref_squeeze %dma_wait3A_172 : memref<1x128xi32, #tpu.memory_space<vmem>> -> memref<128xi32, #tpu.memory_space<vmem>>
        %dma_wait3A_174 = arith.constant 0 : i32
        %dma_wait3A_175 = arith.constant 0 : i32
        %dma_wait3A_176 = tpu.memref_slice %arg11[%dma_wait3A_174, %dma_wait3A_175] : memref<10112x128xf32, #tpu.memory_space<vmem_shared>> -> memref<10112x128xf32, #tpu.memory_space<vmem_shared>>
        tpu.wait_indirect_dma semaphore(%arg18 : memref<!tpu.dma_semaphore, #tpu.memory_space<semaphore_mem>>) src(%arg14 : memref<128x128xf32, #tpu.memory_space<vmem>>) dst(%dma_wait3A_176 : memref<10112x128xf32, #tpu.memory_space<vmem_shared>>)
        %dma_start3A_177 = arith.constant 6 : i32
        %dma_start3A_178 = arith.constant 0 : i32
        %dma_start3A_179 = tpu.memref_slice %arg12[%dma_start3A_177, %dma_start3A_178] : memref<8x128xi32, #tpu.memory_space<vmem>> -> memref<1x128xi32, #tpu.memory_space<vmem>>
        %dma_start3A_180 = tpu.memref_squeeze %dma_start3A_179 : memref<1x128xi32, #tpu.memory_space<vmem>> -> memref<128xi32, #tpu.memory_space<vmem>>
        %dma_start3A_181 = arith.constant 0 : i32
        %dma_start3A_182 = arith.constant 0 : i32
        %dma_start3A_183 = tpu.memref_slice %arg2[%dma_start3A_181, %dma_start3A_182] : memref<10000x128xf32, #tpu.memory_space<hbm>> -> memref<10000x128xf32, #tpu.memory_space<hbm>>
        tpu.enqueue_indirect_dma source(%dma_start3A_183 : memref<10000x128xf32, #tpu.memory_space<hbm>>) target(%arg14 : memref<128x128xf32, #tpu.memory_space<vmem>>) offsets(%dma_start3A_180 : memref<128xi32, #tpu.memory_space<vmem>>) semaphore(%arg16 : memref<!tpu.dma_semaphore, #tpu.memory_space<semaphore_mem>>)
        %dma_wait3A_184 = arith.constant 5 : i32
        %dma_wait3A_185 = arith.constant 0 : i32
        %dma_wait3A_186 = tpu.memref_slice %arg12[%dma_wait3A_184, %dma_wait3A_185] : memref<8x128xi32, #tpu.memory_space<vmem>> -> memref<1x128xi32, #tpu.memory_space<vmem>>
        %dma_wait3A_187 = tpu.memref_squeeze %dma_wait3A_186 : memref<1x128xi32, #tpu.memory_space<vmem>> -> memref<128xi32, #tpu.memory_space<vmem>>
        %dma_wait3A_188 = arith.constant 0 : i32
        %dma_wait3A_189 = arith.constant 0 : i32
        %dma_wait3A_190 = tpu.memref_slice %arg2[%dma_wait3A_188, %dma_wait3A_189] : memref<10000x128xf32, #tpu.memory_space<hbm>> -> memref<10000x128xf32, #tpu.memory_space<hbm>>
        tpu.wait_indirect_dma semaphore(%arg17 : memref<!tpu.dma_semaphore, #tpu.memory_space<semaphore_mem>>) src(%dma_wait3A_190 : memref<10000x128xf32, #tpu.memory_space<hbm>>) dst(%arg15 : memref<128x128xf32, #tpu.memory_space<vmem>>)
        %dma_start3A_191 = arith.constant 5 : i32
        %dma_start3A_192 = arith.constant 0 : i32
        %dma_start3A_193 = tpu.memref_slice %arg13[%dma_start3A_191, %dma_start3A_192] : memref<8x128xi32, #tpu.memory_space<vmem>> -> memref<1x128xi32, #tpu.memory_space<vmem>>
        %dma_start3A_194 = tpu.memref_squeeze %dma_start3A_193 : memref<1x128xi32, #tpu.memory_space<vmem>> -> memref<128xi32, #tpu.memory_space<vmem>>
        %dma_start3A_195 = arith.constant 0 : i32
        %dma_start3A_196 = arith.constant 0 : i32
        %dma_start3A_197 = tpu.memref_slice %arg11[%dma_start3A_195, %dma_start3A_196] : memref<10112x128xf32, #tpu.memory_space<vmem_shared>> -> memref<10112x128xf32, #tpu.memory_space<vmem_shared>>
        tpu.enqueue_indirect_dma source(%arg15 : memref<128x128xf32, #tpu.memory_space<vmem>>) target(%dma_start3A_197 : memref<10112x128xf32, #tpu.memory_space<vmem_shared>>) offsets(%dma_start3A_194 : memref<128xi32, #tpu.memory_space<vmem>>) semaphore(%arg19 : memref<!tpu.dma_semaphore, #tpu.memory_space<semaphore_mem>>) {add = true}
        %dma_wait3A_198 = arith.constant 5 : i32
        %dma_wait3A_199 = arith.constant 0 : i32
        %dma_wait3A_200 = tpu.memref_slice %arg13[%dma_wait3A_198, %dma_wait3A_199] : memref<8x128xi32, #tpu.memory_space<vmem>> -> memref<1x128xi32, #tpu.memory_space<vmem>>
        %dma_wait3A_201 = tpu.memref_squeeze %dma_wait3A_200 : memref<1x128xi32, #tpu.memory_space<vmem>> -> memref<128xi32, #tpu.memory_space<vmem>>
        %dma_wait3A_202 = arith.constant 0 : i32
        %dma_wait3A_203 = arith.constant 0 : i32
        %dma_wait3A_204 = tpu.memref_slice %arg11[%dma_wait3A_202, %dma_wait3A_203] : memref<10112x128xf32, #tpu.memory_space<vmem_shared>> -> memref<10112x128xf32, #tpu.memory_space<vmem_shared>>
        tpu.wait_indirect_dma semaphore(%arg19 : memref<!tpu.dma_semaphore, #tpu.memory_space<semaphore_mem>>) src(%arg15 : memref<128x128xf32, #tpu.memory_space<vmem>>) dst(%dma_wait3A_204 : memref<10112x128xf32, #tpu.memory_space<vmem_shared>>)
        %dma_start3A_205 = arith.constant 7 : i32
        %dma_start3A_206 = arith.constant 0 : i32
        %dma_start3A_207 = tpu.memref_slice %arg12[%dma_start3A_205, %dma_start3A_206] : memref<8x128xi32, #tpu.memory_space<vmem>> -> memref<1x128xi32, #tpu.memory_space<vmem>>
        %dma_start3A_208 = tpu.memref_squeeze %dma_start3A_207 : memref<1x128xi32, #tpu.memory_space<vmem>> -> memref<128xi32, #tpu.memory_space<vmem>>
        %dma_start3A_209 = arith.constant 0 : i32
        %dma_start3A_210 = arith.constant 0 : i32
        %dma_start3A_211 = tpu.memref_slice %arg2[%dma_start3A_209, %dma_start3A_210] : memref<10000x128xf32, #tpu.memory_space<hbm>> -> memref<10000x128xf32, #tpu.memory_space<hbm>>
        tpu.enqueue_indirect_dma source(%dma_start3A_211 : memref<10000x128xf32, #tpu.memory_space<hbm>>) target(%arg15 : memref<128x128xf32, #tpu.memory_space<vmem>>) offsets(%dma_start3A_208 : memref<128xi32, #tpu.memory_space<vmem>>) semaphore(%arg17 : memref<!tpu.dma_semaphore, #tpu.memory_space<semaphore_mem>>)
        %dma_wait3A_212 = arith.constant 6 : i32
        %dma_wait3A_213 = arith.constant 0 : i32
        %dma_wait3A_214 = tpu.memref_slice %arg12[%dma_wait3A_212, %dma_wait3A_213] : memref<8x128xi32, #tpu.memory_space<vmem>> -> memref<1x128xi32, #tpu.memory_space<vmem>>
        %dma_wait3A_215 = tpu.memref_squeeze %dma_wait3A_214 : memref<1x128xi32, #tpu.memory_space<vmem>> -> memref<128xi32, #tpu.memory_space<vmem>>
        %dma_wait3A_216 = arith.constant 0 : i32
        %dma_wait3A_217 = arith.constant 0 : i32
        %dma_wait3A_218 = tpu.memref_slice %arg2[%dma_wait3A_216, %dma_wait3A_217] : memref<10000x128xf32, #tpu.memory_space<hbm>> -> memref<10000x128xf32, #tpu.memory_space<hbm>>
        tpu.wait_indirect_dma semaphore(%arg16 : memref<!tpu.dma_semaphore, #tpu.memory_space<semaphore_mem>>) src(%dma_wait3A_218 : memref<10000x128xf32, #tpu.memory_space<hbm>>) dst(%arg14 : memref<128x128xf32, #tpu.memory_space<vmem>>)
        %dma_start3A_219 = arith.constant 6 : i32
        %dma_start3A_220 = arith.constant 0 : i32
        %dma_start3A_221 = tpu.memref_slice %arg13[%dma_start3A_219, %dma_start3A_220] : memref<8x128xi32, #tpu.memory_space<vmem>> -> memref<1x128xi32, #tpu.memory_space<vmem>>
        %dma_start3A_222 = tpu.memref_squeeze %dma_start3A_221 : memref<1x128xi32, #tpu.memory_space<vmem>> -> memref<128xi32, #tpu.memory_space<vmem>>
        %dma_start3A_223 = arith.constant 0 : i32
        %dma_start3A_224 = arith.constant 0 : i32
        %dma_start3A_225 = tpu.memref_slice %arg11[%dma_start3A_223, %dma_start3A_224] : memref<10112x128xf32, #tpu.memory_space<vmem_shared>> -> memref<10112x128xf32, #tpu.memory_space<vmem_shared>>
        tpu.enqueue_indirect_dma source(%arg14 : memref<128x128xf32, #tpu.memory_space<vmem>>) target(%dma_start3A_225 : memref<10112x128xf32, #tpu.memory_space<vmem_shared>>) offsets(%dma_start3A_222 : memref<128xi32, #tpu.memory_space<vmem>>) semaphore(%arg18 : memref<!tpu.dma_semaphore, #tpu.memory_space<semaphore_mem>>) {add = true}
        %dma_wait3A_226 = arith.constant 7 : i32
        %dma_wait3A_227 = arith.constant 0 : i32
        %dma_wait3A_228 = tpu.memref_slice %arg12[%dma_wait3A_226, %dma_wait3A_227] : memref<8x128xi32, #tpu.memory_space<vmem>> -> memref<1x128xi32, #tpu.memory_space<vmem>>
        %dma_wait3A_229 = tpu.memref_squeeze %dma_wait3A_228 : memref<1x128xi32, #tpu.memory_space<vmem>> -> memref<128xi32, #tpu.memory_space<vmem>>
        %dma_wait3A_230 = arith.constant 0 : i32
        %dma_wait3A_231 = arith.constant 0 : i32
        %dma_wait3A_232 = tpu.memref_slice %arg2[%dma_wait3A_230, %dma_wait3A_231] : memref<10000x128xf32, #tpu.memory_space<hbm>> -> memref<10000x128xf32, #tpu.memory_space<hbm>>
        tpu.wait_indirect_dma semaphore(%arg17 : memref<!tpu.dma_semaphore, #tpu.memory_space<semaphore_mem>>) src(%dma_wait3A_232 : memref<10000x128xf32, #tpu.memory_space<hbm>>) dst(%arg15 : memref<128x128xf32, #tpu.memory_space<vmem>>)
        %dma_start3A_233 = arith.constant 7 : i32
        %dma_start3A_234 = arith.constant 0 : i32
        %dma_start3A_235 = tpu.memref_slice %arg13[%dma_start3A_233, %dma_start3A_234] : memref<8x128xi32, #tpu.memory_space<vmem>> -> memref<1x128xi32, #tpu.memory_space<vmem>>
        %dma_start3A_236 = tpu.memref_squeeze %dma_start3A_235 : memref<1x128xi32, #tpu.memory_space<vmem>> -> memref<128xi32, #tpu.memory_space<vmem>>
        %dma_start3A_237 = arith.constant 0 : i32
        %dma_start3A_238 = arith.constant 0 : i32
        %dma_start3A_239 = tpu.memref_slice %arg11[%dma_start3A_237, %dma_start3A_238] : memref<10112x128xf32, #tpu.memory_space<vmem_shared>> -> memref<10112x128xf32, #tpu.memory_space<vmem_shared>>
        tpu.enqueue_indirect_dma source(%arg15 : memref<128x128xf32, #tpu.memory_space<vmem>>) target(%dma_start3A_239 : memref<10112x128xf32, #tpu.memory_space<vmem_shared>>) offsets(%dma_start3A_236 : memref<128xi32, #tpu.memory_space<vmem>>) semaphore(%arg19 : memref<!tpu.dma_semaphore, #tpu.memory_space<semaphore_mem>>) {add = true}
        %dma_wait3A_240 = arith.constant 6 : i32
        %dma_wait3A_241 = arith.constant 0 : i32
        %dma_wait3A_242 = tpu.memref_slice %arg13[%dma_wait3A_240, %dma_wait3A_241] : memref<8x128xi32, #tpu.memory_space<vmem>> -> memref<1x128xi32, #tpu.memory_space<vmem>>
        %dma_wait3A_243 = tpu.memref_squeeze %dma_wait3A_242 : memref<1x128xi32, #tpu.memory_space<vmem>> -> memref<128xi32, #tpu.memory_space<vmem>>
        %dma_wait3A_244 = arith.constant 0 : i32
        %dma_wait3A_245 = arith.constant 0 : i32
        %dma_wait3A_246 = tpu.memref_slice %arg11[%dma_wait3A_244, %dma_wait3A_245] : memref<10112x128xf32, #tpu.memory_space<vmem_shared>> -> memref<10112x128xf32, #tpu.memory_space<vmem_shared>>
        tpu.wait_indirect_dma semaphore(%arg18 : memref<!tpu.dma_semaphore, #tpu.memory_space<semaphore_mem>>) src(%arg14 : memref<128x128xf32, #tpu.memory_space<vmem>>) dst(%dma_wait3A_246 : memref<10112x128xf32, #tpu.memory_space<vmem_shared>>)
        %dma_wait3A_247 = arith.constant 7 : i32
        %dma_wait3A_248 = arith.constant 0 : i32
        %dma_wait3A_249 = tpu.memref_slice %arg13[%dma_wait3A_247, %dma_wait3A_248] : memref<8x128xi32, #tpu.memory_space<vmem>> -> memref<1x128xi32, #tpu.memory_space<vmem>>
        %dma_wait3A_250 = tpu.memref_squeeze %dma_wait3A_249 : memref<1x128xi32, #tpu.memory_space<vmem>> -> memref<128xi32, #tpu.memory_space<vmem>>
        %dma_wait3A_251 = arith.constant 0 : i32
        %dma_wait3A_252 = arith.constant 0 : i32
        %dma_wait3A_253 = tpu.memref_slice %arg11[%dma_wait3A_251, %dma_wait3A_252] : memref<10112x128xf32, #tpu.memory_space<vmem_shared>> -> memref<10112x128xf32, #tpu.memory_space<vmem_shared>>
        tpu.wait_indirect_dma semaphore(%arg19 : memref<!tpu.dma_semaphore, #tpu.memory_space<semaphore_mem>>) src(%arg15 : memref<128x128xf32, #tpu.memory_space<vmem>>) dst(%dma_wait3A_253 : memref<10112x128xf32, #tpu.memory_space<vmem_shared>>)
      }
      %scan3A_24 = arith.constant 20 : i32
    } else {
    }
    %eq3A_3 = arith.constant 1 : i32
    %eq3A_4 = arith.cmpi eq, %arg0, %eq3A_3 : i32
    %convert_element_type3A_5 = arith.extui %eq3A_4 : i1 to i32
    %cond3A_6 = arith.constant 0 : i32
    %cond3A_7 = arith.cmpi ne, %convert_element_type3A_5, %cond3A_6 : i32
    scf.if %cond3A_7 {
      %mul3A_19 = arith.constant 160 : i32
      %mul3A_20 = arith.muli %arg1, %mul3A_19 : i32
      %scan3A = arith.constant 0 : i32
      %scan3A_21 = arith.constant 20 : i32
      %scan3A_22 = arith.addi %scan3A, %scan3A_21 : i32
      %scan3A_23 = arith.constant 1 : i32
      scf.for %scan3A_25 = %scan3A to %scan3A_22 step %scan3A_23  : i32 {
        %mul3A_26 = arith.constant 1 : i32
        %mul3A_27 = arith.muli %scan3A_25, %mul3A_26 : i32
        %add3A = arith.constant 0 : i32
        %add3A_28 = arith.addi %add3A, %mul3A_27 : i32
        %mul3A_29 = arith.constant 8 : i32
        %mul3A_30 = arith.muli %add3A_28, %mul3A_29 : i32
        %add3A_31 = arith.addi %mul3A_20, %mul3A_30 : i32
        %multiple_of3A = tpu.assume_multiple %add3A_31, 8 : i32
        "tpu.region"() ({
          %run_scoped3A = tpu.sem_alloc : memref<!tpu.dma_semaphore, #tpu.memory_space<semaphore_mem>>
          %dma_start3A_254 = arith.constant 0 : i32
          %dma_start3A_255 = tpu.memref_slice %arg6[%multiple_of3A, %dma_start3A_254] : memref<2560x128xi32, #tpu.memory_space<hbm>> -> memref<8x128xi32, #tpu.memory_space<hbm>>
          %dma_start3A_256 = arith.constant 0 : i32
          %dma_start3A_257 = tpu.memref_slice %arg6[%multiple_of3A, %dma_start3A_256] : memref<2560x128xi32, #tpu.memory_space<hbm>> -> memref<8x128xi32, #tpu.memory_space<hbm>>
          tpu.enqueue_dma source(%dma_start3A_257 : memref<8x128xi32, #tpu.memory_space<hbm>>) target(%arg12 : memref<8x128xi32, #tpu.memory_space<vmem>>) target_semaphore(%run_scoped3A : memref<!tpu.dma_semaphore, #tpu.memory_space<semaphore_mem>>)
          %dma_wait3A_258 = arith.constant 0 : i32
          %dma_wait3A_259 = tpu.memref_slice %arg6[%multiple_of3A, %dma_wait3A_258] : memref<2560x128xi32, #tpu.memory_space<hbm>> -> memref<8x128xi32, #tpu.memory_space<hbm>>
          %dma_wait3A_260 = arith.constant 0 : i32
          %dma_wait3A_261 = tpu.memref_slice %arg6[%multiple_of3A, %dma_wait3A_260] : memref<2560x128xi32, #tpu.memory_space<hbm>> -> memref<8x128xi32, #tpu.memory_space<hbm>>
          tpu.wait_dma2 semaphore(%run_scoped3A : memref<!tpu.dma_semaphore, #tpu.memory_space<semaphore_mem>>) src(%dma_wait3A_261 : memref<8x128xi32, #tpu.memory_space<hbm>>) dst(%arg12 : memref<8x128xi32, #tpu.memory_space<vmem>>)
          tpu.yield
        }) : () -> ()
        "tpu.region"() ({
          %run_scoped3A = tpu.sem_alloc : memref<!tpu.dma_semaphore, #tpu.memory_space<semaphore_mem>>
          %dma_start3A_254 = arith.constant 0 : i32
          %dma_start3A_255 = tpu.memref_slice %arg7[%multiple_of3A, %dma_start3A_254] : memref<2560x128xi32, #tpu.memory_space<hbm>> -> memref<8x128xi32, #tpu.memory_space<hbm>>
          %dma_start3A_256 = arith.constant 0 : i32
          %dma_start3A_257 = tpu.memref_slice %arg7[%multiple_of3A, %dma_start3A_256] : memref<2560x128xi32, #tpu.memory_space<hbm>> -> memref<8x128xi32, #tpu.memory_space<hbm>>
          tpu.enqueue_dma source(%dma_start3A_257 : memref<8x128xi32, #tpu.memory_space<hbm>>) target(%arg13 : memref<8x128xi32, #tpu.memory_space<vmem>>) target_semaphore(%run_scoped3A : memref<!tpu.dma_semaphore, #tpu.memory_space<semaphore_mem>>)
          %dma_wait3A_258 = arith.constant 0 : i32
          %dma_wait3A_259 = tpu.memref_slice %arg7[%multiple_of3A, %dma_wait3A_258] : memref<2560x128xi32, #tpu.memory_space<hbm>> -> memref<8x128xi32, #tpu.memory_space<hbm>>
          %dma_wait3A_260 = arith.constant 0 : i32
          %dma_wait3A_261 = tpu.memref_slice %arg7[%multiple_of3A, %dma_wait3A_260] : memref<2560x128xi32, #tpu.memory_space<hbm>> -> memref<8x128xi32, #tpu.memory_space<hbm>>
          tpu.wait_dma2 semaphore(%run_scoped3A : memref<!tpu.dma_semaphore, #tpu.memory_space<semaphore_mem>>) src(%dma_wait3A_261 : memref<8x128xi32, #tpu.memory_space<hbm>>) dst(%arg13 : memref<8x128xi32, #tpu.memory_space<vmem>>)
          tpu.yield
        }) : () -> ()
        %dma_start3A = arith.constant 0 : i32
        %dma_start3A_32 = arith.constant 0 : i32
        %dma_start3A_33 = tpu.memref_slice %arg12[%dma_start3A, %dma_start3A_32] : memref<8x128xi32, #tpu.memory_space<vmem>> -> memref<1x128xi32, #tpu.memory_space<vmem>>
        %dma_start3A_34 = tpu.memref_squeeze %dma_start3A_33 : memref<1x128xi32, #tpu.memory_space<vmem>> -> memref<128xi32, #tpu.memory_space<vmem>>
        %dma_start3A_35 = arith.constant 0 : i32
        %dma_start3A_36 = arith.constant 0 : i32
        %dma_start3A_37 = tpu.memref_slice %arg5[%dma_start3A_35, %dma_start3A_36] : memref<10000x128xf32, #tpu.memory_space<hbm>> -> memref<10000x128xf32, #tpu.memory_space<hbm>>
        tpu.enqueue_indirect_dma source(%dma_start3A_37 : memref<10000x128xf32, #tpu.memory_space<hbm>>) target(%arg14 : memref<128x128xf32, #tpu.memory_space<vmem>>) offsets(%dma_start3A_34 : memref<128xi32, #tpu.memory_space<vmem>>) semaphore(%arg16 : memref<!tpu.dma_semaphore, #tpu.memory_space<semaphore_mem>>)
        %dma_start3A_38 = arith.constant 1 : i32
        %dma_start3A_39 = arith.constant 0 : i32
        %dma_start3A_40 = tpu.memref_slice %arg12[%dma_start3A_38, %dma_start3A_39] : memref<8x128xi32, #tpu.memory_space<vmem>> -> memref<1x128xi32, #tpu.memory_space<vmem>>
        %dma_start3A_41 = tpu.memref_squeeze %dma_start3A_40 : memref<1x128xi32, #tpu.memory_space<vmem>> -> memref<128xi32, #tpu.memory_space<vmem>>
        %dma_start3A_42 = arith.constant 0 : i32
        %dma_start3A_43 = arith.constant 0 : i32
        %dma_start3A_44 = tpu.memref_slice %arg5[%dma_start3A_42, %dma_start3A_43] : memref<10000x128xf32, #tpu.memory_space<hbm>> -> memref<10000x128xf32, #tpu.memory_space<hbm>>
        tpu.enqueue_indirect_dma source(%dma_start3A_44 : memref<10000x128xf32, #tpu.memory_space<hbm>>) target(%arg15 : memref<128x128xf32, #tpu.memory_space<vmem>>) offsets(%dma_start3A_41 : memref<128xi32, #tpu.memory_space<vmem>>) semaphore(%arg17 : memref<!tpu.dma_semaphore, #tpu.memory_space<semaphore_mem>>)
        %dma_wait3A = arith.constant 0 : i32
        %dma_wait3A_45 = arith.constant 0 : i32
        %dma_wait3A_46 = tpu.memref_slice %arg12[%dma_wait3A, %dma_wait3A_45] : memref<8x128xi32, #tpu.memory_space<vmem>> -> memref<1x128xi32, #tpu.memory_space<vmem>>
        %dma_wait3A_47 = tpu.memref_squeeze %dma_wait3A_46 : memref<1x128xi32, #tpu.memory_space<vmem>> -> memref<128xi32, #tpu.memory_space<vmem>>
        %dma_wait3A_48 = arith.constant 0 : i32
        %dma_wait3A_49 = arith.constant 0 : i32
        %dma_wait3A_50 = tpu.memref_slice %arg5[%dma_wait3A_48, %dma_wait3A_49] : memref<10000x128xf32, #tpu.memory_space<hbm>> -> memref<10000x128xf32, #tpu.memory_space<hbm>>
        tpu.wait_indirect_dma semaphore(%arg16 : memref<!tpu.dma_semaphore, #tpu.memory_space<semaphore_mem>>) src(%dma_wait3A_50 : memref<10000x128xf32, #tpu.memory_space<hbm>>) dst(%arg14 : memref<128x128xf32, #tpu.memory_space<vmem>>)
        %dma_start3A_51 = arith.constant 0 : i32
        %dma_start3A_52 = arith.constant 0 : i32
        %dma_start3A_53 = tpu.memref_slice %arg13[%dma_start3A_51, %dma_start3A_52] : memref<8x128xi32, #tpu.memory_space<vmem>> -> memref<1x128xi32, #tpu.memory_space<vmem>>
        %dma_start3A_54 = tpu.memref_squeeze %dma_start3A_53 : memref<1x128xi32, #tpu.memory_space<vmem>> -> memref<128xi32, #tpu.memory_space<vmem>>
        %dma_start3A_55 = arith.constant 0 : i32
        %dma_start3A_56 = arith.constant 0 : i32
        %dma_start3A_57 = tpu.memref_slice %arg11[%dma_start3A_55, %dma_start3A_56] : memref<10112x128xf32, #tpu.memory_space<vmem_shared>> -> memref<10112x128xf32, #tpu.memory_space<vmem_shared>>
        tpu.enqueue_indirect_dma source(%arg14 : memref<128x128xf32, #tpu.memory_space<vmem>>) target(%dma_start3A_57 : memref<10112x128xf32, #tpu.memory_space<vmem_shared>>) offsets(%dma_start3A_54 : memref<128xi32, #tpu.memory_space<vmem>>) semaphore(%arg18 : memref<!tpu.dma_semaphore, #tpu.memory_space<semaphore_mem>>) {add = true}
        %dma_wait3A_58 = arith.constant 0 : i32
        %dma_wait3A_59 = arith.constant 0 : i32
        %dma_wait3A_60 = tpu.memref_slice %arg13[%dma_wait3A_58, %dma_wait3A_59] : memref<8x128xi32, #tpu.memory_space<vmem>> -> memref<1x128xi32, #tpu.memory_space<vmem>>
        %dma_wait3A_61 = tpu.memref_squeeze %dma_wait3A_60 : memref<1x128xi32, #tpu.memory_space<vmem>> -> memref<128xi32, #tpu.memory_space<vmem>>
        %dma_wait3A_62 = arith.constant 0 : i32
        %dma_wait3A_63 = arith.constant 0 : i32
        %dma_wait3A_64 = tpu.memref_slice %arg11[%dma_wait3A_62, %dma_wait3A_63] : memref<10112x128xf32, #tpu.memory_space<vmem_shared>> -> memref<10112x128xf32, #tpu.memory_space<vmem_shared>>
        tpu.wait_indirect_dma semaphore(%arg18 : memref<!tpu.dma_semaphore, #tpu.memory_space<semaphore_mem>>) src(%arg14 : memref<128x128xf32, #tpu.memory_space<vmem>>) dst(%dma_wait3A_64 : memref<10112x128xf32, #tpu.memory_space<vmem_shared>>)
        %dma_start3A_65 = arith.constant 2 : i32
        %dma_start3A_66 = arith.constant 0 : i32
        %dma_start3A_67 = tpu.memref_slice %arg12[%dma_start3A_65, %dma_start3A_66] : memref<8x128xi32, #tpu.memory_space<vmem>> -> memref<1x128xi32, #tpu.memory_space<vmem>>
        %dma_start3A_68 = tpu.memref_squeeze %dma_start3A_67 : memref<1x128xi32, #tpu.memory_space<vmem>> -> memref<128xi32, #tpu.memory_space<vmem>>
        %dma_start3A_69 = arith.constant 0 : i32
        %dma_start3A_70 = arith.constant 0 : i32
        %dma_start3A_71 = tpu.memref_slice %arg5[%dma_start3A_69, %dma_start3A_70] : memref<10000x128xf32, #tpu.memory_space<hbm>> -> memref<10000x128xf32, #tpu.memory_space<hbm>>
        tpu.enqueue_indirect_dma source(%dma_start3A_71 : memref<10000x128xf32, #tpu.memory_space<hbm>>) target(%arg14 : memref<128x128xf32, #tpu.memory_space<vmem>>) offsets(%dma_start3A_68 : memref<128xi32, #tpu.memory_space<vmem>>) semaphore(%arg16 : memref<!tpu.dma_semaphore, #tpu.memory_space<semaphore_mem>>)
        %dma_wait3A_72 = arith.constant 1 : i32
        %dma_wait3A_73 = arith.constant 0 : i32
        %dma_wait3A_74 = tpu.memref_slice %arg12[%dma_wait3A_72, %dma_wait3A_73] : memref<8x128xi32, #tpu.memory_space<vmem>> -> memref<1x128xi32, #tpu.memory_space<vmem>>
        %dma_wait3A_75 = tpu.memref_squeeze %dma_wait3A_74 : memref<1x128xi32, #tpu.memory_space<vmem>> -> memref<128xi32, #tpu.memory_space<vmem>>
        %dma_wait3A_76 = arith.constant 0 : i32
        %dma_wait3A_77 = arith.constant 0 : i32
        %dma_wait3A_78 = tpu.memref_slice %arg5[%dma_wait3A_76, %dma_wait3A_77] : memref<10000x128xf32, #tpu.memory_space<hbm>> -> memref<10000x128xf32, #tpu.memory_space<hbm>>
        tpu.wait_indirect_dma semaphore(%arg17 : memref<!tpu.dma_semaphore, #tpu.memory_space<semaphore_mem>>) src(%dma_wait3A_78 : memref<10000x128xf32, #tpu.memory_space<hbm>>) dst(%arg15 : memref<128x128xf32, #tpu.memory_space<vmem>>)
        %dma_start3A_79 = arith.constant 1 : i32
        %dma_start3A_80 = arith.constant 0 : i32
        %dma_start3A_81 = tpu.memref_slice %arg13[%dma_start3A_79, %dma_start3A_80] : memref<8x128xi32, #tpu.memory_space<vmem>> -> memref<1x128xi32, #tpu.memory_space<vmem>>
        %dma_start3A_82 = tpu.memref_squeeze %dma_start3A_81 : memref<1x128xi32, #tpu.memory_space<vmem>> -> memref<128xi32, #tpu.memory_space<vmem>>
        %dma_start3A_83 = arith.constant 0 : i32
        %dma_start3A_84 = arith.constant 0 : i32
        %dma_start3A_85 = tpu.memref_slice %arg11[%dma_start3A_83, %dma_start3A_84] : memref<10112x128xf32, #tpu.memory_space<vmem_shared>> -> memref<10112x128xf32, #tpu.memory_space<vmem_shared>>
        tpu.enqueue_indirect_dma source(%arg15 : memref<128x128xf32, #tpu.memory_space<vmem>>) target(%dma_start3A_85 : memref<10112x128xf32, #tpu.memory_space<vmem_shared>>) offsets(%dma_start3A_82 : memref<128xi32, #tpu.memory_space<vmem>>) semaphore(%arg19 : memref<!tpu.dma_semaphore, #tpu.memory_space<semaphore_mem>>) {add = true}
        %dma_wait3A_86 = arith.constant 1 : i32
        %dma_wait3A_87 = arith.constant 0 : i32
        %dma_wait3A_88 = tpu.memref_slice %arg13[%dma_wait3A_86, %dma_wait3A_87] : memref<8x128xi32, #tpu.memory_space<vmem>> -> memref<1x128xi32, #tpu.memory_space<vmem>>
        %dma_wait3A_89 = tpu.memref_squeeze %dma_wait3A_88 : memref<1x128xi32, #tpu.memory_space<vmem>> -> memref<128xi32, #tpu.memory_space<vmem>>
        %dma_wait3A_90 = arith.constant 0 : i32
        %dma_wait3A_91 = arith.constant 0 : i32
        %dma_wait3A_92 = tpu.memref_slice %arg11[%dma_wait3A_90, %dma_wait3A_91] : memref<10112x128xf32, #tpu.memory_space<vmem_shared>> -> memref<10112x128xf32, #tpu.memory_space<vmem_shared>>
        tpu.wait_indirect_dma semaphore(%arg19 : memref<!tpu.dma_semaphore, #tpu.memory_space<semaphore_mem>>) src(%arg15 : memref<128x128xf32, #tpu.memory_space<vmem>>) dst(%dma_wait3A_92 : memref<10112x128xf32, #tpu.memory_space<vmem_shared>>)
        %dma_start3A_93 = arith.constant 3 : i32
        %dma_start3A_94 = arith.constant 0 : i32
        %dma_start3A_95 = tpu.memref_slice %arg12[%dma_start3A_93, %dma_start3A_94] : memref<8x128xi32, #tpu.memory_space<vmem>> -> memref<1x128xi32, #tpu.memory_space<vmem>>
        %dma_start3A_96 = tpu.memref_squeeze %dma_start3A_95 : memref<1x128xi32, #tpu.memory_space<vmem>> -> memref<128xi32, #tpu.memory_space<vmem>>
        %dma_start3A_97 = arith.constant 0 : i32
        %dma_start3A_98 = arith.constant 0 : i32
        %dma_start3A_99 = tpu.memref_slice %arg5[%dma_start3A_97, %dma_start3A_98] : memref<10000x128xf32, #tpu.memory_space<hbm>> -> memref<10000x128xf32, #tpu.memory_space<hbm>>
        tpu.enqueue_indirect_dma source(%dma_start3A_99 : memref<10000x128xf32, #tpu.memory_space<hbm>>) target(%arg15 : memref<128x128xf32, #tpu.memory_space<vmem>>) offsets(%dma_start3A_96 : memref<128xi32, #tpu.memory_space<vmem>>) semaphore(%arg17 : memref<!tpu.dma_semaphore, #tpu.memory_space<semaphore_mem>>)
        %dma_wait3A_100 = arith.constant 2 : i32
        %dma_wait3A_101 = arith.constant 0 : i32
        %dma_wait3A_102 = tpu.memref_slice %arg12[%dma_wait3A_100, %dma_wait3A_101] : memref<8x128xi32, #tpu.memory_space<vmem>> -> memref<1x128xi32, #tpu.memory_space<vmem>>
        %dma_wait3A_103 = tpu.memref_squeeze %dma_wait3A_102 : memref<1x128xi32, #tpu.memory_space<vmem>> -> memref<128xi32, #tpu.memory_space<vmem>>
        %dma_wait3A_104 = arith.constant 0 : i32
        %dma_wait3A_105 = arith.constant 0 : i32
        %dma_wait3A_106 = tpu.memref_slice %arg5[%dma_wait3A_104, %dma_wait3A_105] : memref<10000x128xf32, #tpu.memory_space<hbm>> -> memref<10000x128xf32, #tpu.memory_space<hbm>>
        tpu.wait_indirect_dma semaphore(%arg16 : memref<!tpu.dma_semaphore, #tpu.memory_space<semaphore_mem>>) src(%dma_wait3A_106 : memref<10000x128xf32, #tpu.memory_space<hbm>>) dst(%arg14 : memref<128x128xf32, #tpu.memory_space<vmem>>)
        %dma_start3A_107 = arith.constant 2 : i32
        %dma_start3A_108 = arith.constant 0 : i32
        %dma_start3A_109 = tpu.memref_slice %arg13[%dma_start3A_107, %dma_start3A_108] : memref<8x128xi32, #tpu.memory_space<vmem>> -> memref<1x128xi32, #tpu.memory_space<vmem>>
        %dma_start3A_110 = tpu.memref_squeeze %dma_start3A_109 : memref<1x128xi32, #tpu.memory_space<vmem>> -> memref<128xi32, #tpu.memory_space<vmem>>
        %dma_start3A_111 = arith.constant 0 : i32
        %dma_start3A_112 = arith.constant 0 : i32
        %dma_start3A_113 = tpu.memref_slice %arg11[%dma_start3A_111, %dma_start3A_112] : memref<10112x128xf32, #tpu.memory_space<vmem_shared>> -> memref<10112x128xf32, #tpu.memory_space<vmem_shared>>
        tpu.enqueue_indirect_dma source(%arg14 : memref<128x128xf32, #tpu.memory_space<vmem>>) target(%dma_start3A_113 : memref<10112x128xf32, #tpu.memory_space<vmem_shared>>) offsets(%dma_start3A_110 : memref<128xi32, #tpu.memory_space<vmem>>) semaphore(%arg18 : memref<!tpu.dma_semaphore, #tpu.memory_space<semaphore_mem>>) {add = true}
        %dma_wait3A_114 = arith.constant 2 : i32
        %dma_wait3A_115 = arith.constant 0 : i32
        %dma_wait3A_116 = tpu.memref_slice %arg13[%dma_wait3A_114, %dma_wait3A_115] : memref<8x128xi32, #tpu.memory_space<vmem>> -> memref<1x128xi32, #tpu.memory_space<vmem>>
        %dma_wait3A_117 = tpu.memref_squeeze %dma_wait3A_116 : memref<1x128xi32, #tpu.memory_space<vmem>> -> memref<128xi32, #tpu.memory_space<vmem>>
        %dma_wait3A_118 = arith.constant 0 : i32
        %dma_wait3A_119 = arith.constant 0 : i32
        %dma_wait3A_120 = tpu.memref_slice %arg11[%dma_wait3A_118, %dma_wait3A_119] : memref<10112x128xf32, #tpu.memory_space<vmem_shared>> -> memref<10112x128xf32, #tpu.memory_space<vmem_shared>>
        tpu.wait_indirect_dma semaphore(%arg18 : memref<!tpu.dma_semaphore, #tpu.memory_space<semaphore_mem>>) src(%arg14 : memref<128x128xf32, #tpu.memory_space<vmem>>) dst(%dma_wait3A_120 : memref<10112x128xf32, #tpu.memory_space<vmem_shared>>)
        %dma_start3A_121 = arith.constant 4 : i32
        %dma_start3A_122 = arith.constant 0 : i32
        %dma_start3A_123 = tpu.memref_slice %arg12[%dma_start3A_121, %dma_start3A_122] : memref<8x128xi32, #tpu.memory_space<vmem>> -> memref<1x128xi32, #tpu.memory_space<vmem>>
        %dma_start3A_124 = tpu.memref_squeeze %dma_start3A_123 : memref<1x128xi32, #tpu.memory_space<vmem>> -> memref<128xi32, #tpu.memory_space<vmem>>
        %dma_start3A_125 = arith.constant 0 : i32
        %dma_start3A_126 = arith.constant 0 : i32
        %dma_start3A_127 = tpu.memref_slice %arg5[%dma_start3A_125, %dma_start3A_126] : memref<10000x128xf32, #tpu.memory_space<hbm>> -> memref<10000x128xf32, #tpu.memory_space<hbm>>
        tpu.enqueue_indirect_dma source(%dma_start3A_127 : memref<10000x128xf32, #tpu.memory_space<hbm>>) target(%arg14 : memref<128x128xf32, #tpu.memory_space<vmem>>) offsets(%dma_start3A_124 : memref<128xi32, #tpu.memory_space<vmem>>) semaphore(%arg16 : memref<!tpu.dma_semaphore, #tpu.memory_space<semaphore_mem>>)
        %dma_wait3A_128 = arith.constant 3 : i32
        %dma_wait3A_129 = arith.constant 0 : i32
        %dma_wait3A_130 = tpu.memref_slice %arg12[%dma_wait3A_128, %dma_wait3A_129] : memref<8x128xi32, #tpu.memory_space<vmem>> -> memref<1x128xi32, #tpu.memory_space<vmem>>
        %dma_wait3A_131 = tpu.memref_squeeze %dma_wait3A_130 : memref<1x128xi32, #tpu.memory_space<vmem>> -> memref<128xi32, #tpu.memory_space<vmem>>
        %dma_wait3A_132 = arith.constant 0 : i32
        %dma_wait3A_133 = arith.constant 0 : i32
        %dma_wait3A_134 = tpu.memref_slice %arg5[%dma_wait3A_132, %dma_wait3A_133] : memref<10000x128xf32, #tpu.memory_space<hbm>> -> memref<10000x128xf32, #tpu.memory_space<hbm>>
        tpu.wait_indirect_dma semaphore(%arg17 : memref<!tpu.dma_semaphore, #tpu.memory_space<semaphore_mem>>) src(%dma_wait3A_134 : memref<10000x128xf32, #tpu.memory_space<hbm>>) dst(%arg15 : memref<128x128xf32, #tpu.memory_space<vmem>>)
        %dma_start3A_135 = arith.constant 3 : i32
        %dma_start3A_136 = arith.constant 0 : i32
        %dma_start3A_137 = tpu.memref_slice %arg13[%dma_start3A_135, %dma_start3A_136] : memref<8x128xi32, #tpu.memory_space<vmem>> -> memref<1x128xi32, #tpu.memory_space<vmem>>
        %dma_start3A_138 = tpu.memref_squeeze %dma_start3A_137 : memref<1x128xi32, #tpu.memory_space<vmem>> -> memref<128xi32, #tpu.memory_space<vmem>>
        %dma_start3A_139 = arith.constant 0 : i32
        %dma_start3A_140 = arith.constant 0 : i32
        %dma_start3A_141 = tpu.memref_slice %arg11[%dma_start3A_139, %dma_start3A_140] : memref<10112x128xf32, #tpu.memory_space<vmem_shared>> -> memref<10112x128xf32, #tpu.memory_space<vmem_shared>>
        tpu.enqueue_indirect_dma source(%arg15 : memref<128x128xf32, #tpu.memory_space<vmem>>) target(%dma_start3A_141 : memref<10112x128xf32, #tpu.memory_space<vmem_shared>>) offsets(%dma_start3A_138 : memref<128xi32, #tpu.memory_space<vmem>>) semaphore(%arg19 : memref<!tpu.dma_semaphore, #tpu.memory_space<semaphore_mem>>) {add = true}
        %dma_wait3A_142 = arith.constant 3 : i32
        %dma_wait3A_143 = arith.constant 0 : i32
        %dma_wait3A_144 = tpu.memref_slice %arg13[%dma_wait3A_142, %dma_wait3A_143] : memref<8x128xi32, #tpu.memory_space<vmem>> -> memref<1x128xi32, #tpu.memory_space<vmem>>
        %dma_wait3A_145 = tpu.memref_squeeze %dma_wait3A_144 : memref<1x128xi32, #tpu.memory_space<vmem>> -> memref<128xi32, #tpu.memory_space<vmem>>
        %dma_wait3A_146 = arith.constant 0 : i32
        %dma_wait3A_147 = arith.constant 0 : i32
        %dma_wait3A_148 = tpu.memref_slice %arg11[%dma_wait3A_146, %dma_wait3A_147] : memref<10112x128xf32, #tpu.memory_space<vmem_shared>> -> memref<10112x128xf32, #tpu.memory_space<vmem_shared>>
        tpu.wait_indirect_dma semaphore(%arg19 : memref<!tpu.dma_semaphore, #tpu.memory_space<semaphore_mem>>) src(%arg15 : memref<128x128xf32, #tpu.memory_space<vmem>>) dst(%dma_wait3A_148 : memref<10112x128xf32, #tpu.memory_space<vmem_shared>>)
        %dma_start3A_149 = arith.constant 5 : i32
        %dma_start3A_150 = arith.constant 0 : i32
        %dma_start3A_151 = tpu.memref_slice %arg12[%dma_start3A_149, %dma_start3A_150] : memref<8x128xi32, #tpu.memory_space<vmem>> -> memref<1x128xi32, #tpu.memory_space<vmem>>
        %dma_start3A_152 = tpu.memref_squeeze %dma_start3A_151 : memref<1x128xi32, #tpu.memory_space<vmem>> -> memref<128xi32, #tpu.memory_space<vmem>>
        %dma_start3A_153 = arith.constant 0 : i32
        %dma_start3A_154 = arith.constant 0 : i32
        %dma_start3A_155 = tpu.memref_slice %arg5[%dma_start3A_153, %dma_start3A_154] : memref<10000x128xf32, #tpu.memory_space<hbm>> -> memref<10000x128xf32, #tpu.memory_space<hbm>>
        tpu.enqueue_indirect_dma source(%dma_start3A_155 : memref<10000x128xf32, #tpu.memory_space<hbm>>) target(%arg15 : memref<128x128xf32, #tpu.memory_space<vmem>>) offsets(%dma_start3A_152 : memref<128xi32, #tpu.memory_space<vmem>>) semaphore(%arg17 : memref<!tpu.dma_semaphore, #tpu.memory_space<semaphore_mem>>)
        %dma_wait3A_156 = arith.constant 4 : i32
        %dma_wait3A_157 = arith.constant 0 : i32
        %dma_wait3A_158 = tpu.memref_slice %arg12[%dma_wait3A_156, %dma_wait3A_157] : memref<8x128xi32, #tpu.memory_space<vmem>> -> memref<1x128xi32, #tpu.memory_space<vmem>>
        %dma_wait3A_159 = tpu.memref_squeeze %dma_wait3A_158 : memref<1x128xi32, #tpu.memory_space<vmem>> -> memref<128xi32, #tpu.memory_space<vmem>>
        %dma_wait3A_160 = arith.constant 0 : i32
        %dma_wait3A_161 = arith.constant 0 : i32
        %dma_wait3A_162 = tpu.memref_slice %arg5[%dma_wait3A_160, %dma_wait3A_161] : memref<10000x128xf32, #tpu.memory_space<hbm>> -> memref<10000x128xf32, #tpu.memory_space<hbm>>
        tpu.wait_indirect_dma semaphore(%arg16 : memref<!tpu.dma_semaphore, #tpu.memory_space<semaphore_mem>>) src(%dma_wait3A_162 : memref<10000x128xf32, #tpu.memory_space<hbm>>) dst(%arg14 : memref<128x128xf32, #tpu.memory_space<vmem>>)
        %dma_start3A_163 = arith.constant 4 : i32
        %dma_start3A_164 = arith.constant 0 : i32
        %dma_start3A_165 = tpu.memref_slice %arg13[%dma_start3A_163, %dma_start3A_164] : memref<8x128xi32, #tpu.memory_space<vmem>> -> memref<1x128xi32, #tpu.memory_space<vmem>>
        %dma_start3A_166 = tpu.memref_squeeze %dma_start3A_165 : memref<1x128xi32, #tpu.memory_space<vmem>> -> memref<128xi32, #tpu.memory_space<vmem>>
        %dma_start3A_167 = arith.constant 0 : i32
        %dma_start3A_168 = arith.constant 0 : i32
        %dma_start3A_169 = tpu.memref_slice %arg11[%dma_start3A_167, %dma_start3A_168] : memref<10112x128xf32, #tpu.memory_space<vmem_shared>> -> memref<10112x128xf32, #tpu.memory_space<vmem_shared>>
        tpu.enqueue_indirect_dma source(%arg14 : memref<128x128xf32, #tpu.memory_space<vmem>>) target(%dma_start3A_169 : memref<10112x128xf32, #tpu.memory_space<vmem_shared>>) offsets(%dma_start3A_166 : memref<128xi32, #tpu.memory_space<vmem>>) semaphore(%arg18 : memref<!tpu.dma_semaphore, #tpu.memory_space<semaphore_mem>>) {add = true}
        %dma_wait3A_170 = arith.constant 4 : i32
        %dma_wait3A_171 = arith.constant 0 : i32
        %dma_wait3A_172 = tpu.memref_slice %arg13[%dma_wait3A_170, %dma_wait3A_171] : memref<8x128xi32, #tpu.memory_space<vmem>> -> memref<1x128xi32, #tpu.memory_space<vmem>>
        %dma_wait3A_173 = tpu.memref_squeeze %dma_wait3A_172 : memref<1x128xi32, #tpu.memory_space<vmem>> -> memref<128xi32, #tpu.memory_space<vmem>>
        %dma_wait3A_174 = arith.constant 0 : i32
        %dma_wait3A_175 = arith.constant 0 : i32
        %dma_wait3A_176 = tpu.memref_slice %arg11[%dma_wait3A_174, %dma_wait3A_175] : memref<10112x128xf32, #tpu.memory_space<vmem_shared>> -> memref<10112x128xf32, #tpu.memory_space<vmem_shared>>
        tpu.wait_indirect_dma semaphore(%arg18 : memref<!tpu.dma_semaphore, #tpu.memory_space<semaphore_mem>>) src(%arg14 : memref<128x128xf32, #tpu.memory_space<vmem>>) dst(%dma_wait3A_176 : memref<10112x128xf32, #tpu.memory_space<vmem_shared>>)
        %dma_start3A_177 = arith.constant 6 : i32
        %dma_start3A_178 = arith.constant 0 : i32
        %dma_start3A_179 = tpu.memref_slice %arg12[%dma_start3A_177, %dma_start3A_178] : memref<8x128xi32, #tpu.memory_space<vmem>> -> memref<1x128xi32, #tpu.memory_space<vmem>>
        %dma_start3A_180 = tpu.memref_squeeze %dma_start3A_179 : memref<1x128xi32, #tpu.memory_space<vmem>> -> memref<128xi32, #tpu.memory_space<vmem>>
        %dma_start3A_181 = arith.constant 0 : i32
        %dma_start3A_182 = arith.constant 0 : i32
        %dma_start3A_183 = tpu.memref_slice %arg5[%dma_start3A_181, %dma_start3A_182] : memref<10000x128xf32, #tpu.memory_space<hbm>> -> memref<10000x128xf32, #tpu.memory_space<hbm>>
        tpu.enqueue_indirect_dma source(%dma_start3A_183 : memref<10000x128xf32, #tpu.memory_space<hbm>>) target(%arg14 : memref<128x128xf32, #tpu.memory_space<vmem>>) offsets(%dma_start3A_180 : memref<128xi32, #tpu.memory_space<vmem>>) semaphore(%arg16 : memref<!tpu.dma_semaphore, #tpu.memory_space<semaphore_mem>>)
        %dma_wait3A_184 = arith.constant 5 : i32
        %dma_wait3A_185 = arith.constant 0 : i32
        %dma_wait3A_186 = tpu.memref_slice %arg12[%dma_wait3A_184, %dma_wait3A_185] : memref<8x128xi32, #tpu.memory_space<vmem>> -> memref<1x128xi32, #tpu.memory_space<vmem>>
        %dma_wait3A_187 = tpu.memref_squeeze %dma_wait3A_186 : memref<1x128xi32, #tpu.memory_space<vmem>> -> memref<128xi32, #tpu.memory_space<vmem>>
        %dma_wait3A_188 = arith.constant 0 : i32
        %dma_wait3A_189 = arith.constant 0 : i32
        %dma_wait3A_190 = tpu.memref_slice %arg5[%dma_wait3A_188, %dma_wait3A_189] : memref<10000x128xf32, #tpu.memory_space<hbm>> -> memref<10000x128xf32, #tpu.memory_space<hbm>>
        tpu.wait_indirect_dma semaphore(%arg17 : memref<!tpu.dma_semaphore, #tpu.memory_space<semaphore_mem>>) src(%dma_wait3A_190 : memref<10000x128xf32, #tpu.memory_space<hbm>>) dst(%arg15 : memref<128x128xf32, #tpu.memory_space<vmem>>)
        %dma_start3A_191 = arith.constant 5 : i32
        %dma_start3A_192 = arith.constant 0 : i32
        %dma_start3A_193 = tpu.memref_slice %arg13[%dma_start3A_191, %dma_start3A_192] : memref<8x128xi32, #tpu.memory_space<vmem>> -> memref<1x128xi32, #tpu.memory_space<vmem>>
        %dma_start3A_194 = tpu.memref_squeeze %dma_start3A_193 : memref<1x128xi32, #tpu.memory_space<vmem>> -> memref<128xi32, #tpu.memory_space<vmem>>
        %dma_start3A_195 = arith.constant 0 : i32
        %dma_start3A_196 = arith.constant 0 : i32
        %dma_start3A_197 = tpu.memref_slice %arg11[%dma_start3A_195, %dma_start3A_196] : memref<10112x128xf32, #tpu.memory_space<vmem_shared>> -> memref<10112x128xf32, #tpu.memory_space<vmem_shared>>
        tpu.enqueue_indirect_dma source(%arg15 : memref<128x128xf32, #tpu.memory_space<vmem>>) target(%dma_start3A_197 : memref<10112x128xf32, #tpu.memory_space<vmem_shared>>) offsets(%dma_start3A_194 : memref<128xi32, #tpu.memory_space<vmem>>) semaphore(%arg19 : memref<!tpu.dma_semaphore, #tpu.memory_space<semaphore_mem>>) {add = true}
        %dma_wait3A_198 = arith.constant 5 : i32
        %dma_wait3A_199 = arith.constant 0 : i32
        %dma_wait3A_200 = tpu.memref_slice %arg13[%dma_wait3A_198, %dma_wait3A_199] : memref<8x128xi32, #tpu.memory_space<vmem>> -> memref<1x128xi32, #tpu.memory_space<vmem>>
        %dma_wait3A_201 = tpu.memref_squeeze %dma_wait3A_200 : memref<1x128xi32, #tpu.memory_space<vmem>> -> memref<128xi32, #tpu.memory_space<vmem>>
        %dma_wait3A_202 = arith.constant 0 : i32
        %dma_wait3A_203 = arith.constant 0 : i32
        %dma_wait3A_204 = tpu.memref_slice %arg11[%dma_wait3A_202, %dma_wait3A_203] : memref<10112x128xf32, #tpu.memory_space<vmem_shared>> -> memref<10112x128xf32, #tpu.memory_space<vmem_shared>>
        tpu.wait_indirect_dma semaphore(%arg19 : memref<!tpu.dma_semaphore, #tpu.memory_space<semaphore_mem>>) src(%arg15 : memref<128x128xf32, #tpu.memory_space<vmem>>) dst(%dma_wait3A_204 : memref<10112x128xf32, #tpu.memory_space<vmem_shared>>)
        %dma_start3A_205 = arith.constant 7 : i32
        %dma_start3A_206 = arith.constant 0 : i32
        %dma_start3A_207 = tpu.memref_slice %arg12[%dma_start3A_205, %dma_start3A_206] : memref<8x128xi32, #tpu.memory_space<vmem>> -> memref<1x128xi32, #tpu.memory_space<vmem>>
        %dma_start3A_208 = tpu.memref_squeeze %dma_start3A_207 : memref<1x128xi32, #tpu.memory_space<vmem>> -> memref<128xi32, #tpu.memory_space<vmem>>
        %dma_start3A_209 = arith.constant 0 : i32
        %dma_start3A_210 = arith.constant 0 : i32
        %dma_start3A_211 = tpu.memref_slice %arg5[%dma_start3A_209, %dma_start3A_210] : memref<10000x128xf32, #tpu.memory_space<hbm>> -> memref<10000x128xf32, #tpu.memory_space<hbm>>
        tpu.enqueue_indirect_dma source(%dma_start3A_211 : memref<10000x128xf32, #tpu.memory_space<hbm>>) target(%arg15 : memref<128x128xf32, #tpu.memory_space<vmem>>) offsets(%dma_start3A_208 : memref<128xi32, #tpu.memory_space<vmem>>) semaphore(%arg17 : memref<!tpu.dma_semaphore, #tpu.memory_space<semaphore_mem>>)
        %dma_wait3A_212 = arith.constant 6 : i32
        %dma_wait3A_213 = arith.constant 0 : i32
        %dma_wait3A_214 = tpu.memref_slice %arg12[%dma_wait3A_212, %dma_wait3A_213] : memref<8x128xi32, #tpu.memory_space<vmem>> -> memref<1x128xi32, #tpu.memory_space<vmem>>
        %dma_wait3A_215 = tpu.memref_squeeze %dma_wait3A_214 : memref<1x128xi32, #tpu.memory_space<vmem>> -> memref<128xi32, #tpu.memory_space<vmem>>
        %dma_wait3A_216 = arith.constant 0 : i32
        %dma_wait3A_217 = arith.constant 0 : i32
        %dma_wait3A_218 = tpu.memref_slice %arg5[%dma_wait3A_216, %dma_wait3A_217] : memref<10000x128xf32, #tpu.memory_space<hbm>> -> memref<10000x128xf32, #tpu.memory_space<hbm>>
        tpu.wait_indirect_dma semaphore(%arg16 : memref<!tpu.dma_semaphore, #tpu.memory_space<semaphore_mem>>) src(%dma_wait3A_218 : memref<10000x128xf32, #tpu.memory_space<hbm>>) dst(%arg14 : memref<128x128xf32, #tpu.memory_space<vmem>>)
        %dma_start3A_219 = arith.constant 6 : i32
        %dma_start3A_220 = arith.constant 0 : i32
        %dma_start3A_221 = tpu.memref_slice %arg13[%dma_start3A_219, %dma_start3A_220] : memref<8x128xi32, #tpu.memory_space<vmem>> -> memref<1x128xi32, #tpu.memory_space<vmem>>
        %dma_start3A_222 = tpu.memref_squeeze %dma_start3A_221 : memref<1x128xi32, #tpu.memory_space<vmem>> -> memref<128xi32, #tpu.memory_space<vmem>>
        %dma_start3A_223 = arith.constant 0 : i32
        %dma_start3A_224 = arith.constant 0 : i32
        %dma_start3A_225 = tpu.memref_slice %arg11[%dma_start3A_223, %dma_start3A_224] : memref<10112x128xf32, #tpu.memory_space<vmem_shared>> -> memref<10112x128xf32, #tpu.memory_space<vmem_shared>>
        tpu.enqueue_indirect_dma source(%arg14 : memref<128x128xf32, #tpu.memory_space<vmem>>) target(%dma_start3A_225 : memref<10112x128xf32, #tpu.memory_space<vmem_shared>>) offsets(%dma_start3A_222 : memref<128xi32, #tpu.memory_space<vmem>>) semaphore(%arg18 : memref<!tpu.dma_semaphore, #tpu.memory_space<semaphore_mem>>) {add = true}
        %dma_wait3A_226 = arith.constant 7 : i32
        %dma_wait3A_227 = arith.constant 0 : i32
        %dma_wait3A_228 = tpu.memref_slice %arg12[%dma_wait3A_226, %dma_wait3A_227] : memref<8x128xi32, #tpu.memory_space<vmem>> -> memref<1x128xi32, #tpu.memory_space<vmem>>
        %dma_wait3A_229 = tpu.memref_squeeze %dma_wait3A_228 : memref<1x128xi32, #tpu.memory_space<vmem>> -> memref<128xi32, #tpu.memory_space<vmem>>
        %dma_wait3A_230 = arith.constant 0 : i32
        %dma_wait3A_231 = arith.constant 0 : i32
        %dma_wait3A_232 = tpu.memref_slice %arg5[%dma_wait3A_230, %dma_wait3A_231] : memref<10000x128xf32, #tpu.memory_space<hbm>> -> memref<10000x128xf32, #tpu.memory_space<hbm>>
        tpu.wait_indirect_dma semaphore(%arg17 : memref<!tpu.dma_semaphore, #tpu.memory_space<semaphore_mem>>) src(%dma_wait3A_232 : memref<10000x128xf32, #tpu.memory_space<hbm>>) dst(%arg15 : memref<128x128xf32, #tpu.memory_space<vmem>>)
        %dma_start3A_233 = arith.constant 7 : i32
        %dma_start3A_234 = arith.constant 0 : i32
        %dma_start3A_235 = tpu.memref_slice %arg13[%dma_start3A_233, %dma_start3A_234] : memref<8x128xi32, #tpu.memory_space<vmem>> -> memref<1x128xi32, #tpu.memory_space<vmem>>
        %dma_start3A_236 = tpu.memref_squeeze %dma_start3A_235 : memref<1x128xi32, #tpu.memory_space<vmem>> -> memref<128xi32, #tpu.memory_space<vmem>>
        %dma_start3A_237 = arith.constant 0 : i32
        %dma_start3A_238 = arith.constant 0 : i32
        %dma_start3A_239 = tpu.memref_slice %arg11[%dma_start3A_237, %dma_start3A_238] : memref<10112x128xf32, #tpu.memory_space<vmem_shared>> -> memref<10112x128xf32, #tpu.memory_space<vmem_shared>>
        tpu.enqueue_indirect_dma source(%arg15 : memref<128x128xf32, #tpu.memory_space<vmem>>) target(%dma_start3A_239 : memref<10112x128xf32, #tpu.memory_space<vmem_shared>>) offsets(%dma_start3A_236 : memref<128xi32, #tpu.memory_space<vmem>>) semaphore(%arg19 : memref<!tpu.dma_semaphore, #tpu.memory_space<semaphore_mem>>) {add = true}
        %dma_wait3A_240 = arith.constant 6 : i32
        %dma_wait3A_241 = arith.constant 0 : i32
        %dma_wait3A_242 = tpu.memref_slice %arg13[%dma_wait3A_240, %dma_wait3A_241] : memref<8x128xi32, #tpu.memory_space<vmem>> -> memref<1x128xi32, #tpu.memory_space<vmem>>
        %dma_wait3A_243 = tpu.memref_squeeze %dma_wait3A_242 : memref<1x128xi32, #tpu.memory_space<vmem>> -> memref<128xi32, #tpu.memory_space<vmem>>
        %dma_wait3A_244 = arith.constant 0 : i32
        %dma_wait3A_245 = arith.constant 0 : i32
        %dma_wait3A_246 = tpu.memref_slice %arg11[%dma_wait3A_244, %dma_wait3A_245] : memref<10112x128xf32, #tpu.memory_space<vmem_shared>> -> memref<10112x128xf32, #tpu.memory_space<vmem_shared>>
        tpu.wait_indirect_dma semaphore(%arg18 : memref<!tpu.dma_semaphore, #tpu.memory_space<semaphore_mem>>) src(%arg14 : memref<128x128xf32, #tpu.memory_space<vmem>>) dst(%dma_wait3A_246 : memref<10112x128xf32, #tpu.memory_space<vmem_shared>>)
        %dma_wait3A_247 = arith.constant 7 : i32
        %dma_wait3A_248 = arith.constant 0 : i32
        %dma_wait3A_249 = tpu.memref_slice %arg13[%dma_wait3A_247, %dma_wait3A_248] : memref<8x128xi32, #tpu.memory_space<vmem>> -> memref<1x128xi32, #tpu.memory_space<vmem>>
        %dma_wait3A_250 = tpu.memref_squeeze %dma_wait3A_249 : memref<1x128xi32, #tpu.memory_space<vmem>> -> memref<128xi32, #tpu.memory_space<vmem>>
        %dma_wait3A_251 = arith.constant 0 : i32
        %dma_wait3A_252 = arith.constant 0 : i32
        %dma_wait3A_253 = tpu.memref_slice %arg11[%dma_wait3A_251, %dma_wait3A_252] : memref<10112x128xf32, #tpu.memory_space<vmem_shared>> -> memref<10112x128xf32, #tpu.memory_space<vmem_shared>>
        tpu.wait_indirect_dma semaphore(%arg19 : memref<!tpu.dma_semaphore, #tpu.memory_space<semaphore_mem>>) src(%arg15 : memref<128x128xf32, #tpu.memory_space<vmem>>) dst(%dma_wait3A_253 : memref<10112x128xf32, #tpu.memory_space<vmem_shared>>)
      }
      %scan3A_24 = arith.constant 20 : i32
    } else {
    }
    %barrier3A_8 = arith.constant 0 : index
    tpu.barrier barrier_id(%barrier3A_8)
    %eq3A_9 = arith.constant 0 : i32
    %eq3A_10 = arith.cmpi eq, %arg0, %eq3A_9 : i32
    %convert_element_type3A_11 = arith.extui %eq3A_10 : i1 to i32
    %cond3A_12 = arith.constant 0 : i32
    %cond3A_13 = arith.cmpi ne, %convert_element_type3A_11, %cond3A_12 : i32
    scf.if %cond3A_13 {
      %mul3A_19 = arith.constant 632 : i32
      %mul3A_20 = arith.muli %arg1, %mul3A_19 : i32
      %mul3A_21 = arith.constant 632 : i32
      %mul3A_22 = arith.muli %arg1, %mul3A_21 : i32
      "tpu.region"() ({
        %run_scoped3A = tpu.sem_alloc : memref<!tpu.dma_semaphore, #tpu.memory_space<semaphore_mem>>
        %dma_start3A = arith.constant 0 : i32
        %dma_start3A_23 = tpu.memref_slice %arg9[%mul3A_22, %dma_start3A] : memref<10112x128xf32, #tpu.memory_space<hbm>> -> memref<632x128xf32, #tpu.memory_space<hbm>>
        %dma_start3A_24 = arith.constant 0 : i32
        %dma_start3A_25 = tpu.memref_slice %arg11[%mul3A_20, %dma_start3A_24] : memref<10112x128xf32, #tpu.memory_space<vmem_shared>> -> memref<632x128xf32, #tpu.memory_space<vmem_shared>>
        tpu.enqueue_dma source(%dma_start3A_25 : memref<632x128xf32, #tpu.memory_space<vmem_shared>>) target(%dma_start3A_23 : memref<632x128xf32, #tpu.memory_space<hbm>>) target_semaphore(%run_scoped3A : memref<!tpu.dma_semaphore, #tpu.memory_space<semaphore_mem>>)
        %dma_wait3A = arith.constant 0 : i32
        %dma_wait3A_26 = tpu.memref_slice %arg9[%mul3A_22, %dma_wait3A] : memref<10112x128xf32, #tpu.memory_space<hbm>> -> memref<632x128xf32, #tpu.memory_space<hbm>>
        %dma_wait3A_27 = arith.constant 0 : i32
        %dma_wait3A_28 = tpu.memref_slice %arg11[%mul3A_20, %dma_wait3A_27] : memref<10112x128xf32, #tpu.memory_space<vmem_shared>> -> memref<632x128xf32, #tpu.memory_space<vmem_shared>>
        tpu.wait_dma2 semaphore(%run_scoped3A : memref<!tpu.dma_semaphore, #tpu.memory_space<semaphore_mem>>) src(%dma_wait3A_28 : memref<632x128xf32, #tpu.memory_space<vmem_shared>>) dst(%dma_wait3A_26 : memref<632x128xf32, #tpu.memory_space<hbm>>)
        tpu.yield
      }) : () -> ()
    } else {
    }
    %eq3A_14 = arith.constant 1 : i32
    %eq3A_15 = arith.cmpi eq, %arg0, %eq3A_14 : i32
    %convert_element_type3A_16 = arith.extui %eq3A_15 : i1 to i32
    %cond3A_17 = arith.constant 0 : i32
    %cond3A_18 = arith.cmpi ne, %convert_element_type3A_16, %cond3A_17 : i32
    scf.if %cond3A_18 {
      %mul3A_19 = arith.constant 632 : i32
      %mul3A_20 = arith.muli %arg1, %mul3A_19 : i32
      %mul3A_21 = arith.constant 632 : i32
      %mul3A_22 = arith.muli %arg1, %mul3A_21 : i32
      "tpu.region"() ({
        %run_scoped3A = tpu.sem_alloc : memref<!tpu.dma_semaphore, #tpu.memory_space<semaphore_mem>>
        %dma_start3A = arith.constant 0 : i32
        %dma_start3A_23 = tpu.memref_slice %arg10[%mul3A_22, %dma_start3A] : memref<10112x128xf32, #tpu.memory_space<hbm>> -> memref<632x128xf32, #tpu.memory_space<hbm>>
        %dma_start3A_24 = arith.constant 0 : i32
        %dma_start3A_25 = tpu.memref_slice %arg11[%mul3A_20, %dma_start3A_24] : memref<10112x128xf32, #tpu.memory_space<vmem_shared>> -> memref<632x128xf32, #tpu.memory_space<vmem_shared>>
        tpu.enqueue_dma source(%dma_start3A_25 : memref<632x128xf32, #tpu.memory_space<vmem_shared>>) target(%dma_start3A_23 : memref<632x128xf32, #tpu.memory_space<hbm>>) target_semaphore(%run_scoped3A : memref<!tpu.dma_semaphore, #tpu.memory_space<semaphore_mem>>)
        %dma_wait3A = arith.constant 0 : i32
        %dma_wait3A_26 = tpu.memref_slice %arg10[%mul3A_22, %dma_wait3A] : memref<10112x128xf32, #tpu.memory_space<hbm>> -> memref<632x128xf32, #tpu.memory_space<hbm>>
        %dma_wait3A_27 = arith.constant 0 : i32
        %dma_wait3A_28 = tpu.memref_slice %arg11[%mul3A_20, %dma_wait3A_27] : memref<10112x128xf32, #tpu.memory_space<vmem_shared>> -> memref<632x128xf32, #tpu.memory_space<vmem_shared>>
        tpu.wait_dma2 semaphore(%run_scoped3A : memref<!tpu.dma_semaphore, #tpu.memory_space<semaphore_mem>>) src(%dma_wait3A_28 : memref<632x128xf32, #tpu.memory_space<vmem_shared>>) dst(%dma_wait3A_26 : memref<632x128xf32, #tpu.memory_space<hbm>>)
        tpu.yield
      }) : () -> ()
    } else {
    }
    return
  }
}

#map = affine_map<(d0, d1) -> (0, 0)>
module attributes {stable_mosaic.version = 14 : i64} {
  func.func @sc_seg_sum(%arg0: i32, %arg1: i32, %arg2: memref<10000x128xf32, #tpu.memory_space<hbm>>, %arg3: memref<2560x128xi32, #tpu.memory_space<hbm>>, %arg4: memref<2560x128xi32, #tpu.memory_space<hbm>>, %arg5: memref<10000x128xf32, #tpu.memory_space<hbm>>, %arg6: memref<2560x128xi32, #tpu.memory_space<hbm>>, %arg7: memref<2560x128xi32, #tpu.memory_space<hbm>>, %arg8: memref<632x128xf32, #tpu.memory_space<hbm>>, %arg9: memref<10112x128xf32, #tpu.memory_space<hbm>>, %arg10: memref<10112x128xf32, #tpu.memory_space<hbm>>, %arg11: memref<10112x128xf32, #tpu.memory_space<vmem_shared>>, %arg12: memref<8x128xi32, #tpu.memory_space<vmem>>, %arg13: memref<8x128xi32, #tpu.memory_space<vmem>>, %arg14: memref<128x128xf32, #tpu.memory_space<vmem>>, %arg15: memref<128x128xf32, #tpu.memory_space<vmem>>, %arg16: memref<!tpu.dma_semaphore, #tpu.memory_space<semaphore_mem>>, %arg17: memref<!tpu.dma_semaphore, #tpu.memory_space<semaphore_mem>>, %arg18: memref<!tpu.dma_semaphore, #tpu.memory_space<semaphore_mem>>, %arg19: memref<!tpu.dma_semaphore, #tpu.memory_space<semaphore_mem>>) attributes {dimension_semantics = [#tpu.dimension_semantics<core_parallel>, #tpu.dimension_semantics<subcore_parallel>], iteration_bounds = array<i64: 2, 16>, scalar_prefetch = 0 : i64, scratch_operands = 9 : i64, tpu.core_type = #tpu.core_type<sc_vector_subcore>, window_params = [{transform_indices = #map}, {transform_indices = #map}, {transform_indices = #map}, {transform_indices = #map}, {transform_indices = #map}, {transform_indices = #map}, {transform_indices = #map}, {transform_indices = #map}, {transform_indices = #map}]} {
    %mul3A = arith.constant 632 : i32
    %mul3A_0 = arith.muli %arg1, %mul3A : i32
    "tpu.region"() ({
      %run_scoped3A = tpu.sem_alloc : memref<!tpu.dma_semaphore, #tpu.memory_space<semaphore_mem>>
      %dma_start3A = arith.constant 0 : i32
      %dma_start3A_19 = tpu.memref_slice %arg11[%mul3A_0, %dma_start3A] : memref<10112x128xf32, #tpu.memory_space<vmem_shared>> -> memref<632x128xf32, #tpu.memory_space<vmem_shared>>
      tpu.enqueue_dma source(%arg8 : memref<632x128xf32, #tpu.memory_space<hbm>>) target(%dma_start3A_19 : memref<632x128xf32, #tpu.memory_space<vmem_shared>>) target_semaphore(%run_scoped3A : memref<!tpu.dma_semaphore, #tpu.memory_space<semaphore_mem>>)
      %dma_wait3A = arith.constant 0 : i32
      %dma_wait3A_20 = tpu.memref_slice %arg11[%mul3A_0, %dma_wait3A] : memref<10112x128xf32, #tpu.memory_space<vmem_shared>> -> memref<632x128xf32, #tpu.memory_space<vmem_shared>>
      tpu.wait_dma2 semaphore(%run_scoped3A : memref<!tpu.dma_semaphore, #tpu.memory_space<semaphore_mem>>) src(%arg8 : memref<632x128xf32, #tpu.memory_space<hbm>>) dst(%dma_wait3A_20 : memref<632x128xf32, #tpu.memory_space<vmem_shared>>)
      tpu.yield
    }) : () -> ()
    %barrier3A = arith.constant 0 : index
    tpu.barrier barrier_id(%barrier3A)
    %eq3A = arith.constant 0 : i32
    %eq3A_1 = arith.cmpi eq, %arg0, %eq3A : i32
    %convert_element_type3A = arith.extui %eq3A_1 : i1 to i32
    %cond3A = arith.constant 0 : i32
    %cond3A_2 = arith.cmpi ne, %convert_element_type3A, %cond3A : i32
    scf.if %cond3A_2 {
      %mul3A_19 = arith.constant 160 : i32
      %mul3A_20 = arith.muli %arg1, %mul3A_19 : i32
      %scan3A = arith.constant 0 : i32
      %scan3A_21 = arith.constant 20 : i32
      %scan3A_22 = arith.addi %scan3A, %scan3A_21 : i32
      %scan3A_23 = arith.constant 1 : i32
      scf.for %scan3A_25 = %scan3A to %scan3A_22 step %scan3A_23  : i32 {
        %mul3A_26 = arith.constant 1 : i32
        %mul3A_27 = arith.muli %scan3A_25, %mul3A_26 : i32
        %add3A = arith.constant 0 : i32
        %add3A_28 = arith.addi %add3A, %mul3A_27 : i32
        %mul3A_29 = arith.constant 8 : i32
        %mul3A_30 = arith.muli %add3A_28, %mul3A_29 : i32
        %add3A_31 = arith.addi %mul3A_20, %mul3A_30 : i32
        %multiple_of3A = tpu.assume_multiple %add3A_31, 8 : i32
        "tpu.region"() ({
          %run_scoped3A = tpu.sem_alloc : memref<!tpu.dma_semaphore, #tpu.memory_space<semaphore_mem>>
          %dma_start3A_254 = arith.constant 0 : i32
          %dma_start3A_255 = tpu.memref_slice %arg3[%multiple_of3A, %dma_start3A_254] : memref<2560x128xi32, #tpu.memory_space<hbm>> -> memref<8x128xi32, #tpu.memory_space<hbm>>
          %dma_start3A_256 = arith.constant 0 : i32
          %dma_start3A_257 = tpu.memref_slice %arg3[%multiple_of3A, %dma_start3A_256] : memref<2560x128xi32, #tpu.memory_space<hbm>> -> memref<8x128xi32, #tpu.memory_space<hbm>>
          tpu.enqueue_dma source(%dma_start3A_257 : memref<8x128xi32, #tpu.memory_space<hbm>>) target(%arg12 : memref<8x128xi32, #tpu.memory_space<vmem>>) target_semaphore(%run_scoped3A : memref<!tpu.dma_semaphore, #tpu.memory_space<semaphore_mem>>)
          %dma_wait3A_258 = arith.constant 0 : i32
          %dma_wait3A_259 = tpu.memref_slice %arg3[%multiple_of3A, %dma_wait3A_258] : memref<2560x128xi32, #tpu.memory_space<hbm>> -> memref<8x128xi32, #tpu.memory_space<hbm>>
          %dma_wait3A_260 = arith.constant 0 : i32
          %dma_wait3A_261 = tpu.memref_slice %arg3[%multiple_of3A, %dma_wait3A_260] : memref<2560x128xi32, #tpu.memory_space<hbm>> -> memref<8x128xi32, #tpu.memory_space<hbm>>
          tpu.wait_dma2 semaphore(%run_scoped3A : memref<!tpu.dma_semaphore, #tpu.memory_space<semaphore_mem>>) src(%dma_wait3A_261 : memref<8x128xi32, #tpu.memory_space<hbm>>) dst(%arg12 : memref<8x128xi32, #tpu.memory_space<vmem>>)
          tpu.yield
        }) : () -> ()
        "tpu.region"() ({
          %run_scoped3A = tpu.sem_alloc : memref<!tpu.dma_semaphore, #tpu.memory_space<semaphore_mem>>
          %dma_start3A_254 = arith.constant 0 : i32
          %dma_start3A_255 = tpu.memref_slice %arg4[%multiple_of3A, %dma_start3A_254] : memref<2560x128xi32, #tpu.memory_space<hbm>> -> memref<8x128xi32, #tpu.memory_space<hbm>>
          %dma_start3A_256 = arith.constant 0 : i32
          %dma_start3A_257 = tpu.memref_slice %arg4[%multiple_of3A, %dma_start3A_256] : memref<2560x128xi32, #tpu.memory_space<hbm>> -> memref<8x128xi32, #tpu.memory_space<hbm>>
          tpu.enqueue_dma source(%dma_start3A_257 : memref<8x128xi32, #tpu.memory_space<hbm>>) target(%arg13 : memref<8x128xi32, #tpu.memory_space<vmem>>) target_semaphore(%run_scoped3A : memref<!tpu.dma_semaphore, #tpu.memory_space<semaphore_mem>>)
          %dma_wait3A_258 = arith.constant 0 : i32
          %dma_wait3A_259 = tpu.memref_slice %arg4[%multiple_of3A, %dma_wait3A_258] : memref<2560x128xi32, #tpu.memory_space<hbm>> -> memref<8x128xi32, #tpu.memory_space<hbm>>
          %dma_wait3A_260 = arith.constant 0 : i32
          %dma_wait3A_261 = tpu.memref_slice %arg4[%multiple_of3A, %dma_wait3A_260] : memref<2560x128xi32, #tpu.memory_space<hbm>> -> memref<8x128xi32, #tpu.memory_space<hbm>>
          tpu.wait_dma2 semaphore(%run_scoped3A : memref<!tpu.dma_semaphore, #tpu.memory_space<semaphore_mem>>) src(%dma_wait3A_261 : memref<8x128xi32, #tpu.memory_space<hbm>>) dst(%arg13 : memref<8x128xi32, #tpu.memory_space<vmem>>)
          tpu.yield
        }) : () -> ()
        %dma_start3A = arith.constant 0 : i32
        %dma_start3A_32 = arith.constant 0 : i32
        %dma_start3A_33 = tpu.memref_slice %arg12[%dma_start3A, %dma_start3A_32] : memref<8x128xi32, #tpu.memory_space<vmem>> -> memref<1x128xi32, #tpu.memory_space<vmem>>
        %dma_start3A_34 = tpu.memref_squeeze %dma_start3A_33 : memref<1x128xi32, #tpu.memory_space<vmem>> -> memref<128xi32, #tpu.memory_space<vmem>>
        %dma_start3A_35 = arith.constant 0 : i32
        %dma_start3A_36 = arith.constant 0 : i32
        %dma_start3A_37 = tpu.memref_slice %arg2[%dma_start3A_35, %dma_start3A_36] : memref<10000x128xf32, #tpu.memory_space<hbm>> -> memref<10000x128xf32, #tpu.memory_space<hbm>>
        tpu.enqueue_indirect_dma source(%dma_start3A_37 : memref<10000x128xf32, #tpu.memory_space<hbm>>) target(%arg14 : memref<128x128xf32, #tpu.memory_space<vmem>>) offsets(%dma_start3A_34 : memref<128xi32, #tpu.memory_space<vmem>>) semaphore(%arg16 : memref<!tpu.dma_semaphore, #tpu.memory_space<semaphore_mem>>)
        %dma_start3A_38 = arith.constant 1 : i32
        %dma_start3A_39 = arith.constant 0 : i32
        %dma_start3A_40 = tpu.memref_slice %arg12[%dma_start3A_38, %dma_start3A_39] : memref<8x128xi32, #tpu.memory_space<vmem>> -> memref<1x128xi32, #tpu.memory_space<vmem>>
        %dma_start3A_41 = tpu.memref_squeeze %dma_start3A_40 : memref<1x128xi32, #tpu.memory_space<vmem>> -> memref<128xi32, #tpu.memory_space<vmem>>
        %dma_start3A_42 = arith.constant 0 : i32
        %dma_start3A_43 = arith.constant 0 : i32
        %dma_start3A_44 = tpu.memref_slice %arg2[%dma_start3A_42, %dma_start3A_43] : memref<10000x128xf32, #tpu.memory_space<hbm>> -> memref<10000x128xf32, #tpu.memory_space<hbm>>
        tpu.enqueue_indirect_dma source(%dma_start3A_44 : memref<10000x128xf32, #tpu.memory_space<hbm>>) target(%arg15 : memref<128x128xf32, #tpu.memory_space<vmem>>) offsets(%dma_start3A_41 : memref<128xi32, #tpu.memory_space<vmem>>) semaphore(%arg17 : memref<!tpu.dma_semaphore, #tpu.memory_space<semaphore_mem>>)
        %dma_wait3A = arith.constant 0 : i32
        %dma_wait3A_45 = arith.constant 0 : i32
        %dma_wait3A_46 = tpu.memref_slice %arg12[%dma_wait3A, %dma_wait3A_45] : memref<8x128xi32, #tpu.memory_space<vmem>> -> memref<1x128xi32, #tpu.memory_space<vmem>>
        %dma_wait3A_47 = tpu.memref_squeeze %dma_wait3A_46 : memref<1x128xi32, #tpu.memory_space<vmem>> -> memref<128xi32, #tpu.memory_space<vmem>>
        %dma_wait3A_48 = arith.constant 0 : i32
        %dma_wait3A_49 = arith.constant 0 : i32
        %dma_wait3A_50 = tpu.memref_slice %arg2[%dma_wait3A_48, %dma_wait3A_49] : memref<10000x128xf32, #tpu.memory_space<hbm>> -> memref<10000x128xf32, #tpu.memory_space<hbm>>
        tpu.wait_indirect_dma semaphore(%arg16 : memref<!tpu.dma_semaphore, #tpu.memory_space<semaphore_mem>>) src(%dma_wait3A_50 : memref<10000x128xf32, #tpu.memory_space<hbm>>) dst(%arg14 : memref<128x128xf32, #tpu.memory_space<vmem>>)
        %dma_start3A_51 = arith.constant 0 : i32
        %dma_start3A_52 = arith.constant 0 : i32
        %dma_start3A_53 = tpu.memref_slice %arg13[%dma_start3A_51, %dma_start3A_52] : memref<8x128xi32, #tpu.memory_space<vmem>> -> memref<1x128xi32, #tpu.memory_space<vmem>>
        %dma_start3A_54 = tpu.memref_squeeze %dma_start3A_53 : memref<1x128xi32, #tpu.memory_space<vmem>> -> memref<128xi32, #tpu.memory_space<vmem>>
        %dma_start3A_55 = arith.constant 0 : i32
        %dma_start3A_56 = arith.constant 0 : i32
        %dma_start3A_57 = tpu.memref_slice %arg11[%dma_start3A_55, %dma_start3A_56] : memref<10112x128xf32, #tpu.memory_space<vmem_shared>> -> memref<10112x128xf32, #tpu.memory_space<vmem_shared>>
        tpu.enqueue_indirect_dma source(%arg14 : memref<128x128xf32, #tpu.memory_space<vmem>>) target(%dma_start3A_57 : memref<10112x128xf32, #tpu.memory_space<vmem_shared>>) offsets(%dma_start3A_54 : memref<128xi32, #tpu.memory_space<vmem>>) semaphore(%arg18 : memref<!tpu.dma_semaphore, #tpu.memory_space<semaphore_mem>>) {add = true}
        %dma_wait3A_58 = arith.constant 0 : i32
        %dma_wait3A_59 = arith.constant 0 : i32
        %dma_wait3A_60 = tpu.memref_slice %arg13[%dma_wait3A_58, %dma_wait3A_59] : memref<8x128xi32, #tpu.memory_space<vmem>> -> memref<1x128xi32, #tpu.memory_space<vmem>>
        %dma_wait3A_61 = tpu.memref_squeeze %dma_wait3A_60 : memref<1x128xi32, #tpu.memory_space<vmem>> -> memref<128xi32, #tpu.memory_space<vmem>>
        %dma_wait3A_62 = arith.constant 0 : i32
        %dma_wait3A_63 = arith.constant 0 : i32
        %dma_wait3A_64 = tpu.memref_slice %arg11[%dma_wait3A_62, %dma_wait3A_63] : memref<10112x128xf32, #tpu.memory_space<vmem_shared>> -> memref<10112x128xf32, #tpu.memory_space<vmem_shared>>
        tpu.wait_indirect_dma semaphore(%arg18 : memref<!tpu.dma_semaphore, #tpu.memory_space<semaphore_mem>>) src(%arg14 : memref<128x128xf32, #tpu.memory_space<vmem>>) dst(%dma_wait3A_64 : memref<10112x128xf32, #tpu.memory_space<vmem_shared>>)
        %dma_start3A_65 = arith.constant 2 : i32
        %dma_start3A_66 = arith.constant 0 : i32
        %dma_start3A_67 = tpu.memref_slice %arg12[%dma_start3A_65, %dma_start3A_66] : memref<8x128xi32, #tpu.memory_space<vmem>> -> memref<1x128xi32, #tpu.memory_space<vmem>>
        %dma_start3A_68 = tpu.memref_squeeze %dma_start3A_67 : memref<1x128xi32, #tpu.memory_space<vmem>> -> memref<128xi32, #tpu.memory_space<vmem>>
        %dma_start3A_69 = arith.constant 0 : i32
        %dma_start3A_70 = arith.constant 0 : i32
        %dma_start3A_71 = tpu.memref_slice %arg2[%dma_start3A_69, %dma_start3A_70] : memref<10000x128xf32, #tpu.memory_space<hbm>> -> memref<10000x128xf32, #tpu.memory_space<hbm>>
        tpu.enqueue_indirect_dma source(%dma_start3A_71 : memref<10000x128xf32, #tpu.memory_space<hbm>>) target(%arg14 : memref<128x128xf32, #tpu.memory_space<vmem>>) offsets(%dma_start3A_68 : memref<128xi32, #tpu.memory_space<vmem>>) semaphore(%arg16 : memref<!tpu.dma_semaphore, #tpu.memory_space<semaphore_mem>>)
        %dma_wait3A_72 = arith.constant 1 : i32
        %dma_wait3A_73 = arith.constant 0 : i32
        %dma_wait3A_74 = tpu.memref_slice %arg12[%dma_wait3A_72, %dma_wait3A_73] : memref<8x128xi32, #tpu.memory_space<vmem>> -> memref<1x128xi32, #tpu.memory_space<vmem>>
        %dma_wait3A_75 = tpu.memref_squeeze %dma_wait3A_74 : memref<1x128xi32, #tpu.memory_space<vmem>> -> memref<128xi32, #tpu.memory_space<vmem>>
        %dma_wait3A_76 = arith.constant 0 : i32
        %dma_wait3A_77 = arith.constant 0 : i32
        %dma_wait3A_78 = tpu.memref_slice %arg2[%dma_wait3A_76, %dma_wait3A_77] : memref<10000x128xf32, #tpu.memory_space<hbm>> -> memref<10000x128xf32, #tpu.memory_space<hbm>>
        tpu.wait_indirect_dma semaphore(%arg17 : memref<!tpu.dma_semaphore, #tpu.memory_space<semaphore_mem>>) src(%dma_wait3A_78 : memref<10000x128xf32, #tpu.memory_space<hbm>>) dst(%arg15 : memref<128x128xf32, #tpu.memory_space<vmem>>)
        %dma_start3A_79 = arith.constant 1 : i32
        %dma_start3A_80 = arith.constant 0 : i32
        %dma_start3A_81 = tpu.memref_slice %arg13[%dma_start3A_79, %dma_start3A_80] : memref<8x128xi32, #tpu.memory_space<vmem>> -> memref<1x128xi32, #tpu.memory_space<vmem>>
        %dma_start3A_82 = tpu.memref_squeeze %dma_start3A_81 : memref<1x128xi32, #tpu.memory_space<vmem>> -> memref<128xi32, #tpu.memory_space<vmem>>
        %dma_start3A_83 = arith.constant 0 : i32
        %dma_start3A_84 = arith.constant 0 : i32
        %dma_start3A_85 = tpu.memref_slice %arg11[%dma_start3A_83, %dma_start3A_84] : memref<10112x128xf32, #tpu.memory_space<vmem_shared>> -> memref<10112x128xf32, #tpu.memory_space<vmem_shared>>
        tpu.enqueue_indirect_dma source(%arg15 : memref<128x128xf32, #tpu.memory_space<vmem>>) target(%dma_start3A_85 : memref<10112x128xf32, #tpu.memory_space<vmem_shared>>) offsets(%dma_start3A_82 : memref<128xi32, #tpu.memory_space<vmem>>) semaphore(%arg19 : memref<!tpu.dma_semaphore, #tpu.memory_space<semaphore_mem>>) {add = true}
        %dma_wait3A_86 = arith.constant 1 : i32
        %dma_wait3A_87 = arith.constant 0 : i32
        %dma_wait3A_88 = tpu.memref_slice %arg13[%dma_wait3A_86, %dma_wait3A_87] : memref<8x128xi32, #tpu.memory_space<vmem>> -> memref<1x128xi32, #tpu.memory_space<vmem>>
        %dma_wait3A_89 = tpu.memref_squeeze %dma_wait3A_88 : memref<1x128xi32, #tpu.memory_space<vmem>> -> memref<128xi32, #tpu.memory_space<vmem>>
        %dma_wait3A_90 = arith.constant 0 : i32
        %dma_wait3A_91 = arith.constant 0 : i32
        %dma_wait3A_92 = tpu.memref_slice %arg11[%dma_wait3A_90, %dma_wait3A_91] : memref<10112x128xf32, #tpu.memory_space<vmem_shared>> -> memref<10112x128xf32, #tpu.memory_space<vmem_shared>>
        tpu.wait_indirect_dma semaphore(%arg19 : memref<!tpu.dma_semaphore, #tpu.memory_space<semaphore_mem>>) src(%arg15 : memref<128x128xf32, #tpu.memory_space<vmem>>) dst(%dma_wait3A_92 : memref<10112x128xf32, #tpu.memory_space<vmem_shared>>)
        %dma_start3A_93 = arith.constant 3 : i32
        %dma_start3A_94 = arith.constant 0 : i32
        %dma_start3A_95 = tpu.memref_slice %arg12[%dma_start3A_93, %dma_start3A_94] : memref<8x128xi32, #tpu.memory_space<vmem>> -> memref<1x128xi32, #tpu.memory_space<vmem>>
        %dma_start3A_96 = tpu.memref_squeeze %dma_start3A_95 : memref<1x128xi32, #tpu.memory_space<vmem>> -> memref<128xi32, #tpu.memory_space<vmem>>
        %dma_start3A_97 = arith.constant 0 : i32
        %dma_start3A_98 = arith.constant 0 : i32
        %dma_start3A_99 = tpu.memref_slice %arg2[%dma_start3A_97, %dma_start3A_98] : memref<10000x128xf32, #tpu.memory_space<hbm>> -> memref<10000x128xf32, #tpu.memory_space<hbm>>
        tpu.enqueue_indirect_dma source(%dma_start3A_99 : memref<10000x128xf32, #tpu.memory_space<hbm>>) target(%arg15 : memref<128x128xf32, #tpu.memory_space<vmem>>) offsets(%dma_start3A_96 : memref<128xi32, #tpu.memory_space<vmem>>) semaphore(%arg17 : memref<!tpu.dma_semaphore, #tpu.memory_space<semaphore_mem>>)
        %dma_wait3A_100 = arith.constant 2 : i32
        %dma_wait3A_101 = arith.constant 0 : i32
        %dma_wait3A_102 = tpu.memref_slice %arg12[%dma_wait3A_100, %dma_wait3A_101] : memref<8x128xi32, #tpu.memory_space<vmem>> -> memref<1x128xi32, #tpu.memory_space<vmem>>
        %dma_wait3A_103 = tpu.memref_squeeze %dma_wait3A_102 : memref<1x128xi32, #tpu.memory_space<vmem>> -> memref<128xi32, #tpu.memory_space<vmem>>
        %dma_wait3A_104 = arith.constant 0 : i32
        %dma_wait3A_105 = arith.constant 0 : i32
        %dma_wait3A_106 = tpu.memref_slice %arg2[%dma_wait3A_104, %dma_wait3A_105] : memref<10000x128xf32, #tpu.memory_space<hbm>> -> memref<10000x128xf32, #tpu.memory_space<hbm>>
        tpu.wait_indirect_dma semaphore(%arg16 : memref<!tpu.dma_semaphore, #tpu.memory_space<semaphore_mem>>) src(%dma_wait3A_106 : memref<10000x128xf32, #tpu.memory_space<hbm>>) dst(%arg14 : memref<128x128xf32, #tpu.memory_space<vmem>>)
        %dma_start3A_107 = arith.constant 2 : i32
        %dma_start3A_108 = arith.constant 0 : i32
        %dma_start3A_109 = tpu.memref_slice %arg13[%dma_start3A_107, %dma_start3A_108] : memref<8x128xi32, #tpu.memory_space<vmem>> -> memref<1x128xi32, #tpu.memory_space<vmem>>
        %dma_start3A_110 = tpu.memref_squeeze %dma_start3A_109 : memref<1x128xi32, #tpu.memory_space<vmem>> -> memref<128xi32, #tpu.memory_space<vmem>>
        %dma_start3A_111 = arith.constant 0 : i32
        %dma_start3A_112 = arith.constant 0 : i32
        %dma_start3A_113 = tpu.memref_slice %arg11[%dma_start3A_111, %dma_start3A_112] : memref<10112x128xf32, #tpu.memory_space<vmem_shared>> -> memref<10112x128xf32, #tpu.memory_space<vmem_shared>>
        tpu.enqueue_indirect_dma source(%arg14 : memref<128x128xf32, #tpu.memory_space<vmem>>) target(%dma_start3A_113 : memref<10112x128xf32, #tpu.memory_space<vmem_shared>>) offsets(%dma_start3A_110 : memref<128xi32, #tpu.memory_space<vmem>>) semaphore(%arg18 : memref<!tpu.dma_semaphore, #tpu.memory_space<semaphore_mem>>) {add = true}
        %dma_wait3A_114 = arith.constant 2 : i32
        %dma_wait3A_115 = arith.constant 0 : i32
        %dma_wait3A_116 = tpu.memref_slice %arg13[%dma_wait3A_114, %dma_wait3A_115] : memref<8x128xi32, #tpu.memory_space<vmem>> -> memref<1x128xi32, #tpu.memory_space<vmem>>
        %dma_wait3A_117 = tpu.memref_squeeze %dma_wait3A_116 : memref<1x128xi32, #tpu.memory_space<vmem>> -> memref<128xi32, #tpu.memory_space<vmem>>
        %dma_wait3A_118 = arith.constant 0 : i32
        %dma_wait3A_119 = arith.constant 0 : i32
        %dma_wait3A_120 = tpu.memref_slice %arg11[%dma_wait3A_118, %dma_wait3A_119] : memref<10112x128xf32, #tpu.memory_space<vmem_shared>> -> memref<10112x128xf32, #tpu.memory_space<vmem_shared>>
        tpu.wait_indirect_dma semaphore(%arg18 : memref<!tpu.dma_semaphore, #tpu.memory_space<semaphore_mem>>) src(%arg14 : memref<128x128xf32, #tpu.memory_space<vmem>>) dst(%dma_wait3A_120 : memref<10112x128xf32, #tpu.memory_space<vmem_shared>>)
        %dma_start3A_121 = arith.constant 4 : i32
        %dma_start3A_122 = arith.constant 0 : i32
        %dma_start3A_123 = tpu.memref_slice %arg12[%dma_start3A_121, %dma_start3A_122] : memref<8x128xi32, #tpu.memory_space<vmem>> -> memref<1x128xi32, #tpu.memory_space<vmem>>
        %dma_start3A_124 = tpu.memref_squeeze %dma_start3A_123 : memref<1x128xi32, #tpu.memory_space<vmem>> -> memref<128xi32, #tpu.memory_space<vmem>>
        %dma_start3A_125 = arith.constant 0 : i32
        %dma_start3A_126 = arith.constant 0 : i32
        %dma_start3A_127 = tpu.memref_slice %arg2[%dma_start3A_125, %dma_start3A_126] : memref<10000x128xf32, #tpu.memory_space<hbm>> -> memref<10000x128xf32, #tpu.memory_space<hbm>>
        tpu.enqueue_indirect_dma source(%dma_start3A_127 : memref<10000x128xf32, #tpu.memory_space<hbm>>) target(%arg14 : memref<128x128xf32, #tpu.memory_space<vmem>>) offsets(%dma_start3A_124 : memref<128xi32, #tpu.memory_space<vmem>>) semaphore(%arg16 : memref<!tpu.dma_semaphore, #tpu.memory_space<semaphore_mem>>)
        %dma_wait3A_128 = arith.constant 3 : i32
        %dma_wait3A_129 = arith.constant 0 : i32
        %dma_wait3A_130 = tpu.memref_slice %arg12[%dma_wait3A_128, %dma_wait3A_129] : memref<8x128xi32, #tpu.memory_space<vmem>> -> memref<1x128xi32, #tpu.memory_space<vmem>>
        %dma_wait3A_131 = tpu.memref_squeeze %dma_wait3A_130 : memref<1x128xi32, #tpu.memory_space<vmem>> -> memref<128xi32, #tpu.memory_space<vmem>>
        %dma_wait3A_132 = arith.constant 0 : i32
        %dma_wait3A_133 = arith.constant 0 : i32
        %dma_wait3A_134 = tpu.memref_slice %arg2[%dma_wait3A_132, %dma_wait3A_133] : memref<10000x128xf32, #tpu.memory_space<hbm>> -> memref<10000x128xf32, #tpu.memory_space<hbm>>
        tpu.wait_indirect_dma semaphore(%arg17 : memref<!tpu.dma_semaphore, #tpu.memory_space<semaphore_mem>>) src(%dma_wait3A_134 : memref<10000x128xf32, #tpu.memory_space<hbm>>) dst(%arg15 : memref<128x128xf32, #tpu.memory_space<vmem>>)
        %dma_start3A_135 = arith.constant 3 : i32
        %dma_start3A_136 = arith.constant 0 : i32
        %dma_start3A_137 = tpu.memref_slice %arg13[%dma_start3A_135, %dma_start3A_136] : memref<8x128xi32, #tpu.memory_space<vmem>> -> memref<1x128xi32, #tpu.memory_space<vmem>>
        %dma_start3A_138 = tpu.memref_squeeze %dma_start3A_137 : memref<1x128xi32, #tpu.memory_space<vmem>> -> memref<128xi32, #tpu.memory_space<vmem>>
        %dma_start3A_139 = arith.constant 0 : i32
        %dma_start3A_140 = arith.constant 0 : i32
        %dma_start3A_141 = tpu.memref_slice %arg11[%dma_start3A_139, %dma_start3A_140] : memref<10112x128xf32, #tpu.memory_space<vmem_shared>> -> memref<10112x128xf32, #tpu.memory_space<vmem_shared>>
        tpu.enqueue_indirect_dma source(%arg15 : memref<128x128xf32, #tpu.memory_space<vmem>>) target(%dma_start3A_141 : memref<10112x128xf32, #tpu.memory_space<vmem_shared>>) offsets(%dma_start3A_138 : memref<128xi32, #tpu.memory_space<vmem>>) semaphore(%arg19 : memref<!tpu.dma_semaphore, #tpu.memory_space<semaphore_mem>>) {add = true}
        %dma_wait3A_142 = arith.constant 3 : i32
        %dma_wait3A_143 = arith.constant 0 : i32
        %dma_wait3A_144 = tpu.memref_slice %arg13[%dma_wait3A_142, %dma_wait3A_143] : memref<8x128xi32, #tpu.memory_space<vmem>> -> memref<1x128xi32, #tpu.memory_space<vmem>>
        %dma_wait3A_145 = tpu.memref_squeeze %dma_wait3A_144 : memref<1x128xi32, #tpu.memory_space<vmem>> -> memref<128xi32, #tpu.memory_space<vmem>>
        %dma_wait3A_146 = arith.constant 0 : i32
        %dma_wait3A_147 = arith.constant 0 : i32
        %dma_wait3A_148 = tpu.memref_slice %arg11[%dma_wait3A_146, %dma_wait3A_147] : memref<10112x128xf32, #tpu.memory_space<vmem_shared>> -> memref<10112x128xf32, #tpu.memory_space<vmem_shared>>
        tpu.wait_indirect_dma semaphore(%arg19 : memref<!tpu.dma_semaphore, #tpu.memory_space<semaphore_mem>>) src(%arg15 : memref<128x128xf32, #tpu.memory_space<vmem>>) dst(%dma_wait3A_148 : memref<10112x128xf32, #tpu.memory_space<vmem_shared>>)
        %dma_start3A_149 = arith.constant 5 : i32
        %dma_start3A_150 = arith.constant 0 : i32
        %dma_start3A_151 = tpu.memref_slice %arg12[%dma_start3A_149, %dma_start3A_150] : memref<8x128xi32, #tpu.memory_space<vmem>> -> memref<1x128xi32, #tpu.memory_space<vmem>>
        %dma_start3A_152 = tpu.memref_squeeze %dma_start3A_151 : memref<1x128xi32, #tpu.memory_space<vmem>> -> memref<128xi32, #tpu.memory_space<vmem>>
        %dma_start3A_153 = arith.constant 0 : i32
        %dma_start3A_154 = arith.constant 0 : i32
        %dma_start3A_155 = tpu.memref_slice %arg2[%dma_start3A_153, %dma_start3A_154] : memref<10000x128xf32, #tpu.memory_space<hbm>> -> memref<10000x128xf32, #tpu.memory_space<hbm>>
        tpu.enqueue_indirect_dma source(%dma_start3A_155 : memref<10000x128xf32, #tpu.memory_space<hbm>>) target(%arg15 : memref<128x128xf32, #tpu.memory_space<vmem>>) offsets(%dma_start3A_152 : memref<128xi32, #tpu.memory_space<vmem>>) semaphore(%arg17 : memref<!tpu.dma_semaphore, #tpu.memory_space<semaphore_mem>>)
        %dma_wait3A_156 = arith.constant 4 : i32
        %dma_wait3A_157 = arith.constant 0 : i32
        %dma_wait3A_158 = tpu.memref_slice %arg12[%dma_wait3A_156, %dma_wait3A_157] : memref<8x128xi32, #tpu.memory_space<vmem>> -> memref<1x128xi32, #tpu.memory_space<vmem>>
        %dma_wait3A_159 = tpu.memref_squeeze %dma_wait3A_158 : memref<1x128xi32, #tpu.memory_space<vmem>> -> memref<128xi32, #tpu.memory_space<vmem>>
        %dma_wait3A_160 = arith.constant 0 : i32
        %dma_wait3A_161 = arith.constant 0 : i32
        %dma_wait3A_162 = tpu.memref_slice %arg2[%dma_wait3A_160, %dma_wait3A_161] : memref<10000x128xf32, #tpu.memory_space<hbm>> -> memref<10000x128xf32, #tpu.memory_space<hbm>>
        tpu.wait_indirect_dma semaphore(%arg16 : memref<!tpu.dma_semaphore, #tpu.memory_space<semaphore_mem>>) src(%dma_wait3A_162 : memref<10000x128xf32, #tpu.memory_space<hbm>>) dst(%arg14 : memref<128x128xf32, #tpu.memory_space<vmem>>)
        %dma_start3A_163 = arith.constant 4 : i32
        %dma_start3A_164 = arith.constant 0 : i32
        %dma_start3A_165 = tpu.memref_slice %arg13[%dma_start3A_163, %dma_start3A_164] : memref<8x128xi32, #tpu.memory_space<vmem>> -> memref<1x128xi32, #tpu.memory_space<vmem>>
        %dma_start3A_166 = tpu.memref_squeeze %dma_start3A_165 : memref<1x128xi32, #tpu.memory_space<vmem>> -> memref<128xi32, #tpu.memory_space<vmem>>
        %dma_start3A_167 = arith.constant 0 : i32
        %dma_start3A_168 = arith.constant 0 : i32
        %dma_start3A_169 = tpu.memref_slice %arg11[%dma_start3A_167, %dma_start3A_168] : memref<10112x128xf32, #tpu.memory_space<vmem_shared>> -> memref<10112x128xf32, #tpu.memory_space<vmem_shared>>
        tpu.enqueue_indirect_dma source(%arg14 : memref<128x128xf32, #tpu.memory_space<vmem>>) target(%dma_start3A_169 : memref<10112x128xf32, #tpu.memory_space<vmem_shared>>) offsets(%dma_start3A_166 : memref<128xi32, #tpu.memory_space<vmem>>) semaphore(%arg18 : memref<!tpu.dma_semaphore, #tpu.memory_space<semaphore_mem>>) {add = true}
        %dma_wait3A_170 = arith.constant 4 : i32
        %dma_wait3A_171 = arith.constant 0 : i32
        %dma_wait3A_172 = tpu.memref_slice %arg13[%dma_wait3A_170, %dma_wait3A_171] : memref<8x128xi32, #tpu.memory_space<vmem>> -> memref<1x128xi32, #tpu.memory_space<vmem>>
        %dma_wait3A_173 = tpu.memref_squeeze %dma_wait3A_172 : memref<1x128xi32, #tpu.memory_space<vmem>> -> memref<128xi32, #tpu.memory_space<vmem>>
        %dma_wait3A_174 = arith.constant 0 : i32
        %dma_wait3A_175 = arith.constant 0 : i32
        %dma_wait3A_176 = tpu.memref_slice %arg11[%dma_wait3A_174, %dma_wait3A_175] : memref<10112x128xf32, #tpu.memory_space<vmem_shared>> -> memref<10112x128xf32, #tpu.memory_space<vmem_shared>>
        tpu.wait_indirect_dma semaphore(%arg18 : memref<!tpu.dma_semaphore, #tpu.memory_space<semaphore_mem>>) src(%arg14 : memref<128x128xf32, #tpu.memory_space<vmem>>) dst(%dma_wait3A_176 : memref<10112x128xf32, #tpu.memory_space<vmem_shared>>)
        %dma_start3A_177 = arith.constant 6 : i32
        %dma_start3A_178 = arith.constant 0 : i32
        %dma_start3A_179 = tpu.memref_slice %arg12[%dma_start3A_177, %dma_start3A_178] : memref<8x128xi32, #tpu.memory_space<vmem>> -> memref<1x128xi32, #tpu.memory_space<vmem>>
        %dma_start3A_180 = tpu.memref_squeeze %dma_start3A_179 : memref<1x128xi32, #tpu.memory_space<vmem>> -> memref<128xi32, #tpu.memory_space<vmem>>
        %dma_start3A_181 = arith.constant 0 : i32
        %dma_start3A_182 = arith.constant 0 : i32
        %dma_start3A_183 = tpu.memref_slice %arg2[%dma_start3A_181, %dma_start3A_182] : memref<10000x128xf32, #tpu.memory_space<hbm>> -> memref<10000x128xf32, #tpu.memory_space<hbm>>
        tpu.enqueue_indirect_dma source(%dma_start3A_183 : memref<10000x128xf32, #tpu.memory_space<hbm>>) target(%arg14 : memref<128x128xf32, #tpu.memory_space<vmem>>) offsets(%dma_start3A_180 : memref<128xi32, #tpu.memory_space<vmem>>) semaphore(%arg16 : memref<!tpu.dma_semaphore, #tpu.memory_space<semaphore_mem>>)
        %dma_wait3A_184 = arith.constant 5 : i32
        %dma_wait3A_185 = arith.constant 0 : i32
        %dma_wait3A_186 = tpu.memref_slice %arg12[%dma_wait3A_184, %dma_wait3A_185] : memref<8x128xi32, #tpu.memory_space<vmem>> -> memref<1x128xi32, #tpu.memory_space<vmem>>
        %dma_wait3A_187 = tpu.memref_squeeze %dma_wait3A_186 : memref<1x128xi32, #tpu.memory_space<vmem>> -> memref<128xi32, #tpu.memory_space<vmem>>
        %dma_wait3A_188 = arith.constant 0 : i32
        %dma_wait3A_189 = arith.constant 0 : i32
        %dma_wait3A_190 = tpu.memref_slice %arg2[%dma_wait3A_188, %dma_wait3A_189] : memref<10000x128xf32, #tpu.memory_space<hbm>> -> memref<10000x128xf32, #tpu.memory_space<hbm>>
        tpu.wait_indirect_dma semaphore(%arg17 : memref<!tpu.dma_semaphore, #tpu.memory_space<semaphore_mem>>) src(%dma_wait3A_190 : memref<10000x128xf32, #tpu.memory_space<hbm>>) dst(%arg15 : memref<128x128xf32, #tpu.memory_space<vmem>>)
        %dma_start3A_191 = arith.constant 5 : i32
        %dma_start3A_192 = arith.constant 0 : i32
        %dma_start3A_193 = tpu.memref_slice %arg13[%dma_start3A_191, %dma_start3A_192] : memref<8x128xi32, #tpu.memory_space<vmem>> -> memref<1x128xi32, #tpu.memory_space<vmem>>
        %dma_start3A_194 = tpu.memref_squeeze %dma_start3A_193 : memref<1x128xi32, #tpu.memory_space<vmem>> -> memref<128xi32, #tpu.memory_space<vmem>>
        %dma_start3A_195 = arith.constant 0 : i32
        %dma_start3A_196 = arith.constant 0 : i32
        %dma_start3A_197 = tpu.memref_slice %arg11[%dma_start3A_195, %dma_start3A_196] : memref<10112x128xf32, #tpu.memory_space<vmem_shared>> -> memref<10112x128xf32, #tpu.memory_space<vmem_shared>>
        tpu.enqueue_indirect_dma source(%arg15 : memref<128x128xf32, #tpu.memory_space<vmem>>) target(%dma_start3A_197 : memref<10112x128xf32, #tpu.memory_space<vmem_shared>>) offsets(%dma_start3A_194 : memref<128xi32, #tpu.memory_space<vmem>>) semaphore(%arg19 : memref<!tpu.dma_semaphore, #tpu.memory_space<semaphore_mem>>) {add = true}
        %dma_wait3A_198 = arith.constant 5 : i32
        %dma_wait3A_199 = arith.constant 0 : i32
        %dma_wait3A_200 = tpu.memref_slice %arg13[%dma_wait3A_198, %dma_wait3A_199] : memref<8x128xi32, #tpu.memory_space<vmem>> -> memref<1x128xi32, #tpu.memory_space<vmem>>
        %dma_wait3A_201 = tpu.memref_squeeze %dma_wait3A_200 : memref<1x128xi32, #tpu.memory_space<vmem>> -> memref<128xi32, #tpu.memory_space<vmem>>
        %dma_wait3A_202 = arith.constant 0 : i32
        %dma_wait3A_203 = arith.constant 0 : i32
        %dma_wait3A_204 = tpu.memref_slice %arg11[%dma_wait3A_202, %dma_wait3A_203] : memref<10112x128xf32, #tpu.memory_space<vmem_shared>> -> memref<10112x128xf32, #tpu.memory_space<vmem_shared>>
        tpu.wait_indirect_dma semaphore(%arg19 : memref<!tpu.dma_semaphore, #tpu.memory_space<semaphore_mem>>) src(%arg15 : memref<128x128xf32, #tpu.memory_space<vmem>>) dst(%dma_wait3A_204 : memref<10112x128xf32, #tpu.memory_space<vmem_shared>>)
        %dma_start3A_205 = arith.constant 7 : i32
        %dma_start3A_206 = arith.constant 0 : i32
        %dma_start3A_207 = tpu.memref_slice %arg12[%dma_start3A_205, %dma_start3A_206] : memref<8x128xi32, #tpu.memory_space<vmem>> -> memref<1x128xi32, #tpu.memory_space<vmem>>
        %dma_start3A_208 = tpu.memref_squeeze %dma_start3A_207 : memref<1x128xi32, #tpu.memory_space<vmem>> -> memref<128xi32, #tpu.memory_space<vmem>>
        %dma_start3A_209 = arith.constant 0 : i32
        %dma_start3A_210 = arith.constant 0 : i32
        %dma_start3A_211 = tpu.memref_slice %arg2[%dma_start3A_209, %dma_start3A_210] : memref<10000x128xf32, #tpu.memory_space<hbm>> -> memref<10000x128xf32, #tpu.memory_space<hbm>>
        tpu.enqueue_indirect_dma source(%dma_start3A_211 : memref<10000x128xf32, #tpu.memory_space<hbm>>) target(%arg15 : memref<128x128xf32, #tpu.memory_space<vmem>>) offsets(%dma_start3A_208 : memref<128xi32, #tpu.memory_space<vmem>>) semaphore(%arg17 : memref<!tpu.dma_semaphore, #tpu.memory_space<semaphore_mem>>)
        %dma_wait3A_212 = arith.constant 6 : i32
        %dma_wait3A_213 = arith.constant 0 : i32
        %dma_wait3A_214 = tpu.memref_slice %arg12[%dma_wait3A_212, %dma_wait3A_213] : memref<8x128xi32, #tpu.memory_space<vmem>> -> memref<1x128xi32, #tpu.memory_space<vmem>>
        %dma_wait3A_215 = tpu.memref_squeeze %dma_wait3A_214 : memref<1x128xi32, #tpu.memory_space<vmem>> -> memref<128xi32, #tpu.memory_space<vmem>>
        %dma_wait3A_216 = arith.constant 0 : i32
        %dma_wait3A_217 = arith.constant 0 : i32
        %dma_wait3A_218 = tpu.memref_slice %arg2[%dma_wait3A_216, %dma_wait3A_217] : memref<10000x128xf32, #tpu.memory_space<hbm>> -> memref<10000x128xf32, #tpu.memory_space<hbm>>
        tpu.wait_indirect_dma semaphore(%arg16 : memref<!tpu.dma_semaphore, #tpu.memory_space<semaphore_mem>>) src(%dma_wait3A_218 : memref<10000x128xf32, #tpu.memory_space<hbm>>) dst(%arg14 : memref<128x128xf32, #tpu.memory_space<vmem>>)
        %dma_start3A_219 = arith.constant 6 : i32
        %dma_start3A_220 = arith.constant 0 : i32
        %dma_start3A_221 = tpu.memref_slice %arg13[%dma_start3A_219, %dma_start3A_220] : memref<8x128xi32, #tpu.memory_space<vmem>> -> memref<1x128xi32, #tpu.memory_space<vmem>>
        %dma_start3A_222 = tpu.memref_squeeze %dma_start3A_221 : memref<1x128xi32, #tpu.memory_space<vmem>> -> memref<128xi32, #tpu.memory_space<vmem>>
        %dma_start3A_223 = arith.constant 0 : i32
        %dma_start3A_224 = arith.constant 0 : i32
        %dma_start3A_225 = tpu.memref_slice %arg11[%dma_start3A_223, %dma_start3A_224] : memref<10112x128xf32, #tpu.memory_space<vmem_shared>> -> memref<10112x128xf32, #tpu.memory_space<vmem_shared>>
        tpu.enqueue_indirect_dma source(%arg14 : memref<128x128xf32, #tpu.memory_space<vmem>>) target(%dma_start3A_225 : memref<10112x128xf32, #tpu.memory_space<vmem_shared>>) offsets(%dma_start3A_222 : memref<128xi32, #tpu.memory_space<vmem>>) semaphore(%arg18 : memref<!tpu.dma_semaphore, #tpu.memory_space<semaphore_mem>>) {add = true}
        %dma_wait3A_226 = arith.constant 7 : i32
        %dma_wait3A_227 = arith.constant 0 : i32
        %dma_wait3A_228 = tpu.memref_slice %arg12[%dma_wait3A_226, %dma_wait3A_227] : memref<8x128xi32, #tpu.memory_space<vmem>> -> memref<1x128xi32, #tpu.memory_space<vmem>>
        %dma_wait3A_229 = tpu.memref_squeeze %dma_wait3A_228 : memref<1x128xi32, #tpu.memory_space<vmem>> -> memref<128xi32, #tpu.memory_space<vmem>>
        %dma_wait3A_230 = arith.constant 0 : i32
        %dma_wait3A_231 = arith.constant 0 : i32
        %dma_wait3A_232 = tpu.memref_slice %arg2[%dma_wait3A_230, %dma_wait3A_231] : memref<10000x128xf32, #tpu.memory_space<hbm>> -> memref<10000x128xf32, #tpu.memory_space<hbm>>
        tpu.wait_indirect_dma semaphore(%arg17 : memref<!tpu.dma_semaphore, #tpu.memory_space<semaphore_mem>>) src(%dma_wait3A_232 : memref<10000x128xf32, #tpu.memory_space<hbm>>) dst(%arg15 : memref<128x128xf32, #tpu.memory_space<vmem>>)
        %dma_start3A_233 = arith.constant 7 : i32
        %dma_start3A_234 = arith.constant 0 : i32
        %dma_start3A_235 = tpu.memref_slice %arg13[%dma_start3A_233, %dma_start3A_234] : memref<8x128xi32, #tpu.memory_space<vmem>> -> memref<1x128xi32, #tpu.memory_space<vmem>>
        %dma_start3A_236 = tpu.memref_squeeze %dma_start3A_235 : memref<1x128xi32, #tpu.memory_space<vmem>> -> memref<128xi32, #tpu.memory_space<vmem>>
        %dma_start3A_237 = arith.constant 0 : i32
        %dma_start3A_238 = arith.constant 0 : i32
        %dma_start3A_239 = tpu.memref_slice %arg11[%dma_start3A_237, %dma_start3A_238] : memref<10112x128xf32, #tpu.memory_space<vmem_shared>> -> memref<10112x128xf32, #tpu.memory_space<vmem_shared>>
        tpu.enqueue_indirect_dma source(%arg15 : memref<128x128xf32, #tpu.memory_space<vmem>>) target(%dma_start3A_239 : memref<10112x128xf32, #tpu.memory_space<vmem_shared>>) offsets(%dma_start3A_236 : memref<128xi32, #tpu.memory_space<vmem>>) semaphore(%arg19 : memref<!tpu.dma_semaphore, #tpu.memory_space<semaphore_mem>>) {add = true}
        %dma_wait3A_240 = arith.constant 6 : i32
        %dma_wait3A_241 = arith.constant 0 : i32
        %dma_wait3A_242 = tpu.memref_slice %arg13[%dma_wait3A_240, %dma_wait3A_241] : memref<8x128xi32, #tpu.memory_space<vmem>> -> memref<1x128xi32, #tpu.memory_space<vmem>>
        %dma_wait3A_243 = tpu.memref_squeeze %dma_wait3A_242 : memref<1x128xi32, #tpu.memory_space<vmem>> -> memref<128xi32, #tpu.memory_space<vmem>>
        %dma_wait3A_244 = arith.constant 0 : i32
        %dma_wait3A_245 = arith.constant 0 : i32
        %dma_wait3A_246 = tpu.memref_slice %arg11[%dma_wait3A_244, %dma_wait3A_245] : memref<10112x128xf32, #tpu.memory_space<vmem_shared>> -> memref<10112x128xf32, #tpu.memory_space<vmem_shared>>
        tpu.wait_indirect_dma semaphore(%arg18 : memref<!tpu.dma_semaphore, #tpu.memory_space<semaphore_mem>>) src(%arg14 : memref<128x128xf32, #tpu.memory_space<vmem>>) dst(%dma_wait3A_246 : memref<10112x128xf32, #tpu.memory_space<vmem_shared>>)
        %dma_wait3A_247 = arith.constant 7 : i32
        %dma_wait3A_248 = arith.constant 0 : i32
        %dma_wait3A_249 = tpu.memref_slice %arg13[%dma_wait3A_247, %dma_wait3A_248] : memref<8x128xi32, #tpu.memory_space<vmem>> -> memref<1x128xi32, #tpu.memory_space<vmem>>
        %dma_wait3A_250 = tpu.memref_squeeze %dma_wait3A_249 : memref<1x128xi32, #tpu.memory_space<vmem>> -> memref<128xi32, #tpu.memory_space<vmem>>
        %dma_wait3A_251 = arith.constant 0 : i32
        %dma_wait3A_252 = arith.constant 0 : i32
        %dma_wait3A_253 = tpu.memref_slice %arg11[%dma_wait3A_251, %dma_wait3A_252] : memref<10112x128xf32, #tpu.memory_space<vmem_shared>> -> memref<10112x128xf32, #tpu.memory_space<vmem_shared>>
        tpu.wait_indirect_dma semaphore(%arg19 : memref<!tpu.dma_semaphore, #tpu.memory_space<semaphore_mem>>) src(%arg15 : memref<128x128xf32, #tpu.memory_space<vmem>>) dst(%dma_wait3A_253 : memref<10112x128xf32, #tpu.memory_space<vmem_shared>>)
      }
      %scan3A_24 = arith.constant 20 : i32
    } else {
    }
    %eq3A_3 = arith.constant 1 : i32
    %eq3A_4 = arith.cmpi eq, %arg0, %eq3A_3 : i32
    %convert_element_type3A_5 = arith.extui %eq3A_4 : i1 to i32
    %cond3A_6 = arith.constant 0 : i32
    %cond3A_7 = arith.cmpi ne, %convert_element_type3A_5, %cond3A_6 : i32
    scf.if %cond3A_7 {
      %mul3A_19 = arith.constant 160 : i32
      %mul3A_20 = arith.muli %arg1, %mul3A_19 : i32
      %scan3A = arith.constant 0 : i32
      %scan3A_21 = arith.constant 20 : i32
      %scan3A_22 = arith.addi %scan3A, %scan3A_21 : i32
      %scan3A_23 = arith.constant 1 : i32
      scf.for %scan3A_25 = %scan3A to %scan3A_22 step %scan3A_23  : i32 {
        %mul3A_26 = arith.constant 1 : i32
        %mul3A_27 = arith.muli %scan3A_25, %mul3A_26 : i32
        %add3A = arith.constant 0 : i32
        %add3A_28 = arith.addi %add3A, %mul3A_27 : i32
        %mul3A_29 = arith.constant 8 : i32
        %mul3A_30 = arith.muli %add3A_28, %mul3A_29 : i32
        %add3A_31 = arith.addi %mul3A_20, %mul3A_30 : i32
        %multiple_of3A = tpu.assume_multiple %add3A_31, 8 : i32
        "tpu.region"() ({
          %run_scoped3A = tpu.sem_alloc : memref<!tpu.dma_semaphore, #tpu.memory_space<semaphore_mem>>
          %dma_start3A_254 = arith.constant 0 : i32
          %dma_start3A_255 = tpu.memref_slice %arg6[%multiple_of3A, %dma_start3A_254] : memref<2560x128xi32, #tpu.memory_space<hbm>> -> memref<8x128xi32, #tpu.memory_space<hbm>>
          %dma_start3A_256 = arith.constant 0 : i32
          %dma_start3A_257 = tpu.memref_slice %arg6[%multiple_of3A, %dma_start3A_256] : memref<2560x128xi32, #tpu.memory_space<hbm>> -> memref<8x128xi32, #tpu.memory_space<hbm>>
          tpu.enqueue_dma source(%dma_start3A_257 : memref<8x128xi32, #tpu.memory_space<hbm>>) target(%arg12 : memref<8x128xi32, #tpu.memory_space<vmem>>) target_semaphore(%run_scoped3A : memref<!tpu.dma_semaphore, #tpu.memory_space<semaphore_mem>>)
          %dma_wait3A_258 = arith.constant 0 : i32
          %dma_wait3A_259 = tpu.memref_slice %arg6[%multiple_of3A, %dma_wait3A_258] : memref<2560x128xi32, #tpu.memory_space<hbm>> -> memref<8x128xi32, #tpu.memory_space<hbm>>
          %dma_wait3A_260 = arith.constant 0 : i32
          %dma_wait3A_261 = tpu.memref_slice %arg6[%multiple_of3A, %dma_wait3A_260] : memref<2560x128xi32, #tpu.memory_space<hbm>> -> memref<8x128xi32, #tpu.memory_space<hbm>>
          tpu.wait_dma2 semaphore(%run_scoped3A : memref<!tpu.dma_semaphore, #tpu.memory_space<semaphore_mem>>) src(%dma_wait3A_261 : memref<8x128xi32, #tpu.memory_space<hbm>>) dst(%arg12 : memref<8x128xi32, #tpu.memory_space<vmem>>)
          tpu.yield
        }) : () -> ()
        "tpu.region"() ({
          %run_scoped3A = tpu.sem_alloc : memref<!tpu.dma_semaphore, #tpu.memory_space<semaphore_mem>>
          %dma_start3A_254 = arith.constant 0 : i32
          %dma_start3A_255 = tpu.memref_slice %arg7[%multiple_of3A, %dma_start3A_254] : memref<2560x128xi32, #tpu.memory_space<hbm>> -> memref<8x128xi32, #tpu.memory_space<hbm>>
          %dma_start3A_256 = arith.constant 0 : i32
          %dma_start3A_257 = tpu.memref_slice %arg7[%multiple_of3A, %dma_start3A_256] : memref<2560x128xi32, #tpu.memory_space<hbm>> -> memref<8x128xi32, #tpu.memory_space<hbm>>
          tpu.enqueue_dma source(%dma_start3A_257 : memref<8x128xi32, #tpu.memory_space<hbm>>) target(%arg13 : memref<8x128xi32, #tpu.memory_space<vmem>>) target_semaphore(%run_scoped3A : memref<!tpu.dma_semaphore, #tpu.memory_space<semaphore_mem>>)
          %dma_wait3A_258 = arith.constant 0 : i32
          %dma_wait3A_259 = tpu.memref_slice %arg7[%multiple_of3A, %dma_wait3A_258] : memref<2560x128xi32, #tpu.memory_space<hbm>> -> memref<8x128xi32, #tpu.memory_space<hbm>>
          %dma_wait3A_260 = arith.constant 0 : i32
          %dma_wait3A_261 = tpu.memref_slice %arg7[%multiple_of3A, %dma_wait3A_260] : memref<2560x128xi32, #tpu.memory_space<hbm>> -> memref<8x128xi32, #tpu.memory_space<hbm>>
          tpu.wait_dma2 semaphore(%run_scoped3A : memref<!tpu.dma_semaphore, #tpu.memory_space<semaphore_mem>>) src(%dma_wait3A_261 : memref<8x128xi32, #tpu.memory_space<hbm>>) dst(%arg13 : memref<8x128xi32, #tpu.memory_space<vmem>>)
          tpu.yield
        }) : () -> ()
        %dma_start3A = arith.constant 0 : i32
        %dma_start3A_32 = arith.constant 0 : i32
        %dma_start3A_33 = tpu.memref_slice %arg12[%dma_start3A, %dma_start3A_32] : memref<8x128xi32, #tpu.memory_space<vmem>> -> memref<1x128xi32, #tpu.memory_space<vmem>>
        %dma_start3A_34 = tpu.memref_squeeze %dma_start3A_33 : memref<1x128xi32, #tpu.memory_space<vmem>> -> memref<128xi32, #tpu.memory_space<vmem>>
        %dma_start3A_35 = arith.constant 0 : i32
        %dma_start3A_36 = arith.constant 0 : i32
        %dma_start3A_37 = tpu.memref_slice %arg5[%dma_start3A_35, %dma_start3A_36] : memref<10000x128xf32, #tpu.memory_space<hbm>> -> memref<10000x128xf32, #tpu.memory_space<hbm>>
        tpu.enqueue_indirect_dma source(%dma_start3A_37 : memref<10000x128xf32, #tpu.memory_space<hbm>>) target(%arg14 : memref<128x128xf32, #tpu.memory_space<vmem>>) offsets(%dma_start3A_34 : memref<128xi32, #tpu.memory_space<vmem>>) semaphore(%arg16 : memref<!tpu.dma_semaphore, #tpu.memory_space<semaphore_mem>>)
        %dma_start3A_38 = arith.constant 1 : i32
        %dma_start3A_39 = arith.constant 0 : i32
        %dma_start3A_40 = tpu.memref_slice %arg12[%dma_start3A_38, %dma_start3A_39] : memref<8x128xi32, #tpu.memory_space<vmem>> -> memref<1x128xi32, #tpu.memory_space<vmem>>
        %dma_start3A_41 = tpu.memref_squeeze %dma_start3A_40 : memref<1x128xi32, #tpu.memory_space<vmem>> -> memref<128xi32, #tpu.memory_space<vmem>>
        %dma_start3A_42 = arith.constant 0 : i32
        %dma_start3A_43 = arith.constant 0 : i32
        %dma_start3A_44 = tpu.memref_slice %arg5[%dma_start3A_42, %dma_start3A_43] : memref<10000x128xf32, #tpu.memory_space<hbm>> -> memref<10000x128xf32, #tpu.memory_space<hbm>>
        tpu.enqueue_indirect_dma source(%dma_start3A_44 : memref<10000x128xf32, #tpu.memory_space<hbm>>) target(%arg15 : memref<128x128xf32, #tpu.memory_space<vmem>>) offsets(%dma_start3A_41 : memref<128xi32, #tpu.memory_space<vmem>>) semaphore(%arg17 : memref<!tpu.dma_semaphore, #tpu.memory_space<semaphore_mem>>)
        %dma_wait3A = arith.constant 0 : i32
        %dma_wait3A_45 = arith.constant 0 : i32
        %dma_wait3A_46 = tpu.memref_slice %arg12[%dma_wait3A, %dma_wait3A_45] : memref<8x128xi32, #tpu.memory_space<vmem>> -> memref<1x128xi32, #tpu.memory_space<vmem>>
        %dma_wait3A_47 = tpu.memref_squeeze %dma_wait3A_46 : memref<1x128xi32, #tpu.memory_space<vmem>> -> memref<128xi32, #tpu.memory_space<vmem>>
        %dma_wait3A_48 = arith.constant 0 : i32
        %dma_wait3A_49 = arith.constant 0 : i32
        %dma_wait3A_50 = tpu.memref_slice %arg5[%dma_wait3A_48, %dma_wait3A_49] : memref<10000x128xf32, #tpu.memory_space<hbm>> -> memref<10000x128xf32, #tpu.memory_space<hbm>>
        tpu.wait_indirect_dma semaphore(%arg16 : memref<!tpu.dma_semaphore, #tpu.memory_space<semaphore_mem>>) src(%dma_wait3A_50 : memref<10000x128xf32, #tpu.memory_space<hbm>>) dst(%arg14 : memref<128x128xf32, #tpu.memory_space<vmem>>)
        %dma_start3A_51 = arith.constant 0 : i32
        %dma_start3A_52 = arith.constant 0 : i32
        %dma_start3A_53 = tpu.memref_slice %arg13[%dma_start3A_51, %dma_start3A_52] : memref<8x128xi32, #tpu.memory_space<vmem>> -> memref<1x128xi32, #tpu.memory_space<vmem>>
        %dma_start3A_54 = tpu.memref_squeeze %dma_start3A_53 : memref<1x128xi32, #tpu.memory_space<vmem>> -> memref<128xi32, #tpu.memory_space<vmem>>
        %dma_start3A_55 = arith.constant 0 : i32
        %dma_start3A_56 = arith.constant 0 : i32
        %dma_start3A_57 = tpu.memref_slice %arg11[%dma_start3A_55, %dma_start3A_56] : memref<10112x128xf32, #tpu.memory_space<vmem_shared>> -> memref<10112x128xf32, #tpu.memory_space<vmem_shared>>
        tpu.enqueue_indirect_dma source(%arg14 : memref<128x128xf32, #tpu.memory_space<vmem>>) target(%dma_start3A_57 : memref<10112x128xf32, #tpu.memory_space<vmem_shared>>) offsets(%dma_start3A_54 : memref<128xi32, #tpu.memory_space<vmem>>) semaphore(%arg18 : memref<!tpu.dma_semaphore, #tpu.memory_space<semaphore_mem>>) {add = true}
        %dma_wait3A_58 = arith.constant 0 : i32
        %dma_wait3A_59 = arith.constant 0 : i32
        %dma_wait3A_60 = tpu.memref_slice %arg13[%dma_wait3A_58, %dma_wait3A_59] : memref<8x128xi32, #tpu.memory_space<vmem>> -> memref<1x128xi32, #tpu.memory_space<vmem>>
        %dma_wait3A_61 = tpu.memref_squeeze %dma_wait3A_60 : memref<1x128xi32, #tpu.memory_space<vmem>> -> memref<128xi32, #tpu.memory_space<vmem>>
        %dma_wait3A_62 = arith.constant 0 : i32
        %dma_wait3A_63 = arith.constant 0 : i32
        %dma_wait3A_64 = tpu.memref_slice %arg11[%dma_wait3A_62, %dma_wait3A_63] : memref<10112x128xf32, #tpu.memory_space<vmem_shared>> -> memref<10112x128xf32, #tpu.memory_space<vmem_shared>>
        tpu.wait_indirect_dma semaphore(%arg18 : memref<!tpu.dma_semaphore, #tpu.memory_space<semaphore_mem>>) src(%arg14 : memref<128x128xf32, #tpu.memory_space<vmem>>) dst(%dma_wait3A_64 : memref<10112x128xf32, #tpu.memory_space<vmem_shared>>)
        %dma_start3A_65 = arith.constant 2 : i32
        %dma_start3A_66 = arith.constant 0 : i32
        %dma_start3A_67 = tpu.memref_slice %arg12[%dma_start3A_65, %dma_start3A_66] : memref<8x128xi32, #tpu.memory_space<vmem>> -> memref<1x128xi32, #tpu.memory_space<vmem>>
        %dma_start3A_68 = tpu.memref_squeeze %dma_start3A_67 : memref<1x128xi32, #tpu.memory_space<vmem>> -> memref<128xi32, #tpu.memory_space<vmem>>
        %dma_start3A_69 = arith.constant 0 : i32
        %dma_start3A_70 = arith.constant 0 : i32
        %dma_start3A_71 = tpu.memref_slice %arg5[%dma_start3A_69, %dma_start3A_70] : memref<10000x128xf32, #tpu.memory_space<hbm>> -> memref<10000x128xf32, #tpu.memory_space<hbm>>
        tpu.enqueue_indirect_dma source(%dma_start3A_71 : memref<10000x128xf32, #tpu.memory_space<hbm>>) target(%arg14 : memref<128x128xf32, #tpu.memory_space<vmem>>) offsets(%dma_start3A_68 : memref<128xi32, #tpu.memory_space<vmem>>) semaphore(%arg16 : memref<!tpu.dma_semaphore, #tpu.memory_space<semaphore_mem>>)
        %dma_wait3A_72 = arith.constant 1 : i32
        %dma_wait3A_73 = arith.constant 0 : i32
        %dma_wait3A_74 = tpu.memref_slice %arg12[%dma_wait3A_72, %dma_wait3A_73] : memref<8x128xi32, #tpu.memory_space<vmem>> -> memref<1x128xi32, #tpu.memory_space<vmem>>
        %dma_wait3A_75 = tpu.memref_squeeze %dma_wait3A_74 : memref<1x128xi32, #tpu.memory_space<vmem>> -> memref<128xi32, #tpu.memory_space<vmem>>
        %dma_wait3A_76 = arith.constant 0 : i32
        %dma_wait3A_77 = arith.constant 0 : i32
        %dma_wait3A_78 = tpu.memref_slice %arg5[%dma_wait3A_76, %dma_wait3A_77] : memref<10000x128xf32, #tpu.memory_space<hbm>> -> memref<10000x128xf32, #tpu.memory_space<hbm>>
        tpu.wait_indirect_dma semaphore(%arg17 : memref<!tpu.dma_semaphore, #tpu.memory_space<semaphore_mem>>) src(%dma_wait3A_78 : memref<10000x128xf32, #tpu.memory_space<hbm>>) dst(%arg15 : memref<128x128xf32, #tpu.memory_space<vmem>>)
        %dma_start3A_79 = arith.constant 1 : i32
        %dma_start3A_80 = arith.constant 0 : i32
        %dma_start3A_81 = tpu.memref_slice %arg13[%dma_start3A_79, %dma_start3A_80] : memref<8x128xi32, #tpu.memory_space<vmem>> -> memref<1x128xi32, #tpu.memory_space<vmem>>
        %dma_start3A_82 = tpu.memref_squeeze %dma_start3A_81 : memref<1x128xi32, #tpu.memory_space<vmem>> -> memref<128xi32, #tpu.memory_space<vmem>>
        %dma_start3A_83 = arith.constant 0 : i32
        %dma_start3A_84 = arith.constant 0 : i32
        %dma_start3A_85 = tpu.memref_slice %arg11[%dma_start3A_83, %dma_start3A_84] : memref<10112x128xf32, #tpu.memory_space<vmem_shared>> -> memref<10112x128xf32, #tpu.memory_space<vmem_shared>>
        tpu.enqueue_indirect_dma source(%arg15 : memref<128x128xf32, #tpu.memory_space<vmem>>) target(%dma_start3A_85 : memref<10112x128xf32, #tpu.memory_space<vmem_shared>>) offsets(%dma_start3A_82 : memref<128xi32, #tpu.memory_space<vmem>>) semaphore(%arg19 : memref<!tpu.dma_semaphore, #tpu.memory_space<semaphore_mem>>) {add = true}
        %dma_wait3A_86 = arith.constant 1 : i32
        %dma_wait3A_87 = arith.constant 0 : i32
        %dma_wait3A_88 = tpu.memref_slice %arg13[%dma_wait3A_86, %dma_wait3A_87] : memref<8x128xi32, #tpu.memory_space<vmem>> -> memref<1x128xi32, #tpu.memory_space<vmem>>
        %dma_wait3A_89 = tpu.memref_squeeze %dma_wait3A_88 : memref<1x128xi32, #tpu.memory_space<vmem>> -> memref<128xi32, #tpu.memory_space<vmem>>
        %dma_wait3A_90 = arith.constant 0 : i32
        %dma_wait3A_91 = arith.constant 0 : i32
        %dma_wait3A_92 = tpu.memref_slice %arg11[%dma_wait3A_90, %dma_wait3A_91] : memref<10112x128xf32, #tpu.memory_space<vmem_shared>> -> memref<10112x128xf32, #tpu.memory_space<vmem_shared>>
        tpu.wait_indirect_dma semaphore(%arg19 : memref<!tpu.dma_semaphore, #tpu.memory_space<semaphore_mem>>) src(%arg15 : memref<128x128xf32, #tpu.memory_space<vmem>>) dst(%dma_wait3A_92 : memref<10112x128xf32, #tpu.memory_space<vmem_shared>>)
        %dma_start3A_93 = arith.constant 3 : i32
        %dma_start3A_94 = arith.constant 0 : i32
        %dma_start3A_95 = tpu.memref_slice %arg12[%dma_start3A_93, %dma_start3A_94] : memref<8x128xi32, #tpu.memory_space<vmem>> -> memref<1x128xi32, #tpu.memory_space<vmem>>
        %dma_start3A_96 = tpu.memref_squeeze %dma_start3A_95 : memref<1x128xi32, #tpu.memory_space<vmem>> -> memref<128xi32, #tpu.memory_space<vmem>>
        %dma_start3A_97 = arith.constant 0 : i32
        %dma_start3A_98 = arith.constant 0 : i32
        %dma_start3A_99 = tpu.memref_slice %arg5[%dma_start3A_97, %dma_start3A_98] : memref<10000x128xf32, #tpu.memory_space<hbm>> -> memref<10000x128xf32, #tpu.memory_space<hbm>>
        tpu.enqueue_indirect_dma source(%dma_start3A_99 : memref<10000x128xf32, #tpu.memory_space<hbm>>) target(%arg15 : memref<128x128xf32, #tpu.memory_space<vmem>>) offsets(%dma_start3A_96 : memref<128xi32, #tpu.memory_space<vmem>>) semaphore(%arg17 : memref<!tpu.dma_semaphore, #tpu.memory_space<semaphore_mem>>)
        %dma_wait3A_100 = arith.constant 2 : i32
        %dma_wait3A_101 = arith.constant 0 : i32
        %dma_wait3A_102 = tpu.memref_slice %arg12[%dma_wait3A_100, %dma_wait3A_101] : memref<8x128xi32, #tpu.memory_space<vmem>> -> memref<1x128xi32, #tpu.memory_space<vmem>>
        %dma_wait3A_103 = tpu.memref_squeeze %dma_wait3A_102 : memref<1x128xi32, #tpu.memory_space<vmem>> -> memref<128xi32, #tpu.memory_space<vmem>>
        %dma_wait3A_104 = arith.constant 0 : i32
        %dma_wait3A_105 = arith.constant 0 : i32
        %dma_wait3A_106 = tpu.memref_slice %arg5[%dma_wait3A_104, %dma_wait3A_105] : memref<10000x128xf32, #tpu.memory_space<hbm>> -> memref<10000x128xf32, #tpu.memory_space<hbm>>
        tpu.wait_indirect_dma semaphore(%arg16 : memref<!tpu.dma_semaphore, #tpu.memory_space<semaphore_mem>>) src(%dma_wait3A_106 : memref<10000x128xf32, #tpu.memory_space<hbm>>) dst(%arg14 : memref<128x128xf32, #tpu.memory_space<vmem>>)
        %dma_start3A_107 = arith.constant 2 : i32
        %dma_start3A_108 = arith.constant 0 : i32
        %dma_start3A_109 = tpu.memref_slice %arg13[%dma_start3A_107, %dma_start3A_108] : memref<8x128xi32, #tpu.memory_space<vmem>> -> memref<1x128xi32, #tpu.memory_space<vmem>>
        %dma_start3A_110 = tpu.memref_squeeze %dma_start3A_109 : memref<1x128xi32, #tpu.memory_space<vmem>> -> memref<128xi32, #tpu.memory_space<vmem>>
        %dma_start3A_111 = arith.constant 0 : i32
        %dma_start3A_112 = arith.constant 0 : i32
        %dma_start3A_113 = tpu.memref_slice %arg11[%dma_start3A_111, %dma_start3A_112] : memref<10112x128xf32, #tpu.memory_space<vmem_shared>> -> memref<10112x128xf32, #tpu.memory_space<vmem_shared>>
        tpu.enqueue_indirect_dma source(%arg14 : memref<128x128xf32, #tpu.memory_space<vmem>>) target(%dma_start3A_113 : memref<10112x128xf32, #tpu.memory_space<vmem_shared>>) offsets(%dma_start3A_110 : memref<128xi32, #tpu.memory_space<vmem>>) semaphore(%arg18 : memref<!tpu.dma_semaphore, #tpu.memory_space<semaphore_mem>>) {add = true}
        %dma_wait3A_114 = arith.constant 2 : i32
        %dma_wait3A_115 = arith.constant 0 : i32
        %dma_wait3A_116 = tpu.memref_slice %arg13[%dma_wait3A_114, %dma_wait3A_115] : memref<8x128xi32, #tpu.memory_space<vmem>> -> memref<1x128xi32, #tpu.memory_space<vmem>>
        %dma_wait3A_117 = tpu.memref_squeeze %dma_wait3A_116 : memref<1x128xi32, #tpu.memory_space<vmem>> -> memref<128xi32, #tpu.memory_space<vmem>>
        %dma_wait3A_118 = arith.constant 0 : i32
        %dma_wait3A_119 = arith.constant 0 : i32
        %dma_wait3A_120 = tpu.memref_slice %arg11[%dma_wait3A_118, %dma_wait3A_119] : memref<10112x128xf32, #tpu.memory_space<vmem_shared>> -> memref<10112x128xf32, #tpu.memory_space<vmem_shared>>
        tpu.wait_indirect_dma semaphore(%arg18 : memref<!tpu.dma_semaphore, #tpu.memory_space<semaphore_mem>>) src(%arg14 : memref<128x128xf32, #tpu.memory_space<vmem>>) dst(%dma_wait3A_120 : memref<10112x128xf32, #tpu.memory_space<vmem_shared>>)
        %dma_start3A_121 = arith.constant 4 : i32
        %dma_start3A_122 = arith.constant 0 : i32
        %dma_start3A_123 = tpu.memref_slice %arg12[%dma_start3A_121, %dma_start3A_122] : memref<8x128xi32, #tpu.memory_space<vmem>> -> memref<1x128xi32, #tpu.memory_space<vmem>>
        %dma_start3A_124 = tpu.memref_squeeze %dma_start3A_123 : memref<1x128xi32, #tpu.memory_space<vmem>> -> memref<128xi32, #tpu.memory_space<vmem>>
        %dma_start3A_125 = arith.constant 0 : i32
        %dma_start3A_126 = arith.constant 0 : i32
        %dma_start3A_127 = tpu.memref_slice %arg5[%dma_start3A_125, %dma_start3A_126] : memref<10000x128xf32, #tpu.memory_space<hbm>> -> memref<10000x128xf32, #tpu.memory_space<hbm>>
        tpu.enqueue_indirect_dma source(%dma_start3A_127 : memref<10000x128xf32, #tpu.memory_space<hbm>>) target(%arg14 : memref<128x128xf32, #tpu.memory_space<vmem>>) offsets(%dma_start3A_124 : memref<128xi32, #tpu.memory_space<vmem>>) semaphore(%arg16 : memref<!tpu.dma_semaphore, #tpu.memory_space<semaphore_mem>>)
        %dma_wait3A_128 = arith.constant 3 : i32
        %dma_wait3A_129 = arith.constant 0 : i32
        %dma_wait3A_130 = tpu.memref_slice %arg12[%dma_wait3A_128, %dma_wait3A_129] : memref<8x128xi32, #tpu.memory_space<vmem>> -> memref<1x128xi32, #tpu.memory_space<vmem>>
        %dma_wait3A_131 = tpu.memref_squeeze %dma_wait3A_130 : memref<1x128xi32, #tpu.memory_space<vmem>> -> memref<128xi32, #tpu.memory_space<vmem>>
        %dma_wait3A_132 = arith.constant 0 : i32
        %dma_wait3A_133 = arith.constant 0 : i32
        %dma_wait3A_134 = tpu.memref_slice %arg5[%dma_wait3A_132, %dma_wait3A_133] : memref<10000x128xf32, #tpu.memory_space<hbm>> -> memref<10000x128xf32, #tpu.memory_space<hbm>>
        tpu.wait_indirect_dma semaphore(%arg17 : memref<!tpu.dma_semaphore, #tpu.memory_space<semaphore_mem>>) src(%dma_wait3A_134 : memref<10000x128xf32, #tpu.memory_space<hbm>>) dst(%arg15 : memref<128x128xf32, #tpu.memory_space<vmem>>)
        %dma_start3A_135 = arith.constant 3 : i32
        %dma_start3A_136 = arith.constant 0 : i32
        %dma_start3A_137 = tpu.memref_slice %arg13[%dma_start3A_135, %dma_start3A_136] : memref<8x128xi32, #tpu.memory_space<vmem>> -> memref<1x128xi32, #tpu.memory_space<vmem>>
        %dma_start3A_138 = tpu.memref_squeeze %dma_start3A_137 : memref<1x128xi32, #tpu.memory_space<vmem>> -> memref<128xi32, #tpu.memory_space<vmem>>
        %dma_start3A_139 = arith.constant 0 : i32
        %dma_start3A_140 = arith.constant 0 : i32
        %dma_start3A_141 = tpu.memref_slice %arg11[%dma_start3A_139, %dma_start3A_140] : memref<10112x128xf32, #tpu.memory_space<vmem_shared>> -> memref<10112x128xf32, #tpu.memory_space<vmem_shared>>
        tpu.enqueue_indirect_dma source(%arg15 : memref<128x128xf32, #tpu.memory_space<vmem>>) target(%dma_start3A_141 : memref<10112x128xf32, #tpu.memory_space<vmem_shared>>) offsets(%dma_start3A_138 : memref<128xi32, #tpu.memory_space<vmem>>) semaphore(%arg19 : memref<!tpu.dma_semaphore, #tpu.memory_space<semaphore_mem>>) {add = true}
        %dma_wait3A_142 = arith.constant 3 : i32
        %dma_wait3A_143 = arith.constant 0 : i32
        %dma_wait3A_144 = tpu.memref_slice %arg13[%dma_wait3A_142, %dma_wait3A_143] : memref<8x128xi32, #tpu.memory_space<vmem>> -> memref<1x128xi32, #tpu.memory_space<vmem>>
        %dma_wait3A_145 = tpu.memref_squeeze %dma_wait3A_144 : memref<1x128xi32, #tpu.memory_space<vmem>> -> memref<128xi32, #tpu.memory_space<vmem>>
        %dma_wait3A_146 = arith.constant 0 : i32
        %dma_wait3A_147 = arith.constant 0 : i32
        %dma_wait3A_148 = tpu.memref_slice %arg11[%dma_wait3A_146, %dma_wait3A_147] : memref<10112x128xf32, #tpu.memory_space<vmem_shared>> -> memref<10112x128xf32, #tpu.memory_space<vmem_shared>>
        tpu.wait_indirect_dma semaphore(%arg19 : memref<!tpu.dma_semaphore, #tpu.memory_space<semaphore_mem>>) src(%arg15 : memref<128x128xf32, #tpu.memory_space<vmem>>) dst(%dma_wait3A_148 : memref<10112x128xf32, #tpu.memory_space<vmem_shared>>)
        %dma_start3A_149 = arith.constant 5 : i32
        %dma_start3A_150 = arith.constant 0 : i32
        %dma_start3A_151 = tpu.memref_slice %arg12[%dma_start3A_149, %dma_start3A_150] : memref<8x128xi32, #tpu.memory_space<vmem>> -> memref<1x128xi32, #tpu.memory_space<vmem>>
        %dma_start3A_152 = tpu.memref_squeeze %dma_start3A_151 : memref<1x128xi32, #tpu.memory_space<vmem>> -> memref<128xi32, #tpu.memory_space<vmem>>
        %dma_start3A_153 = arith.constant 0 : i32
        %dma_start3A_154 = arith.constant 0 : i32
        %dma_start3A_155 = tpu.memref_slice %arg5[%dma_start3A_153, %dma_start3A_154] : memref<10000x128xf32, #tpu.memory_space<hbm>> -> memref<10000x128xf32, #tpu.memory_space<hbm>>
        tpu.enqueue_indirect_dma source(%dma_start3A_155 : memref<10000x128xf32, #tpu.memory_space<hbm>>) target(%arg15 : memref<128x128xf32, #tpu.memory_space<vmem>>) offsets(%dma_start3A_152 : memref<128xi32, #tpu.memory_space<vmem>>) semaphore(%arg17 : memref<!tpu.dma_semaphore, #tpu.memory_space<semaphore_mem>>)
        %dma_wait3A_156 = arith.constant 4 : i32
        %dma_wait3A_157 = arith.constant 0 : i32
        %dma_wait3A_158 = tpu.memref_slice %arg12[%dma_wait3A_156, %dma_wait3A_157] : memref<8x128xi32, #tpu.memory_space<vmem>> -> memref<1x128xi32, #tpu.memory_space<vmem>>
        %dma_wait3A_159 = tpu.memref_squeeze %dma_wait3A_158 : memref<1x128xi32, #tpu.memory_space<vmem>> -> memref<128xi32, #tpu.memory_space<vmem>>
        %dma_wait3A_160 = arith.constant 0 : i32
        %dma_wait3A_161 = arith.constant 0 : i32
        %dma_wait3A_162 = tpu.memref_slice %arg5[%dma_wait3A_160, %dma_wait3A_161] : memref<10000x128xf32, #tpu.memory_space<hbm>> -> memref<10000x128xf32, #tpu.memory_space<hbm>>
        tpu.wait_indirect_dma semaphore(%arg16 : memref<!tpu.dma_semaphore, #tpu.memory_space<semaphore_mem>>) src(%dma_wait3A_162 : memref<10000x128xf32, #tpu.memory_space<hbm>>) dst(%arg14 : memref<128x128xf32, #tpu.memory_space<vmem>>)
        %dma_start3A_163 = arith.constant 4 : i32
        %dma_start3A_164 = arith.constant 0 : i32
        %dma_start3A_165 = tpu.memref_slice %arg13[%dma_start3A_163, %dma_start3A_164] : memref<8x128xi32, #tpu.memory_space<vmem>> -> memref<1x128xi32, #tpu.memory_space<vmem>>
        %dma_start3A_166 = tpu.memref_squeeze %dma_start3A_165 : memref<1x128xi32, #tpu.memory_space<vmem>> -> memref<128xi32, #tpu.memory_space<vmem>>
        %dma_start3A_167 = arith.constant 0 : i32
        %dma_start3A_168 = arith.constant 0 : i32
        %dma_start3A_169 = tpu.memref_slice %arg11[%dma_start3A_167, %dma_start3A_168] : memref<10112x128xf32, #tpu.memory_space<vmem_shared>> -> memref<10112x128xf32, #tpu.memory_space<vmem_shared>>
        tpu.enqueue_indirect_dma source(%arg14 : memref<128x128xf32, #tpu.memory_space<vmem>>) target(%dma_start3A_169 : memref<10112x128xf32, #tpu.memory_space<vmem_shared>>) offsets(%dma_start3A_166 : memref<128xi32, #tpu.memory_space<vmem>>) semaphore(%arg18 : memref<!tpu.dma_semaphore, #tpu.memory_space<semaphore_mem>>) {add = true}
        %dma_wait3A_170 = arith.constant 4 : i32
        %dma_wait3A_171 = arith.constant 0 : i32
        %dma_wait3A_172 = tpu.memref_slice %arg13[%dma_wait3A_170, %dma_wait3A_171] : memref<8x128xi32, #tpu.memory_space<vmem>> -> memref<1x128xi32, #tpu.memory_space<vmem>>
        %dma_wait3A_173 = tpu.memref_squeeze %dma_wait3A_172 : memref<1x128xi32, #tpu.memory_space<vmem>> -> memref<128xi32, #tpu.memory_space<vmem>>
        %dma_wait3A_174 = arith.constant 0 : i32
        %dma_wait3A_175 = arith.constant 0 : i32
        %dma_wait3A_176 = tpu.memref_slice %arg11[%dma_wait3A_174, %dma_wait3A_175] : memref<10112x128xf32, #tpu.memory_space<vmem_shared>> -> memref<10112x128xf32, #tpu.memory_space<vmem_shared>>
        tpu.wait_indirect_dma semaphore(%arg18 : memref<!tpu.dma_semaphore, #tpu.memory_space<semaphore_mem>>) src(%arg14 : memref<128x128xf32, #tpu.memory_space<vmem>>) dst(%dma_wait3A_176 : memref<10112x128xf32, #tpu.memory_space<vmem_shared>>)
        %dma_start3A_177 = arith.constant 6 : i32
        %dma_start3A_178 = arith.constant 0 : i32
        %dma_start3A_179 = tpu.memref_slice %arg12[%dma_start3A_177, %dma_start3A_178] : memref<8x128xi32, #tpu.memory_space<vmem>> -> memref<1x128xi32, #tpu.memory_space<vmem>>
        %dma_start3A_180 = tpu.memref_squeeze %dma_start3A_179 : memref<1x128xi32, #tpu.memory_space<vmem>> -> memref<128xi32, #tpu.memory_space<vmem>>
        %dma_start3A_181 = arith.constant 0 : i32
        %dma_start3A_182 = arith.constant 0 : i32
        %dma_start3A_183 = tpu.memref_slice %arg5[%dma_start3A_181, %dma_start3A_182] : memref<10000x128xf32, #tpu.memory_space<hbm>> -> memref<10000x128xf32, #tpu.memory_space<hbm>>
        tpu.enqueue_indirect_dma source(%dma_start3A_183 : memref<10000x128xf32, #tpu.memory_space<hbm>>) target(%arg14 : memref<128x128xf32, #tpu.memory_space<vmem>>) offsets(%dma_start3A_180 : memref<128xi32, #tpu.memory_space<vmem>>) semaphore(%arg16 : memref<!tpu.dma_semaphore, #tpu.memory_space<semaphore_mem>>)
        %dma_wait3A_184 = arith.constant 5 : i32
        %dma_wait3A_185 = arith.constant 0 : i32
        %dma_wait3A_186 = tpu.memref_slice %arg12[%dma_wait3A_184, %dma_wait3A_185] : memref<8x128xi32, #tpu.memory_space<vmem>> -> memref<1x128xi32, #tpu.memory_space<vmem>>
        %dma_wait3A_187 = tpu.memref_squeeze %dma_wait3A_186 : memref<1x128xi32, #tpu.memory_space<vmem>> -> memref<128xi32, #tpu.memory_space<vmem>>
        %dma_wait3A_188 = arith.constant 0 : i32
        %dma_wait3A_189 = arith.constant 0 : i32
        %dma_wait3A_190 = tpu.memref_slice %arg5[%dma_wait3A_188, %dma_wait3A_189] : memref<10000x128xf32, #tpu.memory_space<hbm>> -> memref<10000x128xf32, #tpu.memory_space<hbm>>
        tpu.wait_indirect_dma semaphore(%arg17 : memref<!tpu.dma_semaphore, #tpu.memory_space<semaphore_mem>>) src(%dma_wait3A_190 : memref<10000x128xf32, #tpu.memory_space<hbm>>) dst(%arg15 : memref<128x128xf32, #tpu.memory_space<vmem>>)
        %dma_start3A_191 = arith.constant 5 : i32
        %dma_start3A_192 = arith.constant 0 : i32
        %dma_start3A_193 = tpu.memref_slice %arg13[%dma_start3A_191, %dma_start3A_192] : memref<8x128xi32, #tpu.memory_space<vmem>> -> memref<1x128xi32, #tpu.memory_space<vmem>>
        %dma_start3A_194 = tpu.memref_squeeze %dma_start3A_193 : memref<1x128xi32, #tpu.memory_space<vmem>> -> memref<128xi32, #tpu.memory_space<vmem>>
        %dma_start3A_195 = arith.constant 0 : i32
        %dma_start3A_196 = arith.constant 0 : i32
        %dma_start3A_197 = tpu.memref_slice %arg11[%dma_start3A_195, %dma_start3A_196] : memref<10112x128xf32, #tpu.memory_space<vmem_shared>> -> memref<10112x128xf32, #tpu.memory_space<vmem_shared>>
        tpu.enqueue_indirect_dma source(%arg15 : memref<128x128xf32, #tpu.memory_space<vmem>>) target(%dma_start3A_197 : memref<10112x128xf32, #tpu.memory_space<vmem_shared>>) offsets(%dma_start3A_194 : memref<128xi32, #tpu.memory_space<vmem>>) semaphore(%arg19 : memref<!tpu.dma_semaphore, #tpu.memory_space<semaphore_mem>>) {add = true}
        %dma_wait3A_198 = arith.constant 5 : i32
        %dma_wait3A_199 = arith.constant 0 : i32
        %dma_wait3A_200 = tpu.memref_slice %arg13[%dma_wait3A_198, %dma_wait3A_199] : memref<8x128xi32, #tpu.memory_space<vmem>> -> memref<1x128xi32, #tpu.memory_space<vmem>>
        %dma_wait3A_201 = tpu.memref_squeeze %dma_wait3A_200 : memref<1x128xi32, #tpu.memory_space<vmem>> -> memref<128xi32, #tpu.memory_space<vmem>>
        %dma_wait3A_202 = arith.constant 0 : i32
        %dma_wait3A_203 = arith.constant 0 : i32
        %dma_wait3A_204 = tpu.memref_slice %arg11[%dma_wait3A_202, %dma_wait3A_203] : memref<10112x128xf32, #tpu.memory_space<vmem_shared>> -> memref<10112x128xf32, #tpu.memory_space<vmem_shared>>
        tpu.wait_indirect_dma semaphore(%arg19 : memref<!tpu.dma_semaphore, #tpu.memory_space<semaphore_mem>>) src(%arg15 : memref<128x128xf32, #tpu.memory_space<vmem>>) dst(%dma_wait3A_204 : memref<10112x128xf32, #tpu.memory_space<vmem_shared>>)
        %dma_start3A_205 = arith.constant 7 : i32
        %dma_start3A_206 = arith.constant 0 : i32
        %dma_start3A_207 = tpu.memref_slice %arg12[%dma_start3A_205, %dma_start3A_206] : memref<8x128xi32, #tpu.memory_space<vmem>> -> memref<1x128xi32, #tpu.memory_space<vmem>>
        %dma_start3A_208 = tpu.memref_squeeze %dma_start3A_207 : memref<1x128xi32, #tpu.memory_space<vmem>> -> memref<128xi32, #tpu.memory_space<vmem>>
        %dma_start3A_209 = arith.constant 0 : i32
        %dma_start3A_210 = arith.constant 0 : i32
        %dma_start3A_211 = tpu.memref_slice %arg5[%dma_start3A_209, %dma_start3A_210] : memref<10000x128xf32, #tpu.memory_space<hbm>> -> memref<10000x128xf32, #tpu.memory_space<hbm>>
        tpu.enqueue_indirect_dma source(%dma_start3A_211 : memref<10000x128xf32, #tpu.memory_space<hbm>>) target(%arg15 : memref<128x128xf32, #tpu.memory_space<vmem>>) offsets(%dma_start3A_208 : memref<128xi32, #tpu.memory_space<vmem>>) semaphore(%arg17 : memref<!tpu.dma_semaphore, #tpu.memory_space<semaphore_mem>>)
        %dma_wait3A_212 = arith.constant 6 : i32
        %dma_wait3A_213 = arith.constant 0 : i32
        %dma_wait3A_214 = tpu.memref_slice %arg12[%dma_wait3A_212, %dma_wait3A_213] : memref<8x128xi32, #tpu.memory_space<vmem>> -> memref<1x128xi32, #tpu.memory_space<vmem>>
        %dma_wait3A_215 = tpu.memref_squeeze %dma_wait3A_214 : memref<1x128xi32, #tpu.memory_space<vmem>> -> memref<128xi32, #tpu.memory_space<vmem>>
        %dma_wait3A_216 = arith.constant 0 : i32
        %dma_wait3A_217 = arith.constant 0 : i32
        %dma_wait3A_218 = tpu.memref_slice %arg5[%dma_wait3A_216, %dma_wait3A_217] : memref<10000x128xf32, #tpu.memory_space<hbm>> -> memref<10000x128xf32, #tpu.memory_space<hbm>>
        tpu.wait_indirect_dma semaphore(%arg16 : memref<!tpu.dma_semaphore, #tpu.memory_space<semaphore_mem>>) src(%dma_wait3A_218 : memref<10000x128xf32, #tpu.memory_space<hbm>>) dst(%arg14 : memref<128x128xf32, #tpu.memory_space<vmem>>)
        %dma_start3A_219 = arith.constant 6 : i32
        %dma_start3A_220 = arith.constant 0 : i32
        %dma_start3A_221 = tpu.memref_slice %arg13[%dma_start3A_219, %dma_start3A_220] : memref<8x128xi32, #tpu.memory_space<vmem>> -> memref<1x128xi32, #tpu.memory_space<vmem>>
        %dma_start3A_222 = tpu.memref_squeeze %dma_start3A_221 : memref<1x128xi32, #tpu.memory_space<vmem>> -> memref<128xi32, #tpu.memory_space<vmem>>
        %dma_start3A_223 = arith.constant 0 : i32
        %dma_start3A_224 = arith.constant 0 : i32
        %dma_start3A_225 = tpu.memref_slice %arg11[%dma_start3A_223, %dma_start3A_224] : memref<10112x128xf32, #tpu.memory_space<vmem_shared>> -> memref<10112x128xf32, #tpu.memory_space<vmem_shared>>
        tpu.enqueue_indirect_dma source(%arg14 : memref<128x128xf32, #tpu.memory_space<vmem>>) target(%dma_start3A_225 : memref<10112x128xf32, #tpu.memory_space<vmem_shared>>) offsets(%dma_start3A_222 : memref<128xi32, #tpu.memory_space<vmem>>) semaphore(%arg18 : memref<!tpu.dma_semaphore, #tpu.memory_space<semaphore_mem>>) {add = true}
        %dma_wait3A_226 = arith.constant 7 : i32
        %dma_wait3A_227 = arith.constant 0 : i32
        %dma_wait3A_228 = tpu.memref_slice %arg12[%dma_wait3A_226, %dma_wait3A_227] : memref<8x128xi32, #tpu.memory_space<vmem>> -> memref<1x128xi32, #tpu.memory_space<vmem>>
        %dma_wait3A_229 = tpu.memref_squeeze %dma_wait3A_228 : memref<1x128xi32, #tpu.memory_space<vmem>> -> memref<128xi32, #tpu.memory_space<vmem>>
        %dma_wait3A_230 = arith.constant 0 : i32
        %dma_wait3A_231 = arith.constant 0 : i32
        %dma_wait3A_232 = tpu.memref_slice %arg5[%dma_wait3A_230, %dma_wait3A_231] : memref<10000x128xf32, #tpu.memory_space<hbm>> -> memref<10000x128xf32, #tpu.memory_space<hbm>>
        tpu.wait_indirect_dma semaphore(%arg17 : memref<!tpu.dma_semaphore, #tpu.memory_space<semaphore_mem>>) src(%dma_wait3A_232 : memref<10000x128xf32, #tpu.memory_space<hbm>>) dst(%arg15 : memref<128x128xf32, #tpu.memory_space<vmem>>)
        %dma_start3A_233 = arith.constant 7 : i32
        %dma_start3A_234 = arith.constant 0 : i32
        %dma_start3A_235 = tpu.memref_slice %arg13[%dma_start3A_233, %dma_start3A_234] : memref<8x128xi32, #tpu.memory_space<vmem>> -> memref<1x128xi32, #tpu.memory_space<vmem>>
        %dma_start3A_236 = tpu.memref_squeeze %dma_start3A_235 : memref<1x128xi32, #tpu.memory_space<vmem>> -> memref<128xi32, #tpu.memory_space<vmem>>
        %dma_start3A_237 = arith.constant 0 : i32
        %dma_start3A_238 = arith.constant 0 : i32
        %dma_start3A_239 = tpu.memref_slice %arg11[%dma_start3A_237, %dma_start3A_238] : memref<10112x128xf32, #tpu.memory_space<vmem_shared>> -> memref<10112x128xf32, #tpu.memory_space<vmem_shared>>
        tpu.enqueue_indirect_dma source(%arg15 : memref<128x128xf32, #tpu.memory_space<vmem>>) target(%dma_start3A_239 : memref<10112x128xf32, #tpu.memory_space<vmem_shared>>) offsets(%dma_start3A_236 : memref<128xi32, #tpu.memory_space<vmem>>) semaphore(%arg19 : memref<!tpu.dma_semaphore, #tpu.memory_space<semaphore_mem>>) {add = true}
        %dma_wait3A_240 = arith.constant 6 : i32
        %dma_wait3A_241 = arith.constant 0 : i32
        %dma_wait3A_242 = tpu.memref_slice %arg13[%dma_wait3A_240, %dma_wait3A_241] : memref<8x128xi32, #tpu.memory_space<vmem>> -> memref<1x128xi32, #tpu.memory_space<vmem>>
        %dma_wait3A_243 = tpu.memref_squeeze %dma_wait3A_242 : memref<1x128xi32, #tpu.memory_space<vmem>> -> memref<128xi32, #tpu.memory_space<vmem>>
        %dma_wait3A_244 = arith.constant 0 : i32
        %dma_wait3A_245 = arith.constant 0 : i32
        %dma_wait3A_246 = tpu.memref_slice %arg11[%dma_wait3A_244, %dma_wait3A_245] : memref<10112x128xf32, #tpu.memory_space<vmem_shared>> -> memref<10112x128xf32, #tpu.memory_space<vmem_shared>>
        tpu.wait_indirect_dma semaphore(%arg18 : memref<!tpu.dma_semaphore, #tpu.memory_space<semaphore_mem>>) src(%arg14 : memref<128x128xf32, #tpu.memory_space<vmem>>) dst(%dma_wait3A_246 : memref<10112x128xf32, #tpu.memory_space<vmem_shared>>)
        %dma_wait3A_247 = arith.constant 7 : i32
        %dma_wait3A_248 = arith.constant 0 : i32
        %dma_wait3A_249 = tpu.memref_slice %arg13[%dma_wait3A_247, %dma_wait3A_248] : memref<8x128xi32, #tpu.memory_space<vmem>> -> memref<1x128xi32, #tpu.memory_space<vmem>>
        %dma_wait3A_250 = tpu.memref_squeeze %dma_wait3A_249 : memref<1x128xi32, #tpu.memory_space<vmem>> -> memref<128xi32, #tpu.memory_space<vmem>>
        %dma_wait3A_251 = arith.constant 0 : i32
        %dma_wait3A_252 = arith.constant 0 : i32
        %dma_wait3A_253 = tpu.memref_slice %arg11[%dma_wait3A_251, %dma_wait3A_252] : memref<10112x128xf32, #tpu.memory_space<vmem_shared>> -> memref<10112x128xf32, #tpu.memory_space<vmem_shared>>
        tpu.wait_indirect_dma semaphore(%arg19 : memref<!tpu.dma_semaphore, #tpu.memory_space<semaphore_mem>>) src(%arg15 : memref<128x128xf32, #tpu.memory_space<vmem>>) dst(%dma_wait3A_253 : memref<10112x128xf32, #tpu.memory_space<vmem_shared>>)
      }
      %scan3A_24 = arith.constant 20 : i32
    } else {
    }
    %barrier3A_8 = arith.constant 0 : index
    tpu.barrier barrier_id(%barrier3A_8)
    %eq3A_9 = arith.constant 0 : i32
    %eq3A_10 = arith.cmpi eq, %arg0, %eq3A_9 : i32
    %convert_element_type3A_11 = arith.extui %eq3A_10 : i1 to i32
    %cond3A_12 = arith.constant 0 : i32
    %cond3A_13 = arith.cmpi ne, %convert_element_type3A_11, %cond3A_12 : i32
    scf.if %cond3A_13 {
      %mul3A_19 = arith.constant 632 : i32
      %mul3A_20 = arith.muli %arg1, %mul3A_19 : i32
      %mul3A_21 = arith.constant 632 : i32
      %mul3A_22 = arith.muli %arg1, %mul3A_21 : i32
      "tpu.region"() ({
        %run_scoped3A = tpu.sem_alloc : memref<!tpu.dma_semaphore, #tpu.memory_space<semaphore_mem>>
        %dma_start3A = arith.constant 0 : i32
        %dma_start3A_23 = tpu.memref_slice %arg9[%mul3A_22, %dma_start3A] : memref<10112x128xf32, #tpu.memory_space<hbm>> -> memref<632x128xf32, #tpu.memory_space<hbm>>
        %dma_start3A_24 = arith.constant 0 : i32
        %dma_start3A_25 = tpu.memref_slice %arg11[%mul3A_20, %dma_start3A_24] : memref<10112x128xf32, #tpu.memory_space<vmem_shared>> -> memref<632x128xf32, #tpu.memory_space<vmem_shared>>
        tpu.enqueue_dma source(%dma_start3A_25 : memref<632x128xf32, #tpu.memory_space<vmem_shared>>) target(%dma_start3A_23 : memref<632x128xf32, #tpu.memory_space<hbm>>) target_semaphore(%run_scoped3A : memref<!tpu.dma_semaphore, #tpu.memory_space<semaphore_mem>>)
        %dma_wait3A = arith.constant 0 : i32
        %dma_wait3A_26 = tpu.memref_slice %arg9[%mul3A_22, %dma_wait3A] : memref<10112x128xf32, #tpu.memory_space<hbm>> -> memref<632x128xf32, #tpu.memory_space<hbm>>
        %dma_wait3A_27 = arith.constant 0 : i32
        %dma_wait3A_28 = tpu.memref_slice %arg11[%mul3A_20, %dma_wait3A_27] : memref<10112x128xf32, #tpu.memory_space<vmem_shared>> -> memref<632x128xf32, #tpu.memory_space<vmem_shared>>
        tpu.wait_dma2 semaphore(%run_scoped3A : memref<!tpu.dma_semaphore, #tpu.memory_space<semaphore_mem>>) src(%dma_wait3A_28 : memref<632x128xf32, #tpu.memory_space<vmem_shared>>) dst(%dma_wait3A_26 : memref<632x128xf32, #tpu.memory_space<hbm>>)
        tpu.yield
      }) : () -> ()
    } else {
    }
    %eq3A_14 = arith.constant 1 : i32
    %eq3A_15 = arith.cmpi eq, %arg0, %eq3A_14 : i32
    %convert_element_type3A_16 = arith.extui %eq3A_15 : i1 to i32
    %cond3A_17 = arith.constant 0 : i32
    %cond3A_18 = arith.cmpi ne, %convert_element_type3A_16, %cond3A_17 : i32
    scf.if %cond3A_18 {
      %mul3A_19 = arith.constant 632 : i32
      %mul3A_20 = arith.muli %arg1, %mul3A_19 : i32
      %mul3A_21 = arith.constant 632 : i32
      %mul3A_22 = arith.muli %arg1, %mul3A_21 : i32
      "tpu.region"() ({
        %run_scoped3A = tpu.sem_alloc : memref<!tpu.dma_semaphore, #tpu.memory_space<semaphore_mem>>
        %dma_start3A = arith.constant 0 : i32
        %dma_start3A_23 = tpu.memref_slice %arg10[%mul3A_22, %dma_start3A] : memref<10112x128xf32, #tpu.memory_space<hbm>> -> memref<632x128xf32, #tpu.memory_space<hbm>>
        %dma_start3A_24 = arith.constant 0 : i32
        %dma_start3A_25 = tpu.memref_slice %arg11[%mul3A_20, %dma_start3A_24] : memref<10112x128xf32, #tpu.memory_space<vmem_shared>> -> memref<632x128xf32, #tpu.memory_space<vmem_shared>>
        tpu.enqueue_dma source(%dma_start3A_25 : memref<632x128xf32, #tpu.memory_space<vmem_shared>>) target(%dma_start3A_23 : memref<632x128xf32, #tpu.memory_space<hbm>>) target_semaphore(%run_scoped3A : memref<!tpu.dma_semaphore, #tpu.memory_space<semaphore_mem>>)
        %dma_wait3A = arith.constant 0 : i32
        %dma_wait3A_26 = tpu.memref_slice %arg10[%mul3A_22, %dma_wait3A] : memref<10112x128xf32, #tpu.memory_space<hbm>> -> memref<632x128xf32, #tpu.memory_space<hbm>>
        %dma_wait3A_27 = arith.constant 0 : i32
        %dma_wait3A_28 = tpu.memref_slice %arg11[%mul3A_20, %dma_wait3A_27] : memref<10112x128xf32, #tpu.memory_space<vmem_shared>> -> memref<632x128xf32, #tpu.memory_space<vmem_shared>>
        tpu.wait_dma2 semaphore(%run_scoped3A : memref<!tpu.dma_semaphore, #tpu.memory_space<semaphore_mem>>) src(%dma_wait3A_28 : memref<632x128xf32, #tpu.memory_space<vmem_shared>>) dst(%dma_wait3A_26 : memref<632x128xf32, #tpu.memory_space<hbm>>)
        tpu.yield
      }) : () -> ()
    } else {
    }
    return
  }
}

module attributes {stable_mosaic.version = 14 : i64} {
  func.func @tc_sage_layer_relu(%arg0: i32, %arg1: memref<1000x128xf32, #tpu.memory_space<vmem>>, %arg2: memref<1000x128xf32, #tpu.memory_space<vmem>>, %arg3: memref<1000x128xf32, #tpu.memory_space<vmem>>, %arg4: memref<1000x128xf32, #tpu.memory_space<vmem>>, %arg5: memref<1000x128xf32, #tpu.memory_space<vmem>>, %arg6: memref<1000x128xf32, #tpu.memory_space<vmem>>, %arg7: memref<128x128xf32, #tpu.memory_space<vmem>>, %arg8: memref<128x128xf32, #tpu.memory_space<vmem>>, %arg9: memref<1x128xf32, #tpu.memory_space<vmem>>, %arg10: memref<128x128xf32, #tpu.memory_space<vmem>>, %arg11: memref<128x128xf32, #tpu.memory_space<vmem>>, %arg12: memref<1x128xf32, #tpu.memory_space<vmem>>, %arg13: memref<1000x128xf32, #tpu.memory_space<vmem>>, %arg14: memref<1000x128xf32, #tpu.memory_space<vmem>>) attributes {dimension_semantics = [#tpu.dimension_semantics<arbitrary>], iteration_bounds = array<i64: 10>, scalar_prefetch = 0 : i64, scratch_operands = 0 : i64, tpu.core_type = #tpu.core_type<tc>, window_params = [{transform_indices = @transform_0, window_bounds = array<i64: 1000, 128>}, {transform_indices = @transform_1, window_bounds = array<i64: 1000, 128>}, {transform_indices = @transform_2, window_bounds = array<i64: 1000, 128>}, {transform_indices = @transform_3, window_bounds = array<i64: 1000, 128>}, {transform_indices = @transform_4, window_bounds = array<i64: 1000, 128>}, {transform_indices = @transform_5, window_bounds = array<i64: 1000, 128>}, {pipeline_mode = #tpu.pipeline_mode<synchronous>, transform_indices = @transform_6, window_bounds = array<i64: 128, 128>}, {pipeline_mode = #tpu.pipeline_mode<synchronous>, transform_indices = @transform_7, window_bounds = array<i64: 128, 128>}, {pipeline_mode = #tpu.pipeline_mode<synchronous>, transform_indices = @transform_8, window_bounds = array<i64: 1, 128>}, {pipeline_mode = #tpu.pipeline_mode<synchronous>, transform_indices = @transform_9, window_bounds = array<i64: 128, 128>}, {pipeline_mode = #tpu.pipeline_mode<synchronous>, transform_indices = @transform_10, window_bounds = array<i64: 128, 128>}, {pipeline_mode = #tpu.pipeline_mode<synchronous>, transform_indices = @transform_11, window_bounds = array<i64: 1, 128>}, {transform_indices = @transform_12, window_bounds = array<i64: 1000, 128>}, {transform_indices = @transform_13, window_bounds = array<i64: 1000, 128>}]} {
    %get3A = arith.constant 0 : index
    %get3A_0 = arith.constant 0 : index
    %get3A_1 = vector.load %arg3[%get3A, %get3A_0] : memref<1000x128xf32, #tpu.memory_space<vmem>>, vector<1000x1xf32>
    %max3A = arith.constant 1.000000e+00 : f32
    %max3A_2 = vector.broadcast %max3A : f32 to vector<1000x1xf32>
    %max3A_3 = arith.maximumf %get3A_1, %max3A_2 : vector<1000x1xf32>
    %div3A = arith.constant 1.000000e+00 : f32
    %div3A_4 = vector.broadcast %div3A : f32 to vector<1000x1xf32>
    %div3A_5 = arith.divf %div3A_4, %max3A_3 : vector<1000x1xf32>
    %get3A_6 = arith.constant 0 : index
    %get3A_7 = arith.constant 0 : index
    %get3A_8 = vector.load %arg2[%get3A_6, %get3A_7] : memref<1000x128xf32, #tpu.memory_space<vmem>>, vector<1000x128xf32>
    %mul3A = vector.broadcast %div3A_5 : vector<1000x1xf32> to vector<1000x128xf32>
    %mul3A_9 = arith.mulf %get3A_8, %mul3A : vector<1000x128xf32>
    %get3A_10 = arith.constant 0 : index
    %get3A_11 = arith.constant 0 : index
    %get3A_12 = vector.load %arg1[%get3A_10, %get3A_11] : memref<1000x128xf32, #tpu.memory_space<vmem>>, vector<1000x128xf32>
    %get3A_13 = arith.constant 0 : index
    %get3A_14 = arith.constant 0 : index
    %get3A_15 = vector.load %arg7[%get3A_13, %get3A_14] : memref<128x128xf32, #tpu.memory_space<vmem>>, vector<128x128xf32>
    %dot_general3A = arith.constant dense<0.000000e+00> : vector<1000x128xf32>
    %dot_general3A_16 = tpu.matmul %get3A_12, %get3A_15, %dot_general3A {dimension_numbers = #tpu.dot_dimension_numbers<[1], [0], [0], [1], [0, 0, 1, 1], [], []>, transpose_lhs_hint = false} : vector<1000x128xf32>, vector<128x128xf32>, vector<1000x128xf32> -> vector<1000x128xf32>
    %get3A_17 = arith.constant 0 : index
    %get3A_18 = arith.constant 0 : index
    %get3A_19 = vector.load %arg8[%get3A_17, %get3A_18] : memref<128x128xf32, #tpu.memory_space<vmem>>, vector<128x128xf32>
    %dot_general3A_20 = arith.constant dense<0.000000e+00> : vector<1000x128xf32>
    %dot_general3A_21 = tpu.matmul %mul3A_9, %get3A_19, %dot_general3A_20 {dimension_numbers = #tpu.dot_dimension_numbers<[1], [0], [0], [1], [0, 0, 1, 1], [], []>, transpose_lhs_hint = false} : vector<1000x128xf32>, vector<128x128xf32>, vector<1000x128xf32> -> vector<1000x128xf32>
    %add3A = arith.addf %dot_general3A_16, %dot_general3A_21 : vector<1000x128xf32>
    %get3A_22 = arith.constant 0 : index
    %get3A_23 = arith.constant 0 : index
    %get3A_24 = vector.load %arg9[%get3A_22, %get3A_23] : memref<1x128xf32, #tpu.memory_space<vmem>>, vector<1x128xf32>
    %add3A_25 = vector.broadcast %get3A_24 : vector<1x128xf32> to vector<1000x128xf32>
    %add3A_26 = arith.addf %add3A, %add3A_25 : vector<1000x128xf32>
    %max3A_27 = arith.constant 0.000000e+00 : f32
    %max3A_28 = vector.broadcast %max3A_27 : f32 to vector<1000x128xf32>
    %max3A_29 = arith.maximumf %add3A_26, %max3A_28 : vector<1000x128xf32>
    %swap3A = arith.constant 0 : index
    %swap3A_30 = arith.constant 0 : index
    %swap3A_31 = vector.load %arg13[%swap3A, %swap3A_30] : memref<1000x128xf32, #tpu.memory_space<vmem>>, vector<1000x128xf32>
    tpu.vector_store %arg13[%swap3A, %swap3A_30], %max3A_29 {strides = array<i32>} : memref<1000x128xf32, #tpu.memory_space<vmem>>, vector<1000x128xf32>,
    %get3A_32 = arith.constant 0 : index
    %get3A_33 = arith.constant 0 : index
    %get3A_34 = vector.load %arg6[%get3A_32, %get3A_33] : memref<1000x128xf32, #tpu.memory_space<vmem>>, vector<1000x1xf32>
    %max3A_35 = arith.constant 1.000000e+00 : f32
    %max3A_36 = vector.broadcast %max3A_35 : f32 to vector<1000x1xf32>
    %max3A_37 = arith.maximumf %get3A_34, %max3A_36 : vector<1000x1xf32>
    %div3A_38 = arith.constant 1.000000e+00 : f32
    %div3A_39 = vector.broadcast %div3A_38 : f32 to vector<1000x1xf32>
    %div3A_40 = arith.divf %div3A_39, %max3A_37 : vector<1000x1xf32>
    %get3A_41 = arith.constant 0 : index
    %get3A_42 = arith.constant 0 : index
    %get3A_43 = vector.load %arg5[%get3A_41, %get3A_42] : memref<1000x128xf32, #tpu.memory_space<vmem>>, vector<1000x128xf32>
    %mul3A_44 = vector.broadcast %div3A_40 : vector<1000x1xf32> to vector<1000x128xf32>
    %mul3A_45 = arith.mulf %get3A_43, %mul3A_44 : vector<1000x128xf32>
    %get3A_46 = arith.constant 0 : index
    %get3A_47 = arith.constant 0 : index
    %get3A_48 = vector.load %arg4[%get3A_46, %get3A_47] : memref<1000x128xf32, #tpu.memory_space<vmem>>, vector<1000x128xf32>
    %get3A_49 = arith.constant 0 : index
    %get3A_50 = arith.constant 0 : index
    %get3A_51 = vector.load %arg10[%get3A_49, %get3A_50] : memref<128x128xf32, #tpu.memory_space<vmem>>, vector<128x128xf32>
    %dot_general3A_52 = arith.constant dense<0.000000e+00> : vector<1000x128xf32>
    %dot_general3A_53 = tpu.matmul %get3A_48, %get3A_51, %dot_general3A_52 {dimension_numbers = #tpu.dot_dimension_numbers<[1], [0], [0], [1], [0, 0, 1, 1], [], []>, transpose_lhs_hint = false} : vector<1000x128xf32>, vector<128x128xf32>, vector<1000x128xf32> -> vector<1000x128xf32>
    %get3A_54 = arith.constant 0 : index
    %get3A_55 = arith.constant 0 : index
    %get3A_56 = vector.load %arg11[%get3A_54, %get3A_55] : memref<128x128xf32, #tpu.memory_space<vmem>>, vector<128x128xf32>
    %dot_general3A_57 = arith.constant dense<0.000000e+00> : vector<1000x128xf32>
    %dot_general3A_58 = tpu.matmul %mul3A_45, %get3A_56, %dot_general3A_57 {dimension_numbers = #tpu.dot_dimension_numbers<[1], [0], [0], [1], [0, 0, 1, 1], [], []>, transpose_lhs_hint = false} : vector<1000x128xf32>, vector<128x128xf32>, vector<1000x128xf32> -> vector<1000x128xf32>
    %add3A_59 = arith.addf %dot_general3A_53, %dot_general3A_58 : vector<1000x128xf32>
    %get3A_60 = arith.constant 0 : index
    %get3A_61 = arith.constant 0 : index
    %get3A_62 = vector.load %arg12[%get3A_60, %get3A_61] : memref<1x128xf32, #tpu.memory_space<vmem>>, vector<1x128xf32>
    %add3A_63 = vector.broadcast %get3A_62 : vector<1x128xf32> to vector<1000x128xf32>
    %add3A_64 = arith.addf %add3A_59, %add3A_63 : vector<1000x128xf32>
    %max3A_65 = arith.constant 0.000000e+00 : f32
    %max3A_66 = vector.broadcast %max3A_65 : f32 to vector<1000x128xf32>
    %max3A_67 = arith.maximumf %add3A_64, %max3A_66 : vector<1000x128xf32>
    %swap3A_68 = arith.constant 0 : index
    %swap3A_69 = arith.constant 0 : index
    %swap3A_70 = vector.load %arg14[%swap3A_68, %swap3A_69] : memref<1000x128xf32, #tpu.memory_space<vmem>>, vector<1000x128xf32>
    tpu.vector_store %arg14[%swap3A_68, %swap3A_69], %max3A_67 {strides = array<i32>} : memref<1000x128xf32, #tpu.memory_space<vmem>>, vector<1000x128xf32>,
    return
  }
  func.func @transform_0(%arg0: i32) -> (i32, i32) {
    %c0_i32 = arith.constant 0 : i32
    %c0_i32_0 = arith.constant 0 : i32
    return %arg0, %c0_i32 : i32, i32
  }
  func.func @transform_1(%arg0: i32) -> (i32, i32) {
    %c0_i32 = arith.constant 0 : i32
    %c0_i32_0 = arith.constant 0 : i32
    return %arg0, %c0_i32 : i32, i32
  }
  func.func @transform_2(%arg0: i32) -> (i32, i32) {
    %c0_i32 = arith.constant 0 : i32
    %c0_i32_0 = arith.constant 0 : i32
    return %arg0, %c0_i32 : i32, i32
  }
  func.func @transform_3(%arg0: i32) -> (i32, i32) {
    %c0_i32 = arith.constant 0 : i32
    %c0_i32_0 = arith.constant 0 : i32
    return %arg0, %c0_i32 : i32, i32
  }
  func.func @transform_4(%arg0: i32) -> (i32, i32) {
    %c0_i32 = arith.constant 0 : i32
    %c0_i32_0 = arith.constant 0 : i32
    return %arg0, %c0_i32 : i32, i32
  }
  func.func @transform_5(%arg0: i32) -> (i32, i32) {
    %c0_i32 = arith.constant 0 : i32
    %c0_i32_0 = arith.constant 0 : i32
    return %arg0, %c0_i32 : i32, i32
  }
  func.func @transform_6(%arg0: i32) -> (i32, i32) {
    %c0_i32 = arith.constant 0 : i32
    %c0_i32_0 = arith.constant 0 : i32
    %c0_i32_1 = arith.constant 0 : i32
    return %c0_i32, %c0_i32_0 : i32, i32
  }
  func.func @transform_7(%arg0: i32) -> (i32, i32) {
    %c0_i32 = arith.constant 0 : i32
    %c0_i32_0 = arith.constant 0 : i32
    %c0_i32_1 = arith.constant 0 : i32
    return %c0_i32, %c0_i32_0 : i32, i32
  }
  func.func @transform_8(%arg0: i32) -> (i32, i32) {
    %c0_i32 = arith.constant 0 : i32
    %c0_i32_0 = arith.constant 0 : i32
    %c0_i32_1 = arith.constant 0 : i32
    return %c0_i32, %c0_i32_0 : i32, i32
  }
  func.func @transform_9(%arg0: i32) -> (i32, i32) {
    %c0_i32 = arith.constant 0 : i32
    %c0_i32_0 = arith.constant 0 : i32
    %c0_i32_1 = arith.constant 0 : i32
    return %c0_i32, %c0_i32_0 : i32, i32
  }
  func.func @transform_10(%arg0: i32) -> (i32, i32) {
    %c0_i32 = arith.constant 0 : i32
    %c0_i32_0 = arith.constant 0 : i32
    %c0_i32_1 = arith.constant 0 : i32
    return %c0_i32, %c0_i32_0 : i32, i32
  }
  func.func @transform_11(%arg0: i32) -> (i32, i32) {
    %c0_i32 = arith.constant 0 : i32
    %c0_i32_0 = arith.constant 0 : i32
    %c0_i32_1 = arith.constant 0 : i32
    return %c0_i32, %c0_i32_0 : i32, i32
  }
  func.func @transform_12(%arg0: i32) -> (i32, i32) {
    %c0_i32 = arith.constant 0 : i32
    %c0_i32_0 = arith.constant 0 : i32
    return %arg0, %c0_i32 : i32, i32
  }
  func.func @transform_13(%arg0: i32) -> (i32, i32) {
    %c0_i32 = arith.constant 0 : i32
    %c0_i32_0 = arith.constant 0 : i32
    return %arg0, %c0_i32 : i32, i32
  }
}

module attributes {stable_mosaic.version = 14 : i64} {
  func.func @tc_sage_layer(%arg0: i32, %arg1: memref<1000x128xf32, #tpu.memory_space<vmem>>, %arg2: memref<1000x128xf32, #tpu.memory_space<vmem>>, %arg3: memref<1000x128xf32, #tpu.memory_space<vmem>>, %arg4: memref<1000x128xf32, #tpu.memory_space<vmem>>, %arg5: memref<1000x128xf32, #tpu.memory_space<vmem>>, %arg6: memref<1000x128xf32, #tpu.memory_space<vmem>>, %arg7: memref<128x128xf32, #tpu.memory_space<vmem>>, %arg8: memref<128x128xf32, #tpu.memory_space<vmem>>, %arg9: memref<1x128xf32, #tpu.memory_space<vmem>>, %arg10: memref<128x128xf32, #tpu.memory_space<vmem>>, %arg11: memref<128x128xf32, #tpu.memory_space<vmem>>, %arg12: memref<1x128xf32, #tpu.memory_space<vmem>>, %arg13: memref<1000x128xf32, #tpu.memory_space<vmem>>, %arg14: memref<1000x128xf32, #tpu.memory_space<vmem>>) attributes {dimension_semantics = [#tpu.dimension_semantics<arbitrary>], iteration_bounds = array<i64: 10>, scalar_prefetch = 0 : i64, scratch_operands = 0 : i64, tpu.core_type = #tpu.core_type<tc>, window_params = [{transform_indices = @transform_0, window_bounds = array<i64: 1000, 128>}, {transform_indices = @transform_1, window_bounds = array<i64: 1000, 128>}, {transform_indices = @transform_2, window_bounds = array<i64: 1000, 128>}, {transform_indices = @transform_3, window_bounds = array<i64: 1000, 128>}, {transform_indices = @transform_4, window_bounds = array<i64: 1000, 128>}, {transform_indices = @transform_5, window_bounds = array<i64: 1000, 128>}, {pipeline_mode = #tpu.pipeline_mode<synchronous>, transform_indices = @transform_6, window_bounds = array<i64: 128, 128>}, {pipeline_mode = #tpu.pipeline_mode<synchronous>, transform_indices = @transform_7, window_bounds = array<i64: 128, 128>}, {pipeline_mode = #tpu.pipeline_mode<synchronous>, transform_indices = @transform_8, window_bounds = array<i64: 1, 128>}, {pipeline_mode = #tpu.pipeline_mode<synchronous>, transform_indices = @transform_9, window_bounds = array<i64: 128, 128>}, {pipeline_mode = #tpu.pipeline_mode<synchronous>, transform_indices = @transform_10, window_bounds = array<i64: 128, 128>}, {pipeline_mode = #tpu.pipeline_mode<synchronous>, transform_indices = @transform_11, window_bounds = array<i64: 1, 128>}, {transform_indices = @transform_12, window_bounds = array<i64: 1000, 128>}, {transform_indices = @transform_13, window_bounds = array<i64: 1000, 128>}]} {
    %get3A = arith.constant 0 : index
    %get3A_0 = arith.constant 0 : index
    %get3A_1 = vector.load %arg3[%get3A, %get3A_0] : memref<1000x128xf32, #tpu.memory_space<vmem>>, vector<1000x1xf32>
    %max3A = arith.constant 1.000000e+00 : f32
    %max3A_2 = vector.broadcast %max3A : f32 to vector<1000x1xf32>
    %max3A_3 = arith.maximumf %get3A_1, %max3A_2 : vector<1000x1xf32>
    %div3A = arith.constant 1.000000e+00 : f32
    %div3A_4 = vector.broadcast %div3A : f32 to vector<1000x1xf32>
    %div3A_5 = arith.divf %div3A_4, %max3A_3 : vector<1000x1xf32>
    %get3A_6 = arith.constant 0 : index
    %get3A_7 = arith.constant 0 : index
    %get3A_8 = vector.load %arg2[%get3A_6, %get3A_7] : memref<1000x128xf32, #tpu.memory_space<vmem>>, vector<1000x128xf32>
    %mul3A = vector.broadcast %div3A_5 : vector<1000x1xf32> to vector<1000x128xf32>
    %mul3A_9 = arith.mulf %get3A_8, %mul3A : vector<1000x128xf32>
    %get3A_10 = arith.constant 0 : index
    %get3A_11 = arith.constant 0 : index
    %get3A_12 = vector.load %arg1[%get3A_10, %get3A_11] : memref<1000x128xf32, #tpu.memory_space<vmem>>, vector<1000x128xf32>
    %get3A_13 = arith.constant 0 : index
    %get3A_14 = arith.constant 0 : index
    %get3A_15 = vector.load %arg7[%get3A_13, %get3A_14] : memref<128x128xf32, #tpu.memory_space<vmem>>, vector<128x128xf32>
    %dot_general3A = arith.constant dense<0.000000e+00> : vector<1000x128xf32>
    %dot_general3A_16 = tpu.matmul %get3A_12, %get3A_15, %dot_general3A {dimension_numbers = #tpu.dot_dimension_numbers<[1], [0], [0], [1], [0, 0, 1, 1], [], []>, transpose_lhs_hint = false} : vector<1000x128xf32>, vector<128x128xf32>, vector<1000x128xf32> -> vector<1000x128xf32>
    %get3A_17 = arith.constant 0 : index
    %get3A_18 = arith.constant 0 : index
    %get3A_19 = vector.load %arg8[%get3A_17, %get3A_18] : memref<128x128xf32, #tpu.memory_space<vmem>>, vector<128x128xf32>
    %dot_general3A_20 = arith.constant dense<0.000000e+00> : vector<1000x128xf32>
    %dot_general3A_21 = tpu.matmul %mul3A_9, %get3A_19, %dot_general3A_20 {dimension_numbers = #tpu.dot_dimension_numbers<[1], [0], [0], [1], [0, 0, 1, 1], [], []>, transpose_lhs_hint = false} : vector<1000x128xf32>, vector<128x128xf32>, vector<1000x128xf32> -> vector<1000x128xf32>
    %add3A = arith.addf %dot_general3A_16, %dot_general3A_21 : vector<1000x128xf32>
    %get3A_22 = arith.constant 0 : index
    %get3A_23 = arith.constant 0 : index
    %get3A_24 = vector.load %arg9[%get3A_22, %get3A_23] : memref<1x128xf32, #tpu.memory_space<vmem>>, vector<1x128xf32>
    %add3A_25 = vector.broadcast %get3A_24 : vector<1x128xf32> to vector<1000x128xf32>
    %add3A_26 = arith.addf %add3A, %add3A_25 : vector<1000x128xf32>
    %swap3A = arith.constant 0 : index
    %swap3A_27 = arith.constant 0 : index
    %swap3A_28 = vector.load %arg13[%swap3A, %swap3A_27] : memref<1000x128xf32, #tpu.memory_space<vmem>>, vector<1000x128xf32>
    tpu.vector_store %arg13[%swap3A, %swap3A_27], %add3A_26 {strides = array<i32>} : memref<1000x128xf32, #tpu.memory_space<vmem>>, vector<1000x128xf32>,
    %get3A_29 = arith.constant 0 : index
    %get3A_30 = arith.constant 0 : index
    %get3A_31 = vector.load %arg6[%get3A_29, %get3A_30] : memref<1000x128xf32, #tpu.memory_space<vmem>>, vector<1000x1xf32>
    %max3A_32 = arith.constant 1.000000e+00 : f32
    %max3A_33 = vector.broadcast %max3A_32 : f32 to vector<1000x1xf32>
    %max3A_34 = arith.maximumf %get3A_31, %max3A_33 : vector<1000x1xf32>
    %div3A_35 = arith.constant 1.000000e+00 : f32
    %div3A_36 = vector.broadcast %div3A_35 : f32 to vector<1000x1xf32>
    %div3A_37 = arith.divf %div3A_36, %max3A_34 : vector<1000x1xf32>
    %get3A_38 = arith.constant 0 : index
    %get3A_39 = arith.constant 0 : index
    %get3A_40 = vector.load %arg5[%get3A_38, %get3A_39] : memref<1000x128xf32, #tpu.memory_space<vmem>>, vector<1000x128xf32>
    %mul3A_41 = vector.broadcast %div3A_37 : vector<1000x1xf32> to vector<1000x128xf32>
    %mul3A_42 = arith.mulf %get3A_40, %mul3A_41 : vector<1000x128xf32>
    %get3A_43 = arith.constant 0 : index
    %get3A_44 = arith.constant 0 : index
    %get3A_45 = vector.load %arg4[%get3A_43, %get3A_44] : memref<1000x128xf32, #tpu.memory_space<vmem>>, vector<1000x128xf32>
    %get3A_46 = arith.constant 0 : index
    %get3A_47 = arith.constant 0 : index
    %get3A_48 = vector.load %arg10[%get3A_46, %get3A_47] : memref<128x128xf32, #tpu.memory_space<vmem>>, vector<128x128xf32>
    %dot_general3A_49 = arith.constant dense<0.000000e+00> : vector<1000x128xf32>
    %dot_general3A_50 = tpu.matmul %get3A_45, %get3A_48, %dot_general3A_49 {dimension_numbers = #tpu.dot_dimension_numbers<[1], [0], [0], [1], [0, 0, 1, 1], [], []>, transpose_lhs_hint = false} : vector<1000x128xf32>, vector<128x128xf32>, vector<1000x128xf32> -> vector<1000x128xf32>
    %get3A_51 = arith.constant 0 : index
    %get3A_52 = arith.constant 0 : index
    %get3A_53 = vector.load %arg11[%get3A_51, %get3A_52] : memref<128x128xf32, #tpu.memory_space<vmem>>, vector<128x128xf32>
    %dot_general3A_54 = arith.constant dense<0.000000e+00> : vector<1000x128xf32>
    %dot_general3A_55 = tpu.matmul %mul3A_42, %get3A_53, %dot_general3A_54 {dimension_numbers = #tpu.dot_dimension_numbers<[1], [0], [0], [1], [0, 0, 1, 1], [], []>, transpose_lhs_hint = false} : vector<1000x128xf32>, vector<128x128xf32>, vector<1000x128xf32> -> vector<1000x128xf32>
    %add3A_56 = arith.addf %dot_general3A_50, %dot_general3A_55 : vector<1000x128xf32>
    %get3A_57 = arith.constant 0 : index
    %get3A_58 = arith.constant 0 : index
    %get3A_59 = vector.load %arg12[%get3A_57, %get3A_58] : memref<1x128xf32, #tpu.memory_space<vmem>>, vector<1x128xf32>
    %add3A_60 = vector.broadcast %get3A_59 : vector<1x128xf32> to vector<1000x128xf32>
    %add3A_61 = arith.addf %add3A_56, %add3A_60 : vector<1000x128xf32>
    %swap3A_62 = arith.constant 0 : index
    %swap3A_63 = arith.constant 0 : index
    %swap3A_64 = vector.load %arg14[%swap3A_62, %swap3A_63] : memref<1000x128xf32, #tpu.memory_space<vmem>>, vector<1000x128xf32>
    tpu.vector_store %arg14[%swap3A_62, %swap3A_63], %add3A_61 {strides = array<i32>} : memref<1000x128xf32, #tpu.memory_space<vmem>>, vector<1000x128xf32>,
    return
  }
  func.func @transform_0(%arg0: i32) -> (i32, i32) {
    %c0_i32 = arith.constant 0 : i32
    %c0_i32_0 = arith.constant 0 : i32
    return %arg0, %c0_i32 : i32, i32
  }
  func.func @transform_1(%arg0: i32) -> (i32, i32) {
    %c0_i32 = arith.constant 0 : i32
    %c0_i32_0 = arith.constant 0 : i32
    return %arg0, %c0_i32 : i32, i32
  }
  func.func @transform_2(%arg0: i32) -> (i32, i32) {
    %c0_i32 = arith.constant 0 : i32
    %c0_i32_0 = arith.constant 0 : i32
    return %arg0, %c0_i32 : i32, i32
  }
  func.func @transform_3(%arg0: i32) -> (i32, i32) {
    %c0_i32 = arith.constant 0 : i32
    %c0_i32_0 = arith.constant 0 : i32
    return %arg0, %c0_i32 : i32, i32
  }
  func.func @transform_4(%arg0: i32) -> (i32, i32) {
    %c0_i32 = arith.constant 0 : i32
    %c0_i32_0 = arith.constant 0 : i32
    return %arg0, %c0_i32 : i32, i32
  }
  func.func @transform_5(%arg0: i32) -> (i32, i32) {
    %c0_i32 = arith.constant 0 : i32
    %c0_i32_0 = arith.constant 0 : i32
    return %arg0, %c0_i32 : i32, i32
  }
  func.func @transform_6(%arg0: i32) -> (i32, i32) {
    %c0_i32 = arith.constant 0 : i32
    %c0_i32_0 = arith.constant 0 : i32
    %c0_i32_1 = arith.constant 0 : i32
    return %c0_i32, %c0_i32_0 : i32, i32
  }
  func.func @transform_7(%arg0: i32) -> (i32, i32) {
    %c0_i32 = arith.constant 0 : i32
    %c0_i32_0 = arith.constant 0 : i32
    %c0_i32_1 = arith.constant 0 : i32
    return %c0_i32, %c0_i32_0 : i32, i32
  }
  func.func @transform_8(%arg0: i32) -> (i32, i32) {
    %c0_i32 = arith.constant 0 : i32
    %c0_i32_0 = arith.constant 0 : i32
    %c0_i32_1 = arith.constant 0 : i32
    return %c0_i32, %c0_i32_0 : i32, i32
  }
  func.func @transform_9(%arg0: i32) -> (i32, i32) {
    %c0_i32 = arith.constant 0 : i32
    %c0_i32_0 = arith.constant 0 : i32
    %c0_i32_1 = arith.constant 0 : i32
    return %c0_i32, %c0_i32_0 : i32, i32
  }
  func.func @transform_10(%arg0: i32) -> (i32, i32) {
    %c0_i32 = arith.constant 0 : i32
    %c0_i32_0 = arith.constant 0 : i32
    %c0_i32_1 = arith.constant 0 : i32
    return %c0_i32, %c0_i32_0 : i32, i32
  }
  func.func @transform_11(%arg0: i32) -> (i32, i32) {
    %c0_i32 = arith.constant 0 : i32
    %c0_i32_0 = arith.constant 0 : i32
    %c0_i32_1 = arith.constant 0 : i32
    return %c0_i32, %c0_i32_0 : i32, i32
  }
  func.func @transform_12(%arg0: i32) -> (i32, i32) {
    %c0_i32 = arith.constant 0 : i32
    %c0_i32_0 = arith.constant 0 : i32
    return %arg0, %c0_i32 : i32, i32
  }
  func.func @transform_13(%arg0: i32) -> (i32, i32) {
    %c0_i32 = arith.constant 0 : i32
    %c0_i32_0 = arith.constant 0 : i32
    return %arg0, %c0_i32 : i32, i32
  }
}

module attributes {stable_mosaic.version = 14 : i64} {
  func.func @tc_attn_combine(%arg0: i32, %arg1: memref<64x8x128xf32, #tpu.memory_space<vmem>>, %arg2: memref<64x8x128xf32, #tpu.memory_space<vmem>>, %arg3: memref<64x128x128xf32, #tpu.memory_space<vmem>>, %arg4: memref<64x128xf32, #tpu.memory_space<vmem>>) attributes {dimension_semantics = [#tpu.dimension_semantics<arbitrary>], iteration_bounds = array<i64: 16>, scalar_prefetch = 0 : i64, scratch_operands = 0 : i64, tpu.core_type = #tpu.core_type<tc>, window_params = [{transform_indices = @transform_0, window_bounds = array<i64: 64, 8, 128>}, {transform_indices = @transform_1, window_bounds = array<i64: 64, 8, 128>}, {transform_indices = @transform_2, window_bounds = array<i64: 64, 128, 128>}, {transform_indices = @transform_3, window_bounds = array<i64: 64, 128>}]} {
    %get3A = arith.constant 0 : index
    %get3A_0 = arith.constant 0 : index
    %get3A_1 = arith.constant 0 : index
    %get3A_2 = vector.load %arg3[%get3A, %get3A_0, %get3A_1] : memref<64x128x128xf32, #tpu.memory_space<vmem>>, vector<64x128x128xf32>
    %reduce_sum3A = arith.constant dense<0.000000e+00> : vector<64x128xf32>
    %reduce_sum3A_3 = vector.multi_reduction <add>, %get3A_2, %reduce_sum3A [2] : vector<64x128x128xf32> to vector<64x128xf32>
    %div3A = arith.constant 1.280000e+02 : f32
    %div3A_4 = vector.broadcast %div3A : f32 to vector<64x128xf32>
    %div3A_5 = arith.divf %reduce_sum3A_3, %div3A_4 : vector<64x128xf32>
    %get3A_6 = arith.constant 0 : index
    %get3A_7 = arith.constant 0 : index
    %get3A_8 = arith.constant 0 : index
    %get3A_9 = vector.load %arg1[%get3A_6, %get3A_7, %get3A_8] : memref<64x8x128xf32, #tpu.memory_space<vmem>>, vector<64x8x128xf32>
    %get3A_10 = arith.constant 0 : index
    %get3A_11 = arith.constant 0 : index
    %get3A_12 = arith.constant 0 : index
    %get3A_13 = vector.load %arg2[%get3A_10, %get3A_11, %get3A_12] : memref<64x8x128xf32, #tpu.memory_space<vmem>>, vector<64x8x128xf32>
    %broadcast_in_dim3A = vector.shape_cast %div3A_5 : vector<64x128xf32> to vector<64x1x128xf32>
    %mul3A = vector.broadcast %broadcast_in_dim3A : vector<64x1x128xf32> to vector<64x8x128xf32>
    %mul3A_14 = arith.mulf %get3A_9, %mul3A : vector<64x8x128xf32>
    %reduce_sum3A_15 = arith.constant dense<0.000000e+00> : vector<64x8xf32>
    %reduce_sum3A_16 = vector.multi_reduction <add>, %mul3A_14, %reduce_sum3A_15 [2] : vector<64x8x128xf32> to vector<64x8xf32>
    %broadcast_in_dim3A_17 = vector.shape_cast %div3A_5 : vector<64x128xf32> to vector<64x1x128xf32>
    %mul3A_18 = vector.broadcast %broadcast_in_dim3A_17 : vector<64x1x128xf32> to vector<64x8x128xf32>
    %mul3A_19 = arith.mulf %get3A_13, %mul3A_18 : vector<64x8x128xf32>
    %reduce_sum3A_20 = arith.constant dense<0.000000e+00> : vector<64x8xf32>
    %reduce_sum3A_21 = vector.multi_reduction <add>, %mul3A_19, %reduce_sum3A_20 [2] : vector<64x8x128xf32> to vector<64x8xf32>
    %concatenate3A = tpu.concatenate %reduce_sum3A_16, %reduce_sum3A_21 in 1 : vector<64x8xf32>, vector<64x8xf32> -> vector<64x16xf32>
    %reduce_max3A = arith.constant dense<0xFF800000> : vector<64xf32>
    %reduce_max3A_22 = vector.multi_reduction <maximumf>, %concatenate3A, %reduce_max3A [1] : vector<64x16xf32> to vector<64xf32>
    %broadcast_in_dim3A_23 = vector.shape_cast %reduce_max3A_22 : vector<64xf32> to vector<64x1xf32>
    %sub3A = vector.broadcast %broadcast_in_dim3A_23 : vector<64x1xf32> to vector<64x16xf32>
    %sub3A_24 = arith.subf %concatenate3A, %sub3A : vector<64x16xf32>
    %exp3A = math.exp %sub3A_24 : vector<64x16xf32>
    %reduce_sum3A_25 = arith.constant dense<0.000000e+00> : vector<64xf32>
    %reduce_sum3A_26 = vector.multi_reduction <add>, %exp3A, %reduce_sum3A_25 [1] : vector<64x16xf32> to vector<64xf32>
    %broadcast_in_dim3A_27 = vector.shape_cast %reduce_sum3A_26 : vector<64xf32> to vector<64x1xf32>
    %div3A_28 = vector.broadcast %broadcast_in_dim3A_27 : vector<64x1xf32> to vector<64x16xf32>
    %div3A_29 = arith.divf %exp3A, %div3A_28 : vector<64x16xf32>
    %slice3A = vector.extract_strided_slice %div3A_29 {offsets = [0, 0], sizes = [64, 8], strides = [1, 1]} : vector<64x16xf32> to vector<64x8xf32>
    %broadcast_in_dim3A_30 = vector.shape_cast %slice3A : vector<64x8xf32> to vector<64x8x1xf32>
    %mul3A_31 = vector.broadcast %broadcast_in_dim3A_30 : vector<64x8x1xf32> to vector<64x8x128xf32>
    %mul3A_32 = arith.mulf %get3A_9, %mul3A_31 : vector<64x8x128xf32>
    %reduce_sum3A_33 = arith.constant dense<0.000000e+00> : vector<64x128xf32>
    %reduce_sum3A_34 = vector.multi_reduction <add>, %mul3A_32, %reduce_sum3A_33 [1] : vector<64x8x128xf32> to vector<64x128xf32>
    %slice3A_35 = vector.extract_strided_slice %div3A_29 {offsets = [0, 8], sizes = [64, 8], strides = [1, 1]} : vector<64x16xf32> to vector<64x8xf32>
    %broadcast_in_dim3A_36 = vector.shape_cast %slice3A_35 : vector<64x8xf32> to vector<64x8x1xf32>
    %mul3A_37 = vector.broadcast %broadcast_in_dim3A_36 : vector<64x8x1xf32> to vector<64x8x128xf32>
    %mul3A_38 = arith.mulf %get3A_13, %mul3A_37 : vector<64x8x128xf32>
    %reduce_sum3A_39 = arith.constant dense<0.000000e+00> : vector<64x128xf32>
    %reduce_sum3A_40 = vector.multi_reduction <add>, %mul3A_38, %reduce_sum3A_39 [1] : vector<64x8x128xf32> to vector<64x128xf32>
    %add3A = arith.addf %reduce_sum3A_34, %reduce_sum3A_40 : vector<64x128xf32>
    %swap3A = arith.constant 0 : index
    %swap3A_41 = arith.constant 0 : index
    %swap3A_42 = vector.load %arg4[%swap3A, %swap3A_41] : memref<64x128xf32, #tpu.memory_space<vmem>>, vector<64x128xf32>
    tpu.vector_store %arg4[%swap3A, %swap3A_41], %add3A {strides = array<i32>} : memref<64x128xf32, #tpu.memory_space<vmem>>, vector<64x128xf32>,
    return
  }
  func.func @transform_0(%arg0: i32) -> (i32, i32, i32) {
    %c0_i32 = arith.constant 0 : i32
    %c0_i32_0 = arith.constant 0 : i32
    %c0_i32_1 = arith.constant 0 : i32
    return %arg0, %c0_i32, %c0_i32_0 : i32, i32, i32
  }
  func.func @transform_1(%arg0: i32) -> (i32, i32, i32) {
    %c0_i32 = arith.constant 0 : i32
    %c0_i32_0 = arith.constant 0 : i32
    %c0_i32_1 = arith.constant 0 : i32
    return %arg0, %c0_i32, %c0_i32_0 : i32, i32, i32
  }
  func.func @transform_2(%arg0: i32) -> (i32, i32, i32) {
    %c0_i32 = arith.constant 0 : i32
    %c0_i32_0 = arith.constant 0 : i32
    %c0_i32_1 = arith.constant 0 : i32
    return %arg0, %c0_i32, %c0_i32_0 : i32, i32, i32
  }
  func.func @transform_3(%arg0: i32) -> (i32, i32) {
    %c0_i32 = arith.constant 0 : i32
    %c0_i32_0 = arith.constant 0 : i32
    return %arg0, %c0_i32 : i32, i32
  }
}

</mosaic_0001>

<sc_bundles>
// kernel: sc_deg_sum.3.cloned.1.call-start
scs
__scs_entry_jumppad:
0x0: {  	(pc) =	sbr.rel $0x88, $3  }
0x1: {  	(tag) =	ssettag $0x0;
	lr =	simm.s32 $0x1  }
0x2: {  	[smem:$0x3F8E] =	sst lr;
	_ =	strace $0xD0000000  }
0x3: {  	_ = 	snop  }
0x4: {  	_ = 	snop  }
0x5: {  	_ = 	snop  }
0x6: {  	_ = 	snop  }
0x7: {  	_ = 	snop  }
__scs_overlays_trampoline_lowered:
0x8: {  	[smem:$0x3F9D] =	sst s0  }
0x9: {  	[smem:$0x3F9E] =	sst s1  }
0xa: {  	[smem:$0x3F9F] =	sst s2  }
0xb: {  	[smem:$0x3FA0] =	sst s3  }
0xc: {  	[smem:$0x3FA1] =	sst s4  }
0xd: {  	[smem:$0x3FA2] =	sst s5  }
0xe: {  	[smem:$0x3FA3] =	sst s6  }
0xf: {  	[smem:$0x3FA4] =	sst s7  }
0x10: {  	[smem:$0x3FA5] =	sst s8  }
0x11: {  	[smem:$0x3FA6] =	sst s9;
	s0 =	simm.s32 @!p0 $0x0  }
0x12: {  	s1 =	sld [smem:$0x3F8C];
	s0 =	simm.s32 @p0 $0x1  }
0x13: {  	[smem:$0x3FA7] =	sst s0;
	s0 =	simm.s32 @!p1 $0x0  }
0x14: {  	s2 =	sld [smem:$0x3F8B];
	s0 =	simm.s32 @p1 $0x1  }
0x15: {  	[smem:$0x3FA8] =	sst s0;
	s0 =	simm.s32 @!p2 $0x0  }
0x16: {  	s3 =	sld [smem:$0x3FDB];
	s0 =	simm.s32 @p2 $0x1  }
0x17: {  	s4 =	simm.s32 $0x1BF5;
	[smem:$0x3FAA] =	sst s0  }
0x18: {  	s0 =	sld [smem:$0x3F8D];
	_ =	swait.ge [sflag:s4], $0x0  }
0x19: {  	s7 =	sld [smem:$0x3F8E]  }
0x1a: {  	s8 =	sadd.s32 $0xFFFFE003, lr  }
0x1b: {  	s9 =	sadd.s32 $0xFFFFFEF7, lr;
	s5 =	simm.s32 $0xFFFFFFFF;
	p2 =	slt.u32 s8, $0xFFFFF086  }
0x1c: {  	p1 =	slt.u32 s9, $0xF7A;
	s5 =	simm.s32 @!p2 $0x0  }
0x1d: {  	s5 =	simm.s32 @p1 $0x1;
	p0 =	seq.s32 s7, s2  }
0x1e: {  	s7 =	smul.u32 @!p0 $0xF7A, s2;
	p2 =	seq.s32 @!p0 s5, $0x0  }
0x1f: {  	s9 =	smul.u32 $0xF7A, s1;
	s8 =	simm.s32 @!p0 $0x1BF5;
	p2 =	por !p2, p0  }
0x20: {  	[sflag:s8] =	ssyncset.s32 @!p0 $0xFFFFF086;
	s6 =	sadd.s32 @!p0 s3, s7;
	s7 =	simm.s32 @!p0 $0x108  }
0x21: {  	s3 =	sadd.s32 s3, s9;
	s6 =	sadd.s32 @!p0 $0x88, s6;
	s7 =	simm.s32 @p2 $0x1082  }
0x22: {  	[simem:s7], [sflag:s8] =	dma.local @!p0 [hbm:s6], $0xF7A  }
0x23: {  	s9 =	sor.u32 $0xD0000000, s2;
	s6 =	simm.s32 $0x108;
	_ =	swait.ge @!p0 [sflag:s8], $0x0  }
0x24: {  	s3 =	sadd.s32 $0x88, s3;
	s6 =	simm.s32 @!p1 $0x1082;
	[sflag:s4] =	ssyncset.s32 $0xFFFFF086  }
0x25: {  	[simem:s6], [sflag:s4] =	dma.local [hbm:s3], $0xF7A  }
0x26: {  	[smem:$0x3F8E] =	sst s1;
	(tag) =	ssettag s2;
	_ =	strace s9  }
0x27: {  	s1 =	sld [smem:$0x3F9E]  }
0x28: {  	s2 =	sld [smem:$0x3F9F]  }
0x29: {  	s4 =	sld [smem:$0x3FA1]  }
0x2a: {  	p0 =	seq.s32 s5, $0x0;
	s5 =	sld [smem:$0x3FA2]  }
0x2b: {  	s6 =	sld [smem:$0x3FA3]  }
0x2c: {  	s7 =	sld [smem:$0x3FA4]  }
0x2d: {  	s3 =	simm.s32 $0x108;
	s8 =	sld [smem:$0x3FA5]  }
0x2e: {  	s3 =	simm.s32 @!p0 $0x1082;
	s9 =	sld [smem:$0x3FA6]  }
0x2f: {  	lr =	sadd.s32 s0, s3;
	s0 =	sld [smem:$0x3F9D]  }
0x30: {  	s3 =	sld [smem:$0x3FA0]  }
0x31: {  	[smem:$0x3FA9] =	sst s10  }
0x32: {  	s10 =	sld [smem:$0x3FA7];
	_ =	sdelay $0x3  }
0x33: {  	p0 =	seq.s32 s10, $0x1;
	s10 =	sld [smem:$0x3FA9];
	_ =	sdelay $0x3  }
0x34: {  	[smem:$0x3FA9] =	sst s10  }
0x35: {  	s10 =	sld [smem:$0x3FA8];
	_ =	sdelay $0x3  }
0x36: {  	p1 =	seq.s32 s10, $0x1;
	s10 =	sld [smem:$0x3FA9];
	_ =	sdelay $0x3  }
0x37: {  	[smem:$0x3FA9] =	sst s10  }
0x38: {  	s10 =	sld [smem:$0x3FAA]  }
0x39: {  	_ = 	snop;
	(pc) =	sbr.ind lr, $3  }
0x3a: {  	_ = 	snop  }
0x3b: {  	_ = 	snop  }
0x3c: {  	p2 =	seq.s32 s10, $0x1;
	s10 =	sld [smem:$0x3FA9]  }
0x3d: {  	_ =	shalt  }
0x3e: {  	_ =	shalt  }
0x3f: {  	_ =	shalt  }
0x40: {  	_ =	shalt  }
0x41: {  	_ =	shalt  }
0x42: {  	_ =	shalt  }
0x43: {  	_ =	shalt  }
0x44: {  	_ =	shalt  }
0x45: {  	_ =	shalt  }
0x46: {  	_ =	shalt  }
0x47: {  	_ =	shalt  }
0x48: {  	_ =	shalt  }
0x49: {  	_ =	shalt  }
0x4a: {  	_ =	shalt  }
0x4b: {  	_ =	shalt  }
0x4c: {  	_ =	shalt  }
0x4d: {  	_ =	shalt  }
0x4e: {  	_ =	shalt  }
0x4f: {  	_ =	shalt  }
0x50: {  	_ =	shalt  }
0x51: {  	_ =	shalt  }
0x52: {  	_ =	shalt  }
0x53: {  	_ =	shalt  }
0x54: {  	_ =	shalt  }
0x55: {  	_ =	shalt  }
0x56: {  	_ =	shalt  }
0x57: {  	_ =	shalt  }
0x58: {  	_ =	shalt  }
0x59: {  	_ =	shalt  }
0x5a: {  	_ =	shalt  }
0x5b: {  	_ =	shalt  }
0x5c: {  	_ =	shalt  }
0x5d: {  	_ =	shalt  }
0x5e: {  	_ =	shalt  }
0x5f: {  	_ =	shalt  }
0x60: {  	_ =	shalt  }
0x61: {  	_ =	shalt  }
0x62: {  	_ =	shalt  }
0x63: {  	_ =	shalt  }
0x64: {  	_ =	shalt  }
0x65: {  	_ =	shalt  }
0x66: {  	_ =	shalt  }
0x67: {  	_ =	shalt  }
0x68: {  	_ =	shalt  }
0x69: {  	_ =	shalt  }
0x6a: {  	_ =	shalt  }
0x6b: {  	_ =	shalt  }
0x6c: {  	_ =	shalt  }
0x6d: {  	_ =	shalt  }
0x6e: {  	_ =	shalt  }
0x6f: {  	_ =	shalt  }
0x70: {  	_ =	shalt  }
0x71: {  	_ =	shalt  }
0x72: {  	_ =	shalt  }
0x73: {  	_ =	shalt  }
0x74: {  	_ =	shalt  }
0x75: {  	_ =	shalt  }
0x76: {  	_ =	shalt  }
0x77: {  	_ =	shalt  }
0x78: {  	_ =	shalt  }
0x79: {  	_ =	shalt  }
0x7a: {  	_ =	shalt  }
0x7b: {  	_ =	shalt  }
0x7c: {  	_ =	shalt  }
0x7d: {  	_ =	shalt  }
0x7e: {  	_ =	shalt  }
0x7f: {  	_ =	shalt  }
0x80: {  	_ =	shalt  }
0x81: {  	_ =	shalt  }
0x82: {  	_ =	shalt  }
0x83: {  	_ =	shalt  }
0x84: {  	_ =	shalt  }
0x85: {  	_ =	shalt  }
0x86: {  	_ =	shalt  }
0x87: {  	_ =	shalt  }
.Lfunc_end0:
.L_simem_size_0:
called_computation_lowered:
.L_overlay_start_0:
0x88: {  	s2 =	sld [smem:$0x3FD9]  }
0x89: {  	s3 =	sld [smem:$0x3FFE];
	_ =	sdelay $0x1  }
0x8a: {  	s1 =	srdreg.scid  }
0x8b: {  	s0 =	sand.u32 $0x1, s1  }
0x8c: {  	s17 =	sshll.u32 s0, $0xA;
	s2 =	sadd.s32 s3, s2  }
0x8d: {  	s2 =	sadd.s32 s2, s17  }
0x8e: {  	[smem:$0x3FB5] =	sst s2  }
0x8f: {  	_ = 	snop  }
0x90: {  	s18 =	sld [smem:$0x3FD0];
	(tm) =	ssettm $0x1  }
0x91: {  	s19 =	sld [smem:$0x3FFB];
	_ =	sdelay $0x3  }
0x92: {  	_ =	strace s19  }
0x93: {  	s2 =	sld [smem:$0x3FFC];
	_ =	sdelay $0x3  }
0x94: {  	_ =	strace s2  }
0x95: {  	s2 =	sld [smem:$0x3FFD];
	_ =	sdelay $0x3  }
0x96: {  	_ =	strace s2  }
0x97: {  	_ =	strace $0x8FFFFFFF  }
0x98: {  	s20 =	sld [smem:$0x3FDB];
	_ =	sdelay $0x1  }
0x99: {  	s4 =	simm.s32 $_scs_section_size  }
0x9a: {  	s5 =	simm.s32 $_size__tile_overlayer_lowered;
	s6 =	simm.s32 $_tile_overlayer_lowered  }
0x9b: {  	s7 =	simm.s32 $0x1BFF;
	s21 =	sshll.u32 s6, $0x1;
	s4 =	sadd.s32 s4, s20  }
0x9c: {  	s22 =	simm.s32 $0x0;
	s5 =	sshll.u32 s5, $0x1;
	s6 =	sadd.s32 s21, s4  }
0x9d: {  	[timem:s22], [sflag:s7] =	dma.local [hbm:s6], s5  }
0x9e: {  	_ =	swait.ge [sflag:s7], s5  }
0x9f: {  	s5 =	ssub.s32 $0x0, s5;
	[sflag:s7] =	ssyncset.done $0x0  }
0xa0: {  	[sflag:s7] =	ssyncadd.s32 s5;
	_ =	sdelay $0x1  }
0xa1: {  	s23 =	simm.s32 $0x1B8B  }
0xa2: {  	_ =	swait.ge [sflag:s23], $0x1  }
0xa3: {  	[sflag:s23] =	ssyncset.done $0x0  }
0xa4: {  	[sflag:s23] =	ssyncadd.s32 $0xFFFFFFFF  }
0xa5: {  	s5 =	sld [smem:$0x0]  }
0xa6: {  	s6 =	sand.u32 $0xFFFFFFFE, s1  }
0xa7: {  	p0 =	sne.s32 s1, s6  }
0xa8: {  	s6 =	sshll.u32 @p0 s6, $0xE  }
0xa9: {  	s6 =	sadd.s32 @p0 $0x11B8D, s6;
	s7 =	sshll.u32 @p0 s5, $0x11  }
0xaa: {  	s6 =	sor.u32 @p0 s7, s6  }
0xab: {  	[sflag:s6] =	ssyncadd.remote.s32 @p0 $0x1;
	_ =	sdelay $0x1  }
0xac: {  	s6 =	simm.s32 @p0 $0x1B8D  }
0xad: {  	_ =	swait.eq @p0 [sflag:s6], $0x1  }
0xae: {  	[sflag:s6] =	ssyncadd.s32 @p0 $0xFFFFFFFF  }
0xaf: {  	s7 =	sshll.u32 @!p0 s1, $0xE  }
0xb0: {  	s7 =	sor.u32 @!p0 $0x4000, s7;
	s6 =	simm.s32 @!p0 $0x1B8D  }
0xb1: {  	s5 =	sshll.u32 @!p0 s5, $0x11;
	s7 =	sadd.s32 @!p0 $0x11B8D, s7;
	_ =	swait.eq @!p0 [sflag:s6], $0x1  }
0xb2: {  	s5 =	sor.u32 @!p0 s5, s7;
	[sflag:s6] =	ssyncadd.s32 @!p0 $0xFFFFFFFF  }
0xb3: {  	s25 =	simm.s32 $0x1B8E;
	s24 =	sld [smem:$0x3FFE];
	[sflag:s5] =	ssyncadd.remote.s32 @!p0 $0x1  }
0xb4: {  	s26 =	simm.s32 $execute0_lowered;
	[smem:$0x3FD2] =	sst s25  }
0xb5: {  	s6 =	sshll.u32 s26, $0x1;
	_ =	strace $0x80000049;
	[dreg:$0x1] =	wrdreg $0xFFFFFFFF  }
0xb6: {  	s28 =	simm.s32 $_size_execute0_lowered;
	s4 =	sadd.s32 s4, s6;
	[dreg:$0x0] =	wrdreg $0x0  }
0xb7: {  	s6 =	sshll.u32 s28, $0x1;
	[dreg:$0x2] =	wrdreg s4  }
0xb8: {  	[dreg:$0x3] =	wrdreg s6  }
0xb9: {  	[dreg:$0x4] =	wrdreg $0xC0  }
0xba: {  	_ =	task [dreg:s22], $0x5FFFF  }
0xbb: {  	[dreg:$0x1] =	wrdreg $0xFFFFFFFF  }
0xbc: {  	[dreg:$0x0] =	wrdreg $0x60  }
0xbd: {  	[dreg:$0x2] =	wrdreg s24  }
0xbe: {  	[dreg:$0x3] =	wrdreg s18  }
0xbf: {  	[dreg:$0x4] =	wrdreg $0x0  }
0xc0: {  	[dreg:$0x5] =	wrdreg $0x9  }
0xc1: {  	_ =	task.clear_ibuf [dreg:s22], $0x6FFFF;
	_ =	strace $0x90000049  }
0xc2: {  	s29 =	simm.s32 $0x9;
	_ =	strace $0x8000004B  }
0xc3: {  	_ =	swait.ge [sflag:s29], $0x1  }
0xc4: {  	[sflag:s29] =	ssyncadd.s32 $0xFFFFFFFF  }
0xc5: {  	_ =	strace $0x9000004B  }
0xc6: {  	_ =	sfence  }
0xc7: {  	s30 =	sld [smem:$0x0];
	_ =	sdelay $0x2  }
0xc8: {  	s31 =	sshll.u32 s1, $0xD;
	s1 =	sshrl.u32 s1, $0x2  }
0xc9: {  	s4 =	sand.u32 $0x4000, s31;
	s1 =	sadd.s32 s1, s30  }
0xca: {  	s0 =	sor.u32 s4, s0;
	s1 =	sshll.u32 s1, $0x11  }
0xcb: {  	s0 =	sor.u32 s1, s0  }
0xcc: {  	s0 =	sadd.s32 $0x8F2B, s0  }
0xcd: {  	[sflag:s0] =	ssyncadd.remote.s32 $0x1  }
0xce: {  	_ =	sfence.sel $0xFFFF  }
0xcf: {  	[dreg:$0x0] =	wrdreg $0xFFFFFFFF;
	(pc) =	sbr.abs _section_cstart, $3  }
0xd0: {  	[dreg:$0x1] =	wrdreg $0xFFFFFFFF  }
0xd1: {  	_ =	task.clear_ibuf [dreg:s22], $0x2FFFF;
	_ =	strace $0x9FFFFFFF  }
0xd2: {  	(tm) =	ssettm $0x7FFFFFFF  }
0xd3: {  	_ =	shalt  }
tec
execute0_lowered:
.L_overlay_start_1:
0x0: {  	(tag) =	ssettag $0x1  }
0x1: {  	s7 =	rddreg [dreg:$0x0]  }
0x2: {  	s2 =	rddreg [dreg:$0x1]  }
0x3: {  	s3 =	rddreg [dreg:$0x2];
	s1 =	stileid.u32  }
0x4: {  	s0 =	rddreg [dreg:$0x3];
	s4 =	simm.s32 $0x0;
	s6 =	srdreg.scid  }
0x5: {  	s15 =	simm.s32 $0x14000;
	s16 =	simm.s32 $0x13C00;
	s17 =	simm.s32 $0x80  }
0x6: {  	s18 =	simm.s32 $0x13C80;
	s19 =	simm.s32 $0x13D00;
	s20 =	simm.s32 $0x13D80  }
0x7: {  	s21 =	simm.s32 $0x13E00;
	s22 =	simm.s32 $0x13E80;
	s23 =	simm.s32 $0x13F00  }
0x8: {  	s24 =	simm.s32 $0x13F80;
	s25 =	simm.s32 $0x1;
	s26 =	simm.s32 $0x0  }
0x9: {  	s5 =	smul.u32 $0xA00, s1;
	[smem:$0x7FF] =	sst s4;
	s13 =	sand.u32 $0x1, s6  }
0xa: {  	s9 =	smul.u32 $0x4F000, s1;
	s6 =	sadd.s32 $0x7D800, s7;
	s31 =	sshll.u32 s1, $0x6  }
0xb: {  	_ =	strace $0x8000004A;
	s8 =	ssub.s32 $0x2, s13;
	p0 =	sne.s32 s13, $0x0  }
.Ltmp0:
0xc: {  	s12 =	sadd.s32 s5, s7;
	s5 =	sadd.s32 $0x7D000, s7;
	(pc) =	sbr.rel .LBB2_1-.Ltmp0, $4  }
0xd: {  	s7 =	sadd.s32 $0xA5000, s7;
	s10 =	sshrl.u32 s8, $0x1;
	s30 =	sshrl.u32 s9, $0x2  }
0xe: {  	s9 =	smul.u32 $0x2780, s1;
	s10 =	ssub.s32 s8, s10;
	s14 =	sadd.s32 s30, s3  }
0xf: {  	s8 =	sor.u32 $0x1C02, s31;
	s11 =	sadd.s32 $0x6000, s12;
	s12 =	sadd.s32 $0x1A000, s12  }
0x10: {  	s10 =	smax.u32 s10, $0x1;
	s13 =	sshrl.u32 s14, $0x3;
	s14 =	simm.s32 $0x2  }
.LBB2_7:
0x11: {  	s28 =	sadd.s32 s28, s11;
	[sflag:s25] =	ssyncadd.s32 $0xFFFFC000  }
0x12: {  	[tilespmem:s16], [sflag:$0x2] =	stream.linear.gather [hbm4b:s28+s4], $0x400, $0x38;
	[tilespmem:$0x18000] =	vst v63  }
0x13: {  	_ =	swait.ge [sflag:s14], $0x400  }
0x14: {  	[sflag:s14] =	ssyncset.done $0x0  }
0x15: {  	[sflag:s14] =	ssyncadd.s32 $0xFFFFFC00  }
0x16: {  	[spmem:s3] =	stream.indirect.scatter.add.f32 [tilespmem:s15], [sflag:$0x1], $0x80, s16, s17, $0xb8;
	[tilespmem:$0x18000] =	vst v63  }
0x17: {  	_ = 	snop  }
0x18: {  	[spmem:s3] =	stream.indirect.scatter.add.f32 [tilespmem:s15], [sflag:$0x1], $0x80, s18, s17, $0xb8;
	[tilespmem:$0x18000] =	vst v63  }
0x19: {  	_ = 	snop  }
0x1a: {  	[spmem:s3] =	stream.indirect.scatter.add.f32 [tilespmem:s15], [sflag:$0x1], $0x80, s19, s17, $0xb8;
	[tilespmem:$0x18000] =	vst v63  }
0x1b: {  	_ = 	snop  }
0x1c: {  	[spmem:s3] =	stream.indirect.scatter.add.f32 [tilespmem:s15], [sflag:$0x1], $0x80, s20, s17, $0xb8;
	[tilespmem:$0x18000] =	vst v63  }
0x1d: {  	_ = 	snop  }
0x1e: {  	[spmem:s3] =	stream.indirect.scatter.add.f32 [tilespmem:s15], [sflag:$0x1], $0x80, s21, s17, $0xb8;
	[tilespmem:$0x18000] =	vst v63  }
0x1f: {  	_ = 	snop  }
0x20: {  	[spmem:s3] =	stream.indirect.scatter.add.f32 [tilespmem:s15], [sflag:$0x1], $0x80, s22, s17, $0xb8;
	[tilespmem:$0x18000] =	vst v63  }
0x21: {  	_ = 	snop  }
0x22: {  	[spmem:s3] =	stream.indirect.scatter.add.f32 [tilespmem:s15], [sflag:$0x1], $0x80, s23, s17, $0xb8;
	[tilespmem:$0x18000] =	vst v63  }
0x23: {  	_ = 	snop  }
0x24: {  	[spmem:s3] =	stream.indirect.scatter.add.f32 [tilespmem:s15], [sflag:$0x1], $0x80, s24, s17, $0xb8;
	[tilespmem:$0x18000] =	vst v63  }
0x25: {  	_ =	swait.ge [sflag:s25], $0x4000  }
0x26: {  	[sflag:s25] =	ssyncset.done $0x0  }
0x27: {  	[sflag:s25] =	ssyncadd.s32 $0xFFFFC000  }
0x28: {  	_ =	swait.ge [sflag:s25], $0x4000  }
0x29: {  	[sflag:s25] =	ssyncset.done $0x0  }
0x2a: {  	[sflag:s25] =	ssyncadd.s32 $0xFFFFC000  }
0x2b: {  	_ =	swait.ge [sflag:s25], $0x4000  }
0x2c: {  	[sflag:s25] =	ssyncset.done $0x0  }
0x2d: {  	[sflag:s25] =	ssyncadd.s32 $0xFFFFC000  }
0x2e: {  	_ =	swait.ge [sflag:s25], $0x4000  }
0x2f: {  	[sflag:s25] =	ssyncset.done $0x0  }
0x30: {  	[sflag:s25] =	ssyncadd.s32 $0xFFFFC000  }
0x31: {  	_ =	swait.ge [sflag:s25], $0x4000  }
0x32: {  	[sflag:s25] =	ssyncset.done $0x0  }
0x33: {  	[sflag:s25] =	ssyncadd.s32 $0xFFFFC000  }
0x34: {  	_ =	swait.ge [sflag:s25], $0x4000  }
0x35: {  	[sflag:s25] =	ssyncset.done $0x0  }
0x36: {  	[sflag:s25] =	ssyncadd.s32 $0xFFFFC000  }
0x37: {  	_ =	swait.ge [sflag:s25], $0x4000  }
0x38: {  	[sflag:s25] =	ssyncset.done $0x0  }
0x39: {  	[sflag:s25] =	ssyncadd.s32 $0xFFFFC000  }
0x3a: {  	_ =	swait.ge [sflag:s25], $0x4000  }
0x3b: {  	[sflag:s25] =	ssyncset.done $0x0  }
0x3c: {  	s28 =	smov.u32 s7;
	[sflag:s25] =	ssyncadd.s32 $0xFFFFC000  }
.LBB2_8:
0x3d: {  	s26 =	sadd.s32 $0x1, s26  }
0x3e: {  	p1 =	sne.s32 s26, s10  }
.Ltmp1:
0x3f: {  	s28 =	sadd.s32 s28, s9;
	[bflag:$0x0] =	sbarrier.arrive $0xFFFF;
	(pc) =	sbr.rel @!p1 .LBB2_9-.Ltmp1, $4  }
0x40: {  	[hbm:s28], [sflag:s8] =	dma.local [spmem:s13], $0x2780  }
0x41: {  	_ =	swait.ge [sflag:s14], $0x2780  }
0x42: {  	[sflag:s14] =	ssyncset.done $0x0  }
0x43: {  	[sflag:s14] =	ssyncadd.s32 $0xFFFFD880  }
.LBB2_1:
0x44: {  	[spmem:s13], [sflag:s8] =	dma.local [hbm:s2], $0x2780  }
0x45: {  	_ =	swait.ge [sflag:s14], $0x2780  }
0x46: {  	[sflag:s14] =	ssyncset.done $0x0  }
0x47: {  	[sflag:s14] =	ssyncadd.s32 $0xFFFFD880  }
0x48: {  	[tilespmem:s15], [sflag:$0x2] =	stream.linear.gather [hbm4b:s5+s4], $0x4000, $0x38;
	[tilespmem:$0x18000] =	vst v63  }
.Ltmp2:
0x49: {  	_ =	swait.ge [sflag:s14], $0x4000;
	(pc) =	sbr.rel @p0 .LBB2_5-.Ltmp2, $3  }
0x4a: {  	[sflag:s14] =	ssyncset.done $0x0  }
0x4b: {  	[sflag:s14] =	ssyncadd.s32 $0xFFFFC000  }
0x4c: {  	[bflag:$0x0] =	sbarrier.arrive $0xFFFF;
	_ =	sdelay $0x1  }
0x4d: {  	s28 =	sadd.s32 $0x0, s12  }
0x4e: {  	[tilespmem:s16], [sflag:$0x2] =	stream.linear.gather [hbm4b:s28+s4], $0x400, $0x38;
	[tilespmem:$0x18000] =	vst v63  }
0x4f: {  	_ =	swait.ge [sflag:s14], $0x400  }
0x50: {  	[sflag:s14] =	ssyncset.done $0x0  }
0x51: {  	[sflag:s14] =	ssyncadd.s32 $0xFFFFFC00  }
0x52: {  	[spmem:s3] =	stream.indirect.scatter.add.f32 [tilespmem:s15], [sflag:$0x1], $0x80, s16, s17, $0xb8;
	[tilespmem:$0x18000] =	vst v63  }
0x53: {  	_ = 	snop  }
0x54: {  	[spmem:s3] =	stream.indirect.scatter.add.f32 [tilespmem:s15], [sflag:$0x1], $0x80, s18, s17, $0xb8;
	[tilespmem:$0x18000] =	vst v63  }
0x55: {  	_ = 	snop  }
0x56: {  	[spmem:s3] =	stream.indirect.scatter.add.f32 [tilespmem:s15], [sflag:$0x1], $0x80, s19, s17, $0xb8;
	[tilespmem:$0x18000] =	vst v63  }
0x57: {  	_ = 	snop  }
0x58: {  	[spmem:s3] =	stream.indirect.scatter.add.f32 [tilespmem:s15], [sflag:$0x1], $0x80, s20, s17, $0xb8;
	[tilespmem:$0x18000] =	vst v63  }
0x59: {  	_ = 	snop  }
0x5a: {  	[spmem:s3] =	stream.indirect.scatter.add.f32 [tilespmem:s15], [sflag:$0x1], $0x80, s21, s17, $0xb8;
	[tilespmem:$0x18000] =	vst v63  }
0x5b: {  	_ = 	snop  }
0x5c: {  	[spmem:s3] =	stream.indirect.scatter.add.f32 [tilespmem:s15], [sflag:$0x1], $0x80, s22, s17, $0xb8;
	[tilespmem:$0x18000] =	vst v63  }
0x5d: {  	_ = 	snop  }
0x5e: {  	[spmem:s3] =	stream.indirect.scatter.add.f32 [tilespmem:s15], [sflag:$0x1], $0x80, s23, s17, $0xb8;
	[tilespmem:$0x18000] =	vst v63  }
0x5f: {  	_ = 	snop  }
0x60: {  	[spmem:s3] =	stream.indirect.scatter.add.f32 [tilespmem:s15], [sflag:$0x1], $0x80, s24, s17, $0xb8;
	[tilespmem:$0x18000] =	vst v63  }
0x61: {  	_ =	swait.ge [sflag:s25], $0x4000  }
0x62: {  	[sflag:s25] =	ssyncset.done $0x0  }
0x63: {  	[sflag:s25] =	ssyncadd.s32 $0xFFFFC000  }
0x64: {  	_ =	swait.ge [sflag:s25], $0x4000  }
0x65: {  	[sflag:s25] =	ssyncset.done $0x0  }
0x66: {  	[sflag:s25] =	ssyncadd.s32 $0xFFFFC000  }
0x67: {  	_ =	swait.ge [sflag:s25], $0x4000  }
0x68: {  	[sflag:s25] =	ssyncset.done $0x0  }
0x69: {  	[sflag:s25] =	ssyncadd.s32 $0xFFFFC000  }
0x6a: {  	_ =	swait.ge [sflag:s25], $0x4000  }
0x6b: {  	[sflag:s25] =	ssyncset.done $0x0  }
0x6c: {  	[sflag:s25] =	ssyncadd.s32 $0xFFFFC000  }
0x6d: {  	_ =	swait.ge [sflag:s25], $0x4000  }
0x6e: {  	[sflag:s25] =	ssyncset.done $0x0  }
0x6f: {  	[sflag:s25] =	ssyncadd.s32 $0xFFFFC000  }
0x70: {  	_ =	swait.ge [sflag:s25], $0x4000  }
0x71: {  	[sflag:s25] =	ssyncset.done $0x0  }
0x72: {  	[sflag:s25] =	ssyncadd.s32 $0xFFFFC000  }
0x73: {  	_ =	swait.ge [sflag:s25], $0x4000  }
0x74: {  	[sflag:s25] =	ssyncset.done $0x0  }
0x75: {  	[sflag:s25] =	ssyncadd.s32 $0xFFFFC000  }
0x76: {  	_ =	swait.ge [sflag:s25], $0x4000  }
0x77: {  	s30 =	simm.s32 $0x100;
	s28 =	simm.s32 $0x80;
	[sflag:s25] =	ssyncset.done $0x0  }
.LBB2_3:
0x78: {  	s31 =	sadd.s32 s28, s12  }
0x79: {  	[sflag:s25] =	ssyncadd.s32 $0xFFFFC000;
	s28 =	smov.u32 s30;
	s29 =	sadd.s32 $0x80, s30  }
0x7a: {  	[tilespmem:s16], [sflag:$0x2] =	stream.linear.gather [hbm4b:s31+s4], $0x400, $0x38;
	[tilespmem:$0x18000] =	vst v63  }
0x7b: {  	p1 =	seq.s32 s30, $0x980;
	_ =	swait.ge [sflag:s14], $0x400  }
0x7c: {  	[sflag:s14] =	ssyncset.done $0x0  }
0x7d: {  	[sflag:s14] =	ssyncadd.s32 $0xFFFFFC00  }
0x7e: {  	[spmem:s3] =	stream.indirect.scatter.add.f32 [tilespmem:s15], [sflag:$0x1], $0x80, s16, s17, $0xb8;
	[tilespmem:$0x18000] =	vst v63  }
0x7f: {  	_ = 	snop  }
0x80: {  	[spmem:s3] =	stream.indirect.scatter.add.f32 [tilespmem:s15], [sflag:$0x1], $0x80, s18, s17, $0xb8;
	[tilespmem:$0x18000] =	vst v63  }
0x81: {  	_ = 	snop  }
0x82: {  	[spmem:s3] =	stream.indirect.scatter.add.f32 [tilespmem:s15], [sflag:$0x1], $0x80, s19, s17, $0xb8;
	[tilespmem:$0x18000] =	vst v63  }
0x83: {  	_ = 	snop  }
0x84: {  	[spmem:s3] =	stream.indirect.scatter.add.f32 [tilespmem:s15], [sflag:$0x1], $0x80, s20, s17, $0xb8;
	[tilespmem:$0x18000] =	vst v63  }
0x85: {  	_ = 	snop  }
0x86: {  	[spmem:s3] =	stream.indirect.scatter.add.f32 [tilespmem:s15], [sflag:$0x1], $0x80, s21, s17, $0xb8;
	[tilespmem:$0x18000] =	vst v63  }
0x87: {  	_ = 	snop  }
0x88: {  	[spmem:s3] =	stream.indirect.scatter.add.f32 [tilespmem:s15], [sflag:$0x1], $0x80, s22, s17, $0xb8;
	[tilespmem:$0x18000] =	vst v63  }
0x89: {  	_ = 	snop  }
0x8a: {  	[spmem:s3] =	stream.indirect.scatter.add.f32 [tilespmem:s15], [sflag:$0x1], $0x80, s23, s17, $0xb8;
	[tilespmem:$0x18000] =	vst v63  }
0x8b: {  	_ = 	snop  }
0x8c: {  	[spmem:s3] =	stream.indirect.scatter.add.f32 [tilespmem:s15], [sflag:$0x1], $0x80, s24, s17, $0xb8;
	[tilespmem:$0x18000] =	vst v63  }
0x8d: {  	_ =	swait.ge [sflag:s25], $0x4000  }
0x8e: {  	[sflag:s25] =	ssyncset.done $0x0  }
0x8f: {  	[sflag:s25] =	ssyncadd.s32 $0xFFFFC000  }
0x90: {  	_ =	swait.ge [sflag:s25], $0x4000  }
0x91: {  	[sflag:s25] =	ssyncset.done $0x0  }
0x92: {  	[sflag:s25] =	ssyncadd.s32 $0xFFFFC000  }
0x93: {  	_ =	swait.ge [sflag:s25], $0x4000  }
0x94: {  	[sflag:s25] =	ssyncset.done $0x0  }
0x95: {  	[sflag:s25] =	ssyncadd.s32 $0xFFFFC000  }
0x96: {  	_ =	swait.ge [sflag:s25], $0x4000  }
0x97: {  	[sflag:s25] =	ssyncset.done $0x0  }
0x98: {  	[sflag:s25] =	ssyncadd.s32 $0xFFFFC000  }
0x99: {  	_ =	swait.ge [sflag:s25], $0x4000  }
0x9a: {  	[sflag:s25] =	ssyncset.done $0x0  }
0x9b: {  	[sflag:s25] =	ssyncadd.s32 $0xFFFFC000  }
0x9c: {  	_ =	swait.ge [sflag:s25], $0x4000  }
0x9d: {  	[sflag:s25] =	ssyncset.done $0x0  }
0x9e: {  	[sflag:s25] =	ssyncadd.s32 $0xFFFFC000  }
.Ltmp3:
0x9f: {  	_ =	swait.ge [sflag:s25], $0x4000;
	(pc) =	sbr.rel @!p1 .LBB2_3-.Ltmp3, $4  }
0xa0: {  	[sflag:s25] =	ssyncset.done $0x0  }
0xa1: {  	[sflag:s25] =	ssyncadd.s32 $0xFFFFC000  }
0xa2: {  	_ =	swait.ge [sflag:s25], $0x4000  }
0xa3: {  	s30 =	smov.u32 s29;
	[sflag:s25] =	ssyncset.done $0x0  }
0xa4: {  	s28 =	sadd.s32 s28, s12;
	[sflag:s25] =	ssyncadd.s32 $0xFFFFC000  }
0xa5: {  	[tilespmem:s16], [sflag:$0x2] =	stream.linear.gather [hbm4b:s28+s4], $0x400, $0x38;
	[tilespmem:$0x18000] =	vst v63  }
0xa6: {  	_ =	swait.ge [sflag:s14], $0x400  }
0xa7: {  	[sflag:s14] =	ssyncset.done $0x0  }
0xa8: {  	[sflag:s14] =	ssyncadd.s32 $0xFFFFFC00  }
0xa9: {  	[spmem:s3] =	stream.indirect.scatter.add.f32 [tilespmem:s15], [sflag:$0x1], $0x80, s16, s17, $0xb8;
	[tilespmem:$0x18000] =	vst v63  }
0xaa: {  	_ = 	snop  }
0xab: {  	[spmem:s3] =	stream.indirect.scatter.add.f32 [tilespmem:s15], [sflag:$0x1], $0x80, s18, s17, $0xb8;
	[tilespmem:$0x18000] =	vst v63  }
0xac: {  	_ = 	snop  }
0xad: {  	[spmem:s3] =	stream.indirect.scatter.add.f32 [tilespmem:s15], [sflag:$0x1], $0x80, s19, s17, $0xb8;
	[tilespmem:$0x18000] =	vst v63  }
0xae: {  	_ = 	snop  }
0xaf: {  	[spmem:s3] =	stream.indirect.scatter.add.f32 [tilespmem:s15], [sflag:$0x1], $0x80, s20, s17, $0xb8;
	[tilespmem:$0x18000] =	vst v63  }
0xb0: {  	_ = 	snop  }
0xb1: {  	[spmem:s3] =	stream.indirect.scatter.add.f32 [tilespmem:s15], [sflag:$0x1], $0x80, s21, s17, $0xb8;
	[tilespmem:$0x18000] =	vst v63  }
0xb2: {  	_ = 	snop  }
0xb3: {  	[spmem:s3] =	stream.indirect.scatter.add.f32 [tilespmem:s15], [sflag:$0x1], $0x80, s22, s17, $0xb8;
	[tilespmem:$0x18000] =	vst v63  }
0xb4: {  	_ = 	snop  }
0xb5: {  	[spmem:s3] =	stream.indirect.scatter.add.f32 [tilespmem:s15], [sflag:$0x1], $0x80, s23, s17, $0xb8;
	[tilespmem:$0x18000] =	vst v63  }
0xb6: {  	_ = 	snop  }
0xb7: {  	[spmem:s3] =	stream.indirect.scatter.add.f32 [tilespmem:s15], [sflag:$0x1], $0x80, s24, s17, $0xb8;
	[tilespmem:$0x18000] =	vst v63  }
0xb8: {  	_ =	swait.ge [sflag:s25], $0x4000  }
0xb9: {  	[sflag:s25] =	ssyncset.done $0x0  }
0xba: {  	[sflag:s25] =	ssyncadd.s32 $0xFFFFC000  }
0xbb: {  	_ =	swait.ge [sflag:s25], $0x4000  }
0xbc: {  	[sflag:s25] =	ssyncset.done $0x0  }
0xbd: {  	[sflag:s25] =	ssyncadd.s32 $0xFFFFC000  }
0xbe: {  	_ =	swait.ge [sflag:s25], $0x4000  }
0xbf: {  	[sflag:s25] =	ssyncset.done $0x0  }
0xc0: {  	[sflag:s25] =	ssyncadd.s32 $0xFFFFC000  }
0xc1: {  	_ =	swait.ge [sflag:s25], $0x4000  }
0xc2: {  	[sflag:s25] =	ssyncset.done $0x0  }
0xc3: {  	[sflag:s25] =	ssyncadd.s32 $0xFFFFC000  }
0xc4: {  	_ =	swait.ge [sflag:s25], $0x4000  }
0xc5: {  	[sflag:s25] =	ssyncset.done $0x0  }
0xc6: {  	[sflag:s25] =	ssyncadd.s32 $0xFFFFC000  }
0xc7: {  	_ =	swait.ge [sflag:s25], $0x4000  }
0xc8: {  	[sflag:s25] =	ssyncset.done $0x0  }
0xc9: {  	[sflag:s25] =	ssyncadd.s32 $0xFFFFC000  }
0xca: {  	_ =	swait.ge [sflag:s25], $0x4000  }
.Ltmp4:
0xcb: {  	[sflag:s25] =	ssyncset.done $0x0;
	(pc) =	sbr.rel .LBB2_8-.Ltmp4, $4  }
0xcc: {  	[sflag:s25] =	ssyncadd.s32 $0xFFFFC000  }
0xcd: {  	_ =	swait.ge [sflag:s25], $0x4000  }
0xce: {  	[sflag:s25] =	ssyncset.done $0x0  }
0xcf: {  	s28 =	smov.u32 s6;
	[sflag:s25] =	ssyncadd.s32 $0xFFFFC000  }
.LBB2_5:
0xd0: {  	s28 =	sadd.s32 $0x0, s11  }
0xd1: {  	[tilespmem:s16], [sflag:$0x2] =	stream.linear.gather [hbm4b:s28+s4], $0x400, $0x38;
	[tilespmem:$0x18000] =	vst v63  }
0xd2: {  	_ =	swait.ge [sflag:s14], $0x400  }
0xd3: {  	[sflag:s14] =	ssyncset.done $0x0  }
0xd4: {  	[sflag:s14] =	ssyncadd.s32 $0xFFFFFC00  }
0xd5: {  	[spmem:s3] =	stream.indirect.scatter.add.f32 [tilespmem:s15], [sflag:$0x1], $0x80, s16, s17, $0xb8;
	[tilespmem:$0x18000] =	vst v63  }
0xd6: {  	_ = 	snop  }
0xd7: {  	[spmem:s3] =	stream.indirect.scatter.add.f32 [tilespmem:s15], [sflag:$0x1], $0x80, s18, s17, $0xb8;
	[tilespmem:$0x18000] =	vst v63  }
0xd8: {  	_ = 	snop  }
0xd9: {  	[spmem:s3] =	stream.indirect.scatter.add.f32 [tilespmem:s15], [sflag:$0x1], $0x80, s19, s17, $0xb8;
	[tilespmem:$0x18000] =	vst v63  }
0xda: {  	_ = 	snop  }
0xdb: {  	[spmem:s3] =	stream.indirect.scatter.add.f32 [tilespmem:s15], [sflag:$0x1], $0x80, s20, s17, $0xb8;
	[tilespmem:$0x18000] =	vst v63  }
0xdc: {  	_ = 	snop  }
0xdd: {  	[spmem:s3] =	stream.indirect.scatter.add.f32 [tilespmem:s15], [sflag:$0x1], $0x80, s21, s17, $0xb8;
	[tilespmem:$0x18000] =	vst v63  }
0xde: {  	_ = 	snop  }
0xdf: {  	[spmem:s3] =	stream.indirect.scatter.add.f32 [tilespmem:s15], [sflag:$0x1], $0x80, s22, s17, $0xb8;
	[tilespmem:$0x18000] =	vst v63  }
0xe0: {  	_ = 	snop  }
0xe1: {  	[spmem:s3] =	stream.indirect.scatter.add.f32 [tilespmem:s15], [sflag:$0x1], $0x80, s23, s17, $0xb8;
	[tilespmem:$0x18000] =	vst v63  }
0xe2: {  	_ = 	snop  }
0xe3: {  	[spmem:s3] =	stream.indirect.scatter.add.f32 [tilespmem:s15], [sflag:$0x1], $0x80, s24, s17, $0xb8;
	[tilespmem:$0x18000] =	vst v63  }
0xe4: {  	_ =	swait.ge [sflag:s25], $0x4000  }
0xe5: {  	[sflag:s25] =	ssyncset.done $0x0  }
0xe6: {  	[sflag:s25] =	ssyncadd.s32 $0xFFFFC000  }
0xe7: {  	_ =	swait.ge [sflag:s25], $0x4000  }
0xe8: {  	[sflag:s25] =	ssyncset.done $0x0  }
0xe9: {  	[sflag:s25] =	ssyncadd.s32 $0xFFFFC000  }
0xea: {  	_ =	swait.ge [sflag:s25], $0x4000  }
0xeb: {  	[sflag:s25] =	ssyncset.done $0x0  }
0xec: {  	[sflag:s25] =	ssyncadd.s32 $0xFFFFC000  }
0xed: {  	_ =	swait.ge [sflag:s25], $0x4000  }
0xee: {  	[sflag:s25] =	ssyncset.done $0x0  }
0xef: {  	[sflag:s25] =	ssyncadd.s32 $0xFFFFC000  }
0xf0: {  	_ =	swait.ge [sflag:s25], $0x4000  }
0xf1: {  	[sflag:s25] =	ssyncset.done $0x0  }
0xf2: {  	[sflag:s25] =	ssyncadd.s32 $0xFFFFC000  }
0xf3: {  	_ =	swait.ge [sflag:s25], $0x4000  }
0xf4: {  	[sflag:s25] =	ssyncset.done $0x0  }
0xf5: {  	[sflag:s25] =	ssyncadd.s32 $0xFFFFC000  }
0xf6: {  	_ =	swait.ge [sflag:s25], $0x4000  }
0xf7: {  	[sflag:s25] =	ssyncset.done $0x0  }
0xf8: {  	[sflag:s25] =	ssyncadd.s32 $0xFFFFC000  }
0xf9: {  	_ =	swait.ge [sflag:s25], $0x4000  }
0xfa: {  	s30 =	simm.s32 $0x100;
	s28 =	simm.s32 $0x80;
	[sflag:s25] =	ssyncset.done $0x0  }
.LBB2_6:
0xfb: {  	s31 =	sadd.s32 s28, s11  }
0xfc: {  	[sflag:s25] =	ssyncadd.s32 $0xFFFFC000;
	s28 =	smov.u32 s30;
	s29 =	sadd.s32 $0x80, s30  }
0xfd: {  	[tilespmem:s16], [sflag:$0x2] =	stream.linear.gather [hbm4b:s31+s4], $0x400, $0x38;
	[tilespmem:$0x18000] =	vst v63  }
0xfe: {  	p1 =	sne.s32 s30, $0x980;
	_ =	swait.ge [sflag:s14], $0x400  }
0xff: {  	[sflag:s14] =	ssyncset.done $0x0  }
0x100: {  	[sflag:s14] =	ssyncadd.s32 $0xFFFFFC00  }
0x101: {  	[spmem:s3] =	stream.indirect.scatter.add.f32 [tilespmem:s15], [sflag:$0x1], $0x80, s16, s17, $0xb8;
	[tilespmem:$0x18000] =	vst v63  }
0x102: {  	_ = 	snop  }
0x103: {  	[spmem:s3] =	stream.indirect.scatter.add.f32 [tilespmem:s15], [sflag:$0x1], $0x80, s18, s17, $0xb8;
	[tilespmem:$0x18000] =	vst v63  }
0x104: {  	_ = 	snop  }
0x105: {  	[spmem:s3] =	stream.indirect.scatter.add.f32 [tilespmem:s15], [sflag:$0x1], $0x80, s19, s17, $0xb8;
	[tilespmem:$0x18000] =	vst v63  }
0x106: {  	_ = 	snop  }
0x107: {  	[spmem:s3] =	stream.indirect.scatter.add.f32 [tilespmem:s15], [sflag:$0x1], $0x80, s20, s17, $0xb8;
	[tilespmem:$0x18000] =	vst v63  }
0x108: {  	_ = 	snop  }
0x109: {  	[spmem:s3] =	stream.indirect.scatter.add.f32 [tilespmem:s15], [sflag:$0x1], $0x80, s21, s17, $0xb8;
	[tilespmem:$0x18000] =	vst v63  }
0x10a: {  	_ = 	snop  }
0x10b: {  	[spmem:s3] =	stream.indirect.scatter.add.f32 [tilespmem:s15], [sflag:$0x1], $0x80, s22, s17, $0xb8;
	[tilespmem:$0x18000] =	vst v63  }
0x10c: {  	_ = 	snop  }
0x10d: {  	[spmem:s3] =	stream.indirect.scatter.add.f32 [tilespmem:s15], [sflag:$0x1], $0x80, s23, s17, $0xb8;
	[tilespmem:$0x18000] =	vst v63  }
0x10e: {  	_ = 	snop  }
0x10f: {  	[spmem:s3] =	stream.indirect.scatter.add.f32 [tilespmem:s15], [sflag:$0x1], $0x80, s24, s17, $0xb8;
	[tilespmem:$0x18000] =	vst v63  }
0x110: {  	_ =	swait.ge [sflag:s25], $0x4000  }
0x111: {  	[sflag:s25] =	ssyncset.done $0x0  }
0x112: {  	[sflag:s25] =	ssyncadd.s32 $0xFFFFC000  }
0x113: {  	_ =	swait.ge [sflag:s25], $0x4000  }
0x114: {  	[sflag:s25] =	ssyncset.done $0x0  }
0x115: {  	[sflag:s25] =	ssyncadd.s32 $0xFFFFC000  }
0x116: {  	_ =	swait.ge [sflag:s25], $0x4000  }
0x117: {  	[sflag:s25] =	ssyncset.done $0x0  }
0x118: {  	[sflag:s25] =	ssyncadd.s32 $0xFFFFC000  }
0x119: {  	_ =	swait.ge [sflag:s25], $0x4000  }
0x11a: {  	[sflag:s25] =	ssyncset.done $0x0  }
0x11b: {  	[sflag:s25] =	ssyncadd.s32 $0xFFFFC000  }
0x11c: {  	_ =	swait.ge [sflag:s25], $0x4000  }
0x11d: {  	[sflag:s25] =	ssyncset.done $0x0  }
0x11e: {  	[sflag:s25] =	ssyncadd.s32 $0xFFFFC000  }
0x11f: {  	_ =	swait.ge [sflag:s25], $0x4000  }
0x120: {  	[sflag:s25] =	ssyncset.done $0x0  }
0x121: {  	[sflag:s25] =	ssyncadd.s32 $0xFFFFC000  }
.Ltmp5:
0x122: {  	_ =	swait.ge [sflag:s25], $0x4000;
	(pc) =	sbr.rel @p1 .LBB2_6-.Ltmp5, $4  }
0x123: {  	[sflag:s25] =	ssyncset.done $0x0  }
0x124: {  	[sflag:s25] =	ssyncadd.s32 $0xFFFFC000  }
0x125: {  	_ =	swait.ge [sflag:s25], $0x4000  }
0x126: {  	s30 =	smov.u32 s29;
	[sflag:s25] =	ssyncset.done $0x0  }
.Ltmp6:
0x127: {  	_ = 	snop;
	(pc) =	sbr.rel .LBB2_7-.Ltmp6, $1  }
0x128: {  	_ =	sdelay $0x3  }
.LBB2_9:
0x129: {  	_ =	sfence.sel $0x180000  }
0x12a: {  	[bflag:$0x0] =	sbarrier.arrive $0xFFFF  }
0x12b: {  	p0 =	sne.s32 s1, $0x0;
	_ =	strace $0x9000004A  }
0x12c: {  	s0 =	sadd.s32 @!p0 $0x100000, s0;
	[bflag:$0x2] =	sbarrier.arrive $0xFFFF  }
0x12d: {  	[sflag:s0] =	ssyncadd.tile.s32 @!p0 $0x1;
	_ =	shalt  }
.Lfunc_end2:
_tile_overlayer_lowered:
.L_overlay_start_2:
0x12e: {  	(tag) =	ssettag $0x2  }
0x12f: {  	s0 =	rddreg [dreg:$0x0];
	s2 =	stileid.u32  }
0x130: {  	s1 =	rddreg [dreg:$0x1];
	p0 =	sne.s32 s2, $0x0  }
0x131: {  	s3 =	rddreg [dreg:$0x2];
	[bflag:$0x3] =	sbarrier.arrive $0xFFFF;
	s2 =	simm.s32 @!p0 $0x1C02  }
0x132: {  	[timem:s3], [sflag:s2] =	dma.local @!p0 [hbm:s0], s1  }
0x133: {  	s0 =	simm.s32 @!p0 $0x2  }
0x134: {  	_ =	swait.ge @!p0 [sflag:s0], s1  }
0x135: {  	s1 =	ssub.s32 @!p0 $0x0, s1;
	[sflag:s0] =	ssyncset.done @!p0 $0x0  }
0x136: {  	[sflag:s0] =	ssyncadd.s32 @!p0 s1  }
0x137: {  	[bflag:$0x3] =	sbarrier.arrive $0xFFFF  }
0x138: {  	_ =	shalt  }

// kernel: sc_gather_sel.3.cloned.1.call-start
scs
__scs_entry_jumppad:
0x0: {  	(pc) =	sbr.rel $0x88, $3  }
0x1: {  	(tag) =	ssettag $0x0;
	lr =	simm.s32 $0x1  }
0x2: {  	[smem:$0x3F8E] =	sst lr;
	_ =	strace $0xD0000000  }
0x3: {  	_ = 	snop  }
0x4: {  	_ = 	snop  }
0x5: {  	_ = 	snop  }
0x6: {  	_ = 	snop  }
0x7: {  	_ = 	snop  }
__scs_overlays_trampoline_lowered:
0x8: {  	[smem:$0x3F9D] =	sst s0  }
0x9: {  	[smem:$0x3F9E] =	sst s1  }
0xa: {  	[smem:$0x3F9F] =	sst s2  }
0xb: {  	[smem:$0x3FA0] =	sst s3  }
0xc: {  	[smem:$0x3FA1] =	sst s4  }
0xd: {  	[smem:$0x3FA2] =	sst s5  }
0xe: {  	[smem:$0x3FA3] =	sst s6  }
0xf: {  	[smem:$0x3FA4] =	sst s7  }
0x10: {  	[smem:$0x3FA5] =	sst s8  }
0x11: {  	[smem:$0x3FA6] =	sst s9;
	s0 =	simm.s32 @!p0 $0x0  }
0x12: {  	s1 =	sld [smem:$0x3F8C];
	s0 =	simm.s32 @p0 $0x1  }
0x13: {  	[smem:$0x3FA7] =	sst s0;
	s0 =	simm.s32 @!p1 $0x0  }
0x14: {  	s2 =	sld [smem:$0x3F8B];
	s0 =	simm.s32 @p1 $0x1  }
0x15: {  	[smem:$0x3FA8] =	sst s0;
	s0 =	simm.s32 @!p2 $0x0  }
0x16: {  	s3 =	sld [smem:$0x3FDB];
	s0 =	simm.s32 @p2 $0x1  }
0x17: {  	s4 =	simm.s32 $0x1BF5;
	[smem:$0x3FAA] =	sst s0  }
0x18: {  	s0 =	sld [smem:$0x3F8D];
	_ =	swait.ge [sflag:s4], $0x0  }
0x19: {  	s7 =	sld [smem:$0x3F8E]  }
0x1a: {  	s8 =	sadd.s32 $0xFFFFE003, lr  }
0x1b: {  	s9 =	sadd.s32 $0xFFFFFEF7, lr;
	s5 =	simm.s32 $0xFFFFFFFF;
	p2 =	slt.u32 s8, $0xFFFFF086  }
0x1c: {  	p1 =	slt.u32 s9, $0xF7A;
	s5 =	simm.s32 @!p2 $0x0  }
0x1d: {  	s5 =	simm.s32 @p1 $0x1;
	p0 =	seq.s32 s7, s2  }
0x1e: {  	s7 =	smul.u32 @!p0 $0xF7A, s2;
	p2 =	seq.s32 @!p0 s5, $0x0  }
0x1f: {  	s9 =	smul.u32 $0xF7A, s1;
	s8 =	simm.s32 @!p0 $0x1BF5;
	p2 =	por !p2, p0  }
0x20: {  	[sflag:s8] =	ssyncset.s32 @!p0 $0xFFFFF086;
	s6 =	sadd.s32 @!p0 s3, s7;
	s7 =	simm.s32 @!p0 $0x108  }
0x21: {  	s3 =	sadd.s32 s3, s9;
	s6 =	sadd.s32 @!p0 $0x88, s6;
	s7 =	simm.s32 @p2 $0x1082  }
0x22: {  	[simem:s7], [sflag:s8] =	dma.local @!p0 [hbm:s6], $0xF7A  }
0x23: {  	s9 =	sor.u32 $0xD0000000, s2;
	s6 =	simm.s32 $0x108;
	_ =	swait.ge @!p0 [sflag:s8], $0x0  }
0x24: {  	s3 =	sadd.s32 $0x88, s3;
	s6 =	simm.s32 @!p1 $0x1082;
	[sflag:s4] =	ssyncset.s32 $0xFFFFF086  }
0x25: {  	[simem:s6], [sflag:s4] =	dma.local [hbm:s3], $0xF7A  }
0x26: {  	[smem:$0x3F8E] =	sst s1;
	(tag) =	ssettag s2;
	_ =	strace s9  }
0x27: {  	s1 =	sld [smem:$0x3F9E]  }
0x28: {  	s2 =	sld [smem:$0x3F9F]  }
0x29: {  	s4 =	sld [smem:$0x3FA1]  }
0x2a: {  	p0 =	seq.s32 s5, $0x0;
	s5 =	sld [smem:$0x3FA2]  }
0x2b: {  	s6 =	sld [smem:$0x3FA3]  }
0x2c: {  	s7 =	sld [smem:$0x3FA4]  }
0x2d: {  	s3 =	simm.s32 $0x108;
	s8 =	sld [smem:$0x3FA5]  }
0x2e: {  	s3 =	simm.s32 @!p0 $0x1082;
	s9 =	sld [smem:$0x3FA6]  }
0x2f: {  	lr =	sadd.s32 s0, s3;
	s0 =	sld [smem:$0x3F9D]  }
0x30: {  	s3 =	sld [smem:$0x3FA0]  }
0x31: {  	[smem:$0x3FA9] =	sst s10  }
0x32: {  	s10 =	sld [smem:$0x3FA7];
	_ =	sdelay $0x3  }
0x33: {  	p0 =	seq.s32 s10, $0x1;
	s10 =	sld [smem:$0x3FA9];
	_ =	sdelay $0x3  }
0x34: {  	[smem:$0x3FA9] =	sst s10  }
0x35: {  	s10 =	sld [smem:$0x3FA8];
	_ =	sdelay $0x3  }
0x36: {  	p1 =	seq.s32 s10, $0x1;
	s10 =	sld [smem:$0x3FA9];
	_ =	sdelay $0x3  }
0x37: {  	[smem:$0x3FA9] =	sst s10  }
0x38: {  	s10 =	sld [smem:$0x3FAA]  }
0x39: {  	_ = 	snop;
	(pc) =	sbr.ind lr, $3  }
0x3a: {  	_ = 	snop  }
0x3b: {  	_ = 	snop  }
0x3c: {  	p2 =	seq.s32 s10, $0x1;
	s10 =	sld [smem:$0x3FA9]  }
0x3d: {  	_ =	shalt  }
0x3e: {  	_ =	shalt  }
0x3f: {  	_ =	shalt  }
0x40: {  	_ =	shalt  }
0x41: {  	_ =	shalt  }
0x42: {  	_ =	shalt  }
0x43: {  	_ =	shalt  }
0x44: {  	_ =	shalt  }
0x45: {  	_ =	shalt  }
0x46: {  	_ =	shalt  }
0x47: {  	_ =	shalt  }
0x48: {  	_ =	shalt  }
0x49: {  	_ =	shalt  }
0x4a: {  	_ =	shalt  }
0x4b: {  	_ =	shalt  }
0x4c: {  	_ =	shalt  }
0x4d: {  	_ =	shalt  }
0x4e: {  	_ =	shalt  }
0x4f: {  	_ =	shalt  }
0x50: {  	_ =	shalt  }
0x51: {  	_ =	shalt  }
0x52: {  	_ =	shalt  }
0x53: {  	_ =	shalt  }
0x54: {  	_ =	shalt  }
0x55: {  	_ =	shalt  }
0x56: {  	_ =	shalt  }
0x57: {  	_ =	shalt  }
0x58: {  	_ =	shalt  }
0x59: {  	_ =	shalt  }
0x5a: {  	_ =	shalt  }
0x5b: {  	_ =	shalt  }
0x5c: {  	_ =	shalt  }
0x5d: {  	_ =	shalt  }
0x5e: {  	_ =	shalt  }
0x5f: {  	_ =	shalt  }
0x60: {  	_ =	shalt  }
0x61: {  	_ =	shalt  }
0x62: {  	_ =	shalt  }
0x63: {  	_ =	shalt  }
0x64: {  	_ =	shalt  }
0x65: {  	_ =	shalt  }
0x66: {  	_ =	shalt  }
0x67: {  	_ =	shalt  }
0x68: {  	_ =	shalt  }
0x69: {  	_ =	shalt  }
0x6a: {  	_ =	shalt  }
0x6b: {  	_ =	shalt  }
0x6c: {  	_ =	shalt  }
0x6d: {  	_ =	shalt  }
0x6e: {  	_ =	shalt  }
0x6f: {  	_ =	shalt  }
0x70: {  	_ =	shalt  }
0x71: {  	_ =	shalt  }
0x72: {  	_ =	shalt  }
0x73: {  	_ =	shalt  }
0x74: {  	_ =	shalt  }
0x75: {  	_ =	shalt  }
0x76: {  	_ =	shalt  }
0x77: {  	_ =	shalt  }
0x78: {  	_ =	shalt  }
0x79: {  	_ =	shalt  }
0x7a: {  	_ =	shalt  }
0x7b: {  	_ =	shalt  }
0x7c: {  	_ =	shalt  }
0x7d: {  	_ =	shalt  }
0x7e: {  	_ =	shalt  }
0x7f: {  	_ =	shalt  }
0x80: {  	_ =	shalt  }
0x81: {  	_ =	shalt  }
0x82: {  	_ =	shalt  }
0x83: {  	_ =	shalt  }
0x84: {  	_ =	shalt  }
0x85: {  	_ =	shalt  }
0x86: {  	_ =	shalt  }
0x87: {  	_ =	shalt  }
.Lfunc_end0:
.L_simem_size_0:
called_computation.3_lowered:
.L_overlay_start_0:
0x88: {  	s2 =	sld [smem:$0x3FD9]  }
0x89: {  	s3 =	sld [smem:$0x3FFE];
	_ =	sdelay $0x1  }
0x8a: {  	s1 =	srdreg.scid  }
0x8b: {  	s0 =	sand.u32 $0x1, s1  }
0x8c: {  	s16 =	sshll.u32 s0, $0xA;
	s2 =	sadd.s32 s3, s2  }
0x8d: {  	s2 =	sadd.s32 s2, s16  }
0x8e: {  	[smem:$0x3FB5] =	sst s2  }
0x8f: {  	_ = 	snop  }
0x90: {  	(tm) =	ssettm $0x1  }
0x91: {  	s17 =	sld [smem:$0x3FFB];
	_ =	sdelay $0x3  }
0x92: {  	_ =	strace s17  }
0x93: {  	s2 =	sld [smem:$0x3FFC];
	_ =	sdelay $0x3  }
0x94: {  	_ =	strace s2  }
0x95: {  	s2 =	sld [smem:$0x3FFD];
	_ =	sdelay $0x3  }
0x96: {  	_ =	strace s2  }
0x97: {  	_ =	strace $0x8FFFFFFF  }
0x98: {  	s18 =	sld [smem:$0x3FDB];
	_ =	sdelay $0x1  }
0x99: {  	s19 =	simm.s32 $_scs_section_size  }
0x9a: {  	s4 =	simm.s32 $_size__tile_overlayer_lowered;
	s5 =	simm.s32 $_tile_overlayer_lowered  }
0x9b: {  	s22 =	simm.s32 $0x1BFF;
	s21 =	sshll.u32 s5, $0x1;
	s2 =	sadd.s32 s19, s18  }
0x9c: {  	s6 =	simm.s32 $0x0;
	s20 =	sshll.u32 s4, $0x1;
	s4 =	sadd.s32 s21, s2  }
0x9d: {  	[timem:s6], [sflag:s22] =	dma.local [hbm:s4], s20  }
0x9e: {  	_ =	swait.ge [sflag:s22], s20  }
0x9f: {  	s3 =	ssub.s32 $0x0, s20;
	[sflag:s22] =	ssyncset.done $0x0  }
0xa0: {  	[sflag:s22] =	ssyncadd.s32 s3;
	_ =	sdelay $0x1  }
0xa1: {  	s23 =	simm.s32 $0x1B8B  }
0xa2: {  	_ =	swait.ge [sflag:s23], $0x1  }
0xa3: {  	[sflag:s23] =	ssyncset.done $0x0  }
0xa4: {  	s25 =	simm.s32 $0x1B8E;
	s24 =	sld [smem:$0x3FFE];
	[sflag:s23] =	ssyncadd.s32 $0xFFFFFFFF  }
0xa5: {  	s26 =	simm.s32 $execute0_lowered;
	[smem:$0x3FD2] =	sst s25  }
0xa6: {  	s4 =	sshll.u32 s26, $0x1;
	_ =	strace $0x8000004F;
	[dreg:$0x1] =	wrdreg $0xFFFFFFFF  }
0xa7: {  	s28 =	simm.s32 $_size_execute0_lowered;
	s2 =	sadd.s32 s2, s4;
	[dreg:$0x0] =	wrdreg $0x0  }
0xa8: {  	s4 =	sshll.u32 s28, $0x1;
	[dreg:$0x2] =	wrdreg s2  }
0xa9: {  	[dreg:$0x3] =	wrdreg s4  }
0xaa: {  	[dreg:$0x4] =	wrdreg $0xC0  }
0xab: {  	_ =	task [dreg:s6], $0x5FFFF  }
0xac: {  	[dreg:$0x1] =	wrdreg $0xFFFFFFFF  }
0xad: {  	[dreg:$0x0] =	wrdreg $0x60  }
0xae: {  	[dreg:$0x2] =	wrdreg s24  }
0xaf: {  	[dreg:$0x3] =	wrdreg $0x9  }
0xb0: {  	_ =	task.clear_ibuf [dreg:s6], $0x4FFFF;
	_ =	strace $0x9000004F  }
0xb1: {  	s29 =	simm.s32 $0x9;
	_ =	strace $0x80000051  }
0xb2: {  	_ =	swait.ge [sflag:s29], $0x1  }
0xb3: {  	[sflag:s29] =	ssyncadd.s32 $0xFFFFFFFF  }
0xb4: {  	_ =	strace $0x90000051  }
0xb5: {  	_ =	sfence  }
0xb6: {  	s30 =	sld [smem:$0x0];
	_ =	sdelay $0x2  }
0xb7: {  	s31 =	sshll.u32 s1, $0xD;
	s1 =	sshrl.u32 s1, $0x2  }
0xb8: {  	s3 =	sand.u32 $0x4000, s31;
	s1 =	sadd.s32 s1, s30  }
0xb9: {  	s0 =	sor.u32 s3, s0;
	s1 =	sshll.u32 s1, $0x11  }
0xba: {  	s0 =	sor.u32 s1, s0  }
0xbb: {  	s0 =	sadd.s32 $0x8F2B, s0  }
0xbc: {  	[sflag:s0] =	ssyncadd.remote.s32 $0x1  }
0xbd: {  	_ =	sfence.sel $0xFFFF  }
0xbe: {  	[dreg:$0x0] =	wrdreg $0xFFFFFFFF;
	(pc) =	sbr.abs _section_cstart, $3  }
0xbf: {  	[dreg:$0x1] =	wrdreg $0xFFFFFFFF  }
0xc0: {  	_ =	task.clear_ibuf [dreg:s6], $0x2FFFF;
	_ =	strace $0x9FFFFFFF  }
0xc1: {  	(tm) =	ssettm $0x7FFFFFFF  }
tec
execute0_lowered:
.L_overlay_start_1:
0x0: {  	(tag) =	ssettag $0x1  }
0x1: {  	s9 =	rddreg [dreg:$0x0]  }
0x2: {  	s0 =	rddreg [dreg:$0x1];
	s1 =	srdreg.scid  }
0x3: {  	s2 =	simm.s32 $0x0;
	s3 =	sadd.s32 $0x7C400, s9;
	s13 =	sand.u32 $0x1, s1  }
0x4: {  	s4 =	sadd.s32 $0x7C800, s9;
	s1 =	stileid.u32;
	p0 =	seq.s32 s13, $0x1  }
0x5: {  	[smem:$0x7FF] =	sst s2;
	s5 =	sshll.u32 s1, $0x6;
	s3 =	smov.u32 @p0 s4  }
0x6: {  	_ =	strace $0x80000050;
	s4 =	sadd.s32 s3, s5;
	s3 =	simm.s32 $0x2  }
0x7: {  	[tilespmem:s2], [sflag:$0x2] =	stream.linear.gather [hbm4b:s4+s2], $0x200, $0x38;
	[tilespmem:$0x4200] =	vst v63  }
0x8: {  	s7 =	simm.s32 $0x200;
	s8 =	simm.s32 $0x1;
	_ =	swait.ge [sflag:s3], $0x200  }
0x9: {  	s6 =	sadd.s32 $0x2D200, s9;
	s5 =	sadd.s32 $0x6000, s9;
	[sflag:s3] =	ssyncset.done $0x0  }
0xa: {  	s5 =	smov.u32 @p0 s6;
	s6 =	simm.s32 $0x80;
	[sflag:s3] =	ssyncadd.s32 $0xFFFFFE00  }
0xb: {  	[tilespmem:s7], [sflag:$0x1] =	stream.indirect.gather [hbm4b:s5+s6], $0x80, s2, s6, $0xb8;
	[tilespmem:$0x4200] =	vst v63  }
0xc: {  	s10 =	sadd.s32 $0x54400, s9;
	s9 =	sadd.s32 $0x7CC00, s9;
	_ =	swait.ge [sflag:s8], $0x4000  }
0xd: {  	s11 =	sshll.u32 s1, $0xD;
	s10 =	smov.u32 @p0 s9;
	[sflag:s8] =	ssyncset.done $0x0  }
0xe: {  	s9 =	sadd.s32 s10, s11;
	[sflag:s8] =	ssyncadd.s32 $0xFFFFC000  }
0xf: {  	[hbm4b:s9+s2] =	stream.linear.scatter [tilespmem:s7], [sflag:$0x2], $0x4000, $0x38;
	[tilespmem:$0x4200] =	vst v63  }
0x10: {  	_ =	swait.ge [sflag:s3], $0x4000  }
0x11: {  	[sflag:s3] =	ssyncset.done $0x0  }
0x12: {  	[sflag:s3] =	ssyncadd.s32 $0xFFFFC000  }
0x13: {  	[tilespmem:s7], [sflag:$0x1] =	stream.indirect.gather [hbm4b:s5+s6], $0x80, s6, s6, $0xb8;
	[tilespmem:$0x4200] =	vst v63  }
0x14: {  	_ =	swait.ge [sflag:s8], $0x4000  }
0x15: {  	[sflag:s8] =	ssyncset.done $0x0  }
0x16: {  	s10 =	sadd.s32 $0x800, s9;
	[sflag:s8] =	ssyncadd.s32 $0xFFFFC000  }
0x17: {  	[hbm4b:s10+s2] =	stream.linear.scatter [tilespmem:s7], [sflag:$0x2], $0x4000, $0x38;
	[tilespmem:$0x4200] =	vst v63  }
0x18: {  	_ =	swait.ge [sflag:s3], $0x4000  }
0x19: {  	[sflag:s3] =	ssyncset.done $0x0  }
0x1a: {  	s11 =	simm.s32 $0x100;
	[sflag:s3] =	ssyncadd.s32 $0xFFFFC000  }
0x1b: {  	[tilespmem:s7], [sflag:$0x1] =	stream.indirect.gather [hbm4b:s5+s6], $0x80, s11, s6, $0xb8;
	[tilespmem:$0x4200] =	vst v63  }
0x1c: {  	_ =	swait.ge [sflag:s8], $0x4000  }
0x1d: {  	[sflag:s8] =	ssyncset.done $0x0  }
0x1e: {  	s14 =	ssub.s32 $0x2, s13;
	s12 =	sadd.s32 $0x1000, s9;
	[sflag:s8] =	ssyncadd.s32 $0xFFFFC000  }
0x1f: {  	[hbm4b:s12+s2] =	stream.linear.scatter [tilespmem:s7], [sflag:$0x2], $0x4000, $0x38;
	[tilespmem:$0x4200] =	vst v63  }
0x20: {  	s15 =	sshrl.u32 s14, $0x1;
	_ =	swait.ge [sflag:s3], $0x4000  }
0x21: {  	s14 =	ssub.s32 s14, s15;
	[sflag:s3] =	ssyncset.done $0x0  }
0x22: {  	s13 =	simm.s32 $0x180;
	s15 =	smax.u32 s14, $0x1;
	[sflag:s3] =	ssyncadd.s32 $0xFFFFC000  }
0x23: {  	[tilespmem:s7], [sflag:$0x1] =	stream.indirect.gather [hbm4b:s5+s6], $0x80, s13, s6, $0xb8;
	[tilespmem:$0x4200] =	vst v63  }
0x24: {  	p0 =	sne.s32 s15, $0x1;
	_ =	swait.ge [sflag:s8], $0x4000  }
.Ltmp0:
0x25: {  	[sflag:s8] =	ssyncset.done $0x0;
	(pc) =	sbr.rel @!p0 .LBB2_2-.Ltmp0, $4  }
0x26: {  	s14 =	sadd.s32 $0x1800, s9;
	[sflag:s8] =	ssyncadd.s32 $0xFFFFC000  }
0x27: {  	[hbm4b:s14+s2] =	stream.linear.scatter [tilespmem:s7], [sflag:$0x2], $0x4000, $0x38;
	[tilespmem:$0x4200] =	vst v63  }
0x28: {  	_ =	swait.ge [sflag:s3], $0x4000  }
0x29: {  	s15 =	sadd.s32 $0xFFFFFFFF, s15;
	[sflag:s3] =	ssyncset.done $0x0  }
.LBB2_1:
0x2a: {  	p0 =	sne.s32 s15, $0x1;
	s15 =	sadd.s32 $0xFFFFFFFF, s15;
	[sflag:s3] =	ssyncadd.s32 $0xFFFFC000  }
0x2b: {  	[tilespmem:s2], [sflag:$0x2] =	stream.linear.gather [hbm4b:s4+s2], $0x200, $0x38;
	[tilespmem:$0x4200] =	vst v63  }
0x2c: {  	_ =	swait.ge [sflag:s3], $0x200  }
0x2d: {  	[sflag:s3] =	ssyncset.done $0x0  }
0x2e: {  	[sflag:s3] =	ssyncadd.s32 $0xFFFFFE00  }
0x2f: {  	[tilespmem:s7], [sflag:$0x1] =	stream.indirect.gather [hbm4b:s5+s6], $0x80, s2, s6, $0xb8;
	[tilespmem:$0x4200] =	vst v63  }
0x30: {  	_ =	swait.ge [sflag:s8], $0x4000  }
0x31: {  	[sflag:s8] =	ssyncset.done $0x0  }
0x32: {  	[sflag:s8] =	ssyncadd.s32 $0xFFFFC000  }
0x33: {  	[hbm4b:s9+s2] =	stream.linear.scatter [tilespmem:s7], [sflag:$0x2], $0x4000, $0x38;
	[tilespmem:$0x4200] =	vst v63  }
0x34: {  	_ =	swait.ge [sflag:s3], $0x4000  }
0x35: {  	[sflag:s3] =	ssyncset.done $0x0  }
0x36: {  	[sflag:s3] =	ssyncadd.s32 $0xFFFFC000  }
0x37: {  	[tilespmem:s7], [sflag:$0x1] =	stream.indirect.gather [hbm4b:s5+s6], $0x80, s6, s6, $0xb8;
	[tilespmem:$0x4200] =	vst v63  }
0x38: {  	_ =	swait.ge [sflag:s8], $0x4000  }
0x39: {  	[sflag:s8] =	ssyncset.done $0x0  }
0x3a: {  	[sflag:s8] =	ssyncadd.s32 $0xFFFFC000  }
0x3b: {  	[hbm4b:s10+s2] =	stream.linear.scatter [tilespmem:s7], [sflag:$0x2], $0x4000, $0x38;
	[tilespmem:$0x4200] =	vst v63  }
0x3c: {  	_ =	swait.ge [sflag:s3], $0x4000  }
0x3d: {  	[sflag:s3] =	ssyncset.done $0x0  }
0x3e: {  	[sflag:s3] =	ssyncadd.s32 $0xFFFFC000  }
0x3f: {  	[tilespmem:s7], [sflag:$0x1] =	stream.indirect.gather [hbm4b:s5+s6], $0x80, s11, s6, $0xb8;
	[tilespmem:$0x4200] =	vst v63  }
0x40: {  	_ =	swait.ge [sflag:s8], $0x4000  }
0x41: {  	[sflag:s8] =	ssyncset.done $0x0  }
0x42: {  	[sflag:s8] =	ssyncadd.s32 $0xFFFFC000  }
0x43: {  	[hbm4b:s12+s2] =	stream.linear.scatter [tilespmem:s7], [sflag:$0x2], $0x4000, $0x38;
	[tilespmem:$0x4200] =	vst v63  }
0x44: {  	_ =	swait.ge [sflag:s3], $0x4000  }
0x45: {  	[sflag:s3] =	ssyncset.done $0x0  }
0x46: {  	[sflag:s3] =	ssyncadd.s32 $0xFFFFC000  }
0x47: {  	[tilespmem:s7], [sflag:$0x1] =	stream.indirect.gather [hbm4b:s5+s6], $0x80, s13, s6, $0xb8;
	[tilespmem:$0x4200] =	vst v63  }
0x48: {  	_ =	swait.ge [sflag:s8], $0x4000  }
.Ltmp1:
0x49: {  	[sflag:s8] =	ssyncset.done $0x0;
	(pc) =	sbr.rel @p0 .LBB2_1-.Ltmp1, $4  }
0x4a: {  	[sflag:s8] =	ssyncadd.s32 $0xFFFFC000  }
0x4b: {  	[hbm4b:s14+s2] =	stream.linear.scatter [tilespmem:s7], [sflag:$0x2], $0x4000, $0x38;
	[tilespmem:$0x4200] =	vst v63  }
0x4c: {  	_ =	swait.ge [sflag:s3], $0x4000  }
0x4d: {  	[sflag:s3] =	ssyncset.done $0x0  }
.LBB2_2:
0x4e: {  	[sflag:s3] =	ssyncadd.s32 $0xFFFFC000  }
0x4f: {  	_ =	sfence.sel $0x180000  }
0x50: {  	[bflag:$0x0] =	sbarrier.arrive $0xFFFF  }
0x51: {  	p0 =	sne.s32 s1, $0x0;
	_ =	strace $0x90000050  }
0x52: {  	s0 =	sadd.s32 @!p0 $0x100000, s0;
	[bflag:$0x2] =	sbarrier.arrive $0xFFFF  }
0x53: {  	[sflag:s0] =	ssyncadd.tile.s32 @!p0 $0x1;
	_ =	shalt  }
.Lfunc_end2:
_tile_overlayer_lowered:
.L_overlay_start_2:
0x54: {  	(tag) =	ssettag $0x2  }
0x55: {  	s0 =	rddreg [dreg:$0x0];
	s2 =	stileid.u32  }
0x56: {  	s1 =	rddreg [dreg:$0x1];
	p0 =	sne.s32 s2, $0x0  }
0x57: {  	s3 =	rddreg [dreg:$0x2];
	[bflag:$0x3] =	sbarrier.arrive $0xFFFF;
	s2 =	simm.s32 @!p0 $0x1C02  }
0x58: {  	[timem:s3], [sflag:s2] =	dma.local @!p0 [hbm:s0], s1  }
0x59: {  	s0 =	simm.s32 @!p0 $0x2  }
0x5a: {  	_ =	swait.ge @!p0 [sflag:s0], s1  }
0x5b: {  	s1 =	ssub.s32 @!p0 $0x0, s1;
	[sflag:s0] =	ssyncset.done @!p0 $0x0  }
0x5c: {  	[sflag:s0] =	ssyncadd.s32 @!p0 s1  }
0x5d: {  	[bflag:$0x3] =	sbarrier.arrive $0xFFFF  }
0x5e: {  	_ =	shalt  }

// kernel: sc_seg_sum.4.cloned.1.call-start
scs
__scs_entry_jumppad:
0x0: {  	(pc) =	sbr.rel $0x88, $3  }
0x1: {  	(tag) =	ssettag $0x0;
	lr =	simm.s32 $0x1  }
0x2: {  	[smem:$0x3F8E] =	sst lr;
	_ =	strace $0xD0000000  }
0x3: {  	_ = 	snop  }
0x4: {  	_ = 	snop  }
0x5: {  	_ = 	snop  }
0x6: {  	_ = 	snop  }
0x7: {  	_ = 	snop  }
__scs_overlays_trampoline_lowered:
0x8: {  	[smem:$0x3F9D] =	sst s0  }
0x9: {  	[smem:$0x3F9E] =	sst s1  }
0xa: {  	[smem:$0x3F9F] =	sst s2  }
0xb: {  	[smem:$0x3FA0] =	sst s3  }
0xc: {  	[smem:$0x3FA1] =	sst s4  }
0xd: {  	[smem:$0x3FA2] =	sst s5  }
0xe: {  	[smem:$0x3FA3] =	sst s6  }
0xf: {  	[smem:$0x3FA4] =	sst s7  }
0x10: {  	[smem:$0x3FA5] =	sst s8  }
0x11: {  	[smem:$0x3FA6] =	sst s9;
	s0 =	simm.s32 @!p0 $0x0  }
0x12: {  	s1 =	sld [smem:$0x3F8C];
	s0 =	simm.s32 @p0 $0x1  }
0x13: {  	[smem:$0x3FA7] =	sst s0;
	s0 =	simm.s32 @!p1 $0x0  }
0x14: {  	s2 =	sld [smem:$0x3F8B];
	s0 =	simm.s32 @p1 $0x1  }
0x15: {  	[smem:$0x3FA8] =	sst s0;
	s0 =	simm.s32 @!p2 $0x0  }
0x16: {  	s3 =	sld [smem:$0x3FDB];
	s0 =	simm.s32 @p2 $0x1  }
0x17: {  	s4 =	simm.s32 $0x1BF5;
	[smem:$0x3FAA] =	sst s0  }
0x18: {  	s0 =	sld [smem:$0x3F8D];
	_ =	swait.ge [sflag:s4], $0x0  }
0x19: {  	s7 =	sld [smem:$0x3F8E]  }
0x1a: {  	s8 =	sadd.s32 $0xFFFFE003, lr  }
0x1b: {  	s9 =	sadd.s32 $0xFFFFFEF7, lr;
	s5 =	simm.s32 $0xFFFFFFFF;
	p2 =	slt.u32 s8, $0xFFFFF086  }
0x1c: {  	p1 =	slt.u32 s9, $0xF7A;
	s5 =	simm.s32 @!p2 $0x0  }
0x1d: {  	s5 =	simm.s32 @p1 $0x1;
	p0 =	seq.s32 s7, s2  }
0x1e: {  	s7 =	smul.u32 @!p0 $0xF7A, s2;
	p2 =	seq.s32 @!p0 s5, $0x0  }
0x1f: {  	s9 =	smul.u32 $0xF7A, s1;
	s8 =	simm.s32 @!p0 $0x1BF5;
	p2 =	por !p2, p0  }
0x20: {  	[sflag:s8] =	ssyncset.s32 @!p0 $0xFFFFF086;
	s6 =	sadd.s32 @!p0 s3, s7;
	s7 =	simm.s32 @!p0 $0x108  }
0x21: {  	s3 =	sadd.s32 s3, s9;
	s6 =	sadd.s32 @!p0 $0x88, s6;
	s7 =	simm.s32 @p2 $0x1082  }
0x22: {  	[simem:s7], [sflag:s8] =	dma.local @!p0 [hbm:s6], $0xF7A  }
0x23: {  	s9 =	sor.u32 $0xD0000000, s2;
	s6 =	simm.s32 $0x108;
	_ =	swait.ge @!p0 [sflag:s8], $0x0  }
0x24: {  	s3 =	sadd.s32 $0x88, s3;
	s6 =	simm.s32 @!p1 $0x1082;
	[sflag:s4] =	ssyncset.s32 $0xFFFFF086  }
0x25: {  	[simem:s6], [sflag:s4] =	dma.local [hbm:s3], $0xF7A  }
0x26: {  	[smem:$0x3F8E] =	sst s1;
	(tag) =	ssettag s2;
	_ =	strace s9  }
0x27: {  	s1 =	sld [smem:$0x3F9E]  }
0x28: {  	s2 =	sld [smem:$0x3F9F]  }
0x29: {  	s4 =	sld [smem:$0x3FA1]  }
0x2a: {  	p0 =	seq.s32 s5, $0x0;
	s5 =	sld [smem:$0x3FA2]  }
0x2b: {  	s6 =	sld [smem:$0x3FA3]  }
0x2c: {  	s7 =	sld [smem:$0x3FA4]  }
0x2d: {  	s3 =	simm.s32 $0x108;
	s8 =	sld [smem:$0x3FA5]  }
0x2e: {  	s3 =	simm.s32 @!p0 $0x1082;
	s9 =	sld [smem:$0x3FA6]  }
0x2f: {  	lr =	sadd.s32 s0, s3;
	s0 =	sld [smem:$0x3F9D]  }
0x30: {  	s3 =	sld [smem:$0x3FA0]  }
0x31: {  	[smem:$0x3FA9] =	sst s10  }
0x32: {  	s10 =	sld [smem:$0x3FA7];
	_ =	sdelay $0x3  }
0x33: {  	p0 =	seq.s32 s10, $0x1;
	s10 =	sld [smem:$0x3FA9];
	_ =	sdelay $0x3  }
0x34: {  	[smem:$0x3FA9] =	sst s10  }
0x35: {  	s10 =	sld [smem:$0x3FA8];
	_ =	sdelay $0x3  }
0x36: {  	p1 =	seq.s32 s10, $0x1;
	s10 =	sld [smem:$0x3FA9];
	_ =	sdelay $0x3  }
0x37: {  	[smem:$0x3FA9] =	sst s10  }
0x38: {  	s10 =	sld [smem:$0x3FAA]  }
0x39: {  	_ = 	snop;
	(pc) =	sbr.ind lr, $3  }
0x3a: {  	_ = 	snop  }
0x3b: {  	_ = 	snop  }
0x3c: {  	p2 =	seq.s32 s10, $0x1;
	s10 =	sld [smem:$0x3FA9]  }
0x3d: {  	_ =	shalt  }
0x3e: {  	_ =	shalt  }
0x3f: {  	_ =	shalt  }
0x40: {  	_ =	shalt  }
0x41: {  	_ =	shalt  }
0x42: {  	_ =	shalt  }
0x43: {  	_ =	shalt  }
0x44: {  	_ =	shalt  }
0x45: {  	_ =	shalt  }
0x46: {  	_ =	shalt  }
0x47: {  	_ =	shalt  }
0x48: {  	_ =	shalt  }
0x49: {  	_ =	shalt  }
0x4a: {  	_ =	shalt  }
0x4b: {  	_ =	shalt  }
0x4c: {  	_ =	shalt  }
0x4d: {  	_ =	shalt  }
0x4e: {  	_ =	shalt  }
0x4f: {  	_ =	shalt  }
0x50: {  	_ =	shalt  }
0x51: {  	_ =	shalt  }
0x52: {  	_ =	shalt  }
0x53: {  	_ =	shalt  }
0x54: {  	_ =	shalt  }
0x55: {  	_ =	shalt  }
0x56: {  	_ =	shalt  }
0x57: {  	_ =	shalt  }
0x58: {  	_ =	shalt  }
0x59: {  	_ =	shalt  }
0x5a: {  	_ =	shalt  }
0x5b: {  	_ =	shalt  }
0x5c: {  	_ =	shalt  }
0x5d: {  	_ =	shalt  }
0x5e: {  	_ =	shalt  }
0x5f: {  	_ =	shalt  }
0x60: {  	_ =	shalt  }
0x61: {  	_ =	shalt  }
0x62: {  	_ =	shalt  }
0x63: {  	_ =	shalt  }
0x64: {  	_ =	shalt  }
0x65: {  	_ =	shalt  }
0x66: {  	_ =	shalt  }
0x67: {  	_ =	shalt  }
0x68: {  	_ =	shalt  }
0x69: {  	_ =	shalt  }
0x6a: {  	_ =	shalt  }
0x6b: {  	_ =	shalt  }
0x6c: {  	_ =	shalt  }
0x6d: {  	_ =	shalt  }
0x6e: {  	_ =	shalt  }
0x6f: {  	_ =	shalt  }
0x70: {  	_ =	shalt  }
0x71: {  	_ =	shalt  }
0x72: {  	_ =	shalt  }
0x73: {  	_ =	shalt  }
0x74: {  	_ =	shalt  }
0x75: {  	_ =	shalt  }
0x76: {  	_ =	shalt  }
0x77: {  	_ =	shalt  }
0x78: {  	_ =	shalt  }
0x79: {  	_ =	shalt  }
0x7a: {  	_ =	shalt  }
0x7b: {  	_ =	shalt  }
0x7c: {  	_ =	shalt  }
0x7d: {  	_ =	shalt  }
0x7e: {  	_ =	shalt  }
0x7f: {  	_ =	shalt  }
0x80: {  	_ =	shalt  }
0x81: {  	_ =	shalt  }
0x82: {  	_ =	shalt  }
0x83: {  	_ =	shalt  }
0x84: {  	_ =	shalt  }
0x85: {  	_ =	shalt  }
0x86: {  	_ =	shalt  }
0x87: {  	_ =	shalt  }
.Lfunc_end0:
.L_simem_size_0:
called_computation.1_lowered:
.L_overlay_start_0:
0x88: {  	s2 =	sld [smem:$0x3FD9]  }
0x89: {  	s3 =	sld [smem:$0x3FFE];
	_ =	sdelay $0x1  }
0x8a: {  	s1 =	srdreg.scid  }
0x8b: {  	s0 =	sand.u32 $0x1, s1  }
0x8c: {  	s17 =	sshll.u32 s0, $0xA;
	s2 =	sadd.s32 s3, s2  }
0x8d: {  	s2 =	sadd.s32 s2, s17  }
0x8e: {  	[smem:$0x3FB5] =	sst s2  }
0x8f: {  	_ = 	snop  }
0x90: {  	s2 =	sld [smem:$0x3FC9]  }
0x91: {  	s18 =	sld [smem:$0x3FC7]  }
0x92: {  	s4 =	sld [smem:$0x3FD0];
	(tm) =	ssettm $0x1  }
0x93: {  	s5 =	sld [smem:$0x3FFB];
	_ =	sdelay $0x3  }
0x94: {  	_ =	strace s5  }
0x95: {  	s5 =	sld [smem:$0x3FFC];
	_ =	sdelay $0x3  }
0x96: {  	_ =	strace s5  }
0x97: {  	s5 =	sld [smem:$0x3FFD];
	_ =	sdelay $0x3  }
0x98: {  	_ =	strace s5  }
0x99: {  	_ =	strace $0x8FFFFFFF  }
0x9a: {  	s19 =	sld [smem:$0x3FDB];
	_ =	sdelay $0x1  }
0x9b: {  	s6 =	simm.s32 $_scs_section_size  }
0x9c: {  	s7 =	simm.s32 $_size__tile_overlayer_lowered;
	s8 =	simm.s32 $_tile_overlayer_lowered  }
0x9d: {  	s22 =	simm.s32 $0x1BFF;
	s21 =	sshll.u32 s8, $0x1;
	s5 =	sadd.s32 s6, s19  }
0x9e: {  	s9 =	simm.s32 $0x0;
	s20 =	sshll.u32 s7, $0x1;
	s7 =	sadd.s32 s21, s5  }
0x9f: {  	[timem:s9], [sflag:s22] =	dma.local [hbm:s7], s20  }
0xa0: {  	_ =	swait.ge [sflag:s22], s20  }
0xa1: {  	s6 =	ssub.s32 $0x0, s20;
	[sflag:s22] =	ssyncset.done $0x0  }
0xa2: {  	[sflag:s22] =	ssyncadd.s32 s6;
	_ =	sdelay $0x1  }
0xa3: {  	s23 =	simm.s32 $0x1B8B  }
0xa4: {  	_ =	swait.ge [sflag:s23], $0x1  }
0xa5: {  	[sflag:s23] =	ssyncset.done $0x0  }
0xa6: {  	s25 =	simm.s32 $0x1B8E;
	s24 =	sld [smem:$0x3FFE];
	[sflag:s23] =	ssyncadd.s32 $0xFFFFFFFF  }
0xa7: {  	s26 =	simm.s32 $execute0_lowered;
	[smem:$0x3FD2] =	sst s25  }
0xa8: {  	s7 =	sshll.u32 s26, $0x1;
	_ =	strace $0x80000046;
	[dreg:$0x1] =	wrdreg $0xFFFFFFFF  }
0xa9: {  	s28 =	simm.s32 $_size_execute0_lowered;
	s5 =	sadd.s32 s5, s7;
	[dreg:$0x0] =	wrdreg $0x0  }
0xaa: {  	s7 =	sshll.u32 s28, $0x1;
	[dreg:$0x2] =	wrdreg s5  }
0xab: {  	[dreg:$0x3] =	wrdreg s7  }
0xac: {  	[dreg:$0x4] =	wrdreg $0xC0  }
0xad: {  	_ =	task [dreg:s9], $0x5FFFF  }
0xae: {  	[dreg:$0x1] =	wrdreg $0xFFFFFFFF  }
0xaf: {  	[dreg:$0x0] =	wrdreg $0x60  }
0xb0: {  	[dreg:$0x2] =	wrdreg s2  }
0xb1: {  	[dreg:$0x3] =	wrdreg s24  }
0xb2: {  	[dreg:$0x4] =	wrdreg s18  }
0xb3: {  	[dreg:$0x5] =	wrdreg s4  }
0xb4: {  	[dreg:$0x6] =	wrdreg $0x0  }
0xb5: {  	[dreg:$0x7] =	wrdreg $0xA  }
0xb6: {  	_ =	task.clear_ibuf [dreg:s9], $0x8FFFF;
	_ =	strace $0x90000046  }
0xb7: {  	s29 =	simm.s32 $0xA;
	_ =	strace $0x80000048  }
0xb8: {  	_ =	swait.ge [sflag:s29], $0x1  }
0xb9: {  	[sflag:s29] =	ssyncadd.s32 $0xFFFFFFFF  }
0xba: {  	_ =	strace $0x90000048  }
0xbb: {  	_ =	sfence  }
0xbc: {  	s30 =	sld [smem:$0x0];
	_ =	sdelay $0x2  }
0xbd: {  	s31 =	sshll.u32 s1, $0xD;
	s1 =	sshrl.u32 s1, $0x2  }
0xbe: {  	s3 =	sand.u32 $0x4000, s31;
	s1 =	sadd.s32 s1, s30  }
0xbf: {  	s0 =	sor.u32 s3, s0;
	s1 =	sshll.u32 s1, $0x11  }
0xc0: {  	s0 =	sor.u32 s1, s0  }
0xc1: {  	s0 =	sadd.s32 $0x8F2B, s0  }
0xc2: {  	[sflag:s0] =	ssyncadd.remote.s32 $0x1  }
0xc3: {  	_ =	sfence.sel $0xFFFF  }
0xc4: {  	[dreg:$0x0] =	wrdreg $0xFFFFFFFF;
	(pc) =	sbr.abs _section_cstart, $3  }
0xc5: {  	[dreg:$0x1] =	wrdreg $0xFFFFFFFF  }
0xc6: {  	_ =	task.clear_ibuf [dreg:s9], $0x2FFFF;
	_ =	strace $0x9FFFFFFF  }
0xc7: {  	(tm) =	ssettm $0x7FFFFFFF  }
tec
execute0_lowered:
.L_overlay_start_1:
0x0: {  	(tag) =	ssettag $0x1  }
0x1: {  	s1 =	rddreg [dreg:$0x0]  }
0x2: {  	s0 =	rddreg [dreg:$0x1]  }
0x3: {  	s2 =	rddreg [dreg:$0x2]  }
0x4: {  	s5 =	rddreg [dreg:$0x4];
	s6 =	simm.s32 $0x0;
	s10 =	stileid.u32  }
0x5: {  	s4 =	srdreg.scid;
	s13 =	simm.s32 $0x5;
	s14 =	simm.s32 $0x13C00  }
0x6: {  	s15 =	simm.s32 $0x14000;
	s16 =	simm.s32 $0x80;
	s17 =	simm.s32 $0x14400  }
0x7: {  	s18 =	simm.s32 $0x13C80;
	s19 =	simm.s32 $0x18400;
	s28 =	simm.s32 $0x14100  }
0x8: {  	s29 =	simm.s32 $0x13E00;
	s30 =	simm.s32 $0x14180;
	s31 =	simm.s32 $0x13E80  }
0x9: {  	s12 =	simm.s32 $0x0;
	[smem:$0x7FF] =	sst s6;
	s3 =	smul.u32 $0xA00, s10  }
0xa: {  	s4 =	sand.u32 $0x1, s4;
	s8 =	smul.u32 $0x4F000, s10;
	s9 =	sadd.s32 $0x2E000, s0  }
0xb: {  	s24 =	sshll.u32 s10, $0x6;
	s26 =	smul.u32 $0x2780, s10;
	s10 =	simm.s32 $0x14380  }
0xc: {  	_ =	strace $0x80000047;
	s7 =	ssub.s32 $0x2, s4;
	[dreg:$0xa] =	wrdreg s9  }
0xd: {  	s9 =	sor.u32 $0x1C05, s24;
	p0 =	sne.s32 s4, $0x0;
	s24 =	simm.s32 $0x14080  }
0xe: {  	s4 =	simm.s32 $0x13F00;
	s3 =	sadd.s32 s3, s0;
	s0 =	sadd.s32 $0x55800, s0  }
0xf: {  	s20 =	sshrl.u32 s7, $0x1;
	s21 =	sshrl.u32 s8, $0x2;
	[dreg:$0xc] =	wrdreg s9  }
0x10: {  	[dreg:$0xd] =	wrdreg s26;
	s26 =	simm.s32 $0x13D80;
	s8 =	simm.s32 $0x14300  }
0x11: {  	[dreg:$0xb] =	wrdreg s0;
	s0 =	ssub.s32 s7, s20;
	s22 =	sadd.s32 $0x6000, s3  }
0x12: {  	s7 =	sadd.s32 s21, s5;
	s23 =	sadd.s32 $0x10000, s3;
	[dreg:$0x6] =	wrdreg s22  }
0x13: {  	s25 =	sadd.s32 $0x1A000, s3;
	s3 =	sadd.s32 $0x24000, s3;
	[dreg:$0x7] =	wrdreg s23  }
.Ltmp0:
0x14: {  	s20 =	simm.s32 $0x1;
	[dreg:$0x8] =	wrdreg s25;
	(pc) =	sbr.rel .LBB2_1-.Ltmp0, $4  }
0x15: {  	s21 =	simm.s32 $0x3;
	s0 =	smax.u32 s0, $0x1;
	[dreg:$0x9] =	wrdreg s3  }
0x16: {  	s11 =	sshrl.u32 s7, $0x3;
	s22 =	simm.s32 $0x13D00;
	s23 =	simm.s32 $0x2  }
0x17: {  	s25 =	simm.s32 $0x4;
	s3 =	simm.s32 $0x14280;
	[dreg:$0xe] =	wrdreg s0  }
0x18: {  	s7 =	simm.s32 $0x13F80;
	s0 =	simm.s32 $0x14200;
	[dreg:$0xf] =	wrdreg s11  }
.LBB2_7:
0x19: {  	[sflag:s25] =	ssyncadd.s32 $0xFFFFC000;
	s9 =	rddreg [dreg:$0xb]  }
.LBB2_8:
0x1a: {  	s11 =	rddreg [dreg:$0xd]  }
0x1b: {  	s9 =	sadd.s32 s9, s11  }
0x1c: {  	[dreg:$0x11] =	wrdreg s9  }
0x1d: {  	[bflag:$0x0] =	sbarrier.arrive $0xFFFF  }
0x1e: {  	s11 =	rddreg [dreg:$0x11]  }
0x1f: {  	s9 =	rddreg [dreg:$0xf]  }
0x20: {  	s12 =	rddreg [dreg:$0xc]  }
0x21: {  	[hbm:s11], [sflag:s12] =	dma.local [spmem:s9], $0x2780  }
0x22: {  	s11 =	rddreg [dreg:$0xf];
	_ =	swait.ge [sflag:s13], $0x2780  }
0x23: {  	s9 =	rddreg [dreg:$0x10]  }
0x24: {  	s12 =	sadd.s32 $0x1, s9;
	s9 =	rddreg [dreg:$0xe]  }
0x25: {  	p1 =	sne.s32 s12, s9  }
.Ltmp1:
0x26: {  	_ = 	snop;
	(pc) =	sbr.rel @!p1 .LBB2_9-.Ltmp1, $3  }
0x27: {  	_ =	sdelay $0x1  }
0x28: {  	[sflag:s13] =	ssyncset.done $0x0  }
0x29: {  	[sflag:s13] =	ssyncadd.s32 $0xFFFFD880  }
.LBB2_1:
0x2a: {  	[dreg:$0x10] =	wrdreg s12  }
0x2b: {  	s9 =	rddreg [dreg:$0x3]  }
0x2c: {  	s12 =	rddreg [dreg:$0xc]  }
0x2d: {  	[spmem:s11], [sflag:s12] =	dma.local [hbm:s9], $0x2780  }
.Ltmp2:
0x2e: {  	_ =	swait.ge [sflag:s13], $0x2780;
	(pc) =	sbr.rel @p0 .LBB2_5-.Ltmp2, $3  }
0x2f: {  	[sflag:s13] =	ssyncset.done $0x0  }
0x30: {  	[sflag:s13] =	ssyncadd.s32 $0xFFFFD880  }
0x31: {  	[bflag:$0x0] =	sbarrier.arrive $0xFFFF;
	_ =	sdelay $0x1  }
0x32: {  	s9 =	rddreg [dreg:$0x9]  }
0x33: {  	s9 =	sadd.s32 $0x0, s9  }
0x34: {  	[tilespmem:s14], [sflag:$0x5] =	stream.linear.gather [hbm4b:s9+s6], $0x400, $0x38;
	[tilespmem:$0x1C400] =	vst v63  }
0x35: {  	_ =	swait.ge [sflag:s13], $0x400  }
0x36: {  	s12 =	rddreg [dreg:$0x8];
	[sflag:s13] =	ssyncset.done $0x0  }
0x37: {  	[sflag:s13] =	ssyncadd.s32 $0xFFFFFC00;
	s9 =	sadd.s32 $0x0, s12  }
0x38: {  	[tilespmem:s15], [sflag:$0x5] =	stream.linear.gather [hbm4b:s9+s6], $0x400, $0x38;
	[tilespmem:$0x1C400] =	vst v63  }
0x39: {  	_ =	swait.ge [sflag:s13], $0x400  }
0x3a: {  	[sflag:s13] =	ssyncset.done $0x0  }
0x3b: {  	[sflag:s13] =	ssyncadd.s32 $0xFFFFFC00  }
0x3c: {  	[tilespmem:s17], [sflag:$0x1] =	stream.indirect.gather [hbm4b:s1+s16], $0x80, s14, s16, $0xb8;
	[tilespmem:$0x1C400] =	vst v63  }
0x3d: {  	_ = 	snop  }
0x3e: {  	[tilespmem:s19], [sflag:$0x2] =	stream.indirect.gather [hbm4b:s1+s16], $0x80, s18, s16, $0xb8;
	[tilespmem:$0x1C400] =	vst v63  }
0x3f: {  	_ =	swait.ge [sflag:s20], $0x4000  }
0x40: {  	[sflag:s20] =	ssyncset.done $0x0  }
0x41: {  	[sflag:s20] =	ssyncadd.s32 $0xFFFFC000  }
0x42: {  	[spmem:s5] =	stream.indirect.scatter.add.f32 [tilespmem:s17], [sflag:$0x3], $0x80, s15, s16, $0xb8;
	[tilespmem:$0x1C400] =	vst v63  }
0x43: {  	_ =	swait.ge [sflag:s21], $0x4000  }
0x44: {  	[sflag:s21] =	ssyncset.done $0x0  }
0x45: {  	[sflag:s21] =	ssyncadd.s32 $0xFFFFC000  }
0x46: {  	[tilespmem:s17], [sflag:$0x1] =	stream.indirect.gather [hbm4b:s1+s16], $0x80, s22, s16, $0xb8;
	[tilespmem:$0x1C400] =	vst v63  }
0x47: {  	_ =	swait.ge [sflag:s23], $0x4000  }
0x48: {  	[sflag:s23] =	ssyncset.done $0x0  }
0x49: {  	[sflag:s23] =	ssyncadd.s32 $0xFFFFC000  }
0x4a: {  	[spmem:s5] =	stream.indirect.scatter.add.f32 [tilespmem:s19], [sflag:$0x4], $0x80, s24, s16, $0xb8;
	[tilespmem:$0x1C400] =	vst v63  }
0x4b: {  	_ =	swait.ge [sflag:s25], $0x4000  }
0x4c: {  	[sflag:s25] =	ssyncset.done $0x0  }
0x4d: {  	[sflag:s25] =	ssyncadd.s32 $0xFFFFC000  }
0x4e: {  	[tilespmem:s19], [sflag:$0x2] =	stream.indirect.gather [hbm4b:s1+s16], $0x80, s26, s16, $0xb8;
	[tilespmem:$0x1C400] =	vst v63  }
0x4f: {  	_ =	swait.ge [sflag:s20], $0x4000  }
0x50: {  	[sflag:s20] =	ssyncset.done $0x0  }
0x51: {  	[sflag:s20] =	ssyncadd.s32 $0xFFFFC000  }
0x52: {  	[spmem:s5] =	stream.indirect.scatter.add.f32 [tilespmem:s17], [sflag:$0x3], $0x80, s28, s16, $0xb8;
	[tilespmem:$0x1C400] =	vst v63  }
0x53: {  	_ =	swait.ge [sflag:s21], $0x4000  }
0x54: {  	[sflag:s21] =	ssyncset.done $0x0  }
0x55: {  	[sflag:s21] =	ssyncadd.s32 $0xFFFFC000  }
0x56: {  	[tilespmem:s17], [sflag:$0x1] =	stream.indirect.gather [hbm4b:s1+s16], $0x80, s29, s16, $0xb8;
	[tilespmem:$0x1C400] =	vst v63  }
0x57: {  	_ =	swait.ge [sflag:s23], $0x4000  }
0x58: {  	[sflag:s23] =	ssyncset.done $0x0  }
0x59: {  	[sflag:s23] =	ssyncadd.s32 $0xFFFFC000  }
0x5a: {  	[spmem:s5] =	stream.indirect.scatter.add.f32 [tilespmem:s19], [sflag:$0x4], $0x80, s30, s16, $0xb8;
	[tilespmem:$0x1C400] =	vst v63  }
0x5b: {  	_ =	swait.ge [sflag:s25], $0x4000  }
0x5c: {  	[sflag:s25] =	ssyncset.done $0x0  }
0x5d: {  	[sflag:s25] =	ssyncadd.s32 $0xFFFFC000  }
0x5e: {  	[tilespmem:s19], [sflag:$0x2] =	stream.indirect.gather [hbm4b:s1+s16], $0x80, s31, s16, $0xb8;
	[tilespmem:$0x1C400] =	vst v63  }
0x5f: {  	_ =	swait.ge [sflag:s20], $0x4000  }
0x60: {  	[sflag:s20] =	ssyncset.done $0x0  }
0x61: {  	[sflag:s20] =	ssyncadd.s32 $0xFFFFC000  }
0x62: {  	[spmem:s5] =	stream.indirect.scatter.add.f32 [tilespmem:s17], [sflag:$0x3], $0x80, s0, s16, $0xb8;
	[tilespmem:$0x1C400] =	vst v63  }
0x63: {  	_ =	swait.ge [sflag:s21], $0x4000  }
0x64: {  	[sflag:s21] =	ssyncset.done $0x0  }
0x65: {  	[sflag:s21] =	ssyncadd.s32 $0xFFFFC000  }
0x66: {  	[tilespmem:s17], [sflag:$0x1] =	stream.indirect.gather [hbm4b:s1+s16], $0x80, s4, s16, $0xb8;
	[tilespmem:$0x1C400] =	vst v63  }
0x67: {  	_ =	swait.ge [sflag:s23], $0x4000  }
0x68: {  	[sflag:s23] =	ssyncset.done $0x0  }
0x69: {  	[sflag:s23] =	ssyncadd.s32 $0xFFFFC000  }
0x6a: {  	[spmem:s5] =	stream.indirect.scatter.add.f32 [tilespmem:s19], [sflag:$0x4], $0x80, s3, s16, $0xb8;
	[tilespmem:$0x1C400] =	vst v63  }
0x6b: {  	_ =	swait.ge [sflag:s25], $0x4000  }
0x6c: {  	[sflag:s25] =	ssyncset.done $0x0  }
0x6d: {  	[sflag:s25] =	ssyncadd.s32 $0xFFFFC000  }
0x6e: {  	[tilespmem:s19], [sflag:$0x2] =	stream.indirect.gather [hbm4b:s1+s16], $0x80, s7, s16, $0xb8;
	[tilespmem:$0x1C400] =	vst v63  }
0x6f: {  	_ =	swait.ge [sflag:s20], $0x4000  }
0x70: {  	[sflag:s20] =	ssyncset.done $0x0  }
0x71: {  	[sflag:s20] =	ssyncadd.s32 $0xFFFFC000  }
0x72: {  	[spmem:s5] =	stream.indirect.scatter.add.f32 [tilespmem:s17], [sflag:$0x3], $0x80, s8, s16, $0xb8;
	[tilespmem:$0x1C400] =	vst v63  }
0x73: {  	_ =	swait.ge [sflag:s23], $0x4000  }
0x74: {  	[sflag:s23] =	ssyncset.done $0x0  }
0x75: {  	[sflag:s23] =	ssyncadd.s32 $0xFFFFC000  }
0x76: {  	[spmem:s5] =	stream.indirect.scatter.add.f32 [tilespmem:s19], [sflag:$0x4], $0x80, s10, s16, $0xb8;
	[tilespmem:$0x1C400] =	vst v63  }
0x77: {  	_ =	swait.ge [sflag:s21], $0x4000  }
0x78: {  	[sflag:s21] =	ssyncset.done $0x0  }
0x79: {  	[sflag:s21] =	ssyncadd.s32 $0xFFFFC000  }
0x7a: {  	_ =	swait.ge [sflag:s25], $0x4000  }
0x7b: {  	s9 =	simm.s32 $0x80;
	[sflag:s25] =	ssyncset.done $0x0  }
.LBB2_3:
0x7c: {  	s12 =	rddreg [dreg:$0x9];
	s11 =	smov.u32 s9  }
0x7d: {  	[sflag:s25] =	ssyncadd.s32 $0xFFFFC000;
	s12 =	sadd.s32 s11, s12  }
0x7e: {  	[tilespmem:s14], [sflag:$0x5] =	stream.linear.gather [hbm4b:s12+s6], $0x400, $0x38;
	[tilespmem:$0x1C400] =	vst v63  }
0x7f: {  	_ =	swait.ge [sflag:s13], $0x400  }
0x80: {  	s12 =	rddreg [dreg:$0x8];
	[sflag:s13] =	ssyncset.done $0x0  }
0x81: {  	[sflag:s13] =	ssyncadd.s32 $0xFFFFFC00;
	s11 =	sadd.s32 s11, s12  }
0x82: {  	[tilespmem:s15], [sflag:$0x5] =	stream.linear.gather [hbm4b:s11+s6], $0x400, $0x38;
	[tilespmem:$0x1C400] =	vst v63  }
0x83: {  	_ =	swait.ge [sflag:s13], $0x400  }
0x84: {  	[sflag:s13] =	ssyncset.done $0x0  }
0x85: {  	[sflag:s13] =	ssyncadd.s32 $0xFFFFFC00  }
0x86: {  	[tilespmem:s17], [sflag:$0x1] =	stream.indirect.gather [hbm4b:s1+s16], $0x80, s14, s16, $0xb8;
	[tilespmem:$0x1C400] =	vst v63  }
0x87: {  	_ = 	snop  }
0x88: {  	[tilespmem:s19], [sflag:$0x2] =	stream.indirect.gather [hbm4b:s1+s16], $0x80, s18, s16, $0xb8;
	[tilespmem:$0x1C400] =	vst v63  }
0x89: {  	_ =	swait.ge [sflag:s20], $0x4000  }
0x8a: {  	[sflag:s20] =	ssyncset.done $0x0  }
0x8b: {  	[sflag:s20] =	ssyncadd.s32 $0xFFFFC000  }
0x8c: {  	[spmem:s5] =	stream.indirect.scatter.add.f32 [tilespmem:s17], [sflag:$0x3], $0x80, s15, s16, $0xb8;
	[tilespmem:$0x1C400] =	vst v63  }
0x8d: {  	_ =	swait.ge [sflag:s21], $0x4000  }
0x8e: {  	[sflag:s21] =	ssyncset.done $0x0  }
0x8f: {  	[sflag:s21] =	ssyncadd.s32 $0xFFFFC000  }
0x90: {  	[tilespmem:s17], [sflag:$0x1] =	stream.indirect.gather [hbm4b:s1+s16], $0x80, s22, s16, $0xb8;
	[tilespmem:$0x1C400] =	vst v63  }
0x91: {  	_ =	swait.ge [sflag:s23], $0x4000  }
0x92: {  	[sflag:s23] =	ssyncset.done $0x0  }
0x93: {  	[sflag:s23] =	ssyncadd.s32 $0xFFFFC000  }
0x94: {  	[spmem:s5] =	stream.indirect.scatter.add.f32 [tilespmem:s19], [sflag:$0x4], $0x80, s24, s16, $0xb8;
	[tilespmem:$0x1C400] =	vst v63  }
0x95: {  	_ =	swait.ge [sflag:s25], $0x4000  }
0x96: {  	[sflag:s25] =	ssyncset.done $0x0  }
0x97: {  	[sflag:s25] =	ssyncadd.s32 $0xFFFFC000  }
0x98: {  	[tilespmem:s19], [sflag:$0x2] =	stream.indirect.gather [hbm4b:s1+s16], $0x80, s26, s16, $0xb8;
	[tilespmem:$0x1C400] =	vst v63  }
0x99: {  	_ =	swait.ge [sflag:s20], $0x4000  }
0x9a: {  	[sflag:s20] =	ssyncset.done $0x0  }
0x9b: {  	[sflag:s20] =	ssyncadd.s32 $0xFFFFC000  }
0x9c: {  	[spmem:s5] =	stream.indirect.scatter.add.f32 [tilespmem:s17], [sflag:$0x3], $0x80, s28, s16, $0xb8;
	[tilespmem:$0x1C400] =	vst v63  }
0x9d: {  	_ =	swait.ge [sflag:s21], $0x4000  }
0x9e: {  	[sflag:s21] =	ssyncset.done $0x0  }
0x9f: {  	[sflag:s21] =	ssyncadd.s32 $0xFFFFC000  }
0xa0: {  	[tilespmem:s17], [sflag:$0x1] =	stream.indirect.gather [hbm4b:s1+s16], $0x80, s29, s16, $0xb8;
	[tilespmem:$0x1C400] =	vst v63  }
0xa1: {  	_ =	swait.ge [sflag:s23], $0x4000  }
0xa2: {  	[sflag:s23] =	ssyncset.done $0x0  }
0xa3: {  	[sflag:s23] =	ssyncadd.s32 $0xFFFFC000  }
0xa4: {  	[spmem:s5] =	stream.indirect.scatter.add.f32 [tilespmem:s19], [sflag:$0x4], $0x80, s30, s16, $0xb8;
	[tilespmem:$0x1C400] =	vst v63  }
0xa5: {  	_ =	swait.ge [sflag:s25], $0x4000  }
0xa6: {  	[sflag:s25] =	ssyncset.done $0x0  }
0xa7: {  	[sflag:s25] =	ssyncadd.s32 $0xFFFFC000  }
0xa8: {  	[tilespmem:s19], [sflag:$0x2] =	stream.indirect.gather [hbm4b:s1+s16], $0x80, s31, s16, $0xb8;
	[tilespmem:$0x1C400] =	vst v63  }
0xa9: {  	_ =	swait.ge [sflag:s20], $0x4000  }
0xaa: {  	[sflag:s20] =	ssyncset.done $0x0  }
0xab: {  	[sflag:s20] =	ssyncadd.s32 $0xFFFFC000  }
0xac: {  	[spmem:s5] =	stream.indirect.scatter.add.f32 [tilespmem:s17], [sflag:$0x3], $0x80, s0, s16, $0xb8;
	[tilespmem:$0x1C400] =	vst v63  }
0xad: {  	_ =	swait.ge [sflag:s21], $0x4000  }
0xae: {  	[sflag:s21] =	ssyncset.done $0x0  }
0xaf: {  	[sflag:s21] =	ssyncadd.s32 $0xFFFFC000  }
0xb0: {  	[tilespmem:s17], [sflag:$0x1] =	stream.indirect.gather [hbm4b:s1+s16], $0x80, s4, s16, $0xb8;
	[tilespmem:$0x1C400] =	vst v63  }
0xb1: {  	_ =	swait.ge [sflag:s23], $0x4000  }
0xb2: {  	[sflag:s23] =	ssyncset.done $0x0  }
0xb3: {  	[sflag:s23] =	ssyncadd.s32 $0xFFFFC000  }
0xb4: {  	[spmem:s5] =	stream.indirect.scatter.add.f32 [tilespmem:s19], [sflag:$0x4], $0x80, s3, s16, $0xb8;
	[tilespmem:$0x1C400] =	vst v63  }
0xb5: {  	_ =	swait.ge [sflag:s25], $0x4000  }
0xb6: {  	[sflag:s25] =	ssyncset.done $0x0  }
0xb7: {  	[sflag:s25] =	ssyncadd.s32 $0xFFFFC000  }
0xb8: {  	[tilespmem:s19], [sflag:$0x2] =	stream.indirect.gather [hbm4b:s1+s16], $0x80, s7, s16, $0xb8;
	[tilespmem:$0x1C400] =	vst v63  }
0xb9: {  	_ =	swait.ge [sflag:s20], $0x4000  }
0xba: {  	[sflag:s20] =	ssyncset.done $0x0  }
0xbb: {  	[sflag:s20] =	ssyncadd.s32 $0xFFFFC000  }
0xbc: {  	[spmem:s5] =	stream.indirect.scatter.add.f32 [tilespmem:s17], [sflag:$0x3], $0x80, s8, s16, $0xb8;
	[tilespmem:$0x1C400] =	vst v63  }
0xbd: {  	_ =	swait.ge [sflag:s23], $0x4000  }
0xbe: {  	[sflag:s23] =	ssyncset.done $0x0  }
0xbf: {  	p1 =	seq.s32 s9, $0x980;
	[sflag:s23] =	ssyncadd.s32 $0xFFFFC000  }
0xc0: {  	[spmem:s5] =	stream.indirect.scatter.add.f32 [tilespmem:s19], [sflag:$0x4], $0x80, s10, s16, $0xb8;
	[tilespmem:$0x1C400] =	vst v63  }
.Ltmp3:
0xc1: {  	_ =	swait.ge [sflag:s21], $0x4000;
	(pc) =	sbr.rel @!p1 .LBB2_3-.Ltmp3, $4  }
0xc2: {  	[sflag:s21] =	ssyncset.done $0x0  }
0xc3: {  	[sflag:s21] =	ssyncadd.s32 $0xFFFFC000  }
0xc4: {  	_ =	swait.ge [sflag:s25], $0x4000  }
0xc5: {  	s9 =	sadd.s32 $0x80, s9;
	[sflag:s25] =	ssyncset.done $0x0  }
.Ltmp4:
0xc6: {  	(pc) =	sbr.rel .LBB2_8-.Ltmp4, $2  }
0xc7: {  	_ =	sdelay $0x2  }
0xc8: {  	[sflag:s25] =	ssyncadd.s32 $0xFFFFC000;
	s9 =	rddreg [dreg:$0xa]  }
.LBB2_5:
0xc9: {  	s9 =	rddreg [dreg:$0x7]  }
0xca: {  	s9 =	sadd.s32 $0x0, s9  }
0xcb: {  	[tilespmem:s14], [sflag:$0x5] =	stream.linear.gather [hbm4b:s9+s6], $0x400, $0x38;
	[tilespmem:$0x1C400] =	vst v63  }
0xcc: {  	_ =	swait.ge [sflag:s13], $0x400  }
0xcd: {  	s12 =	rddreg [dreg:$0x6];
	[sflag:s13] =	ssyncset.done $0x0  }
0xce: {  	[sflag:s13] =	ssyncadd.s32 $0xFFFFFC00;
	s9 =	sadd.s32 $0x0, s12  }
0xcf: {  	[tilespmem:s15], [sflag:$0x5] =	stream.linear.gather [hbm4b:s9+s6], $0x400, $0x38;
	[tilespmem:$0x1C400] =	vst v63  }
0xd0: {  	_ =	swait.ge [sflag:s13], $0x400  }
0xd1: {  	[sflag:s13] =	ssyncset.done $0x0  }
0xd2: {  	[sflag:s13] =	ssyncadd.s32 $0xFFFFFC00  }
0xd3: {  	[tilespmem:s17], [sflag:$0x1] =	stream.indirect.gather [hbm4b:s2+s16], $0x80, s14, s16, $0xb8;
	[tilespmem:$0x1C400] =	vst v63  }
0xd4: {  	_ = 	snop  }
0xd5: {  	[tilespmem:s19], [sflag:$0x2] =	stream.indirect.gather [hbm4b:s2+s16], $0x80, s18, s16, $0xb8;
	[tilespmem:$0x1C400] =	vst v63  }
0xd6: {  	_ =	swait.ge [sflag:s20], $0x4000  }
0xd7: {  	[sflag:s20] =	ssyncset.done $0x0  }
0xd8: {  	[sflag:s20] =	ssyncadd.s32 $0xFFFFC000  }
0xd9: {  	[spmem:s5] =	stream.indirect.scatter.add.f32 [tilespmem:s17], [sflag:$0x3], $0x80, s15, s16, $0xb8;
	[tilespmem:$0x1C400] =	vst v63  }
0xda: {  	_ =	swait.ge [sflag:s21], $0x4000  }
0xdb: {  	[sflag:s21] =	ssyncset.done $0x0  }
0xdc: {  	[sflag:s21] =	ssyncadd.s32 $0xFFFFC000  }
0xdd: {  	[tilespmem:s17], [sflag:$0x1] =	stream.indirect.gather [hbm4b:s2+s16], $0x80, s22, s16, $0xb8;
	[tilespmem:$0x1C400] =	vst v63  }
0xde: {  	_ =	swait.ge [sflag:s23], $0x4000  }
0xdf: {  	[sflag:s23] =	ssyncset.done $0x0  }
0xe0: {  	[sflag:s23] =	ssyncadd.s32 $0xFFFFC000  }
0xe1: {  	[spmem:s5] =	stream.indirect.scatter.add.f32 [tilespmem:s19], [sflag:$0x4], $0x80, s24, s16, $0xb8;
	[tilespmem:$0x1C400] =	vst v63  }
0xe2: {  	_ =	swait.ge [sflag:s25], $0x4000  }
0xe3: {  	[sflag:s25] =	ssyncset.done $0x0  }
0xe4: {  	[sflag:s25] =	ssyncadd.s32 $0xFFFFC000  }
0xe5: {  	[tilespmem:s19], [sflag:$0x2] =	stream.indirect.gather [hbm4b:s2+s16], $0x80, s26, s16, $0xb8;
	[tilespmem:$0x1C400] =	vst v63  }
0xe6: {  	_ =	swait.ge [sflag:s20], $0x4000  }
0xe7: {  	[sflag:s20] =	ssyncset.done $0x0  }
0xe8: {  	[sflag:s20] =	ssyncadd.s32 $0xFFFFC000  }
0xe9: {  	[spmem:s5] =	stream.indirect.scatter.add.f32 [tilespmem:s17], [sflag:$0x3], $0x80, s28, s16, $0xb8;
	[tilespmem:$0x1C400] =	vst v63  }
0xea: {  	_ =	swait.ge [sflag:s21], $0x4000  }
0xeb: {  	[sflag:s21] =	ssyncset.done $0x0  }
0xec: {  	[sflag:s21] =	ssyncadd.s32 $0xFFFFC000  }
0xed: {  	[tilespmem:s17], [sflag:$0x1] =	stream.indirect.gather [hbm4b:s2+s16], $0x80, s29, s16, $0xb8;
	[tilespmem:$0x1C400] =	vst v63  }
0xee: {  	_ =	swait.ge [sflag:s23], $0x4000  }
0xef: {  	[sflag:s23] =	ssyncset.done $0x0  }
0xf0: {  	[sflag:s23] =	ssyncadd.s32 $0xFFFFC000  }
0xf1: {  	[spmem:s5] =	stream.indirect.scatter.add.f32 [tilespmem:s19], [sflag:$0x4], $0x80, s30, s16, $0xb8;
	[tilespmem:$0x1C400] =	vst v63  }
0xf2: {  	_ =	swait.ge [sflag:s25], $0x4000  }
0xf3: {  	[sflag:s25] =	ssyncset.done $0x0  }
0xf4: {  	[sflag:s25] =	ssyncadd.s32 $0xFFFFC000  }
0xf5: {  	[tilespmem:s19], [sflag:$0x2] =	stream.indirect.gather [hbm4b:s2+s16], $0x80, s31, s16, $0xb8;
	[tilespmem:$0x1C400] =	vst v63  }
0xf6: {  	_ =	swait.ge [sflag:s20], $0x4000  }
0xf7: {  	[sflag:s20] =	ssyncset.done $0x0  }
0xf8: {  	[sflag:s20] =	ssyncadd.s32 $0xFFFFC000  }
0xf9: {  	[spmem:s5] =	stream.indirect.scatter.add.f32 [tilespmem:s17], [sflag:$0x3], $0x80, s0, s16, $0xb8;
	[tilespmem:$0x1C400] =	vst v63  }
0xfa: {  	_ =	swait.ge [sflag:s21], $0x4000  }
0xfb: {  	[sflag:s21] =	ssyncset.done $0x0  }
0xfc: {  	[sflag:s21] =	ssyncadd.s32 $0xFFFFC000  }
0xfd: {  	[tilespmem:s17], [sflag:$0x1] =	stream.indirect.gather [hbm4b:s2+s16], $0x80, s4, s16, $0xb8;
	[tilespmem:$0x1C400] =	vst v63  }
0xfe: {  	_ =	swait.ge [sflag:s23], $0x4000  }
0xff: {  	[sflag:s23] =	ssyncset.done $0x0  }
0x100: {  	[sflag:s23] =	ssyncadd.s32 $0xFFFFC000  }
0x101: {  	[spmem:s5] =	stream.indirect.scatter.add.f32 [tilespmem:s19], [sflag:$0x4], $0x80, s3, s16, $0xb8;
	[tilespmem:$0x1C400] =	vst v63  }
0x102: {  	_ =	swait.ge [sflag:s25], $0x4000  }
0x103: {  	[sflag:s25] =	ssyncset.done $0x0  }
0x104: {  	[sflag:s25] =	ssyncadd.s32 $0xFFFFC000  }
0x105: {  	[tilespmem:s19], [sflag:$0x2] =	stream.indirect.gather [hbm4b:s2+s16], $0x80, s7, s16, $0xb8;
	[tilespmem:$0x1C400] =	vst v63  }
0x106: {  	_ =	swait.ge [sflag:s20], $0x4000  }
0x107: {  	[sflag:s20] =	ssyncset.done $0x0  }
0x108: {  	[sflag:s20] =	ssyncadd.s32 $0xFFFFC000  }
0x109: {  	[spmem:s5] =	stream.indirect.scatter.add.f32 [tilespmem:s17], [sflag:$0x3], $0x80, s8, s16, $0xb8;
	[tilespmem:$0x1C400] =	vst v63  }
0x10a: {  	_ =	swait.ge [sflag:s23], $0x4000  }
0x10b: {  	[sflag:s23] =	ssyncset.done $0x0  }
0x10c: {  	[sflag:s23] =	ssyncadd.s32 $0xFFFFC000  }
0x10d: {  	[spmem:s5] =	stream.indirect.scatter.add.f32 [tilespmem:s19], [sflag:$0x4], $0x80, s10, s16, $0xb8;
	[tilespmem:$0x1C400] =	vst v63  }
0x10e: {  	_ =	swait.ge [sflag:s21], $0x4000  }
0x10f: {  	[sflag:s21] =	ssyncset.done $0x0  }
0x110: {  	[sflag:s21] =	ssyncadd.s32 $0xFFFFC000  }
0x111: {  	_ =	swait.ge [sflag:s25], $0x4000  }
0x112: {  	s9 =	simm.s32 $0x80;
	[sflag:s25] =	ssyncset.done $0x0  }
.LBB2_6:
0x113: {  	s11 =	rddreg [dreg:$0x7];
	s12 =	smov.u32 s9  }
0x114: {  	[sflag:s25] =	ssyncadd.s32 $0xFFFFC000;
	s11 =	sadd.s32 s12, s11  }
0x115: {  	[tilespmem:s14], [sflag:$0x5] =	stream.linear.gather [hbm4b:s11+s6], $0x400, $0x38;
	[tilespmem:$0x1C400] =	vst v63  }
0x116: {  	_ =	swait.ge [sflag:s13], $0x400  }
0x117: {  	s11 =	rddreg [dreg:$0x6];
	[sflag:s13] =	ssyncset.done $0x0  }
0x118: {  	[sflag:s13] =	ssyncadd.s32 $0xFFFFFC00;
	s11 =	sadd.s32 s12, s11  }
0x119: {  	[tilespmem:s15], [sflag:$0x5] =	stream.linear.gather [hbm4b:s11+s6], $0x400, $0x38;
	[tilespmem:$0x1C400] =	vst v63  }
0x11a: {  	_ =	swait.ge [sflag:s13], $0x400  }
0x11b: {  	[sflag:s13] =	ssyncset.done $0x0  }
0x11c: {  	[sflag:s13] =	ssyncadd.s32 $0xFFFFFC00  }
0x11d: {  	[tilespmem:s17], [sflag:$0x1] =	stream.indirect.gather [hbm4b:s2+s16], $0x80, s14, s16, $0xb8;
	[tilespmem:$0x1C400] =	vst v63  }
0x11e: {  	_ = 	snop  }
0x11f: {  	[tilespmem:s19], [sflag:$0x2] =	stream.indirect.gather [hbm4b:s2+s16], $0x80, s18, s16, $0xb8;
	[tilespmem:$0x1C400] =	vst v63  }
0x120: {  	_ =	swait.ge [sflag:s20], $0x4000  }
0x121: {  	[sflag:s20] =	ssyncset.done $0x0  }
0x122: {  	[sflag:s20] =	ssyncadd.s32 $0xFFFFC000  }
0x123: {  	[spmem:s5] =	stream.indirect.scatter.add.f32 [tilespmem:s17], [sflag:$0x3], $0x80, s15, s16, $0xb8;
	[tilespmem:$0x1C400] =	vst v63  }
0x124: {  	_ =	swait.ge [sflag:s21], $0x4000  }
0x125: {  	[sflag:s21] =	ssyncset.done $0x0  }
0x126: {  	[sflag:s21] =	ssyncadd.s32 $0xFFFFC000  }
0x127: {  	[tilespmem:s17], [sflag:$0x1] =	stream.indirect.gather [hbm4b:s2+s16], $0x80, s22, s16, $0xb8;
	[tilespmem:$0x1C400] =	vst v63  }
0x128: {  	_ =	swait.ge [sflag:s23], $0x4000  }
0x129: {  	[sflag:s23] =	ssyncset.done $0x0  }
0x12a: {  	[sflag:s23] =	ssyncadd.s32 $0xFFFFC000  }
0x12b: {  	[spmem:s5] =	stream.indirect.scatter.add.f32 [tilespmem:s19], [sflag:$0x4], $0x80, s24, s16, $0xb8;
	[tilespmem:$0x1C400] =	vst v63  }
0x12c: {  	_ =	swait.ge [sflag:s25], $0x4000  }
0x12d: {  	[sflag:s25] =	ssyncset.done $0x0  }
0x12e: {  	[sflag:s25] =	ssyncadd.s32 $0xFFFFC000  }
0x12f: {  	[tilespmem:s19], [sflag:$0x2] =	stream.indirect.gather [hbm4b:s2+s16], $0x80, s26, s16, $0xb8;
	[tilespmem:$0x1C400] =	vst v63  }
0x130: {  	_ =	swait.ge [sflag:s20], $0x4000  }
0x131: {  	[sflag:s20] =	ssyncset.done $0x0  }
0x132: {  	[sflag:s20] =	ssyncadd.s32 $0xFFFFC000  }
0x133: {  	[spmem:s5] =	stream.indirect.scatter.add.f32 [tilespmem:s17], [sflag:$0x3], $0x80, s28, s16, $0xb8;
	[tilespmem:$0x1C400] =	vst v63  }
0x134: {  	_ =	swait.ge [sflag:s21], $0x4000  }
0x135: {  	[sflag:s21] =	ssyncset.done $0x0  }
0x136: {  	[sflag:s21] =	ssyncadd.s32 $0xFFFFC000  }
0x137: {  	[tilespmem:s17], [sflag:$0x1] =	stream.indirect.gather [hbm4b:s2+s16], $0x80, s29, s16, $0xb8;
	[tilespmem:$0x1C400] =	vst v63  }
0x138: {  	_ =	swait.ge [sflag:s23], $0x4000  }
0x139: {  	[sflag:s23] =	ssyncset.done $0x0  }
0x13a: {  	[sflag:s23] =	ssyncadd.s32 $0xFFFFC000  }
0x13b: {  	[spmem:s5] =	stream.indirect.scatter.add.f32 [tilespmem:s19], [sflag:$0x4], $0x80, s30, s16, $0xb8;
	[tilespmem:$0x1C400] =	vst v63  }
0x13c: {  	_ =	swait.ge [sflag:s25], $0x4000  }
0x13d: {  	[sflag:s25] =	ssyncset.done $0x0  }
0x13e: {  	[sflag:s25] =	ssyncadd.s32 $0xFFFFC000  }
0x13f: {  	[tilespmem:s19], [sflag:$0x2] =	stream.indirect.gather [hbm4b:s2+s16], $0x80, s31, s16, $0xb8;
	[tilespmem:$0x1C400] =	vst v63  }
0x140: {  	_ =	swait.ge [sflag:s20], $0x4000  }
0x141: {  	[sflag:s20] =	ssyncset.done $0x0  }
0x142: {  	[sflag:s20] =	ssyncadd.s32 $0xFFFFC000  }
0x143: {  	[spmem:s5] =	stream.indirect.scatter.add.f32 [tilespmem:s17], [sflag:$0x3], $0x80, s0, s16, $0xb8;
	[tilespmem:$0x1C400] =	vst v63  }
0x144: {  	_ =	swait.ge [sflag:s21], $0x4000  }
0x145: {  	[sflag:s21] =	ssyncset.done $0x0  }
0x146: {  	[sflag:s21] =	ssyncadd.s32 $0xFFFFC000  }
0x147: {  	[tilespmem:s17], [sflag:$0x1] =	stream.indirect.gather [hbm4b:s2+s16], $0x80, s4, s16, $0xb8;
	[tilespmem:$0x1C400] =	vst v63  }
0x148: {  	_ =	swait.ge [sflag:s23], $0x4000  }
0x149: {  	[sflag:s23] =	ssyncset.done $0x0  }
0x14a: {  	[sflag:s23] =	ssyncadd.s32 $0xFFFFC000  }
0x14b: {  	[spmem:s5] =	stream.indirect.scatter.add.f32 [tilespmem:s19], [sflag:$0x4], $0x80, s3, s16, $0xb8;
	[tilespmem:$0x1C400] =	vst v63  }
0x14c: {  	_ =	swait.ge [sflag:s25], $0x4000  }
0x14d: {  	[sflag:s25] =	ssyncset.done $0x0  }
0x14e: {  	[sflag:s25] =	ssyncadd.s32 $0xFFFFC000  }
0x14f: {  	[tilespmem:s19], [sflag:$0x2] =	stream.indirect.gather [hbm4b:s2+s16], $0x80, s7, s16, $0xb8;
	[tilespmem:$0x1C400] =	vst v63  }
0x150: {  	_ =	swait.ge [sflag:s20], $0x4000  }
0x151: {  	[sflag:s20] =	ssyncset.done $0x0  }
0x152: {  	[sflag:s20] =	ssyncadd.s32 $0xFFFFC000  }
0x153: {  	[spmem:s5] =	stream.indirect.scatter.add.f32 [tilespmem:s17], [sflag:$0x3], $0x80, s8, s16, $0xb8;
	[tilespmem:$0x1C400] =	vst v63  }
0x154: {  	_ =	swait.ge [sflag:s23], $0x4000  }
0x155: {  	[sflag:s23] =	ssyncset.done $0x0  }
0x156: {  	p1 =	sne.s32 s9, $0x980;
	[sflag:s23] =	ssyncadd.s32 $0xFFFFC000  }
0x157: {  	[spmem:s5] =	stream.indirect.scatter.add.f32 [tilespmem:s19], [sflag:$0x4], $0x80, s10, s16, $0xb8;
	[tilespmem:$0x1C400] =	vst v63  }
.Ltmp5:
0x158: {  	_ =	swait.ge [sflag:s21], $0x4000;
	(pc) =	sbr.rel @p1 .LBB2_6-.Ltmp5, $4  }
0x159: {  	[sflag:s21] =	ssyncset.done $0x0  }
0x15a: {  	[sflag:s21] =	ssyncadd.s32 $0xFFFFC000  }
0x15b: {  	_ =	swait.ge [sflag:s25], $0x4000  }
0x15c: {  	s9 =	sadd.s32 $0x80, s9;
	[sflag:s25] =	ssyncset.done $0x0  }
.Ltmp6:
0x15d: {  	_ = 	snop;
	(pc) =	sbr.rel .LBB2_7-.Ltmp6, $1  }
0x15e: {  	_ =	sdelay $0x3  }
.LBB2_9:
0x15f: {  	_ =	sfence.sel $0x180000  }
0x160: {  	[bflag:$0x0] =	sbarrier.arrive $0xFFFF  }
0x161: {  	_ =	strace $0x90000047  }
0x162: {  	s0 =	stileid.u32;
	[bflag:$0x2] =	sbarrier.arrive $0xFFFF  }
0x163: {  	p0 =	sne.s32 s0, $0x0;
	s0 =	rddreg [dreg:$0x5]  }
0x164: {  	s0 =	sadd.s32 @!p0 $0x100000, s0  }
0x165: {  	[sflag:s0] =	ssyncadd.tile.s32 @!p0 $0x1;
	_ =	shalt  }
.Lfunc_end2:
_tile_overlayer_lowered:
.L_overlay_start_2:
0x166: {  	(tag) =	ssettag $0x2  }
0x167: {  	s0 =	rddreg [dreg:$0x0];
	s2 =	stileid.u32  }
0x168: {  	s1 =	rddreg [dreg:$0x1];
	p0 =	sne.s32 s2, $0x0  }
0x169: {  	s3 =	rddreg [dreg:$0x2];
	[bflag:$0x3] =	sbarrier.arrive $0xFFFF;
	s2 =	simm.s32 @!p0 $0x1C05  }
0x16a: {  	[timem:s3], [sflag:s2] =	dma.local @!p0 [hbm:s0], s1  }
0x16b: {  	s0 =	simm.s32 @!p0 $0x5  }
0x16c: {  	_ =	swait.ge @!p0 [sflag:s0], s1  }
0x16d: {  	s1 =	ssub.s32 @!p0 $0x0, s1;
	[sflag:s0] =	ssyncset.done @!p0 $0x0  }
0x16e: {  	[sflag:s0] =	ssyncadd.s32 @!p0 s1  }
0x16f: {  	[bflag:$0x3] =	sbarrier.arrive $0xFFFF  }
0x170: {  	_ =	shalt  }

// kernel: sc_seg_sum.7.cloned.1.call-start
scs
__scs_entry_jumppad:
0x0: {  	(pc) =	sbr.rel $0x88, $3  }
0x1: {  	(tag) =	ssettag $0x0;
	lr =	simm.s32 $0x1  }
0x2: {  	[smem:$0x3F8E] =	sst lr;
	_ =	strace $0xD0000000  }
0x3: {  	_ = 	snop  }
0x4: {  	_ = 	snop  }
0x5: {  	_ = 	snop  }
0x6: {  	_ = 	snop  }
0x7: {  	_ = 	snop  }
__scs_overlays_trampoline_lowered:
0x8: {  	[smem:$0x3F9D] =	sst s0  }
0x9: {  	[smem:$0x3F9E] =	sst s1  }
0xa: {  	[smem:$0x3F9F] =	sst s2  }
0xb: {  	[smem:$0x3FA0] =	sst s3  }
0xc: {  	[smem:$0x3FA1] =	sst s4  }
0xd: {  	[smem:$0x3FA2] =	sst s5  }
0xe: {  	[smem:$0x3FA3] =	sst s6  }
0xf: {  	[smem:$0x3FA4] =	sst s7  }
0x10: {  	[smem:$0x3FA5] =	sst s8  }
0x11: {  	[smem:$0x3FA6] =	sst s9;
	s0 =	simm.s32 @!p0 $0x0  }
0x12: {  	s1 =	sld [smem:$0x3F8C];
	s0 =	simm.s32 @p0 $0x1  }
0x13: {  	[smem:$0x3FA7] =	sst s0;
	s0 =	simm.s32 @!p1 $0x0  }
0x14: {  	s2 =	sld [smem:$0x3F8B];
	s0 =	simm.s32 @p1 $0x1  }
0x15: {  	[smem:$0x3FA8] =	sst s0;
	s0 =	simm.s32 @!p2 $0x0  }
0x16: {  	s3 =	sld [smem:$0x3FDB];
	s0 =	simm.s32 @p2 $0x1  }
0x17: {  	s4 =	simm.s32 $0x1BF5;
	[smem:$0x3FAA] =	sst s0  }
0x18: {  	s0 =	sld [smem:$0x3F8D];
	_ =	swait.ge [sflag:s4], $0x0  }
0x19: {  	s7 =	sld [smem:$0x3F8E]  }
0x1a: {  	s8 =	sadd.s32 $0xFFFFE003, lr  }
0x1b: {  	s9 =	sadd.s32 $0xFFFFFEF7, lr;
	s5 =	simm.s32 $0xFFFFFFFF;
	p2 =	slt.u32 s8, $0xFFFFF086  }
0x1c: {  	p1 =	slt.u32 s9, $0xF7A;
	s5 =	simm.s32 @!p2 $0x0  }
0x1d: {  	s5 =	simm.s32 @p1 $0x1;
	p0 =	seq.s32 s7, s2  }
0x1e: {  	s7 =	smul.u32 @!p0 $0xF7A, s2;
	p2 =	seq.s32 @!p0 s5, $0x0  }
0x1f: {  	s9 =	smul.u32 $0xF7A, s1;
	s8 =	simm.s32 @!p0 $0x1BF5;
	p2 =	por !p2, p0  }
0x20: {  	[sflag:s8] =	ssyncset.s32 @!p0 $0xFFFFF086;
	s6 =	sadd.s32 @!p0 s3, s7;
	s7 =	simm.s32 @!p0 $0x108  }
0x21: {  	s3 =	sadd.s32 s3, s9;
	s6 =	sadd.s32 @!p0 $0x88, s6;
	s7 =	simm.s32 @p2 $0x1082  }
0x22: {  	[simem:s7], [sflag:s8] =	dma.local @!p0 [hbm:s6], $0xF7A  }
0x23: {  	s9 =	sor.u32 $0xD0000000, s2;
	s6 =	simm.s32 $0x108;
	_ =	swait.ge @!p0 [sflag:s8], $0x0  }
0x24: {  	s3 =	sadd.s32 $0x88, s3;
	s6 =	simm.s32 @!p1 $0x1082;
	[sflag:s4] =	ssyncset.s32 $0xFFFFF086  }
0x25: {  	[simem:s6], [sflag:s4] =	dma.local [hbm:s3], $0xF7A  }
0x26: {  	[smem:$0x3F8E] =	sst s1;
	(tag) =	ssettag s2;
	_ =	strace s9  }
0x27: {  	s1 =	sld [smem:$0x3F9E]  }
0x28: {  	s2 =	sld [smem:$0x3F9F]  }
0x29: {  	s4 =	sld [smem:$0x3FA1]  }
0x2a: {  	p0 =	seq.s32 s5, $0x0;
	s5 =	sld [smem:$0x3FA2]  }
0x2b: {  	s6 =	sld [smem:$0x3FA3]  }
0x2c: {  	s7 =	sld [smem:$0x3FA4]  }
0x2d: {  	s3 =	simm.s32 $0x108;
	s8 =	sld [smem:$0x3FA5]  }
0x2e: {  	s3 =	simm.s32 @!p0 $0x1082;
	s9 =	sld [smem:$0x3FA6]  }
0x2f: {  	lr =	sadd.s32 s0, s3;
	s0 =	sld [smem:$0x3F9D]  }
0x30: {  	s3 =	sld [smem:$0x3FA0]  }
0x31: {  	[smem:$0x3FA9] =	sst s10  }
0x32: {  	s10 =	sld [smem:$0x3FA7];
	_ =	sdelay $0x3  }
0x33: {  	p0 =	seq.s32 s10, $0x1;
	s10 =	sld [smem:$0x3FA9];
	_ =	sdelay $0x3  }
0x34: {  	[smem:$0x3FA9] =	sst s10  }
0x35: {  	s10 =	sld [smem:$0x3FA8];
	_ =	sdelay $0x3  }
0x36: {  	p1 =	seq.s32 s10, $0x1;
	s10 =	sld [smem:$0x3FA9];
	_ =	sdelay $0x3  }
0x37: {  	[smem:$0x3FA9] =	sst s10  }
0x38: {  	s10 =	sld [smem:$0x3FAA]  }
0x39: {  	_ = 	snop;
	(pc) =	sbr.ind lr, $3  }
0x3a: {  	_ = 	snop  }
0x3b: {  	_ = 	snop  }
0x3c: {  	p2 =	seq.s32 s10, $0x1;
	s10 =	sld [smem:$0x3FA9]  }
0x3d: {  	_ =	shalt  }
0x3e: {  	_ =	shalt  }
0x3f: {  	_ =	shalt  }
0x40: {  	_ =	shalt  }
0x41: {  	_ =	shalt  }
0x42: {  	_ =	shalt  }
0x43: {  	_ =	shalt  }
0x44: {  	_ =	shalt  }
0x45: {  	_ =	shalt  }
0x46: {  	_ =	shalt  }
0x47: {  	_ =	shalt  }
0x48: {  	_ =	shalt  }
0x49: {  	_ =	shalt  }
0x4a: {  	_ =	shalt  }
0x4b: {  	_ =	shalt  }
0x4c: {  	_ =	shalt  }
0x4d: {  	_ =	shalt  }
0x4e: {  	_ =	shalt  }
0x4f: {  	_ =	shalt  }
0x50: {  	_ =	shalt  }
0x51: {  	_ =	shalt  }
0x52: {  	_ =	shalt  }
0x53: {  	_ =	shalt  }
0x54: {  	_ =	shalt  }
0x55: {  	_ =	shalt  }
0x56: {  	_ =	shalt  }
0x57: {  	_ =	shalt  }
0x58: {  	_ =	shalt  }
0x59: {  	_ =	shalt  }
0x5a: {  	_ =	shalt  }
0x5b: {  	_ =	shalt  }
0x5c: {  	_ =	shalt  }
0x5d: {  	_ =	shalt  }
0x5e: {  	_ =	shalt  }
0x5f: {  	_ =	shalt  }
0x60: {  	_ =	shalt  }
0x61: {  	_ =	shalt  }
0x62: {  	_ =	shalt  }
0x63: {  	_ =	shalt  }
0x64: {  	_ =	shalt  }
0x65: {  	_ =	shalt  }
0x66: {  	_ =	shalt  }
0x67: {  	_ =	shalt  }
0x68: {  	_ =	shalt  }
0x69: {  	_ =	shalt  }
0x6a: {  	_ =	shalt  }
0x6b: {  	_ =	shalt  }
0x6c: {  	_ =	shalt  }
0x6d: {  	_ =	shalt  }
0x6e: {  	_ =	shalt  }
0x6f: {  	_ =	shalt  }
0x70: {  	_ =	shalt  }
0x71: {  	_ =	shalt  }
0x72: {  	_ =	shalt  }
0x73: {  	_ =	shalt  }
0x74: {  	_ =	shalt  }
0x75: {  	_ =	shalt  }
0x76: {  	_ =	shalt  }
0x77: {  	_ =	shalt  }
0x78: {  	_ =	shalt  }
0x79: {  	_ =	shalt  }
0x7a: {  	_ =	shalt  }
0x7b: {  	_ =	shalt  }
0x7c: {  	_ =	shalt  }
0x7d: {  	_ =	shalt  }
0x7e: {  	_ =	shalt  }
0x7f: {  	_ =	shalt  }
0x80: {  	_ =	shalt  }
0x81: {  	_ =	shalt  }
0x82: {  	_ =	shalt  }
0x83: {  	_ =	shalt  }
0x84: {  	_ =	shalt  }
0x85: {  	_ =	shalt  }
0x86: {  	_ =	shalt  }
0x87: {  	_ =	shalt  }
.Lfunc_end0:
.L_simem_size_0:
called_computation.2_lowered:
.L_overlay_start_0:
0x88: {  	s2 =	sld [smem:$0x3FD9]  }
0x89: {  	s3 =	sld [smem:$0x3FFE];
	_ =	sdelay $0x1  }
0x8a: {  	s1 =	srdreg.scid  }
0x8b: {  	s0 =	sand.u32 $0x1, s1  }
0x8c: {  	s17 =	sshll.u32 s0, $0xA;
	s2 =	sadd.s32 s3, s2  }
0x8d: {  	s2 =	sadd.s32 s2, s17  }
0x8e: {  	[smem:$0x3FB5] =	sst s2  }
0x8f: {  	_ = 	snop  }
0x90: {  	s2 =	sld [smem:$0x3FD0];
	(tm) =	ssettm $0x1  }
0x91: {  	s18 =	sld [smem:$0x3FFB];
	_ =	sdelay $0x3  }
0x92: {  	_ =	strace s18  }
0x93: {  	s3 =	sld [smem:$0x3FFC];
	_ =	sdelay $0x3  }
0x94: {  	_ =	strace s3  }
0x95: {  	s3 =	sld [smem:$0x3FFD];
	_ =	sdelay $0x3  }
0x96: {  	_ =	strace s3  }
0x97: {  	_ =	strace $0x8FFFFFFF  }
0x98: {  	s19 =	sld [smem:$0x3FDB];
	_ =	sdelay $0x1  }
0x99: {  	s4 =	simm.s32 $_scs_section_size  }
0x9a: {  	s5 =	simm.s32 $_size__tile_overlayer_lowered;
	s6 =	simm.s32 $_tile_overlayer_lowered  }
0x9b: {  	s22 =	simm.s32 $0x1BFF;
	s21 =	sshll.u32 s6, $0x1;
	s3 =	sadd.s32 s4, s19  }
0x9c: {  	s7 =	simm.s32 $0x0;
	s20 =	sshll.u32 s5, $0x1;
	s5 =	sadd.s32 s21, s3  }
0x9d: {  	[timem:s7], [sflag:s22] =	dma.local [hbm:s5], s20  }
0x9e: {  	_ =	swait.ge [sflag:s22], s20  }
0x9f: {  	s4 =	ssub.s32 $0x0, s20;
	[sflag:s22] =	ssyncset.done $0x0  }
0xa0: {  	[sflag:s22] =	ssyncadd.s32 s4;
	_ =	sdelay $0x1  }
0xa1: {  	s23 =	simm.s32 $0x1B8B  }
0xa2: {  	_ =	swait.ge [sflag:s23], $0x1  }
0xa3: {  	[sflag:s23] =	ssyncset.done $0x0  }
0xa4: {  	s25 =	simm.s32 $0x1B8E;
	s24 =	sld [smem:$0x3FFE];
	[sflag:s23] =	ssyncadd.s32 $0xFFFFFFFF  }
0xa5: {  	s26 =	simm.s32 $execute0_lowered;
	[smem:$0x3FD2] =	sst s25  }
0xa6: {  	s5 =	sshll.u32 s26, $0x1;
	_ =	strace $0x8000004C;
	[dreg:$0x1] =	wrdreg $0xFFFFFFFF  }
0xa7: {  	s28 =	simm.s32 $_size_execute0_lowered;
	s3 =	sadd.s32 s3, s5;
	[dreg:$0x0] =	wrdreg $0x0  }
0xa8: {  	s5 =	sshll.u32 s28, $0x1;
	[dreg:$0x2] =	wrdreg s3  }
0xa9: {  	[dreg:$0x3] =	wrdreg s5  }
0xaa: {  	[dreg:$0x4] =	wrdreg $0xC0  }
0xab: {  	_ =	task [dreg:s7], $0x5FFFF  }
0xac: {  	[dreg:$0x1] =	wrdreg $0xFFFFFFFF  }
0xad: {  	[dreg:$0x0] =	wrdreg $0x60  }
0xae: {  	[dreg:$0x2] =	wrdreg s24  }
0xaf: {  	[dreg:$0x3] =	wrdreg s2  }
0xb0: {  	[dreg:$0x4] =	wrdreg $0x0  }
0xb1: {  	[dreg:$0x5] =	wrdreg $0x9  }
0xb2: {  	_ =	task.clear_ibuf [dreg:s7], $0x6FFFF;
	_ =	strace $0x9000004C  }
0xb3: {  	s29 =	simm.s32 $0x9;
	_ =	strace $0x8000004E  }
0xb4: {  	_ =	swait.ge [sflag:s29], $0x1  }
0xb5: {  	[sflag:s29] =	ssyncadd.s32 $0xFFFFFFFF  }
0xb6: {  	_ =	strace $0x9000004E  }
0xb7: {  	_ =	sfence  }
0xb8: {  	s30 =	sld [smem:$0x0];
	_ =	sdelay $0x2  }
0xb9: {  	s31 =	sshll.u32 s1, $0xD;
	s1 =	sshrl.u32 s1, $0x2  }
0xba: {  	s3 =	sand.u32 $0x4000, s31;
	s1 =	sadd.s32 s1, s30  }
0xbb: {  	s0 =	sor.u32 s3, s0;
	s1 =	sshll.u32 s1, $0x11  }
0xbc: {  	s0 =	sor.u32 s1, s0  }
0xbd: {  	s0 =	sadd.s32 $0x8F2B, s0  }
0xbe: {  	[sflag:s0] =	ssyncadd.remote.s32 $0x1  }
0xbf: {  	_ =	sfence.sel $0xFFFF  }
0xc0: {  	[dreg:$0x0] =	wrdreg $0xFFFFFFFF;
	(pc) =	sbr.abs _section_cstart, $3  }
0xc1: {  	[dreg:$0x1] =	wrdreg $0xFFFFFFFF  }
0xc2: {  	_ =	task.clear_ibuf [dreg:s7], $0x2FFFF;
	_ =	strace $0x9FFFFFFF  }
0xc3: {  	(tm) =	ssettm $0x7FFFFFFF  }
tec
execute0_lowered:
.L_overlay_start_1:
0x0: {  	(tag) =	ssettag $0x1  }
0x1: {  	s0 =	rddreg [dreg:$0x0]  }
0x2: {  	s3 =	rddreg [dreg:$0x2];
	s4 =	simm.s32 $0x0  }
0x3: {  	s10 =	stileid.u32;
	s2 =	srdreg.scid;
	s13 =	simm.s32 $0x5  }
0x4: {  	s14 =	simm.s32 $0x13C00;
	s15 =	simm.s32 $0x14000;
	s16 =	simm.s32 $0x80  }
0x5: {  	s17 =	simm.s32 $0x14400;
	s18 =	simm.s32 $0x13C80;
	s19 =	simm.s32 $0x18400  }
0x6: {  	s28 =	simm.s32 $0x14100;
	s29 =	simm.s32 $0x13E00;
	s30 =	simm.s32 $0x14180  }
0x7: {  	s31 =	simm.s32 $0x13E80;
	s12 =	simm.s32 $0x0;
	[smem:$0x7FF] =	sst s4  }
0x8: {  	s1 =	smul.u32 $0xA00, s10;
	s5 =	sadd.s32 $0x2E000, s0;
	s2 =	sand.u32 $0x1, s2  }
0x9: {  	s6 =	sadd.s32 $0x55200, s0;
	s8 =	smul.u32 $0x4F000, s10;
	s9 =	sadd.s32 $0xCC800, s0  }
0xa: {  	s24 =	sshll.u32 s10, $0x6;
	s26 =	smul.u32 $0x2780, s10;
	s10 =	simm.s32 $0x14380  }
0xb: {  	_ =	strace $0x8000004D;
	s7 =	ssub.s32 $0x2, s2;
	[dreg:$0x8] =	wrdreg s9  }
0xc: {  	s9 =	sor.u32 $0x1C05, s24;
	p0 =	sne.s32 s2, $0x0;
	s24 =	simm.s32 $0x14080  }
0xd: {  	s2 =	simm.s32 $0x14280;
	s1 =	sadd.s32 s1, s0;
	s0 =	sadd.s32 $0xF4000, s0  }
0xe: {  	s20 =	sshrl.u32 s7, $0x1;
	s21 =	sshrl.u32 s8, $0x2;
	[dreg:$0xa] =	wrdreg s9  }
0xf: {  	[dreg:$0xb] =	wrdreg s26;
	s26 =	simm.s32 $0x13D80;
	s8 =	simm.s32 $0x14300  }
0x10: {  	[dreg:$0x9] =	wrdreg s0;
	s0 =	ssub.s32 s7, s20;
	s22 =	sadd.s32 $0x6000, s1  }
0x11: {  	s7 =	sadd.s32 s21, s3;
	s23 =	sadd.s32 $0x10000, s1;
	[dreg:$0x4] =	wrdreg s22  }
0x12: {  	s25 =	sadd.s32 $0x1A000, s1;
	s1 =	sadd.s32 $0x24000, s1;
	[dreg:$0x5] =	wrdreg s23  }
.Ltmp0:
0x13: {  	s20 =	simm.s32 $0x1;
	[dreg:$0x6] =	wrdreg s25;
	(pc) =	sbr.rel .LBB2_1-.Ltmp0, $4  }
0x14: {  	s21 =	simm.s32 $0x3;
	s0 =	smax.u32 s0, $0x1;
	[dreg:$0x7] =	wrdreg s1  }
0x15: {  	s11 =	sshrl.u32 s7, $0x3;
	s22 =	simm.s32 $0x13D00;
	s23 =	simm.s32 $0x2  }
0x16: {  	s25 =	simm.s32 $0x4;
	s1 =	simm.s32 $0x13F00;
	[dreg:$0xc] =	wrdreg s0  }
0x17: {  	s7 =	simm.s32 $0x13F80;
	s0 =	simm.s32 $0x14200;
	[dreg:$0xd] =	wrdreg s11  }
.LBB2_7:
0x18: {  	[sflag:s25] =	ssyncadd.s32 $0xFFFFC000;
	s9 =	rddreg [dreg:$0x9]  }
.LBB2_8:
0x19: {  	s11 =	rddreg [dreg:$0xb]  }
0x1a: {  	s9 =	sadd.s32 s9, s11  }
0x1b: {  	[dreg:$0xf] =	wrdreg s9  }
0x1c: {  	[bflag:$0x0] =	sbarrier.arrive $0xFFFF  }
0x1d: {  	s11 =	rddreg [dreg:$0xf]  }
0x1e: {  	s9 =	rddreg [dreg:$0xd]  }
0x1f: {  	s12 =	rddreg [dreg:$0xa]  }
0x20: {  	[hbm:s11], [sflag:s12] =	dma.local [spmem:s9], $0x2780  }
0x21: {  	s11 =	rddreg [dreg:$0xd];
	_ =	swait.ge [sflag:s13], $0x2780  }
0x22: {  	s9 =	rddreg [dreg:$0xe]  }
0x23: {  	s12 =	sadd.s32 $0x1, s9;
	s9 =	rddreg [dreg:$0xc]  }
0x24: {  	p1 =	sne.s32 s12, s9  }
.Ltmp1:
0x25: {  	_ = 	snop;
	(pc) =	sbr.rel @!p1 .LBB2_9-.Ltmp1, $3  }
0x26: {  	_ =	sdelay $0x1  }
0x27: {  	[sflag:s13] =	ssyncset.done $0x0  }
0x28: {  	[sflag:s13] =	ssyncadd.s32 $0xFFFFD880  }
.LBB2_1:
0x29: {  	[dreg:$0xe] =	wrdreg s12  }
0x2a: {  	s9 =	rddreg [dreg:$0x1]  }
0x2b: {  	s12 =	rddreg [dreg:$0xa]  }
0x2c: {  	[spmem:s11], [sflag:s12] =	dma.local [hbm:s9], $0x2780  }
.Ltmp2:
0x2d: {  	_ =	swait.ge [sflag:s13], $0x2780;
	(pc) =	sbr.rel @p0 .LBB2_5-.Ltmp2, $3  }
0x2e: {  	[sflag:s13] =	ssyncset.done $0x0  }
0x2f: {  	[sflag:s13] =	ssyncadd.s32 $0xFFFFD880  }
0x30: {  	[bflag:$0x0] =	sbarrier.arrive $0xFFFF;
	_ =	sdelay $0x1  }
0x31: {  	s9 =	rddreg [dreg:$0x7]  }
0x32: {  	s9 =	sadd.s32 $0x0, s9  }
0x33: {  	[tilespmem:s14], [sflag:$0x5] =	stream.linear.gather [hbm4b:s9+s4], $0x400, $0x38;
	[tilespmem:$0x1C400] =	vst v63  }
0x34: {  	_ =	swait.ge [sflag:s13], $0x400  }
0x35: {  	s12 =	rddreg [dreg:$0x6];
	[sflag:s13] =	ssyncset.done $0x0  }
0x36: {  	[sflag:s13] =	ssyncadd.s32 $0xFFFFFC00;
	s9 =	sadd.s32 $0x0, s12  }
0x37: {  	[tilespmem:s15], [sflag:$0x5] =	stream.linear.gather [hbm4b:s9+s4], $0x400, $0x38;
	[tilespmem:$0x1C400] =	vst v63  }
0x38: {  	_ =	swait.ge [sflag:s13], $0x400  }
0x39: {  	[sflag:s13] =	ssyncset.done $0x0  }
0x3a: {  	[sflag:s13] =	ssyncadd.s32 $0xFFFFFC00  }
0x3b: {  	[tilespmem:s17], [sflag:$0x1] =	stream.indirect.gather [hbm4b:s5+s16], $0x80, s14, s16, $0xb8;
	[tilespmem:$0x1C400] =	vst v63  }
0x3c: {  	_ = 	snop  }
0x3d: {  	[tilespmem:s19], [sflag:$0x2] =	stream.indirect.gather [hbm4b:s5+s16], $0x80, s18, s16, $0xb8;
	[tilespmem:$0x1C400] =	vst v63  }
0x3e: {  	_ =	swait.ge [sflag:s20], $0x4000  }
0x3f: {  	[sflag:s20] =	ssyncset.done $0x0  }
0x40: {  	[sflag:s20] =	ssyncadd.s32 $0xFFFFC000  }
0x41: {  	[spmem:s3] =	stream.indirect.scatter.add.f32 [tilespmem:s17], [sflag:$0x3], $0x80, s15, s16, $0xb8;
	[tilespmem:$0x1C400] =	vst v63  }
0x42: {  	_ =	swait.ge [sflag:s21], $0x4000  }
0x43: {  	[sflag:s21] =	ssyncset.done $0x0  }
0x44: {  	[sflag:s21] =	ssyncadd.s32 $0xFFFFC000  }
0x45: {  	[tilespmem:s17], [sflag:$0x1] =	stream.indirect.gather [hbm4b:s5+s16], $0x80, s22, s16, $0xb8;
	[tilespmem:$0x1C400] =	vst v63  }
0x46: {  	_ =	swait.ge [sflag:s23], $0x4000  }
0x47: {  	[sflag:s23] =	ssyncset.done $0x0  }
0x48: {  	[sflag:s23] =	ssyncadd.s32 $0xFFFFC000  }
0x49: {  	[spmem:s3] =	stream.indirect.scatter.add.f32 [tilespmem:s19], [sflag:$0x4], $0x80, s24, s16, $0xb8;
	[tilespmem:$0x1C400] =	vst v63  }
0x4a: {  	_ =	swait.ge [sflag:s25], $0x4000  }
0x4b: {  	[sflag:s25] =	ssyncset.done $0x0  }
0x4c: {  	[sflag:s25] =	ssyncadd.s32 $0xFFFFC000  }
0x4d: {  	[tilespmem:s19], [sflag:$0x2] =	stream.indirect.gather [hbm4b:s5+s16], $0x80, s26, s16, $0xb8;
	[tilespmem:$0x1C400] =	vst v63  }
0x4e: {  	_ =	swait.ge [sflag:s20], $0x4000  }
0x4f: {  	[sflag:s20] =	ssyncset.done $0x0  }
0x50: {  	[sflag:s20] =	ssyncadd.s32 $0xFFFFC000  }
0x51: {  	[spmem:s3] =	stream.indirect.scatter.add.f32 [tilespmem:s17], [sflag:$0x3], $0x80, s28, s16, $0xb8;
	[tilespmem:$0x1C400] =	vst v63  }
0x52: {  	_ =	swait.ge [sflag:s21], $0x4000  }
0x53: {  	[sflag:s21] =	ssyncset.done $0x0  }
0x54: {  	[sflag:s21] =	ssyncadd.s32 $0xFFFFC000  }
0x55: {  	[tilespmem:s17], [sflag:$0x1] =	stream.indirect.gather [hbm4b:s5+s16], $0x80, s29, s16, $0xb8;
	[tilespmem:$0x1C400] =	vst v63  }
0x56: {  	_ =	swait.ge [sflag:s23], $0x4000  }
0x57: {  	[sflag:s23] =	ssyncset.done $0x0  }
0x58: {  	[sflag:s23] =	ssyncadd.s32 $0xFFFFC000  }
0x59: {  	[spmem:s3] =	stream.indirect.scatter.add.f32 [tilespmem:s19], [sflag:$0x4], $0x80, s30, s16, $0xb8;
	[tilespmem:$0x1C400] =	vst v63  }
0x5a: {  	_ =	swait.ge [sflag:s25], $0x4000  }
0x5b: {  	[sflag:s25] =	ssyncset.done $0x0  }
0x5c: {  	[sflag:s25] =	ssyncadd.s32 $0xFFFFC000  }
0x5d: {  	[tilespmem:s19], [sflag:$0x2] =	stream.indirect.gather [hbm4b:s5+s16], $0x80, s31, s16, $0xb8;
	[tilespmem:$0x1C400] =	vst v63  }
0x5e: {  	_ =	swait.ge [sflag:s20], $0x4000  }
0x5f: {  	[sflag:s20] =	ssyncset.done $0x0  }
0x60: {  	[sflag:s20] =	ssyncadd.s32 $0xFFFFC000  }
0x61: {  	[spmem:s3] =	stream.indirect.scatter.add.f32 [tilespmem:s17], [sflag:$0x3], $0x80, s0, s16, $0xb8;
	[tilespmem:$0x1C400] =	vst v63  }
0x62: {  	_ =	swait.ge [sflag:s21], $0x4000  }
0x63: {  	[sflag:s21] =	ssyncset.done $0x0  }
0x64: {  	[sflag:s21] =	ssyncadd.s32 $0xFFFFC000  }
0x65: {  	[tilespmem:s17], [sflag:$0x1] =	stream.indirect.gather [hbm4b:s5+s16], $0x80, s1, s16, $0xb8;
	[tilespmem:$0x1C400] =	vst v63  }
0x66: {  	_ =	swait.ge [sflag:s23], $0x4000  }
0x67: {  	[sflag:s23] =	ssyncset.done $0x0  }
0x68: {  	[sflag:s23] =	ssyncadd.s32 $0xFFFFC000  }
0x69: {  	[spmem:s3] =	stream.indirect.scatter.add.f32 [tilespmem:s19], [sflag:$0x4], $0x80, s2, s16, $0xb8;
	[tilespmem:$0x1C400] =	vst v63  }
0x6a: {  	_ =	swait.ge [sflag:s25], $0x4000  }
0x6b: {  	[sflag:s25] =	ssyncset.done $0x0  }
0x6c: {  	[sflag:s25] =	ssyncadd.s32 $0xFFFFC000  }
0x6d: {  	[tilespmem:s19], [sflag:$0x2] =	stream.indirect.gather [hbm4b:s5+s16], $0x80, s7, s16, $0xb8;
	[tilespmem:$0x1C400] =	vst v63  }
0x6e: {  	_ =	swait.ge [sflag:s20], $0x4000  }
0x6f: {  	[sflag:s20] =	ssyncset.done $0x0  }
0x70: {  	[sflag:s20] =	ssyncadd.s32 $0xFFFFC000  }
0x71: {  	[spmem:s3] =	stream.indirect.scatter.add.f32 [tilespmem:s17], [sflag:$0x3], $0x80, s8, s16, $0xb8;
	[tilespmem:$0x1C400] =	vst v63  }
0x72: {  	_ =	swait.ge [sflag:s23], $0x4000  }
0x73: {  	[sflag:s23] =	ssyncset.done $0x0  }
0x74: {  	[sflag:s23] =	ssyncadd.s32 $0xFFFFC000  }
0x75: {  	[spmem:s3] =	stream.indirect.scatter.add.f32 [tilespmem:s19], [sflag:$0x4], $0x80, s10, s16, $0xb8;
	[tilespmem:$0x1C400] =	vst v63  }
0x76: {  	_ =	swait.ge [sflag:s21], $0x4000  }
0x77: {  	[sflag:s21] =	ssyncset.done $0x0  }
0x78: {  	[sflag:s21] =	ssyncadd.s32 $0xFFFFC000  }
0x79: {  	_ =	swait.ge [sflag:s25], $0x4000  }
0x7a: {  	s9 =	simm.s32 $0x80;
	[sflag:s25] =	ssyncset.done $0x0  }
.LBB2_3:
0x7b: {  	s12 =	rddreg [dreg:$0x7];
	s11 =	smov.u32 s9  }
0x7c: {  	[sflag:s25] =	ssyncadd.s32 $0xFFFFC000;
	s12 =	sadd.s32 s11, s12  }
0x7d: {  	[tilespmem:s14], [sflag:$0x5] =	stream.linear.gather [hbm4b:s12+s4], $0x400, $0x38;
	[tilespmem:$0x1C400] =	vst v63  }
0x7e: {  	_ =	swait.ge [sflag:s13], $0x400  }
0x7f: {  	s12 =	rddreg [dreg:$0x6];
	[sflag:s13] =	ssyncset.done $0x0  }
0x80: {  	[sflag:s13] =	ssyncadd.s32 $0xFFFFFC00;
	s11 =	sadd.s32 s11, s12  }
0x81: {  	[tilespmem:s15], [sflag:$0x5] =	stream.linear.gather [hbm4b:s11+s4], $0x400, $0x38;
	[tilespmem:$0x1C400] =	vst v63  }
0x82: {  	_ =	swait.ge [sflag:s13], $0x400  }
0x83: {  	[sflag:s13] =	ssyncset.done $0x0  }
0x84: {  	[sflag:s13] =	ssyncadd.s32 $0xFFFFFC00  }
0x85: {  	[tilespmem:s17], [sflag:$0x1] =	stream.indirect.gather [hbm4b:s5+s16], $0x80, s14, s16, $0xb8;
	[tilespmem:$0x1C400] =	vst v63  }
0x86: {  	_ = 	snop  }
0x87: {  	[tilespmem:s19], [sflag:$0x2] =	stream.indirect.gather [hbm4b:s5+s16], $0x80, s18, s16, $0xb8;
	[tilespmem:$0x1C400] =	vst v63  }
0x88: {  	_ =	swait.ge [sflag:s20], $0x4000  }
0x89: {  	[sflag:s20] =	ssyncset.done $0x0  }
0x8a: {  	[sflag:s20] =	ssyncadd.s32 $0xFFFFC000  }
0x8b: {  	[spmem:s3] =	stream.indirect.scatter.add.f32 [tilespmem:s17], [sflag:$0x3], $0x80, s15, s16, $0xb8;
	[tilespmem:$0x1C400] =	vst v63  }
0x8c: {  	_ =	swait.ge [sflag:s21], $0x4000  }
0x8d: {  	[sflag:s21] =	ssyncset.done $0x0  }
0x8e: {  	[sflag:s21] =	ssyncadd.s32 $0xFFFFC000  }
0x8f: {  	[tilespmem:s17], [sflag:$0x1] =	stream.indirect.gather [hbm4b:s5+s16], $0x80, s22, s16, $0xb8;
	[tilespmem:$0x1C400] =	vst v63  }
0x90: {  	_ =	swait.ge [sflag:s23], $0x4000  }
0x91: {  	[sflag:s23] =	ssyncset.done $0x0  }
0x92: {  	[sflag:s23] =	ssyncadd.s32 $0xFFFFC000  }
0x93: {  	[spmem:s3] =	stream.indirect.scatter.add.f32 [tilespmem:s19], [sflag:$0x4], $0x80, s24, s16, $0xb8;
	[tilespmem:$0x1C400] =	vst v63  }
0x94: {  	_ =	swait.ge [sflag:s25], $0x4000  }
0x95: {  	[sflag:s25] =	ssyncset.done $0x0  }
0x96: {  	[sflag:s25] =	ssyncadd.s32 $0xFFFFC000  }
0x97: {  	[tilespmem:s19], [sflag:$0x2] =	stream.indirect.gather [hbm4b:s5+s16], $0x80, s26, s16, $0xb8;
	[tilespmem:$0x1C400] =	vst v63  }
0x98: {  	_ =	swait.ge [sflag:s20], $0x4000  }
0x99: {  	[sflag:s20] =	ssyncset.done $0x0  }
0x9a: {  	[sflag:s20] =	ssyncadd.s32 $0xFFFFC000  }
0x9b: {  	[spmem:s3] =	stream.indirect.scatter.add.f32 [tilespmem:s17], [sflag:$0x3], $0x80, s28, s16, $0xb8;
	[tilespmem:$0x1C400] =	vst v63  }
0x9c: {  	_ =	swait.ge [sflag:s21], $0x4000  }
0x9d: {  	[sflag:s21] =	ssyncset.done $0x0  }
0x9e: {  	[sflag:s21] =	ssyncadd.s32 $0xFFFFC000  }
0x9f: {  	[tilespmem:s17], [sflag:$0x1] =	stream.indirect.gather [hbm4b:s5+s16], $0x80, s29, s16, $0xb8;
	[tilespmem:$0x1C400] =	vst v63  }
0xa0: {  	_ =	swait.ge [sflag:s23], $0x4000  }
0xa1: {  	[sflag:s23] =	ssyncset.done $0x0  }
0xa2: {  	[sflag:s23] =	ssyncadd.s32 $0xFFFFC000  }
0xa3: {  	[spmem:s3] =	stream.indirect.scatter.add.f32 [tilespmem:s19], [sflag:$0x4], $0x80, s30, s16, $0xb8;
	[tilespmem:$0x1C400] =	vst v63  }
0xa4: {  	_ =	swait.ge [sflag:s25], $0x4000  }
0xa5: {  	[sflag:s25] =	ssyncset.done $0x0  }
0xa6: {  	[sflag:s25] =	ssyncadd.s32 $0xFFFFC000  }
0xa7: {  	[tilespmem:s19], [sflag:$0x2] =	stream.indirect.gather [hbm4b:s5+s16], $0x80, s31, s16, $0xb8;
	[tilespmem:$0x1C400] =	vst v63  }
0xa8: {  	_ =	swait.ge [sflag:s20], $0x4000  }
0xa9: {  	[sflag:s20] =	ssyncset.done $0x0  }
0xaa: {  	[sflag:s20] =	ssyncadd.s32 $0xFFFFC000  }
0xab: {  	[spmem:s3] =	stream.indirect.scatter.add.f32 [tilespmem:s17], [sflag:$0x3], $0x80, s0, s16, $0xb8;
	[tilespmem:$0x1C400] =	vst v63  }
0xac: {  	_ =	swait.ge [sflag:s21], $0x4000  }
0xad: {  	[sflag:s21] =	ssyncset.done $0x0  }
0xae: {  	[sflag:s21] =	ssyncadd.s32 $0xFFFFC000  }
0xaf: {  	[tilespmem:s17], [sflag:$0x1] =	stream.indirect.gather [hbm4b:s5+s16], $0x80, s1, s16, $0xb8;
	[tilespmem:$0x1C400] =	vst v63  }
0xb0: {  	_ =	swait.ge [sflag:s23], $0x4000  }
0xb1: {  	[sflag:s23] =	ssyncset.done $0x0  }
0xb2: {  	[sflag:s23] =	ssyncadd.s32 $0xFFFFC000  }
0xb3: {  	[spmem:s3] =	stream.indirect.scatter.add.f32 [tilespmem:s19], [sflag:$0x4], $0x80, s2, s16, $0xb8;
	[tilespmem:$0x1C400] =	vst v63  }
0xb4: {  	_ =	swait.ge [sflag:s25], $0x4000  }
0xb5: {  	[sflag:s25] =	ssyncset.done $0x0  }
0xb6: {  	[sflag:s25] =	ssyncadd.s32 $0xFFFFC000  }
0xb7: {  	[tilespmem:s19], [sflag:$0x2] =	stream.indirect.gather [hbm4b:s5+s16], $0x80, s7, s16, $0xb8;
	[tilespmem:$0x1C400] =	vst v63  }
0xb8: {  	_ =	swait.ge [sflag:s20], $0x4000  }
0xb9: {  	[sflag:s20] =	ssyncset.done $0x0  }
0xba: {  	[sflag:s20] =	ssyncadd.s32 $0xFFFFC000  }
0xbb: {  	[spmem:s3] =	stream.indirect.scatter.add.f32 [tilespmem:s17], [sflag:$0x3], $0x80, s8, s16, $0xb8;
	[tilespmem:$0x1C400] =	vst v63  }
0xbc: {  	_ =	swait.ge [sflag:s23], $0x4000  }
0xbd: {  	[sflag:s23] =	ssyncset.done $0x0  }
0xbe: {  	p1 =	seq.s32 s9, $0x980;
	[sflag:s23] =	ssyncadd.s32 $0xFFFFC000  }
0xbf: {  	[spmem:s3] =	stream.indirect.scatter.add.f32 [tilespmem:s19], [sflag:$0x4], $0x80, s10, s16, $0xb8;
	[tilespmem:$0x1C400] =	vst v63  }
.Ltmp3:
0xc0: {  	_ =	swait.ge [sflag:s21], $0x4000;
	(pc) =	sbr.rel @!p1 .LBB2_3-.Ltmp3, $4  }
0xc1: {  	[sflag:s21] =	ssyncset.done $0x0  }
0xc2: {  	[sflag:s21] =	ssyncadd.s32 $0xFFFFC000  }
0xc3: {  	_ =	swait.ge [sflag:s25], $0x4000  }
0xc4: {  	s9 =	sadd.s32 $0x80, s9;
	[sflag:s25] =	ssyncset.done $0x0  }
.Ltmp4:
0xc5: {  	(pc) =	sbr.rel .LBB2_8-.Ltmp4, $2  }
0xc6: {  	_ =	sdelay $0x2  }
0xc7: {  	[sflag:s25] =	ssyncadd.s32 $0xFFFFC000;
	s9 =	rddreg [dreg:$0x8]  }
.LBB2_5:
0xc8: {  	s9 =	rddreg [dreg:$0x5]  }
0xc9: {  	s9 =	sadd.s32 $0x0, s9  }
0xca: {  	[tilespmem:s14], [sflag:$0x5] =	stream.linear.gather [hbm4b:s9+s4], $0x400, $0x38;
	[tilespmem:$0x1C400] =	vst v63  }
0xcb: {  	_ =	swait.ge [sflag:s13], $0x400  }
0xcc: {  	s12 =	rddreg [dreg:$0x4];
	[sflag:s13] =	ssyncset.done $0x0  }
0xcd: {  	[sflag:s13] =	ssyncadd.s32 $0xFFFFFC00;
	s9 =	sadd.s32 $0x0, s12  }
0xce: {  	[tilespmem:s15], [sflag:$0x5] =	stream.linear.gather [hbm4b:s9+s4], $0x400, $0x38;
	[tilespmem:$0x1C400] =	vst v63  }
0xcf: {  	_ =	swait.ge [sflag:s13], $0x400  }
0xd0: {  	[sflag:s13] =	ssyncset.done $0x0  }
0xd1: {  	[sflag:s13] =	ssyncadd.s32 $0xFFFFFC00  }
0xd2: {  	[tilespmem:s17], [sflag:$0x1] =	stream.indirect.gather [hbm4b:s6+s16], $0x80, s14, s16, $0xb8;
	[tilespmem:$0x1C400] =	vst v63  }
0xd3: {  	_ = 	snop  }
0xd4: {  	[tilespmem:s19], [sflag:$0x2] =	stream.indirect.gather [hbm4b:s6+s16], $0x80, s18, s16, $0xb8;
	[tilespmem:$0x1C400] =	vst v63  }
0xd5: {  	_ =	swait.ge [sflag:s20], $0x4000  }
0xd6: {  	[sflag:s20] =	ssyncset.done $0x0  }
0xd7: {  	[sflag:s20] =	ssyncadd.s32 $0xFFFFC000  }
0xd8: {  	[spmem:s3] =	stream.indirect.scatter.add.f32 [tilespmem:s17], [sflag:$0x3], $0x80, s15, s16, $0xb8;
	[tilespmem:$0x1C400] =	vst v63  }
0xd9: {  	_ =	swait.ge [sflag:s21], $0x4000  }
0xda: {  	[sflag:s21] =	ssyncset.done $0x0  }
0xdb: {  	[sflag:s21] =	ssyncadd.s32 $0xFFFFC000  }
0xdc: {  	[tilespmem:s17], [sflag:$0x1] =	stream.indirect.gather [hbm4b:s6+s16], $0x80, s22, s16, $0xb8;
	[tilespmem:$0x1C400] =	vst v63  }
0xdd: {  	_ =	swait.ge [sflag:s23], $0x4000  }
0xde: {  	[sflag:s23] =	ssyncset.done $0x0  }
0xdf: {  	[sflag:s23] =	ssyncadd.s32 $0xFFFFC000  }
0xe0: {  	[spmem:s3] =	stream.indirect.scatter.add.f32 [tilespmem:s19], [sflag:$0x4], $0x80, s24, s16, $0xb8;
	[tilespmem:$0x1C400] =	vst v63  }
0xe1: {  	_ =	swait.ge [sflag:s25], $0x4000  }
0xe2: {  	[sflag:s25] =	ssyncset.done $0x0  }
0xe3: {  	[sflag:s25] =	ssyncadd.s32 $0xFFFFC000  }
0xe4: {  	[tilespmem:s19], [sflag:$0x2] =	stream.indirect.gather [hbm4b:s6+s16], $0x80, s26, s16, $0xb8;
	[tilespmem:$0x1C400] =	vst v63  }
0xe5: {  	_ =	swait.ge [sflag:s20], $0x4000  }
0xe6: {  	[sflag:s20] =	ssyncset.done $0x0  }
0xe7: {  	[sflag:s20] =	ssyncadd.s32 $0xFFFFC000  }
0xe8: {  	[spmem:s3] =	stream.indirect.scatter.add.f32 [tilespmem:s17], [sflag:$0x3], $0x80, s28, s16, $0xb8;
	[tilespmem:$0x1C400] =	vst v63  }
0xe9: {  	_ =	swait.ge [sflag:s21], $0x4000  }
0xea: {  	[sflag:s21] =	ssyncset.done $0x0  }
0xeb: {  	[sflag:s21] =	ssyncadd.s32 $0xFFFFC000  }
0xec: {  	[tilespmem:s17], [sflag:$0x1] =	stream.indirect.gather [hbm4b:s6+s16], $0x80, s29, s16, $0xb8;
	[tilespmem:$0x1C400] =	vst v63  }
0xed: {  	_ =	swait.ge [sflag:s23], $0x4000  }
0xee: {  	[sflag:s23] =	ssyncset.done $0x0  }
0xef: {  	[sflag:s23] =	ssyncadd.s32 $0xFFFFC000  }
0xf0: {  	[spmem:s3] =	stream.indirect.scatter.add.f32 [tilespmem:s19], [sflag:$0x4], $0x80, s30, s16, $0xb8;
	[tilespmem:$0x1C400] =	vst v63  }
0xf1: {  	_ =	swait.ge [sflag:s25], $0x4000  }
0xf2: {  	[sflag:s25] =	ssyncset.done $0x0  }
0xf3: {  	[sflag:s25] =	ssyncadd.s32 $0xFFFFC000  }
0xf4: {  	[tilespmem:s19], [sflag:$0x2] =	stream.indirect.gather [hbm4b:s6+s16], $0x80, s31, s16, $0xb8;
	[tilespmem:$0x1C400] =	vst v63  }
0xf5: {  	_ =	swait.ge [sflag:s20], $0x4000  }
0xf6: {  	[sflag:s20] =	ssyncset.done $0x0  }
0xf7: {  	[sflag:s20] =	ssyncadd.s32 $0xFFFFC000  }
0xf8: {  	[spmem:s3] =	stream.indirect.scatter.add.f32 [tilespmem:s17], [sflag:$0x3], $0x80, s0, s16, $0xb8;
	[tilespmem:$0x1C400] =	vst v63  }
0xf9: {  	_ =	swait.ge [sflag:s21], $0x4000  }
0xfa: {  	[sflag:s21] =	ssyncset.done $0x0  }
0xfb: {  	[sflag:s21] =	ssyncadd.s32 $0xFFFFC000  }
0xfc: {  	[tilespmem:s17], [sflag:$0x1] =	stream.indirect.gather [hbm4b:s6+s16], $0x80, s1, s16, $0xb8;
	[tilespmem:$0x1C400] =	vst v63  }
0xfd: {  	_ =	swait.ge [sflag:s23], $0x4000  }
0xfe: {  	[sflag:s23] =	ssyncset.done $0x0  }
0xff: {  	[sflag:s23] =	ssyncadd.s32 $0xFFFFC000  }
0x100: {  	[spmem:s3] =	stream.indirect.scatter.add.f32 [tilespmem:s19], [sflag:$0x4], $0x80, s2, s16, $0xb8;
	[tilespmem:$0x1C400] =	vst v63  }
0x101: {  	_ =	swait.ge [sflag:s25], $0x4000  }
0x102: {  	[sflag:s25] =	ssyncset.done $0x0  }
0x103: {  	[sflag:s25] =	ssyncadd.s32 $0xFFFFC000  }
0x104: {  	[tilespmem:s19], [sflag:$0x2] =	stream.indirect.gather [hbm4b:s6+s16], $0x80, s7, s16, $0xb8;
	[tilespmem:$0x1C400] =	vst v63  }
0x105: {  	_ =	swait.ge [sflag:s20], $0x4000  }
0x106: {  	[sflag:s20] =	ssyncset.done $0x0  }
0x107: {  	[sflag:s20] =	ssyncadd.s32 $0xFFFFC000  }
0x108: {  	[spmem:s3] =	stream.indirect.scatter.add.f32 [tilespmem:s17], [sflag:$0x3], $0x80, s8, s16, $0xb8;
	[tilespmem:$0x1C400] =	vst v63  }
0x109: {  	_ =	swait.ge [sflag:s23], $0x4000  }
0x10a: {  	[sflag:s23] =	ssyncset.done $0x0  }
0x10b: {  	[sflag:s23] =	ssyncadd.s32 $0xFFFFC000  }
0x10c: {  	[spmem:s3] =	stream.indirect.scatter.add.f32 [tilespmem:s19], [sflag:$0x4], $0x80, s10, s16, $0xb8;
	[tilespmem:$0x1C400] =	vst v63  }
0x10d: {  	_ =	swait.ge [sflag:s21], $0x4000  }
0x10e: {  	[sflag:s21] =	ssyncset.done $0x0  }
0x10f: {  	[sflag:s21] =	ssyncadd.s32 $0xFFFFC000  }
0x110: {  	_ =	swait.ge [sflag:s25], $0x4000  }
0x111: {  	s9 =	simm.s32 $0x80;
	[sflag:s25] =	ssyncset.done $0x0  }
.LBB2_6:
0x112: {  	s11 =	rddreg [dreg:$0x5];
	s12 =	smov.u32 s9  }
0x113: {  	[sflag:s25] =	ssyncadd.s32 $0xFFFFC000;
	s11 =	sadd.s32 s12, s11  }
0x114: {  	[tilespmem:s14], [sflag:$0x5] =	stream.linear.gather [hbm4b:s11+s4], $0x400, $0x38;
	[tilespmem:$0x1C400] =	vst v63  }
0x115: {  	_ =	swait.ge [sflag:s13], $0x400  }
0x116: {  	s11 =	rddreg [dreg:$0x4];
	[sflag:s13] =	ssyncset.done $0x0  }
0x117: {  	[sflag:s13] =	ssyncadd.s32 $0xFFFFFC00;
	s11 =	sadd.s32 s12, s11  }
0x118: {  	[tilespmem:s15], [sflag:$0x5] =	stream.linear.gather [hbm4b:s11+s4], $0x400, $0x38;
	[tilespmem:$0x1C400] =	vst v63  }
0x119: {  	_ =	swait.ge [sflag:s13], $0x400  }
0x11a: {  	[sflag:s13] =	ssyncset.done $0x0  }
0x11b: {  	[sflag:s13] =	ssyncadd.s32 $0xFFFFFC00  }
0x11c: {  	[tilespmem:s17], [sflag:$0x1] =	stream.indirect.gather [hbm4b:s6+s16], $0x80, s14, s16, $0xb8;
	[tilespmem:$0x1C400] =	vst v63  }
0x11d: {  	_ = 	snop  }
0x11e: {  	[tilespmem:s19], [sflag:$0x2] =	stream.indirect.gather [hbm4b:s6+s16], $0x80, s18, s16, $0xb8;
	[tilespmem:$0x1C400] =	vst v63  }
0x11f: {  	_ =	swait.ge [sflag:s20], $0x4000  }
0x120: {  	[sflag:s20] =	ssyncset.done $0x0  }
0x121: {  	[sflag:s20] =	ssyncadd.s32 $0xFFFFC000  }
0x122: {  	[spmem:s3] =	stream.indirect.scatter.add.f32 [tilespmem:s17], [sflag:$0x3], $0x80, s15, s16, $0xb8;
	[tilespmem:$0x1C400] =	vst v63  }
0x123: {  	_ =	swait.ge [sflag:s21], $0x4000  }
0x124: {  	[sflag:s21] =	ssyncset.done $0x0  }
0x125: {  	[sflag:s21] =	ssyncadd.s32 $0xFFFFC000  }
0x126: {  	[tilespmem:s17], [sflag:$0x1] =	stream.indirect.gather [hbm4b:s6+s16], $0x80, s22, s16, $0xb8;
	[tilespmem:$0x1C400] =	vst v63  }
0x127: {  	_ =	swait.ge [sflag:s23], $0x4000  }
0x128: {  	[sflag:s23] =	ssyncset.done $0x0  }
0x129: {  	[sflag:s23] =	ssyncadd.s32 $0xFFFFC000  }
0x12a: {  	[spmem:s3] =	stream.indirect.scatter.add.f32 [tilespmem:s19], [sflag:$0x4], $0x80, s24, s16, $0xb8;
	[tilespmem:$0x1C400] =	vst v63  }
0x12b: {  	_ =	swait.ge [sflag:s25], $0x4000  }
0x12c: {  	[sflag:s25] =	ssyncset.done $0x0  }
0x12d: {  	[sflag:s25] =	ssyncadd.s32 $0xFFFFC000  }
0x12e: {  	[tilespmem:s19], [sflag:$0x2] =	stream.indirect.gather [hbm4b:s6+s16], $0x80, s26, s16, $0xb8;
	[tilespmem:$0x1C400] =	vst v63  }
0x12f: {  	_ =	swait.ge [sflag:s20], $0x4000  }
0x130: {  	[sflag:s20] =	ssyncset.done $0x0  }
0x131: {  	[sflag:s20] =	ssyncadd.s32 $0xFFFFC000  }
0x132: {  	[spmem:s3] =	stream.indirect.scatter.add.f32 [tilespmem:s17], [sflag:$0x3], $0x80, s28, s16, $0xb8;
	[tilespmem:$0x1C400] =	vst v63  }
0x133: {  	_ =	swait.ge [sflag:s21], $0x4000  }
0x134: {  	[sflag:s21] =	ssyncset.done $0x0  }
0x135: {  	[sflag:s21] =	ssyncadd.s32 $0xFFFFC000  }
0x136: {  	[tilespmem:s17], [sflag:$0x1] =	stream.indirect.gather [hbm4b:s6+s16], $0x80, s29, s16, $0xb8;
	[tilespmem:$0x1C400] =	vst v63  }
0x137: {  	_ =	swait.ge [sflag:s23], $0x4000  }
0x138: {  	[sflag:s23] =	ssyncset.done $0x0  }
0x139: {  	[sflag:s23] =	ssyncadd.s32 $0xFFFFC000  }
0x13a: {  	[spmem:s3] =	stream.indirect.scatter.add.f32 [tilespmem:s19], [sflag:$0x4], $0x80, s30, s16, $0xb8;
	[tilespmem:$0x1C400] =	vst v63  }
0x13b: {  	_ =	swait.ge [sflag:s25], $0x4000  }
0x13c: {  	[sflag:s25] =	ssyncset.done $0x0  }
0x13d: {  	[sflag:s25] =	ssyncadd.s32 $0xFFFFC000  }
0x13e: {  	[tilespmem:s19], [sflag:$0x2] =	stream.indirect.gather [hbm4b:s6+s16], $0x80, s31, s16, $0xb8;
	[tilespmem:$0x1C400] =	vst v63  }
0x13f: {  	_ =	swait.ge [sflag:s20], $0x4000  }
0x140: {  	[sflag:s20] =	ssyncset.done $0x0  }
0x141: {  	[sflag:s20] =	ssyncadd.s32 $0xFFFFC000  }
0x142: {  	[spmem:s3] =	stream.indirect.scatter.add.f32 [tilespmem:s17], [sflag:$0x3], $0x80, s0, s16, $0xb8;
	[tilespmem:$0x1C400] =	vst v63  }
0x143: {  	_ =	swait.ge [sflag:s21], $0x4000  }
0x144: {  	[sflag:s21] =	ssyncset.done $0x0  }
0x145: {  	[sflag:s21] =	ssyncadd.s32 $0xFFFFC000  }
0x146: {  	[tilespmem:s17], [sflag:$0x1] =	stream.indirect.gather [hbm4b:s6+s16], $0x80, s1, s16, $0xb8;
	[tilespmem:$0x1C400] =	vst v63  }
0x147: {  	_ =	swait.ge [sflag:s23], $0x4000  }
0x148: {  	[sflag:s23] =	ssyncset.done $0x0  }
0x149: {  	[sflag:s23] =	ssyncadd.s32 $0xFFFFC000  }
0x14a: {  	[spmem:s3] =	stream.indirect.scatter.add.f32 [tilespmem:s19], [sflag:$0x4], $0x80, s2, s16, $0xb8;
	[tilespmem:$0x1C400] =	vst v63  }
0x14b: {  	_ =	swait.ge [sflag:s25], $0x4000  }
0x14c: {  	[sflag:s25] =	ssyncset.done $0x0  }
0x14d: {  	[sflag:s25] =	ssyncadd.s32 $0xFFFFC000  }
0x14e: {  	[tilespmem:s19], [sflag:$0x2] =	stream.indirect.gather [hbm4b:s6+s16], $0x80, s7, s16, $0xb8;
	[tilespmem:$0x1C400] =	vst v63  }
0x14f: {  	_ =	swait.ge [sflag:s20], $0x4000  }
0x150: {  	[sflag:s20] =	ssyncset.done $0x0  }
0x151: {  	[sflag:s20] =	ssyncadd.s32 $0xFFFFC000  }
0x152: {  	[spmem:s3] =	stream.indirect.scatter.add.f32 [tilespmem:s17], [sflag:$0x3], $0x80, s8, s16, $0xb8;
	[tilespmem:$0x1C400] =	vst v63  }
0x153: {  	_ =	swait.ge [sflag:s23], $0x4000  }
0x154: {  	[sflag:s23] =	ssyncset.done $0x0  }
0x155: {  	p1 =	sne.s32 s9, $0x980;
	[sflag:s23] =	ssyncadd.s32 $0xFFFFC000  }
0x156: {  	[spmem:s3] =	stream.indirect.scatter.add.f32 [tilespmem:s19], [sflag:$0x4], $0x80, s10, s16, $0xb8;
	[tilespmem:$0x1C400] =	vst v63  }
.Ltmp5:
0x157: {  	_ =	swait.ge [sflag:s21], $0x4000;
	(pc) =	sbr.rel @p1 .LBB2_6-.Ltmp5, $4  }
0x158: {  	[sflag:s21] =	ssyncset.done $0x0  }
0x159: {  	[sflag:s21] =	ssyncadd.s32 $0xFFFFC000  }
0x15a: {  	_ =	swait.ge [sflag:s25], $0x4000  }
0x15b: {  	s9 =	sadd.s32 $0x80, s9;
	[sflag:s25] =	ssyncset.done $0x0  }
.Ltmp6:
0x15c: {  	_ = 	snop;
	(pc) =	sbr.rel .LBB2_7-.Ltmp6, $1  }
0x15d: {  	_ =	sdelay $0x3  }
.LBB2_9:
0x15e: {  	_ =	sfence.sel $0x180000  }
0x15f: {  	[bflag:$0x0] =	sbarrier.arrive $0xFFFF  }
0x160: {  	_ =	strace $0x9000004D  }
0x161: {  	s0 =	stileid.u32;
	[bflag:$0x2] =	sbarrier.arrive $0xFFFF  }
0x162: {  	p0 =	sne.s32 s0, $0x0;
	s0 =	rddreg [dreg:$0x3]  }
0x163: {  	s0 =	sadd.s32 @!p0 $0x100000, s0  }
0x164: {  	[sflag:s0] =	ssyncadd.tile.s32 @!p0 $0x1;
	_ =	shalt  }
.Lfunc_end2:
_tile_overlayer_lowered:
.L_overlay_start_2:
0x165: {  	(tag) =	ssettag $0x2  }
0x166: {  	s0 =	rddreg [dreg:$0x0];
	s2 =	stileid.u32  }
0x167: {  	s1 =	rddreg [dreg:$0x1];
	p0 =	sne.s32 s2, $0x0  }
0x168: {  	s3 =	rddreg [dreg:$0x2];
	[bflag:$0x3] =	sbarrier.arrive $0xFFFF;
	s2 =	simm.s32 @!p0 $0x1C05  }
0x169: {  	[timem:s3], [sflag:s2] =	dma.local @!p0 [hbm:s0], s1  }
0x16a: {  	s0 =	simm.s32 @!p0 $0x5  }
0x16b: {  	_ =	swait.ge @!p0 [sflag:s0], s1  }
0x16c: {  	s1 =	ssub.s32 @!p0 $0x0, s1;
	[sflag:s0] =	ssyncset.done @!p0 $0x0  }
0x16d: {  	[sflag:s0] =	ssyncadd.s32 @!p0 s1  }
0x16e: {  	[bflag:$0x3] =	sbarrier.arrive $0xFFFF  }
0x16f: {  	_ =	shalt  }

</sc_bundles>
